<compile_context>
chip_gen: v7x
topology: tpu7x:2x2x1
jax: 0.10.2.dev20260603
libtpu: 0.0.44.dev20260713+nightly
codegen_flags: <defaults>
</compile_context>

<pallas_src>
import functools

import jax
import jax.numpy as jnp
from jax import lax
from jax.experimental import pallas as pl
from jax.experimental.pallas import tpu as pltpu
from jax.experimental.pallas import tpu_sc as plsc

N = 10000
E = 320000
D = 128
V = 100000
B = 16

NC = 2
NS = 16
NW = NC * NS

NP = 10240
RPW = NP // NW
CH = 128
EP = 331776
EPW = EP // NW
NCHUNK = EPW // CH
DUMMY = N + 64
RB = 2048

_mesh = plsc.VectorSubcoreMesh(core_axis_name="c", subcore_axis_name="s")
_sc_params = pltpu.CompilerParams(needs_layout_passes=False)


@functools.partial(
    pl.kernel,
    out_type=jax.ShapeDtypeStruct((NP, D), jnp.float32),
    mesh=_mesh,
    compiler_params=_sc_params,
    scratch_types=[
        pltpu.VMEM((RPW,), jnp.int32),
        pltpu.VMEM((RPW, D), jnp.float32),
        pltpu.SemaphoreType.DMA,
    ],
)
def _emb_gather(emb_hbm, idx_hbm, out_hbm, idx_v, rows_v, sem):
    c = lax.axis_index("c")
    s = lax.axis_index("s")
    wid = s * NC + c
    base = wid * RPW
    pltpu.sync_copy(idx_hbm.at[pl.ds(base, RPW)], idx_v)
    for j in range(RPW // 80):
        pltpu.async_copy(
            emb_hbm.at[idx_v.at[pl.ds(j * 80, 80)]],
            rows_v.at[pl.ds(j * 80, 80)],
            sem,
        ).wait()
    pltpu.sync_copy(rows_v, out_hbm.at[pl.ds(base, RPW)])


@functools.partial(
    pl.kernel,
    out_type=[
        jax.ShapeDtypeStruct((NC, NP, D), jnp.float32),
        jax.ShapeDtypeStruct((NC, NS, NP), jnp.float32),
    ],
    mesh=_mesh,
    compiler_params=_sc_params,
    scratch_types=[
        pltpu.VMEM((NP,), jnp.float32),
        pltpu.VMEM((NP,), jnp.float32),
        pltpu.VMEM((NP + 16,), jnp.float32),
        pltpu.VMEM((CH,), jnp.int32),
        pltpu.VMEM((CH,), jnp.int32),
        pltpu.VMEM((CH,), jnp.float32),
        pltpu.VMEM((CH,), jnp.float32),
        pltpu.VMEM((CH, D), jnp.float32),
        pltpu.VMEM_SHARED((NP, D), jnp.float32),
        pltpu.SemaphoreType.DMA,
    ],
)
def _edge_pass(H_hbm, ss_hbm, sd_hbm, src_hbm, dst_hbm, ea_hbm,
               acc_hbm, den_hbm,
               ss_v, sd_v, den_v, srcv, dstv, eav, exv, rows_v, acc_sh, sem):
    c = lax.axis_index("c")
    s = lax.axis_index("s")
    wid = s * NC + c

    zero16 = jnp.zeros((16,), jnp.float32)

    def zrow(j, _):
        for dc in range(D // 16):
            rows_v[j, pl.ds(dc * 16, 16)] = zero16
        return 0

    lax.fori_loop(0, CH, zrow, 0)
    for k in range(RPW // CH):
        pltpu.sync_copy(rows_v, acc_sh.at[pl.ds(s * RPW + k * CH, CH)])

    def zden(j, _):
        den_v[pl.ds(j * 16, 16)] = zero16
        return 0

    lax.fori_loop(0, (NP + 16) // 16, zden, 0)

    pltpu.sync_copy(ss_hbm, ss_v)
    pltpu.sync_copy(sd_hbm, sd_v)
    plsc.subcore_barrier()

    e0 = wid * EPW

    def chunk(k, _):
        eb = e0 + k * CH
        pltpu.sync_copy(src_hbm.at[pl.ds(eb, CH)], srcv)
        pltpu.sync_copy(dst_hbm.at[pl.ds(eb, CH)], dstv)
        pltpu.sync_copy(ea_hbm.at[pl.ds(eb, CH)], eav)
        cp = pltpu.async_copy(H_hbm.at[srcv], rows_v, sem)

        def exb(j, _):
            sl = pl.ds(j * 16, 16)
            a = plsc.load_gather(ss_v, [srcv[sl]]) + \
                plsc.load_gather(sd_v, [dstv[sl]])
            a = jnp.where(a >= 0.0, a, 0.2 * a) * eav[sl]
            exv[sl] = jnp.exp(a)
            return 0

        lax.fori_loop(0, CH // 16, exb, 0)
        cp.wait()

        lane = lax.broadcasted_iota(jnp.int32, (16,), 0)

        def scale(j16, _):
            base = j16 * 16
            ex16 = exv[pl.ds(base, 16)]
            d16 = dstv[pl.ds(base, 16)]
            for l in range(16):
                e = ex16[l]
                dj = d16[l]
                plsc.addupdate(den_v.at[pl.ds(dj, 16)],
                               jnp.where(lane == 0, e, 0.0))
                jj = base + l
                for dc in range(D // 16):
                    sl = pl.ds(dc * 16, 16)
                    rows_v[jj, sl] = rows_v[jj, sl] * e
            return 0

        lax.fori_loop(0, CH // 16, scale, 0)
        pltpu.sync_copy(rows_v, acc_sh.at[dstv], add=True)
        return 0

    lax.fori_loop(0, NCHUNK, chunk, 0)
    plsc.subcore_barrier()

    pltpu.sync_copy(den_v.at[pl.ds(0, NP)], den_hbm.at[c, s])
    pltpu.sync_copy(acc_sh.at[pl.ds(s * RPW, RPW)],
                    acc_hbm.at[c, pl.ds(s * RPW, RPW)])


def _tc1_body(h_ref, W_ref, asrc_ref, adst_ref, H_ref, ss_ref, sd_ref):
    Hb = lax.dot_general(h_ref[...], W_ref[...], (((1,), (1,)), ((), ())),
                         preferred_element_type=jnp.float32)
    H_ref[...] = Hb
    ss_ref[...] = jnp.sum(Hb * asrc_ref[...][None, :], axis=1)
    sd_ref[...] = jnp.sum(Hb * adst_ref[...][None, :], axis=1)


_tc1 = pl.pallas_call(
    _tc1_body,
    grid=(NP // RB,),
    in_specs=[
        pl.BlockSpec((RB, D), lambda i: (i, 0)),
        pl.BlockSpec((D, D), lambda i: (0, 0)),
        pl.BlockSpec((D,), lambda i: (0,)),
        pl.BlockSpec((D,), lambda i: (0,)),
    ],
    out_specs=[
        pl.BlockSpec((RB, D), lambda i: (i, 0)),
        pl.BlockSpec((RB,), lambda i: (i,)),
        pl.BlockSpec((RB,), lambda i: (i,)),
    ],
    out_shape=[
        jax.ShapeDtypeStruct((NP, D), jnp.float32),
        jax.ShapeDtypeStruct((NP,), jnp.float32),
        jax.ShapeDtypeStruct((NP,), jnp.float32),
    ],
)


def _tc2_body(acc_ref, den_ref, W_ref, asrc_ref, adst_ref,
              H_ref, ss_ref, sd_ref):
    den = jnp.sum(den_ref[...], axis=(0, 1))
    h = (acc_ref[0] + acc_ref[1]) / (den + 1e-16)[:, None]
    h = jnp.maximum(h, 0.0)
    Hb = lax.dot_general(h, W_ref[...], (((1,), (1,)), ((), ())),
                         preferred_element_type=jnp.float32)
    H_ref[...] = Hb
    ss_ref[...] = jnp.sum(Hb * asrc_ref[...][None, :], axis=1)
    sd_ref[...] = jnp.sum(Hb * adst_ref[...][None, :], axis=1)


_tc2 = pl.pallas_call(
    _tc2_body,
    grid=(NP // RB,),
    in_specs=[
        pl.BlockSpec((NC, RB, D), lambda i: (0, i, 0)),
        pl.BlockSpec((NC, NS, RB), lambda i: (0, 0, i)),
        pl.BlockSpec((D, D), lambda i: (0, 0)),
        pl.BlockSpec((D,), lambda i: (0,)),
        pl.BlockSpec((D,), lambda i: (0,)),
    ],
    out_specs=[
        pl.BlockSpec((RB, D), lambda i: (i, 0)),
        pl.BlockSpec((RB,), lambda i: (i,)),
        pl.BlockSpec((RB,), lambda i: (i,)),
    ],
    out_shape=[
        jax.ShapeDtypeStruct((NP, D), jnp.float32),
        jax.ShapeDtypeStruct((NP,), jnp.float32),
        jax.ShapeDtypeStruct((NP,), jnp.float32),
    ],
)


def _tc3_body(acc_ref, den_ref, batch_ref, Wm1_ref, bm1_ref, Wm2_ref, bm2_ref,
              out_ref, g_acc, cnt_acc):
    i = pl.program_id(0)

    @pl.when(i == 0)
    def _():
        g_acc[...] = jnp.zeros_like(g_acc)
        cnt_acc[...] = jnp.zeros_like(cnt_acc)

    den = jnp.sum(den_ref[...], axis=(0, 1))
    h = jnp.maximum((acc_ref[0] + acc_ref[1]) / (den + 1e-16)[:, None], 0.0)
    rows = lax.broadcasted_iota(jnp.int32, (B, RB), 0)
    onehot = jnp.where(batch_ref[...][None, :] == rows, 1.0, 0.0)
    g_acc[...] += jnp.dot(onehot, h, preferred_element_type=jnp.float32)
    cnt_acc[...] += jnp.sum(onehot, axis=1, keepdims=True)

    @pl.when(i == pl.num_programs(0) - 1)
    def _():
        g = g_acc[...] / jnp.maximum(cnt_acc[...], 1.0)
        z = lax.dot_general(g, Wm1_ref[...], (((1,), (1,)), ((), ())),
                            preferred_element_type=jnp.float32)
        z = jnp.maximum(z + bm1_ref[...][None, :], 0.0)
        o = lax.dot_general(z, Wm2_ref[...], (((1,), (1,)), ((), ())),
                            preferred_element_type=jnp.float32)
        out_ref[...] = o + bm2_ref[...][None, :]


_tc3 = pl.pallas_call(
    _tc3_body,
    grid=(NP // RB,),
    in_specs=[
        pl.BlockSpec((NC, RB, D), lambda i: (0, i, 0)),
        pl.BlockSpec((NC, NS, RB), lambda i: (0, 0, i)),
        pl.BlockSpec((RB,), lambda i: (i,)),
        pl.BlockSpec((D // 2, D), lambda i: (0, 0)),
        pl.BlockSpec((D // 2,), lambda i: (0,)),
        pl.BlockSpec((D, D // 2), lambda i: (0, 0)),
        pl.BlockSpec((D,), lambda i: (0,)),
    ],
    out_specs=pl.BlockSpec((B, D), lambda i: (0, 0)),
    out_shape=jax.ShapeDtypeStruct((B, D), jnp.float32),
    scratch_shapes=[
        pltpu.VMEM((B, D), jnp.float32),
        pltpu.VMEM((B, D), jnp.float32),
    ],
)


def kernel(x, edge_index, edge_attr, batch, emb,
           W1, as1, ad1, W2, as2, ad2, Wm1, bm1, Wm2, bm2):
    x_p = jnp.zeros((NP,), jnp.int32).at[:N].set(x.astype(jnp.int32))
    loop = jnp.arange(N, dtype=jnp.int32)
    src = jnp.concatenate([edge_index[0].astype(jnp.int32), loop])
    dst = jnp.concatenate([edge_index[1].astype(jnp.int32), loop])
    ea = jnp.concatenate([edge_attr, jnp.ones((N,), jnp.float32)])
    src_p = jnp.zeros((EP,), jnp.int32).at[:E + N].set(src)
    dst_p = jnp.full((EP,), DUMMY, jnp.int32).at[:E + N].set(dst)
    ea_p = jnp.zeros((EP,), jnp.float32).at[:E + N].set(ea)
    batch_p = jnp.full((NP,), B, jnp.int32).at[:N].set(batch.astype(jnp.int32))
    Wm2_p = jnp.zeros((D, D // 2), jnp.float32).at[:2].set(Wm2)
    bm2_p = jnp.zeros((D,), jnp.float32).at[:2].set(bm2)

    h = _emb_gather(emb, x_p)
    H1, ss1, sd1 = _tc1(h, W1, as1, ad1)
    acc1, den1 = _edge_pass(H1, ss1, sd1, src_p, dst_p, ea_p)
    H2, ss2, sd2 = _tc2(acc1, den1, W2, as2, ad2)
    acc2, den2 = _edge_pass(H2, ss2, sd2, src_p, dst_p, ea_p)
    out = _tc3(acc2, den2, batch_p, Wm1, bm1, Wm2_p, bm2_p)
    return out[:, :2]

# --- scband reference (transcript-rebuilt; emitter-appended) ---
"""Pipeline reference for scband-edge-attr-gatmodel-644245095201 (READ-ONLY COPY).

The authoritative reference and input builder live on the scoring server;
editing this copy changes nothing except your own understanding.
"""

import jax, jax.numpy as jnp
import numpy as np

N = 10000
E = 320000
D = 128
V = 100000
B = 16

def gat_conv(h, src, dst, ea, W, a_src, a_dst):
    H = h @ W.T
    xj = H[src]
    xi = H[dst]
    alpha = (xi * a_dst).sum(-1) + (xj * a_src).sum(-1)
    alpha = jnp.where(alpha >= 0, alpha, 0.2 * alpha)  # leaky_relu(0.2)
    alpha = alpha * ea
    amax = jax.ops.segment_max(alpha, dst, num_segments=N)
    amax = jnp.where(jnp.isfinite(amax), amax, 0.0)
    ex = jnp.exp(alpha - jax.lax.stop_gradient(amax)[dst])
    denom = jax.ops.segment_sum(ex, dst, num_segments=N)
    coef = ex / (denom[dst] + 1e-16)
    return jax.ops.segment_sum(xj * coef[:, None], dst, num_segments=N)

def _forward(x, edge_index, edge_attr, batch, emb, W1, as1, ad1, W2, as2, ad2, Wm1, bm1, Wm2, bm2):
    loop = jnp.arange(N)
    src = jnp.concatenate([edge_index[0], loop])  # add_self_loops
    dst = jnp.concatenate([edge_index[1], loop])
    ea = jnp.concatenate([edge_attr, jnp.ones((N,), jnp.float32)])
    h = emb[x]
    h = jax.nn.relu(gat_conv(h, src, dst, ea, W1, as1, ad1))
    h = jax.nn.relu(gat_conv(h, src, dst, ea, W2, as2, ad2))
    cnt = jax.ops.segment_sum(jnp.ones((N,), jnp.float32), batch, num_segments=B)
    g = jax.ops.segment_sum(h, batch, num_segments=B) / jnp.maximum(cnt, 1.0)[:, None]
    g = jax.nn.relu(g @ Wm1.T + bm1)
    return g @ Wm2.T + bm2

def setup_inputs(seed: int = 0):
    key = jax.random.key(seed)
    ks = jax.random.split(key, 14)
    x = jax.random.randint(ks[0], (N,), 0, V)
    edge_index = jax.random.randint(ks[1], (2, E), 0, N)
    edge_attr = jax.random.uniform(ks[2], (E,), dtype=jnp.float32)
    batch = jnp.sort(jax.random.randint(ks[3], (N,), 0, B))
    emb = (jax.random.normal(ks[4], (V, D), jnp.float32) * 0.05).at[0].set(0.0)  # padding_idx=0
    W1 = jax.random.normal(ks[5], (D, D), jnp.float32) * (1.0 / np.sqrt(D))
    as1 = jax.random.normal(ks[6], (D,), jnp.float32) * 0.1
    ad1 = jax.random.normal(ks[7], (D,), jnp.float32) * 0.1
    W2 = jax.random.normal(ks[8], (D, D), jnp.float32) * (1.0 / np.sqrt(D))
    as2 = jax.random.normal(ks[9], (D,), jnp.float32) * 0.1
    ad2 = jax.random.normal(ks[10], (D,), jnp.float32) * 0.1
    Wm1 = jax.random.normal(ks[11], (D // 2, D), jnp.float32) * (1.0 / np.sqrt(D))
    bm1 = jnp.zeros((D // 2,), jnp.float32)
    Wm2 = jax.random.normal(ks[12], (2, D // 2), jnp.float32) * (1.0 / np.sqrt(D // 2))
    bm2 = jnp.zeros((2,), jnp.float32)
    return {"x": x, "edge_index": edge_index, "edge_attr": edge_attr, "batch": batch,
            "emb": emb, "W1": W1, "as1": as1, "ad1": ad1, "W2": W2, "as2": as2, "ad2": ad2,
            "Wm1": Wm1, "bm1": bm1, "Wm2": Wm2, "bm2": bm2}

def reference(x, edge_index, edge_attr, batch, emb, W1, as1, ad1, W2, as2, ad2, Wm1, bm1, Wm2, bm2):
    return _forward(x, edge_index, edge_attr, batch, emb, W1, as1, ad1, W2, as2, ad2, Wm1, bm1, Wm2, bm2)

if __name__ == "__main__":
    import jax
    _d = setup_inputs()
    print(jax.jit(kernel)(*tuple(_d.values())))

</pallas_src>

<mosaic_0001>
#map = affine_map<(d0, d1) -> (0, 0)>
#map1 = affine_map<(d0, d1) -> (0)>
module attributes {stable_mosaic.version = 14 : i64} {
  func.func @_emb_gather(%arg0: i32, %arg1: i32, %arg2: memref<100000x128xf32, #tpu.memory_space<hbm>>, %arg3: memref<10240xi32, #tpu.memory_space<hbm>>, %arg4: memref<10240x128xf32, #tpu.memory_space<hbm>>, %arg5: memref<320xi32, #tpu.memory_space<vmem>>, %arg6: memref<320x128xf32, #tpu.memory_space<vmem>>, %arg7: memref<!tpu.dma_semaphore, #tpu.memory_space<semaphore_mem>>) attributes {dimension_semantics = [#tpu.dimension_semantics<core_parallel>, #tpu.dimension_semantics<subcore_parallel>], iteration_bounds = array<i64: 2, 16>, scalar_prefetch = 0 : i64, scratch_operands = 3 : i64, tpu.core_type = #tpu.core_type<sc_vector_subcore>, window_params = [{transform_indices = #map}, {transform_indices = #map1}, {transform_indices = #map}]} {
    %mul3A = arith.constant 2 : i32
    %mul3A_0 = arith.muli %arg1, %mul3A : i32
    %add3A = arith.addi %mul3A_0, %arg0 : i32
    %mul3A_1 = arith.constant 320 : i32
    %mul3A_2 = arith.muli %add3A, %mul3A_1 : i32
    "tpu.region"() ({
      %run_scoped3A = tpu.sem_alloc : memref<!tpu.dma_semaphore, #tpu.memory_space<semaphore_mem>>
      %dma_start3A_65 = tpu.memref_slice %arg3[%mul3A_2] : memref<10240xi32, #tpu.memory_space<hbm>> -> memref<320xi32, #tpu.memory_space<hbm>>
      %dma_start3A_66 = tpu.memref_slice %arg3[%mul3A_2] : memref<10240xi32, #tpu.memory_space<hbm>> -> memref<320xi32, #tpu.memory_space<hbm>>
      tpu.enqueue_dma source(%dma_start3A_66 : memref<320xi32, #tpu.memory_space<hbm>>) target(%arg5 : memref<320xi32, #tpu.memory_space<vmem>>) target_semaphore(%run_scoped3A : memref<!tpu.dma_semaphore, #tpu.memory_space<semaphore_mem>>)
      %dma_wait3A_67 = tpu.memref_slice %arg3[%mul3A_2] : memref<10240xi32, #tpu.memory_space<hbm>> -> memref<320xi32, #tpu.memory_space<hbm>>
      %dma_wait3A_68 = tpu.memref_slice %arg3[%mul3A_2] : memref<10240xi32, #tpu.memory_space<hbm>> -> memref<320xi32, #tpu.memory_space<hbm>>
      tpu.wait_dma2 semaphore(%run_scoped3A : memref<!tpu.dma_semaphore, #tpu.memory_space<semaphore_mem>>) src(%dma_wait3A_68 : memref<320xi32, #tpu.memory_space<hbm>>) dst(%arg5 : memref<320xi32, #tpu.memory_space<vmem>>)
      tpu.yield
    }) : () -> ()
    %dma_start3A = arith.constant 0 : i32
    %dma_start3A_3 = arith.constant 0 : i32
    %dma_start3A_4 = tpu.memref_slice %arg6[%dma_start3A, %dma_start3A_3] : memref<320x128xf32, #tpu.memory_space<vmem>> -> memref<80x128xf32, #tpu.memory_space<vmem>>
    %dma_start3A_5 = arith.constant 0 : i32
    %dma_start3A_6 = tpu.memref_slice %arg5[%dma_start3A_5] : memref<320xi32, #tpu.memory_space<vmem>> -> memref<80xi32, #tpu.memory_space<vmem>>
    %dma_start3A_7 = arith.constant 0 : i32
    %dma_start3A_8 = arith.constant 0 : i32
    %dma_start3A_9 = tpu.memref_slice %arg2[%dma_start3A_7, %dma_start3A_8] : memref<100000x128xf32, #tpu.memory_space<hbm>> -> memref<100000x128xf32, #tpu.memory_space<hbm>>
    tpu.enqueue_indirect_dma source(%dma_start3A_9 : memref<100000x128xf32, #tpu.memory_space<hbm>>) target(%dma_start3A_4 : memref<80x128xf32, #tpu.memory_space<vmem>>) offsets(%dma_start3A_6 : memref<80xi32, #tpu.memory_space<vmem>>) semaphore(%arg7 : memref<!tpu.dma_semaphore, #tpu.memory_space<semaphore_mem>>)
    %dma_wait3A = arith.constant 0 : i32
    %dma_wait3A_10 = arith.constant 0 : i32
    %dma_wait3A_11 = tpu.memref_slice %arg6[%dma_wait3A, %dma_wait3A_10] : memref<320x128xf32, #tpu.memory_space<vmem>> -> memref<80x128xf32, #tpu.memory_space<vmem>>
    %dma_wait3A_12 = arith.constant 0 : i32
    %dma_wait3A_13 = tpu.memref_slice %arg5[%dma_wait3A_12] : memref<320xi32, #tpu.memory_space<vmem>> -> memref<80xi32, #tpu.memory_space<vmem>>
    %dma_wait3A_14 = arith.constant 0 : i32
    %dma_wait3A_15 = arith.constant 0 : i32
    %dma_wait3A_16 = tpu.memref_slice %arg2[%dma_wait3A_14, %dma_wait3A_15] : memref<100000x128xf32, #tpu.memory_space<hbm>> -> memref<100000x128xf32, #tpu.memory_space<hbm>>
    tpu.wait_indirect_dma semaphore(%arg7 : memref<!tpu.dma_semaphore, #tpu.memory_space<semaphore_mem>>) src(%dma_wait3A_16 : memref<100000x128xf32, #tpu.memory_space<hbm>>) dst(%dma_wait3A_11 : memref<80x128xf32, #tpu.memory_space<vmem>>)
    %dma_start3A_17 = arith.constant 80 : i32
    %dma_start3A_18 = arith.constant 0 : i32
    %dma_start3A_19 = tpu.memref_slice %arg6[%dma_start3A_17, %dma_start3A_18] : memref<320x128xf32, #tpu.memory_space<vmem>> -> memref<80x128xf32, #tpu.memory_space<vmem>>
    %dma_start3A_20 = arith.constant 80 : i32
    %dma_start3A_21 = tpu.memref_slice %arg5[%dma_start3A_20] : memref<320xi32, #tpu.memory_space<vmem>> -> memref<80xi32, #tpu.memory_space<vmem>>
    %dma_start3A_22 = arith.constant 0 : i32
    %dma_start3A_23 = arith.constant 0 : i32
    %dma_start3A_24 = tpu.memref_slice %arg2[%dma_start3A_22, %dma_start3A_23] : memref<100000x128xf32, #tpu.memory_space<hbm>> -> memref<100000x128xf32, #tpu.memory_space<hbm>>
    tpu.enqueue_indirect_dma source(%dma_start3A_24 : memref<100000x128xf32, #tpu.memory_space<hbm>>) target(%dma_start3A_19 : memref<80x128xf32, #tpu.memory_space<vmem>>) offsets(%dma_start3A_21 : memref<80xi32, #tpu.memory_space<vmem>>) semaphore(%arg7 : memref<!tpu.dma_semaphore, #tpu.memory_space<semaphore_mem>>)
    %dma_wait3A_25 = arith.constant 80 : i32
    %dma_wait3A_26 = arith.constant 0 : i32
    %dma_wait3A_27 = tpu.memref_slice %arg6[%dma_wait3A_25, %dma_wait3A_26] : memref<320x128xf32, #tpu.memory_space<vmem>> -> memref<80x128xf32, #tpu.memory_space<vmem>>
    %dma_wait3A_28 = arith.constant 80 : i32
    %dma_wait3A_29 = tpu.memref_slice %arg5[%dma_wait3A_28] : memref<320xi32, #tpu.memory_space<vmem>> -> memref<80xi32, #tpu.memory_space<vmem>>
    %dma_wait3A_30 = arith.constant 0 : i32
    %dma_wait3A_31 = arith.constant 0 : i32
    %dma_wait3A_32 = tpu.memref_slice %arg2[%dma_wait3A_30, %dma_wait3A_31] : memref<100000x128xf32, #tpu.memory_space<hbm>> -> memref<100000x128xf32, #tpu.memory_space<hbm>>
    tpu.wait_indirect_dma semaphore(%arg7 : memref<!tpu.dma_semaphore, #tpu.memory_space<semaphore_mem>>) src(%dma_wait3A_32 : memref<100000x128xf32, #tpu.memory_space<hbm>>) dst(%dma_wait3A_27 : memref<80x128xf32, #tpu.memory_space<vmem>>)
    %dma_start3A_33 = arith.constant 160 : i32
    %dma_start3A_34 = arith.constant 0 : i32
    %dma_start3A_35 = tpu.memref_slice %arg6[%dma_start3A_33, %dma_start3A_34] : memref<320x128xf32, #tpu.memory_space<vmem>> -> memref<80x128xf32, #tpu.memory_space<vmem>>
    %dma_start3A_36 = arith.constant 160 : i32
    %dma_start3A_37 = tpu.memref_slice %arg5[%dma_start3A_36] : memref<320xi32, #tpu.memory_space<vmem>> -> memref<80xi32, #tpu.memory_space<vmem>>
    %dma_start3A_38 = arith.constant 0 : i32
    %dma_start3A_39 = arith.constant 0 : i32
    %dma_start3A_40 = tpu.memref_slice %arg2[%dma_start3A_38, %dma_start3A_39] : memref<100000x128xf32, #tpu.memory_space<hbm>> -> memref<100000x128xf32, #tpu.memory_space<hbm>>
    tpu.enqueue_indirect_dma source(%dma_start3A_40 : memref<100000x128xf32, #tpu.memory_space<hbm>>) target(%dma_start3A_35 : memref<80x128xf32, #tpu.memory_space<vmem>>) offsets(%dma_start3A_37 : memref<80xi32, #tpu.memory_space<vmem>>) semaphore(%arg7 : memref<!tpu.dma_semaphore, #tpu.memory_space<semaphore_mem>>)
    %dma_wait3A_41 = arith.constant 160 : i32
    %dma_wait3A_42 = arith.constant 0 : i32
    %dma_wait3A_43 = tpu.memref_slice %arg6[%dma_wait3A_41, %dma_wait3A_42] : memref<320x128xf32, #tpu.memory_space<vmem>> -> memref<80x128xf32, #tpu.memory_space<vmem>>
    %dma_wait3A_44 = arith.constant 160 : i32
    %dma_wait3A_45 = tpu.memref_slice %arg5[%dma_wait3A_44] : memref<320xi32, #tpu.memory_space<vmem>> -> memref<80xi32, #tpu.memory_space<vmem>>
    %dma_wait3A_46 = arith.constant 0 : i32
    %dma_wait3A_47 = arith.constant 0 : i32
    %dma_wait3A_48 = tpu.memref_slice %arg2[%dma_wait3A_46, %dma_wait3A_47] : memref<100000x128xf32, #tpu.memory_space<hbm>> -> memref<100000x128xf32, #tpu.memory_space<hbm>>
    tpu.wait_indirect_dma semaphore(%arg7 : memref<!tpu.dma_semaphore, #tpu.memory_space<semaphore_mem>>) src(%dma_wait3A_48 : memref<100000x128xf32, #tpu.memory_space<hbm>>) dst(%dma_wait3A_43 : memref<80x128xf32, #tpu.memory_space<vmem>>)
    %dma_start3A_49 = arith.constant 240 : i32
    %dma_start3A_50 = arith.constant 0 : i32
    %dma_start3A_51 = tpu.memref_slice %arg6[%dma_start3A_49, %dma_start3A_50] : memref<320x128xf32, #tpu.memory_space<vmem>> -> memref<80x128xf32, #tpu.memory_space<vmem>>
    %dma_start3A_52 = arith.constant 240 : i32
    %dma_start3A_53 = tpu.memref_slice %arg5[%dma_start3A_52] : memref<320xi32, #tpu.memory_space<vmem>> -> memref<80xi32, #tpu.memory_space<vmem>>
    %dma_start3A_54 = arith.constant 0 : i32
    %dma_start3A_55 = arith.constant 0 : i32
    %dma_start3A_56 = tpu.memref_slice %arg2[%dma_start3A_54, %dma_start3A_55] : memref<100000x128xf32, #tpu.memory_space<hbm>> -> memref<100000x128xf32, #tpu.memory_space<hbm>>
    tpu.enqueue_indirect_dma source(%dma_start3A_56 : memref<100000x128xf32, #tpu.memory_space<hbm>>) target(%dma_start3A_51 : memref<80x128xf32, #tpu.memory_space<vmem>>) offsets(%dma_start3A_53 : memref<80xi32, #tpu.memory_space<vmem>>) semaphore(%arg7 : memref<!tpu.dma_semaphore, #tpu.memory_space<semaphore_mem>>)
    %dma_wait3A_57 = arith.constant 240 : i32
    %dma_wait3A_58 = arith.constant 0 : i32
    %dma_wait3A_59 = tpu.memref_slice %arg6[%dma_wait3A_57, %dma_wait3A_58] : memref<320x128xf32, #tpu.memory_space<vmem>> -> memref<80x128xf32, #tpu.memory_space<vmem>>
    %dma_wait3A_60 = arith.constant 240 : i32
    %dma_wait3A_61 = tpu.memref_slice %arg5[%dma_wait3A_60] : memref<320xi32, #tpu.memory_space<vmem>> -> memref<80xi32, #tpu.memory_space<vmem>>
    %dma_wait3A_62 = arith.constant 0 : i32
    %dma_wait3A_63 = arith.constant 0 : i32
    %dma_wait3A_64 = tpu.memref_slice %arg2[%dma_wait3A_62, %dma_wait3A_63] : memref<100000x128xf32, #tpu.memory_space<hbm>> -> memref<100000x128xf32, #tpu.memory_space<hbm>>
    tpu.wait_indirect_dma semaphore(%arg7 : memref<!tpu.dma_semaphore, #tpu.memory_space<semaphore_mem>>) src(%dma_wait3A_64 : memref<100000x128xf32, #tpu.memory_space<hbm>>) dst(%dma_wait3A_59 : memref<80x128xf32, #tpu.memory_space<vmem>>)
    "tpu.region"() ({
      %run_scoped3A = tpu.sem_alloc : memref<!tpu.dma_semaphore, #tpu.memory_space<semaphore_mem>>
      %dma_start3A_65 = arith.constant 0 : i32
      %dma_start3A_66 = tpu.memref_slice %arg4[%mul3A_2, %dma_start3A_65] : memref<10240x128xf32, #tpu.memory_space<hbm>> -> memref<320x128xf32, #tpu.memory_space<hbm>>
      %dma_start3A_67 = arith.constant 0 : i32
      %dma_start3A_68 = tpu.memref_slice %arg4[%mul3A_2, %dma_start3A_67] : memref<10240x128xf32, #tpu.memory_space<hbm>> -> memref<320x128xf32, #tpu.memory_space<hbm>>
      tpu.enqueue_dma source(%arg6 : memref<320x128xf32, #tpu.memory_space<vmem>>) target(%dma_start3A_68 : memref<320x128xf32, #tpu.memory_space<hbm>>) target_semaphore(%run_scoped3A : memref<!tpu.dma_semaphore, #tpu.memory_space<semaphore_mem>>)
      %dma_wait3A_69 = arith.constant 0 : i32
      %dma_wait3A_70 = tpu.memref_slice %arg4[%mul3A_2, %dma_wait3A_69] : memref<10240x128xf32, #tpu.memory_space<hbm>> -> memref<320x128xf32, #tpu.memory_space<hbm>>
      %dma_wait3A_71 = arith.constant 0 : i32
      %dma_wait3A_72 = tpu.memref_slice %arg4[%mul3A_2, %dma_wait3A_71] : memref<10240x128xf32, #tpu.memory_space<hbm>> -> memref<320x128xf32, #tpu.memory_space<hbm>>
      tpu.wait_dma2 semaphore(%run_scoped3A : memref<!tpu.dma_semaphore, #tpu.memory_space<semaphore_mem>>) src(%arg6 : memref<320x128xf32, #tpu.memory_space<vmem>>) dst(%dma_wait3A_72 : memref<320x128xf32, #tpu.memory_space<hbm>>)
      tpu.yield
    }) : () -> ()
    return
  }
}

#map = affine_map<(d0, d1) -> (0, 0)>
#map1 = affine_map<(d0, d1) -> (0)>
#map2 = affine_map<(d0, d1) -> (0, 0, 0)>
module attributes {stable_mosaic.version = 14 : i64} {
  func.func @_edge_pass(%arg0: i32, %arg1: i32, %arg2: memref<10240x128xf32, #tpu.memory_space<hbm>>, %arg3: memref<10240xf32, #tpu.memory_space<hbm>>, %arg4: memref<10240xf32, #tpu.memory_space<hbm>>, %arg5: memref<331776xi32, #tpu.memory_space<hbm>>, %arg6: memref<331776xi32, #tpu.memory_space<hbm>>, %arg7: memref<331776xf32, #tpu.memory_space<hbm>>, %arg8: memref<2x10240x128xf32, #tpu.memory_space<hbm>>, %arg9: memref<2x16x10240xf32, #tpu.memory_space<hbm>>, %arg10: memref<10240xf32, #tpu.memory_space<vmem>>, %arg11: memref<10240xf32, #tpu.memory_space<vmem>>, %arg12: memref<10256xf32, #tpu.memory_space<vmem>>, %arg13: memref<128xi32, #tpu.memory_space<vmem>>, %arg14: memref<128xi32, #tpu.memory_space<vmem>>, %arg15: memref<128xf32, #tpu.memory_space<vmem>>, %arg16: memref<128xf32, #tpu.memory_space<vmem>>, %arg17: memref<128x128xf32, #tpu.memory_space<vmem>>, %arg18: memref<10240x128xf32, #tpu.memory_space<vmem_shared>>, %arg19: memref<!tpu.dma_semaphore, #tpu.memory_space<semaphore_mem>>) attributes {dimension_semantics = [#tpu.dimension_semantics<core_parallel>, #tpu.dimension_semantics<subcore_parallel>], iteration_bounds = array<i64: 2, 16>, scalar_prefetch = 0 : i64, scratch_operands = 10 : i64, tpu.core_type = #tpu.core_type<sc_vector_subcore>, window_params = [{transform_indices = #map}, {transform_indices = #map1}, {transform_indices = #map1}, {transform_indices = #map1}, {transform_indices = #map1}, {transform_indices = #map1}, {transform_indices = #map2}, {transform_indices = #map2}]} {
    %mul3A = arith.constant 2 : i32
    %mul3A_0 = arith.muli %arg1, %mul3A : i32
    %add3A = arith.addi %mul3A_0, %arg0 : i32
    %broadcast_in_dim3A = arith.constant 0.000000e+00 : f32
    %broadcast_in_dim3A_1 = vector.broadcast %broadcast_in_dim3A : f32 to vector<16xf32>
    %scan3A = arith.constant 0 : i32
    %scan3A_2 = arith.constant 0 : i32
    %scan3A_3 = arith.constant 128 : i32
    %scan3A_4 = arith.addi %scan3A_2, %scan3A_3 : i32
    %scan3A_5 = arith.constant 1 : i32
    %scan3A_6 = scf.for %scan3A_37 = %scan3A_2 to %scan3A_4 step %scan3A_5 iter_args(%scan3A_38 = %scan3A) -> (i32)  : i32 {
      %swap3A = arith.index_cast %scan3A_37 : i32 to index
      %swap3A_39 = arith.constant 0 : index
      %swap3A_40 = tpu.vector_load %arg17[%swap3A, %swap3A_39] {strides = array<i32>} : memref<128x128xf32, #tpu.memory_space<vmem>>, vector<16xf32>,
      tpu.vector_store %arg17[%swap3A, %swap3A_39], %broadcast_in_dim3A_1 {strides = array<i32>} : memref<128x128xf32, #tpu.memory_space<vmem>>, vector<16xf32>,
      %swap3A_41 = arith.index_cast %scan3A_37 : i32 to index
      %swap3A_42 = arith.constant 16 : index
      %swap3A_43 = tpu.vector_load %arg17[%swap3A_41, %swap3A_42] {strides = array<i32>} : memref<128x128xf32, #tpu.memory_space<vmem>>, vector<16xf32>,
      tpu.vector_store %arg17[%swap3A_41, %swap3A_42], %broadcast_in_dim3A_1 {strides = array<i32>} : memref<128x128xf32, #tpu.memory_space<vmem>>, vector<16xf32>,
      %swap3A_44 = arith.index_cast %scan3A_37 : i32 to index
      %swap3A_45 = arith.constant 32 : index
      %swap3A_46 = tpu.vector_load %arg17[%swap3A_44, %swap3A_45] {strides = array<i32>} : memref<128x128xf32, #tpu.memory_space<vmem>>, vector<16xf32>,
      tpu.vector_store %arg17[%swap3A_44, %swap3A_45], %broadcast_in_dim3A_1 {strides = array<i32>} : memref<128x128xf32, #tpu.memory_space<vmem>>, vector<16xf32>,
      %swap3A_47 = arith.index_cast %scan3A_37 : i32 to index
      %swap3A_48 = arith.constant 48 : index
      %swap3A_49 = tpu.vector_load %arg17[%swap3A_47, %swap3A_48] {strides = array<i32>} : memref<128x128xf32, #tpu.memory_space<vmem>>, vector<16xf32>,
      tpu.vector_store %arg17[%swap3A_47, %swap3A_48], %broadcast_in_dim3A_1 {strides = array<i32>} : memref<128x128xf32, #tpu.memory_space<vmem>>, vector<16xf32>,
      %swap3A_50 = arith.index_cast %scan3A_37 : i32 to index
      %swap3A_51 = arith.constant 64 : index
      %swap3A_52 = tpu.vector_load %arg17[%swap3A_50, %swap3A_51] {strides = array<i32>} : memref<128x128xf32, #tpu.memory_space<vmem>>, vector<16xf32>,
      tpu.vector_store %arg17[%swap3A_50, %swap3A_51], %broadcast_in_dim3A_1 {strides = array<i32>} : memref<128x128xf32, #tpu.memory_space<vmem>>, vector<16xf32>,
      %swap3A_53 = arith.index_cast %scan3A_37 : i32 to index
      %swap3A_54 = arith.constant 80 : index
      %swap3A_55 = tpu.vector_load %arg17[%swap3A_53, %swap3A_54] {strides = array<i32>} : memref<128x128xf32, #tpu.memory_space<vmem>>, vector<16xf32>,
      tpu.vector_store %arg17[%swap3A_53, %swap3A_54], %broadcast_in_dim3A_1 {strides = array<i32>} : memref<128x128xf32, #tpu.memory_space<vmem>>, vector<16xf32>,
      %swap3A_56 = arith.index_cast %scan3A_37 : i32 to index
      %swap3A_57 = arith.constant 96 : index
      %swap3A_58 = tpu.vector_load %arg17[%swap3A_56, %swap3A_57] {strides = array<i32>} : memref<128x128xf32, #tpu.memory_space<vmem>>, vector<16xf32>,
      tpu.vector_store %arg17[%swap3A_56, %swap3A_57], %broadcast_in_dim3A_1 {strides = array<i32>} : memref<128x128xf32, #tpu.memory_space<vmem>>, vector<16xf32>,
      %swap3A_59 = arith.index_cast %scan3A_37 : i32 to index
      %swap3A_60 = arith.constant 112 : index
      %swap3A_61 = tpu.vector_load %arg17[%swap3A_59, %swap3A_60] {strides = array<i32>} : memref<128x128xf32, #tpu.memory_space<vmem>>, vector<16xf32>,
      tpu.vector_store %arg17[%swap3A_59, %swap3A_60], %broadcast_in_dim3A_1 {strides = array<i32>} : memref<128x128xf32, #tpu.memory_space<vmem>>, vector<16xf32>,
      %scan3A_62 = arith.constant 0 : i32
      scf.yield %scan3A_62 : i32
    }
    %scan3A_7 = arith.constant 128 : i32
    %mul3A_8 = arith.constant 320 : i32
    %mul3A_9 = arith.muli %arg1, %mul3A_8 : i32
    %add3A_10 = arith.constant 0 : i32
    %add3A_11 = arith.addi %mul3A_9, %add3A_10 : i32
    "tpu.region"() ({
      %run_scoped3A = tpu.sem_alloc : memref<!tpu.dma_semaphore, #tpu.memory_space<semaphore_mem>>
      %dma_start3A = arith.constant 0 : i32
      %dma_start3A_37 = tpu.memref_slice %arg18[%add3A_11, %dma_start3A] : memref<10240x128xf32, #tpu.memory_space<vmem_shared>> -> memref<128x128xf32, #tpu.memory_space<vmem_shared>>
      %dma_start3A_38 = arith.constant 0 : i32
      %dma_start3A_39 = tpu.memref_slice %arg18[%add3A_11, %dma_start3A_38] : memref<10240x128xf32, #tpu.memory_space<vmem_shared>> -> memref<128x128xf32, #tpu.memory_space<vmem_shared>>
      tpu.enqueue_dma source(%arg17 : memref<128x128xf32, #tpu.memory_space<vmem>>) target(%dma_start3A_39 : memref<128x128xf32, #tpu.memory_space<vmem_shared>>) target_semaphore(%run_scoped3A : memref<!tpu.dma_semaphore, #tpu.memory_space<semaphore_mem>>)
      %dma_wait3A = arith.constant 0 : i32
      %dma_wait3A_40 = tpu.memref_slice %arg18[%add3A_11, %dma_wait3A] : memref<10240x128xf32, #tpu.memory_space<vmem_shared>> -> memref<128x128xf32, #tpu.memory_space<vmem_shared>>
      %dma_wait3A_41 = arith.constant 0 : i32
      %dma_wait3A_42 = tpu.memref_slice %arg18[%add3A_11, %dma_wait3A_41] : memref<10240x128xf32, #tpu.memory_space<vmem_shared>> -> memref<128x128xf32, #tpu.memory_space<vmem_shared>>
      tpu.wait_dma2 semaphore(%run_scoped3A : memref<!tpu.dma_semaphore, #tpu.memory_space<semaphore_mem>>) src(%arg17 : memref<128x128xf32, #tpu.memory_space<vmem>>) dst(%dma_wait3A_42 : memref<128x128xf32, #tpu.memory_space<vmem_shared>>)
      tpu.yield
    }) : () -> ()
    %mul3A_12 = arith.constant 320 : i32
    %mul3A_13 = arith.muli %arg1, %mul3A_12 : i32
    %add3A_14 = arith.constant 128 : i32
    %add3A_15 = arith.addi %mul3A_13, %add3A_14 : i32
    "tpu.region"() ({
      %run_scoped3A = tpu.sem_alloc : memref<!tpu.dma_semaphore, #tpu.memory_space<semaphore_mem>>
      %dma_start3A = arith.constant 0 : i32
      %dma_start3A_37 = tpu.memref_slice %arg18[%add3A_15, %dma_start3A] : memref<10240x128xf32, #tpu.memory_space<vmem_shared>> -> memref<128x128xf32, #tpu.memory_space<vmem_shared>>
      %dma_start3A_38 = arith.constant 0 : i32
      %dma_start3A_39 = tpu.memref_slice %arg18[%add3A_15, %dma_start3A_38] : memref<10240x128xf32, #tpu.memory_space<vmem_shared>> -> memref<128x128xf32, #tpu.memory_space<vmem_shared>>
      tpu.enqueue_dma source(%arg17 : memref<128x128xf32, #tpu.memory_space<vmem>>) target(%dma_start3A_39 : memref<128x128xf32, #tpu.memory_space<vmem_shared>>) target_semaphore(%run_scoped3A : memref<!tpu.dma_semaphore, #tpu.memory_space<semaphore_mem>>)
      %dma_wait3A = arith.constant 0 : i32
      %dma_wait3A_40 = tpu.memref_slice %arg18[%add3A_15, %dma_wait3A] : memref<10240x128xf32, #tpu.memory_space<vmem_shared>> -> memref<128x128xf32, #tpu.memory_space<vmem_shared>>
      %dma_wait3A_41 = arith.constant 0 : i32
      %dma_wait3A_42 = tpu.memref_slice %arg18[%add3A_15, %dma_wait3A_41] : memref<10240x128xf32, #tpu.memory_space<vmem_shared>> -> memref<128x128xf32, #tpu.memory_space<vmem_shared>>
      tpu.wait_dma2 semaphore(%run_scoped3A : memref<!tpu.dma_semaphore, #tpu.memory_space<semaphore_mem>>) src(%arg17 : memref<128x128xf32, #tpu.memory_space<vmem>>) dst(%dma_wait3A_42 : memref<128x128xf32, #tpu.memory_space<vmem_shared>>)
      tpu.yield
    }) : () -> ()
    %scan3A_16 = arith.constant 0 : i32
    %scan3A_17 = arith.constant 0 : i32
    %scan3A_18 = arith.constant 641 : i32
    %scan3A_19 = arith.addi %scan3A_17, %scan3A_18 : i32
    %scan3A_20 = arith.constant 1 : i32
    %scan3A_21 = scf.for %scan3A_37 = %scan3A_17 to %scan3A_19 step %scan3A_20 iter_args(%scan3A_38 = %scan3A_16) -> (i32)  : i32 {
      %mul3A_39 = arith.constant 16 : i32
      %mul3A_40 = arith.muli %scan3A_37, %mul3A_39 : i32
      %swap3A = arith.index_cast %mul3A_40 : i32 to index
      %swap3A_41 = tpu.vector_load %arg12[%swap3A] {strides = array<i32>} : memref<10256xf32, #tpu.memory_space<vmem>>, vector<16xf32>,
      tpu.vector_store %arg12[%swap3A], %broadcast_in_dim3A_1 {strides = array<i32>} : memref<10256xf32, #tpu.memory_space<vmem>>, vector<16xf32>,
      %scan3A_42 = arith.constant 0 : i32
      scf.yield %scan3A_42 : i32
    }
    %scan3A_22 = arith.constant 641 : i32
    "tpu.region"() ({
      %run_scoped3A = tpu.sem_alloc : memref<!tpu.dma_semaphore, #tpu.memory_space<semaphore_mem>>
      tpu.enqueue_dma source(%arg3 : memref<10240xf32, #tpu.memory_space<hbm>>) target(%arg10 : memref<10240xf32, #tpu.memory_space<vmem>>) target_semaphore(%run_scoped3A : memref<!tpu.dma_semaphore, #tpu.memory_space<semaphore_mem>>)
      tpu.wait_dma2 semaphore(%run_scoped3A : memref<!tpu.dma_semaphore, #tpu.memory_space<semaphore_mem>>) src(%arg3 : memref<10240xf32, #tpu.memory_space<hbm>>) dst(%arg10 : memref<10240xf32, #tpu.memory_space<vmem>>)
      tpu.yield
    }) : () -> ()
    "tpu.region"() ({
      %run_scoped3A = tpu.sem_alloc : memref<!tpu.dma_semaphore, #tpu.memory_space<semaphore_mem>>
      tpu.enqueue_dma source(%arg4 : memref<10240xf32, #tpu.memory_space<hbm>>) target(%arg11 : memref<10240xf32, #tpu.memory_space<vmem>>) target_semaphore(%run_scoped3A : memref<!tpu.dma_semaphore, #tpu.memory_space<semaphore_mem>>)
      tpu.wait_dma2 semaphore(%run_scoped3A : memref<!tpu.dma_semaphore, #tpu.memory_space<semaphore_mem>>) src(%arg4 : memref<10240xf32, #tpu.memory_space<hbm>>) dst(%arg11 : memref<10240xf32, #tpu.memory_space<vmem>>)
      tpu.yield
    }) : () -> ()
    %barrier3A = arith.constant 0 : index
    tpu.barrier barrier_id(%barrier3A)
    %mul3A_23 = arith.constant 10368 : i32
    %mul3A_24 = arith.muli %add3A, %mul3A_23 : i32
    %scan3A_25 = arith.constant 0 : i32
    %scan3A_26 = arith.constant 0 : i32
    %scan3A_27 = arith.constant 81 : i32
    %scan3A_28 = arith.addi %scan3A_26, %scan3A_27 : i32
    %scan3A_29 = arith.constant 1 : i32
    %scan3A_30 = scf.for %scan3A_37 = %scan3A_26 to %scan3A_28 step %scan3A_29 iter_args(%scan3A_38 = %scan3A_25) -> (i32)  : i32 {
      %mul3A_39 = arith.constant 128 : i32
      %mul3A_40 = arith.muli %scan3A_37, %mul3A_39 : i32
      %add3A_41 = arith.addi %mul3A_24, %mul3A_40 : i32
      "tpu.region"() ({
        %run_scoped3A = tpu.sem_alloc : memref<!tpu.dma_semaphore, #tpu.memory_space<semaphore_mem>>
        %dma_start3A_61 = tpu.memref_slice %arg5[%add3A_41] : memref<331776xi32, #tpu.memory_space<hbm>> -> memref<128xi32, #tpu.memory_space<hbm>>
        %dma_start3A_62 = tpu.memref_slice %arg5[%add3A_41] : memref<331776xi32, #tpu.memory_space<hbm>> -> memref<128xi32, #tpu.memory_space<hbm>>
        tpu.enqueue_dma source(%dma_start3A_62 : memref<128xi32, #tpu.memory_space<hbm>>) target(%arg13 : memref<128xi32, #tpu.memory_space<vmem>>) target_semaphore(%run_scoped3A : memref<!tpu.dma_semaphore, #tpu.memory_space<semaphore_mem>>)
        %dma_wait3A_63 = tpu.memref_slice %arg5[%add3A_41] : memref<331776xi32, #tpu.memory_space<hbm>> -> memref<128xi32, #tpu.memory_space<hbm>>
        %dma_wait3A_64 = tpu.memref_slice %arg5[%add3A_41] : memref<331776xi32, #tpu.memory_space<hbm>> -> memref<128xi32, #tpu.memory_space<hbm>>
        tpu.wait_dma2 semaphore(%run_scoped3A : memref<!tpu.dma_semaphore, #tpu.memory_space<semaphore_mem>>) src(%dma_wait3A_64 : memref<128xi32, #tpu.memory_space<hbm>>) dst(%arg13 : memref<128xi32, #tpu.memory_space<vmem>>)
        tpu.yield
      }) : () -> ()
      "tpu.region"() ({
        %run_scoped3A = tpu.sem_alloc : memref<!tpu.dma_semaphore, #tpu.memory_space<semaphore_mem>>
        %dma_start3A_61 = tpu.memref_slice %arg6[%add3A_41] : memref<331776xi32, #tpu.memory_space<hbm>> -> memref<128xi32, #tpu.memory_space<hbm>>
        %dma_start3A_62 = tpu.memref_slice %arg6[%add3A_41] : memref<331776xi32, #tpu.memory_space<hbm>> -> memref<128xi32, #tpu.memory_space<hbm>>
        tpu.enqueue_dma source(%dma_start3A_62 : memref<128xi32, #tpu.memory_space<hbm>>) target(%arg14 : memref<128xi32, #tpu.memory_space<vmem>>) target_semaphore(%run_scoped3A : memref<!tpu.dma_semaphore, #tpu.memory_space<semaphore_mem>>)
        %dma_wait3A_63 = tpu.memref_slice %arg6[%add3A_41] : memref<331776xi32, #tpu.memory_space<hbm>> -> memref<128xi32, #tpu.memory_space<hbm>>
        %dma_wait3A_64 = tpu.memref_slice %arg6[%add3A_41] : memref<331776xi32, #tpu.memory_space<hbm>> -> memref<128xi32, #tpu.memory_space<hbm>>
        tpu.wait_dma2 semaphore(%run_scoped3A : memref<!tpu.dma_semaphore, #tpu.memory_space<semaphore_mem>>) src(%dma_wait3A_64 : memref<128xi32, #tpu.memory_space<hbm>>) dst(%arg14 : memref<128xi32, #tpu.memory_space<vmem>>)
        tpu.yield
      }) : () -> ()
      "tpu.region"() ({
        %run_scoped3A = tpu.sem_alloc : memref<!tpu.dma_semaphore, #tpu.memory_space<semaphore_mem>>
        %dma_start3A_61 = tpu.memref_slice %arg7[%add3A_41] : memref<331776xf32, #tpu.memory_space<hbm>> -> memref<128xf32, #tpu.memory_space<hbm>>
        %dma_start3A_62 = tpu.memref_slice %arg7[%add3A_41] : memref<331776xf32, #tpu.memory_space<hbm>> -> memref<128xf32, #tpu.memory_space<hbm>>
        tpu.enqueue_dma source(%dma_start3A_62 : memref<128xf32, #tpu.memory_space<hbm>>) target(%arg15 : memref<128xf32, #tpu.memory_space<vmem>>) target_semaphore(%run_scoped3A : memref<!tpu.dma_semaphore, #tpu.memory_space<semaphore_mem>>)
        %dma_wait3A_63 = tpu.memref_slice %arg7[%add3A_41] : memref<331776xf32, #tpu.memory_space<hbm>> -> memref<128xf32, #tpu.memory_space<hbm>>
        %dma_wait3A_64 = tpu.memref_slice %arg7[%add3A_41] : memref<331776xf32, #tpu.memory_space<hbm>> -> memref<128xf32, #tpu.memory_space<hbm>>
        tpu.wait_dma2 semaphore(%run_scoped3A : memref<!tpu.dma_semaphore, #tpu.memory_space<semaphore_mem>>) src(%dma_wait3A_64 : memref<128xf32, #tpu.memory_space<hbm>>) dst(%arg15 : memref<128xf32, #tpu.memory_space<vmem>>)
        tpu.yield
      }) : () -> ()
      %dma_start3A = arith.constant 0 : i32
      %dma_start3A_42 = arith.constant 0 : i32
      %dma_start3A_43 = tpu.memref_slice %arg2[%dma_start3A, %dma_start3A_42] : memref<10240x128xf32, #tpu.memory_space<hbm>> -> memref<10240x128xf32, #tpu.memory_space<hbm>>
      tpu.enqueue_indirect_dma source(%dma_start3A_43 : memref<10240x128xf32, #tpu.memory_space<hbm>>) target(%arg17 : memref<128x128xf32, #tpu.memory_space<vmem>>) offsets(%arg13 : memref<128xi32, #tpu.memory_space<vmem>>) semaphore(%arg19 : memref<!tpu.dma_semaphore, #tpu.memory_space<semaphore_mem>>)
      %scan3A_44 = arith.constant 0 : i32
      %scan3A_45 = arith.constant 0 : i32
      %scan3A_46 = arith.constant 8 : i32
      %scan3A_47 = arith.addi %scan3A_45, %scan3A_46 : i32
      %scan3A_48 = arith.constant 1 : i32
      %scan3A_49 = scf.for %scan3A_61 = %scan3A_45 to %scan3A_47 step %scan3A_48 iter_args(%scan3A_62 = %scan3A_44) -> (i32)  : i32 {
        %mul3A_63 = arith.constant 16 : i32
        %mul3A_64 = arith.muli %scan3A_61, %mul3A_63 : i32
        %get3A = arith.index_cast %mul3A_64 : i32 to index
        %get3A_65 = tpu.vector_load %arg13[%get3A] {strides = array<i32>} : memref<128xi32, #tpu.memory_space<vmem>>, vector<16xi32>,
        %gather3A = tpu.vector_load_idx %arg10[%get3A_65] : memref<10240xf32, #tpu.memory_space<vmem>>[vector<16xi32>], vector<16xf32>,
        %get3A_66 = arith.index_cast %mul3A_64 : i32 to index
        %get3A_67 = tpu.vector_load %arg14[%get3A_66] {strides = array<i32>} : memref<128xi32, #tpu.memory_space<vmem>>, vector<16xi32>,
        %gather3A_68 = tpu.vector_load_idx %arg11[%get3A_67] : memref<10240xf32, #tpu.memory_space<vmem>>[vector<16xi32>], vector<16xf32>,
        %add3A_69 = arith.addf %gather3A, %gather3A_68 : vector<16xf32>
        %ge3A = arith.constant 0.000000e+00 : f32
        %ge3A_70 = vector.broadcast %ge3A : f32 to vector<16xf32>
        %ge3A_71 = arith.cmpf oge, %add3A_69, %ge3A_70 : vector<16xf32>
        %mul3A_72 = arith.constant 2.000000e-01 : f32
        %mul3A_73 = vector.broadcast %mul3A_72 : f32 to vector<16xf32>
        %mul3A_74 = arith.mulf %mul3A_73, %add3A_69 : vector<16xf32>
        %select_n3A = arith.select %ge3A_71, %add3A_69, %mul3A_74 : vector<16xi1>, vector<16xf32>
        %get3A_75 = arith.index_cast %mul3A_64 : i32 to index
        %get3A_76 = tpu.vector_load %arg15[%get3A_75] {strides = array<i32>} : memref<128xf32, #tpu.memory_space<vmem>>, vector<16xf32>,
        %mul3A_77 = arith.mulf %select_n3A, %get3A_76 : vector<16xf32>
        %exp3A = math.exp %mul3A_77 : vector<16xf32>
        %swap3A = arith.index_cast %mul3A_64 : i32 to index
        %swap3A_78 = tpu.vector_load %arg16[%swap3A] {strides = array<i32>} : memref<128xf32, #tpu.memory_space<vmem>>, vector<16xf32>,
        tpu.vector_store %arg16[%swap3A], %exp3A {strides = array<i32>} : memref<128xf32, #tpu.memory_space<vmem>>, vector<16xf32>,
        %scan3A_79 = arith.constant 0 : i32
        scf.yield %scan3A_79 : i32
      }
      %scan3A_50 = arith.constant 8 : i32
      %dma_wait3A = arith.constant 0 : i32
      %dma_wait3A_51 = arith.constant 0 : i32
      %dma_wait3A_52 = tpu.memref_slice %arg2[%dma_wait3A, %dma_wait3A_51] : memref<10240x128xf32, #tpu.memory_space<hbm>> -> memref<10240x128xf32, #tpu.memory_space<hbm>>
      tpu.wait_indirect_dma semaphore(%arg19 : memref<!tpu.dma_semaphore, #tpu.memory_space<semaphore_mem>>) src(%dma_wait3A_52 : memref<10240x128xf32, #tpu.memory_space<hbm>>) dst(%arg17 : memref<128x128xf32, #tpu.memory_space<vmem>>)
      %iota3A = tpu.iota {dimensions = array<i32: 0>} : vector<16xi32>
      %scan3A_53 = arith.constant 0 : i32
      %scan3A_54 = arith.constant 0 : i32
      %scan3A_55 = arith.constant 8 : i32
      %scan3A_56 = arith.addi %scan3A_54, %scan3A_55 : i32
      %scan3A_57 = arith.constant 1 : i32
      %scan3A_58 = scf.for %scan3A_61 = %scan3A_54 to %scan3A_56 step %scan3A_57 iter_args(%scan3A_62 = %scan3A_53) -> (i32)  : i32 {
        %mul3A_63 = arith.constant 16 : i32
        %mul3A_64 = arith.muli %scan3A_61, %mul3A_63 : i32
        %get3A = arith.index_cast %mul3A_64 : i32 to index
        %get3A_65 = tpu.vector_load %arg16[%get3A] {strides = array<i32>} : memref<128xf32, #tpu.memory_space<vmem>>, vector<16xf32>,
        %get3A_66 = arith.index_cast %mul3A_64 : i32 to index
        %get3A_67 = tpu.vector_load %arg14[%get3A_66] {strides = array<i32>} : memref<128xi32, #tpu.memory_space<vmem>>, vector<16xi32>,
        %slice3A = vector.extract_strided_slice %get3A_65 {offsets = [0], sizes = [1], strides = [1]} : vector<16xf32> to vector<1xf32>
        %squeeze3A = vector.extract %slice3A[0] : f32 from vector<1xf32>
        %slice3A_68 = vector.extract_strided_slice %get3A_67 {offsets = [0], sizes = [1], strides = [1]} : vector<16xi32> to vector<1xi32>
        %squeeze3A_69 = vector.extract %slice3A_68[0] : i32 from vector<1xi32>
        %eq3A = arith.constant 0 : i32
        %eq3A_70 = vector.broadcast %eq3A : i32 to vector<16xi32>
        %eq3A_71 = arith.cmpi eq, %iota3A, %eq3A_70 : vector<16xi32>
        %jit3A = arith.constant 0.000000e+00 : f32
        %broadcast_in_dim3A_72 = vector.broadcast %squeeze3A : f32 to vector<16xf32>
        %broadcast_in_dim3A_73 = vector.broadcast %jit3A : f32 to vector<16xf32>
        %select_n3A = arith.select %eq3A_71, %broadcast_in_dim3A_72, %broadcast_in_dim3A_73 : vector<16xi1>, vector<16xf32>
        %swap3A = arith.index_cast %squeeze3A_69 : i32 to index
        %swap3A_74 = tpu.vector_load %arg12[%swap3A] {strides = array<i32>} : memref<10256xf32, #tpu.memory_space<vmem>>, vector<16xf32>,
        tpu.vector_store %arg12[%swap3A], %select_n3A {add = true, strides = array<i32>} : memref<10256xf32, #tpu.memory_space<vmem>>, vector<16xf32>,
        %add3A_75 = arith.constant 0 : i32
        %add3A_76 = arith.addi %mul3A_64, %add3A_75 : i32
        %get3A_77 = arith.index_cast %add3A_76 : i32 to index
        %get3A_78 = arith.constant 0 : index
        %get3A_79 = tpu.vector_load %arg17[%get3A_77, %get3A_78] {strides = array<i32>} : memref<128x128xf32, #tpu.memory_space<vmem>>, vector<16xf32>,
        %mul3A_80 = vector.broadcast %squeeze3A : f32 to vector<16xf32>
        %mul3A_81 = arith.mulf %get3A_79, %mul3A_80 : vector<16xf32>
        %swap3A_82 = arith.index_cast %add3A_76 : i32 to index
        %swap3A_83 = arith.constant 0 : index
        %swap3A_84 = tpu.vector_load %arg17[%swap3A_82, %swap3A_83] {strides = array<i32>} : memref<128x128xf32, #tpu.memory_space<vmem>>, vector<16xf32>,
        tpu.vector_store %arg17[%swap3A_82, %swap3A_83], %mul3A_81 {strides = array<i32>} : memref<128x128xf32, #tpu.memory_space<vmem>>, vector<16xf32>,
        %get3A_85 = arith.index_cast %add3A_76 : i32 to index
        %get3A_86 = arith.constant 16 : index
        %get3A_87 = tpu.vector_load %arg17[%get3A_85, %get3A_86] {strides = array<i32>} : memref<128x128xf32, #tpu.memory_space<vmem>>, vector<16xf32>,
        %mul3A_88 = vector.broadcast %squeeze3A : f32 to vector<16xf32>
        %mul3A_89 = arith.mulf %get3A_87, %mul3A_88 : vector<16xf32>
        %swap3A_90 = arith.index_cast %add3A_76 : i32 to index
        %swap3A_91 = arith.constant 16 : index
        %swap3A_92 = tpu.vector_load %arg17[%swap3A_90, %swap3A_91] {strides = array<i32>} : memref<128x128xf32, #tpu.memory_space<vmem>>, vector<16xf32>,
        tpu.vector_store %arg17[%swap3A_90, %swap3A_91], %mul3A_89 {strides = array<i32>} : memref<128x128xf32, #tpu.memory_space<vmem>>, vector<16xf32>,
        %get3A_93 = arith.index_cast %add3A_76 : i32 to index
        %get3A_94 = arith.constant 32 : index
        %get3A_95 = tpu.vector_load %arg17[%get3A_93, %get3A_94] {strides = array<i32>} : memref<128x128xf32, #tpu.memory_space<vmem>>, vector<16xf32>,
        %mul3A_96 = vector.broadcast %squeeze3A : f32 to vector<16xf32>
        %mul3A_97 = arith.mulf %get3A_95, %mul3A_96 : vector<16xf32>
        %swap3A_98 = arith.index_cast %add3A_76 : i32 to index
        %swap3A_99 = arith.constant 32 : index
        %swap3A_100 = tpu.vector_load %arg17[%swap3A_98, %swap3A_99] {strides = array<i32>} : memref<128x128xf32, #tpu.memory_space<vmem>>, vector<16xf32>,
        tpu.vector_store %arg17[%swap3A_98, %swap3A_99], %mul3A_97 {strides = array<i32>} : memref<128x128xf32, #tpu.memory_space<vmem>>, vector<16xf32>,
        %get3A_101 = arith.index_cast %add3A_76 : i32 to index
        %get3A_102 = arith.constant 48 : index
        %get3A_103 = tpu.vector_load %arg17[%get3A_101, %get3A_102] {strides = array<i32>} : memref<128x128xf32, #tpu.memory_space<vmem>>, vector<16xf32>,
        %mul3A_104 = vector.broadcast %squeeze3A : f32 to vector<16xf32>
        %mul3A_105 = arith.mulf %get3A_103, %mul3A_104 : vector<16xf32>
        %swap3A_106 = arith.index_cast %add3A_76 : i32 to index
        %swap3A_107 = arith.constant 48 : index
        %swap3A_108 = tpu.vector_load %arg17[%swap3A_106, %swap3A_107] {strides = array<i32>} : memref<128x128xf32, #tpu.memory_space<vmem>>, vector<16xf32>,
        tpu.vector_store %arg17[%swap3A_106, %swap3A_107], %mul3A_105 {strides = array<i32>} : memref<128x128xf32, #tpu.memory_space<vmem>>, vector<16xf32>,
        %get3A_109 = arith.index_cast %add3A_76 : i32 to index
        %get3A_110 = arith.constant 64 : index
        %get3A_111 = tpu.vector_load %arg17[%get3A_109, %get3A_110] {strides = array<i32>} : memref<128x128xf32, #tpu.memory_space<vmem>>, vector<16xf32>,
        %mul3A_112 = vector.broadcast %squeeze3A : f32 to vector<16xf32>
        %mul3A_113 = arith.mulf %get3A_111, %mul3A_112 : vector<16xf32>
        %swap3A_114 = arith.index_cast %add3A_76 : i32 to index
        %swap3A_115 = arith.constant 64 : index
        %swap3A_116 = tpu.vector_load %arg17[%swap3A_114, %swap3A_115] {strides = array<i32>} : memref<128x128xf32, #tpu.memory_space<vmem>>, vector<16xf32>,
        tpu.vector_store %arg17[%swap3A_114, %swap3A_115], %mul3A_113 {strides = array<i32>} : memref<128x128xf32, #tpu.memory_space<vmem>>, vector<16xf32>,
        %get3A_117 = arith.index_cast %add3A_76 : i32 to index
        %get3A_118 = arith.constant 80 : index
        %get3A_119 = tpu.vector_load %arg17[%get3A_117, %get3A_118] {strides = array<i32>} : memref<128x128xf32, #tpu.memory_space<vmem>>, vector<16xf32>,
        %mul3A_120 = vector.broadcast %squeeze3A : f32 to vector<16xf32>
        %mul3A_121 = arith.mulf %get3A_119, %mul3A_120 : vector<16xf32>
        %swap3A_122 = arith.index_cast %add3A_76 : i32 to index
        %swap3A_123 = arith.constant 80 : index
        %swap3A_124 = tpu.vector_load %arg17[%swap3A_122, %swap3A_123] {strides = array<i32>} : memref<128x128xf32, #tpu.memory_space<vmem>>, vector<16xf32>,
        tpu.vector_store %arg17[%swap3A_122, %swap3A_123], %mul3A_121 {strides = array<i32>} : memref<128x128xf32, #tpu.memory_space<vmem>>, vector<16xf32>,
        %get3A_125 = arith.index_cast %add3A_76 : i32 to index
        %get3A_126 = arith.constant 96 : index
        %get3A_127 = tpu.vector_load %arg17[%get3A_125, %get3A_126] {strides = array<i32>} : memref<128x128xf32, #tpu.memory_space<vmem>>, vector<16xf32>,
        %mul3A_128 = vector.broadcast %squeeze3A : f32 to vector<16xf32>
        %mul3A_129 = arith.mulf %get3A_127, %mul3A_128 : vector<16xf32>
        %swap3A_130 = arith.index_cast %add3A_76 : i32 to index
        %swap3A_131 = arith.constant 96 : index
        %swap3A_132 = tpu.vector_load %arg17[%swap3A_130, %swap3A_131] {strides = array<i32>} : memref<128x128xf32, #tpu.memory_space<vmem>>, vector<16xf32>,
        tpu.vector_store %arg17[%swap3A_130, %swap3A_131], %mul3A_129 {strides = array<i32>} : memref<128x128xf32, #tpu.memory_space<vmem>>, vector<16xf32>,
        %get3A_133 = arith.index_cast %add3A_76 : i32 to index
        %get3A_134 = arith.constant 112 : index
        %get3A_135 = tpu.vector_load %arg17[%get3A_133, %get3A_134] {strides = array<i32>} : memref<128x128xf32, #tpu.memory_space<vmem>>, vector<16xf32>,
        %mul3A_136 = vector.broadcast %squeeze3A : f32 to vector<16xf32>
        %mul3A_137 = arith.mulf %get3A_135, %mul3A_136 : vector<16xf32>
        %swap3A_138 = arith.index_cast %add3A_76 : i32 to index
        %swap3A_139 = arith.constant 112 : index
        %swap3A_140 = tpu.vector_load %arg17[%swap3A_138, %swap3A_139] {strides = array<i32>} : memref<128x128xf32, #tpu.memory_space<vmem>>, vector<16xf32>,
        tpu.vector_store %arg17[%swap3A_138, %swap3A_139], %mul3A_137 {strides = array<i32>} : memref<128x128xf32, #tpu.memory_space<vmem>>, vector<16xf32>,
        %slice3A_141 = vector.extract_strided_slice %get3A_65 {offsets = [1], sizes = [1], strides = [1]} : vector<16xf32> to vector<1xf32>
        %squeeze3A_142 = vector.extract %slice3A_141[0] : f32 from vector<1xf32>
        %slice3A_143 = vector.extract_strided_slice %get3A_67 {offsets = [1], sizes = [1], strides = [1]} : vector<16xi32> to vector<1xi32>
        %squeeze3A_144 = vector.extract %slice3A_143[0] : i32 from vector<1xi32>
        %eq3A_145 = arith.constant 0 : i32
        %eq3A_146 = vector.broadcast %eq3A_145 : i32 to vector<16xi32>
        %eq3A_147 = arith.cmpi eq, %iota3A, %eq3A_146 : vector<16xi32>
        %jit3A_148 = arith.constant 0.000000e+00 : f32
        %broadcast_in_dim3A_149 = vector.broadcast %squeeze3A_142 : f32 to vector<16xf32>
        %broadcast_in_dim3A_150 = vector.broadcast %jit3A_148 : f32 to vector<16xf32>
        %select_n3A_151 = arith.select %eq3A_147, %broadcast_in_dim3A_149, %broadcast_in_dim3A_150 : vector<16xi1>, vector<16xf32>
        %swap3A_152 = arith.index_cast %squeeze3A_144 : i32 to index
        %swap3A_153 = tpu.vector_load %arg12[%swap3A_152] {strides = array<i32>} : memref<10256xf32, #tpu.memory_space<vmem>>, vector<16xf32>,
        tpu.vector_store %arg12[%swap3A_152], %select_n3A_151 {add = true, strides = array<i32>} : memref<10256xf32, #tpu.memory_space<vmem>>, vector<16xf32>,
        %add3A_154 = arith.constant 1 : i32
        %add3A_155 = arith.addi %mul3A_64, %add3A_154 : i32
        %get3A_156 = arith.index_cast %add3A_155 : i32 to index
        %get3A_157 = arith.constant 0 : index
        %get3A_158 = tpu.vector_load %arg17[%get3A_156, %get3A_157] {strides = array<i32>} : memref<128x128xf32, #tpu.memory_space<vmem>>, vector<16xf32>,
        %mul3A_159 = vector.broadcast %squeeze3A_142 : f32 to vector<16xf32>
        %mul3A_160 = arith.mulf %get3A_158, %mul3A_159 : vector<16xf32>
        %swap3A_161 = arith.index_cast %add3A_155 : i32 to index
        %swap3A_162 = arith.constant 0 : index
        %swap3A_163 = tpu.vector_load %arg17[%swap3A_161, %swap3A_162] {strides = array<i32>} : memref<128x128xf32, #tpu.memory_space<vmem>>, vector<16xf32>,
        tpu.vector_store %arg17[%swap3A_161, %swap3A_162], %mul3A_160 {strides = array<i32>} : memref<128x128xf32, #tpu.memory_space<vmem>>, vector<16xf32>,
        %get3A_164 = arith.index_cast %add3A_155 : i32 to index
        %get3A_165 = arith.constant 16 : index
        %get3A_166 = tpu.vector_load %arg17[%get3A_164, %get3A_165] {strides = array<i32>} : memref<128x128xf32, #tpu.memory_space<vmem>>, vector<16xf32>,
        %mul3A_167 = vector.broadcast %squeeze3A_142 : f32 to vector<16xf32>
        %mul3A_168 = arith.mulf %get3A_166, %mul3A_167 : vector<16xf32>
        %swap3A_169 = arith.index_cast %add3A_155 : i32 to index
        %swap3A_170 = arith.constant 16 : index
        %swap3A_171 = tpu.vector_load %arg17[%swap3A_169, %swap3A_170] {strides = array<i32>} : memref<128x128xf32, #tpu.memory_space<vmem>>, vector<16xf32>,
        tpu.vector_store %arg17[%swap3A_169, %swap3A_170], %mul3A_168 {strides = array<i32>} : memref<128x128xf32, #tpu.memory_space<vmem>>, vector<16xf32>,
        %get3A_172 = arith.index_cast %add3A_155 : i32 to index
        %get3A_173 = arith.constant 32 : index
        %get3A_174 = tpu.vector_load %arg17[%get3A_172, %get3A_173] {strides = array<i32>} : memref<128x128xf32, #tpu.memory_space<vmem>>, vector<16xf32>,
        %mul3A_175 = vector.broadcast %squeeze3A_142 : f32 to vector<16xf32>
        %mul3A_176 = arith.mulf %get3A_174, %mul3A_175 : vector<16xf32>
        %swap3A_177 = arith.index_cast %add3A_155 : i32 to index
        %swap3A_178 = arith.constant 32 : index
        %swap3A_179 = tpu.vector_load %arg17[%swap3A_177, %swap3A_178] {strides = array<i32>} : memref<128x128xf32, #tpu.memory_space<vmem>>, vector<16xf32>,
        tpu.vector_store %arg17[%swap3A_177, %swap3A_178], %mul3A_176 {strides = array<i32>} : memref<128x128xf32, #tpu.memory_space<vmem>>, vector<16xf32>,
        %get3A_180 = arith.index_cast %add3A_155 : i32 to index
        %get3A_181 = arith.constant 48 : index
        %get3A_182 = tpu.vector_load %arg17[%get3A_180, %get3A_181] {strides = array<i32>} : memref<128x128xf32, #tpu.memory_space<vmem>>, vector<16xf32>,
        %mul3A_183 = vector.broadcast %squeeze3A_142 : f32 to vector<16xf32>
        %mul3A_184 = arith.mulf %get3A_182, %mul3A_183 : vector<16xf32>
        %swap3A_185 = arith.index_cast %add3A_155 : i32 to index
        %swap3A_186 = arith.constant 48 : index
        %swap3A_187 = tpu.vector_load %arg17[%swap3A_185, %swap3A_186] {strides = array<i32>} : memref<128x128xf32, #tpu.memory_space<vmem>>, vector<16xf32>,
        tpu.vector_store %arg17[%swap3A_185, %swap3A_186], %mul3A_184 {strides = array<i32>} : memref<128x128xf32, #tpu.memory_space<vmem>>, vector<16xf32>,
        %get3A_188 = arith.index_cast %add3A_155 : i32 to index
        %get3A_189 = arith.constant 64 : index
        %get3A_190 = tpu.vector_load %arg17[%get3A_188, %get3A_189] {strides = array<i32>} : memref<128x128xf32, #tpu.memory_space<vmem>>, vector<16xf32>,
        %mul3A_191 = vector.broadcast %squeeze3A_142 : f32 to vector<16xf32>
        %mul3A_192 = arith.mulf %get3A_190, %mul3A_191 : vector<16xf32>
        %swap3A_193 = arith.index_cast %add3A_155 : i32 to index
        %swap3A_194 = arith.constant 64 : index
        %swap3A_195 = tpu.vector_load %arg17[%swap3A_193, %swap3A_194] {strides = array<i32>} : memref<128x128xf32, #tpu.memory_space<vmem>>, vector<16xf32>,
        tpu.vector_store %arg17[%swap3A_193, %swap3A_194], %mul3A_192 {strides = array<i32>} : memref<128x128xf32, #tpu.memory_space<vmem>>, vector<16xf32>,
        %get3A_196 = arith.index_cast %add3A_155 : i32 to index
        %get3A_197 = arith.constant 80 : index
        %get3A_198 = tpu.vector_load %arg17[%get3A_196, %get3A_197] {strides = array<i32>} : memref<128x128xf32, #tpu.memory_space<vmem>>, vector<16xf32>,
        %mul3A_199 = vector.broadcast %squeeze3A_142 : f32 to vector<16xf32>
        %mul3A_200 = arith.mulf %get3A_198, %mul3A_199 : vector<16xf32>
        %swap3A_201 = arith.index_cast %add3A_155 : i32 to index
        %swap3A_202 = arith.constant 80 : index
        %swap3A_203 = tpu.vector_load %arg17[%swap3A_201, %swap3A_202] {strides = array<i32>} : memref<128x128xf32, #tpu.memory_space<vmem>>, vector<16xf32>,
        tpu.vector_store %arg17[%swap3A_201, %swap3A_202], %mul3A_200 {strides = array<i32>} : memref<128x128xf32, #tpu.memory_space<vmem>>, vector<16xf32>,
        %get3A_204 = arith.index_cast %add3A_155 : i32 to index
        %get3A_205 = arith.constant 96 : index
        %get3A_206 = tpu.vector_load %arg17[%get3A_204, %get3A_205] {strides = array<i32>} : memref<128x128xf32, #tpu.memory_space<vmem>>, vector<16xf32>,
        %mul3A_207 = vector.broadcast %squeeze3A_142 : f32 to vector<16xf32>
        %mul3A_208 = arith.mulf %get3A_206, %mul3A_207 : vector<16xf32>
        %swap3A_209 = arith.index_cast %add3A_155 : i32 to index
        %swap3A_210 = arith.constant 96 : index
        %swap3A_211 = tpu.vector_load %arg17[%swap3A_209, %swap3A_210] {strides = array<i32>} : memref<128x128xf32, #tpu.memory_space<vmem>>, vector<16xf32>,
        tpu.vector_store %arg17[%swap3A_209, %swap3A_210], %mul3A_208 {strides = array<i32>} : memref<128x128xf32, #tpu.memory_space<vmem>>, vector<16xf32>,
        %get3A_212 = arith.index_cast %add3A_155 : i32 to index
        %get3A_213 = arith.constant 112 : index
        %get3A_214 = tpu.vector_load %arg17[%get3A_212, %get3A_213] {strides = array<i32>} : memref<128x128xf32, #tpu.memory_space<vmem>>, vector<16xf32>,
        %mul3A_215 = vector.broadcast %squeeze3A_142 : f32 to vector<16xf32>
        %mul3A_216 = arith.mulf %get3A_214, %mul3A_215 : vector<16xf32>
        %swap3A_217 = arith.index_cast %add3A_155 : i32 to index
        %swap3A_218 = arith.constant 112 : index
        %swap3A_219 = tpu.vector_load %arg17[%swap3A_217, %swap3A_218] {strides = array<i32>} : memref<128x128xf32, #tpu.memory_space<vmem>>, vector<16xf32>,
        tpu.vector_store %arg17[%swap3A_217, %swap3A_218], %mul3A_216 {strides = array<i32>} : memref<128x128xf32, #tpu.memory_space<vmem>>, vector<16xf32>,
        %slice3A_220 = vector.extract_strided_slice %get3A_65 {offsets = [2], sizes = [1], strides = [1]} : vector<16xf32> to vector<1xf32>
        %squeeze3A_221 = vector.extract %slice3A_220[0] : f32 from vector<1xf32>
        %slice3A_222 = vector.extract_strided_slice %get3A_67 {offsets = [2], sizes = [1], strides = [1]} : vector<16xi32> to vector<1xi32>
        %squeeze3A_223 = vector.extract %slice3A_222[0] : i32 from vector<1xi32>
        %eq3A_224 = arith.constant 0 : i32
        %eq3A_225 = vector.broadcast %eq3A_224 : i32 to vector<16xi32>
        %eq3A_226 = arith.cmpi eq, %iota3A, %eq3A_225 : vector<16xi32>
        %jit3A_227 = arith.constant 0.000000e+00 : f32
        %broadcast_in_dim3A_228 = vector.broadcast %squeeze3A_221 : f32 to vector<16xf32>
        %broadcast_in_dim3A_229 = vector.broadcast %jit3A_227 : f32 to vector<16xf32>
        %select_n3A_230 = arith.select %eq3A_226, %broadcast_in_dim3A_228, %broadcast_in_dim3A_229 : vector<16xi1>, vector<16xf32>
        %swap3A_231 = arith.index_cast %squeeze3A_223 : i32 to index
        %swap3A_232 = tpu.vector_load %arg12[%swap3A_231] {strides = array<i32>} : memref<10256xf32, #tpu.memory_space<vmem>>, vector<16xf32>,
        tpu.vector_store %arg12[%swap3A_231], %select_n3A_230 {add = true, strides = array<i32>} : memref<10256xf32, #tpu.memory_space<vmem>>, vector<16xf32>,
        %add3A_233 = arith.constant 2 : i32
        %add3A_234 = arith.addi %mul3A_64, %add3A_233 : i32
        %get3A_235 = arith.index_cast %add3A_234 : i32 to index
        %get3A_236 = arith.constant 0 : index
        %get3A_237 = tpu.vector_load %arg17[%get3A_235, %get3A_236] {strides = array<i32>} : memref<128x128xf32, #tpu.memory_space<vmem>>, vector<16xf32>,
        %mul3A_238 = vector.broadcast %squeeze3A_221 : f32 to vector<16xf32>
        %mul3A_239 = arith.mulf %get3A_237, %mul3A_238 : vector<16xf32>
        %swap3A_240 = arith.index_cast %add3A_234 : i32 to index
        %swap3A_241 = arith.constant 0 : index
        %swap3A_242 = tpu.vector_load %arg17[%swap3A_240, %swap3A_241] {strides = array<i32>} : memref<128x128xf32, #tpu.memory_space<vmem>>, vector<16xf32>,
        tpu.vector_store %arg17[%swap3A_240, %swap3A_241], %mul3A_239 {strides = array<i32>} : memref<128x128xf32, #tpu.memory_space<vmem>>, vector<16xf32>,
        %get3A_243 = arith.index_cast %add3A_234 : i32 to index
        %get3A_244 = arith.constant 16 : index
        %get3A_245 = tpu.vector_load %arg17[%get3A_243, %get3A_244] {strides = array<i32>} : memref<128x128xf32, #tpu.memory_space<vmem>>, vector<16xf32>,
        %mul3A_246 = vector.broadcast %squeeze3A_221 : f32 to vector<16xf32>
        %mul3A_247 = arith.mulf %get3A_245, %mul3A_246 : vector<16xf32>
        %swap3A_248 = arith.index_cast %add3A_234 : i32 to index
        %swap3A_249 = arith.constant 16 : index
        %swap3A_250 = tpu.vector_load %arg17[%swap3A_248, %swap3A_249] {strides = array<i32>} : memref<128x128xf32, #tpu.memory_space<vmem>>, vector<16xf32>,
        tpu.vector_store %arg17[%swap3A_248, %swap3A_249], %mul3A_247 {strides = array<i32>} : memref<128x128xf32, #tpu.memory_space<vmem>>, vector<16xf32>,
        %get3A_251 = arith.index_cast %add3A_234 : i32 to index
        %get3A_252 = arith.constant 32 : index
        %get3A_253 = tpu.vector_load %arg17[%get3A_251, %get3A_252] {strides = array<i32>} : memref<128x128xf32, #tpu.memory_space<vmem>>, vector<16xf32>,
        %mul3A_254 = vector.broadcast %squeeze3A_221 : f32 to vector<16xf32>
        %mul3A_255 = arith.mulf %get3A_253, %mul3A_254 : vector<16xf32>
        %swap3A_256 = arith.index_cast %add3A_234 : i32 to index
        %swap3A_257 = arith.constant 32 : index
        %swap3A_258 = tpu.vector_load %arg17[%swap3A_256, %swap3A_257] {strides = array<i32>} : memref<128x128xf32, #tpu.memory_space<vmem>>, vector<16xf32>,
        tpu.vector_store %arg17[%swap3A_256, %swap3A_257], %mul3A_255 {strides = array<i32>} : memref<128x128xf32, #tpu.memory_space<vmem>>, vector<16xf32>,
        %get3A_259 = arith.index_cast %add3A_234 : i32 to index
        %get3A_260 = arith.constant 48 : index
        %get3A_261 = tpu.vector_load %arg17[%get3A_259, %get3A_260] {strides = array<i32>} : memref<128x128xf32, #tpu.memory_space<vmem>>, vector<16xf32>,
        %mul3A_262 = vector.broadcast %squeeze3A_221 : f32 to vector<16xf32>
        %mul3A_263 = arith.mulf %get3A_261, %mul3A_262 : vector<16xf32>
        %swap3A_264 = arith.index_cast %add3A_234 : i32 to index
        %swap3A_265 = arith.constant 48 : index
        %swap3A_266 = tpu.vector_load %arg17[%swap3A_264, %swap3A_265] {strides = array<i32>} : memref<128x128xf32, #tpu.memory_space<vmem>>, vector<16xf32>,
        tpu.vector_store %arg17[%swap3A_264, %swap3A_265], %mul3A_263 {strides = array<i32>} : memref<128x128xf32, #tpu.memory_space<vmem>>, vector<16xf32>,
        %get3A_267 = arith.index_cast %add3A_234 : i32 to index
        %get3A_268 = arith.constant 64 : index
        %get3A_269 = tpu.vector_load %arg17[%get3A_267, %get3A_268] {strides = array<i32>} : memref<128x128xf32, #tpu.memory_space<vmem>>, vector<16xf32>,
        %mul3A_270 = vector.broadcast %squeeze3A_221 : f32 to vector<16xf32>
        %mul3A_271 = arith.mulf %get3A_269, %mul3A_270 : vector<16xf32>
        %swap3A_272 = arith.index_cast %add3A_234 : i32 to index
        %swap3A_273 = arith.constant 64 : index
        %swap3A_274 = tpu.vector_load %arg17[%swap3A_272, %swap3A_273] {strides = array<i32>} : memref<128x128xf32, #tpu.memory_space<vmem>>, vector<16xf32>,
        tpu.vector_store %arg17[%swap3A_272, %swap3A_273], %mul3A_271 {strides = array<i32>} : memref<128x128xf32, #tpu.memory_space<vmem>>, vector<16xf32>,
        %get3A_275 = arith.index_cast %add3A_234 : i32 to index
        %get3A_276 = arith.constant 80 : index
        %get3A_277 = tpu.vector_load %arg17[%get3A_275, %get3A_276] {strides = array<i32>} : memref<128x128xf32, #tpu.memory_space<vmem>>, vector<16xf32>,
        %mul3A_278 = vector.broadcast %squeeze3A_221 : f32 to vector<16xf32>
        %mul3A_279 = arith.mulf %get3A_277, %mul3A_278 : vector<16xf32>
        %swap3A_280 = arith.index_cast %add3A_234 : i32 to index
        %swap3A_281 = arith.constant 80 : index
        %swap3A_282 = tpu.vector_load %arg17[%swap3A_280, %swap3A_281] {strides = array<i32>} : memref<128x128xf32, #tpu.memory_space<vmem>>, vector<16xf32>,
        tpu.vector_store %arg17[%swap3A_280, %swap3A_281], %mul3A_279 {strides = array<i32>} : memref<128x128xf32, #tpu.memory_space<vmem>>, vector<16xf32>,
        %get3A_283 = arith.index_cast %add3A_234 : i32 to index
        %get3A_284 = arith.constant 96 : index
        %get3A_285 = tpu.vector_load %arg17[%get3A_283, %get3A_284] {strides = array<i32>} : memref<128x128xf32, #tpu.memory_space<vmem>>, vector<16xf32>,
        %mul3A_286 = vector.broadcast %squeeze3A_221 : f32 to vector<16xf32>
        %mul3A_287 = arith.mulf %get3A_285, %mul3A_286 : vector<16xf32>
        %swap3A_288 = arith.index_cast %add3A_234 : i32 to index
        %swap3A_289 = arith.constant 96 : index
        %swap3A_290 = tpu.vector_load %arg17[%swap3A_288, %swap3A_289] {strides = array<i32>} : memref<128x128xf32, #tpu.memory_space<vmem>>, vector<16xf32>,
        tpu.vector_store %arg17[%swap3A_288, %swap3A_289], %mul3A_287 {strides = array<i32>} : memref<128x128xf32, #tpu.memory_space<vmem>>, vector<16xf32>,
        %get3A_291 = arith.index_cast %add3A_234 : i32 to index
        %get3A_292 = arith.constant 112 : index
        %get3A_293 = tpu.vector_load %arg17[%get3A_291, %get3A_292] {strides = array<i32>} : memref<128x128xf32, #tpu.memory_space<vmem>>, vector<16xf32>,
        %mul3A_294 = vector.broadcast %squeeze3A_221 : f32 to vector<16xf32>
        %mul3A_295 = arith.mulf %get3A_293, %mul3A_294 : vector<16xf32>
        %swap3A_296 = arith.index_cast %add3A_234 : i32 to index
        %swap3A_297 = arith.constant 112 : index
        %swap3A_298 = tpu.vector_load %arg17[%swap3A_296, %swap3A_297] {strides = array<i32>} : memref<128x128xf32, #tpu.memory_space<vmem>>, vector<16xf32>,
        tpu.vector_store %arg17[%swap3A_296, %swap3A_297], %mul3A_295 {strides = array<i32>} : memref<128x128xf32, #tpu.memory_space<vmem>>, vector<16xf32>,
        %slice3A_299 = vector.extract_strided_slice %get3A_65 {offsets = [3], sizes = [1], strides = [1]} : vector<16xf32> to vector<1xf32>
        %squeeze3A_300 = vector.extract %slice3A_299[0] : f32 from vector<1xf32>
        %slice3A_301 = vector.extract_strided_slice %get3A_67 {offsets = [3], sizes = [1], strides = [1]} : vector<16xi32> to vector<1xi32>
        %squeeze3A_302 = vector.extract %slice3A_301[0] : i32 from vector<1xi32>
        %eq3A_303 = arith.constant 0 : i32
        %eq3A_304 = vector.broadcast %eq3A_303 : i32 to vector<16xi32>
        %eq3A_305 = arith.cmpi eq, %iota3A, %eq3A_304 : vector<16xi32>
        %jit3A_306 = arith.constant 0.000000e+00 : f32
        %broadcast_in_dim3A_307 = vector.broadcast %squeeze3A_300 : f32 to vector<16xf32>
        %broadcast_in_dim3A_308 = vector.broadcast %jit3A_306 : f32 to vector<16xf32>
        %select_n3A_309 = arith.select %eq3A_305, %broadcast_in_dim3A_307, %broadcast_in_dim3A_308 : vector<16xi1>, vector<16xf32>
        %swap3A_310 = arith.index_cast %squeeze3A_302 : i32 to index
        %swap3A_311 = tpu.vector_load %arg12[%swap3A_310] {strides = array<i32>} : memref<10256xf32, #tpu.memory_space<vmem>>, vector<16xf32>,
        tpu.vector_store %arg12[%swap3A_310], %select_n3A_309 {add = true, strides = array<i32>} : memref<10256xf32, #tpu.memory_space<vmem>>, vector<16xf32>,
        %add3A_312 = arith.constant 3 : i32
        %add3A_313 = arith.addi %mul3A_64, %add3A_312 : i32
        %get3A_314 = arith.index_cast %add3A_313 : i32 to index
        %get3A_315 = arith.constant 0 : index
        %get3A_316 = tpu.vector_load %arg17[%get3A_314, %get3A_315] {strides = array<i32>} : memref<128x128xf32, #tpu.memory_space<vmem>>, vector<16xf32>,
        %mul3A_317 = vector.broadcast %squeeze3A_300 : f32 to vector<16xf32>
        %mul3A_318 = arith.mulf %get3A_316, %mul3A_317 : vector<16xf32>
        %swap3A_319 = arith.index_cast %add3A_313 : i32 to index
        %swap3A_320 = arith.constant 0 : index
        %swap3A_321 = tpu.vector_load %arg17[%swap3A_319, %swap3A_320] {strides = array<i32>} : memref<128x128xf32, #tpu.memory_space<vmem>>, vector<16xf32>,
        tpu.vector_store %arg17[%swap3A_319, %swap3A_320], %mul3A_318 {strides = array<i32>} : memref<128x128xf32, #tpu.memory_space<vmem>>, vector<16xf32>,
        %get3A_322 = arith.index_cast %add3A_313 : i32 to index
        %get3A_323 = arith.constant 16 : index
        %get3A_324 = tpu.vector_load %arg17[%get3A_322, %get3A_323] {strides = array<i32>} : memref<128x128xf32, #tpu.memory_space<vmem>>, vector<16xf32>,
        %mul3A_325 = vector.broadcast %squeeze3A_300 : f32 to vector<16xf32>
        %mul3A_326 = arith.mulf %get3A_324, %mul3A_325 : vector<16xf32>
        %swap3A_327 = arith.index_cast %add3A_313 : i32 to index
        %swap3A_328 = arith.constant 16 : index
        %swap3A_329 = tpu.vector_load %arg17[%swap3A_327, %swap3A_328] {strides = array<i32>} : memref<128x128xf32, #tpu.memory_space<vmem>>, vector<16xf32>,
        tpu.vector_store %arg17[%swap3A_327, %swap3A_328], %mul3A_326 {strides = array<i32>} : memref<128x128xf32, #tpu.memory_space<vmem>>, vector<16xf32>,
        %get3A_330 = arith.index_cast %add3A_313 : i32 to index
        %get3A_331 = arith.constant 32 : index
        %get3A_332 = tpu.vector_load %arg17[%get3A_330, %get3A_331] {strides = array<i32>} : memref<128x128xf32, #tpu.memory_space<vmem>>, vector<16xf32>,
        %mul3A_333 = vector.broadcast %squeeze3A_300 : f32 to vector<16xf32>
        %mul3A_334 = arith.mulf %get3A_332, %mul3A_333 : vector<16xf32>
        %swap3A_335 = arith.index_cast %add3A_313 : i32 to index
        %swap3A_336 = arith.constant 32 : index
        %swap3A_337 = tpu.vector_load %arg17[%swap3A_335, %swap3A_336] {strides = array<i32>} : memref<128x128xf32, #tpu.memory_space<vmem>>, vector<16xf32>,
        tpu.vector_store %arg17[%swap3A_335, %swap3A_336], %mul3A_334 {strides = array<i32>} : memref<128x128xf32, #tpu.memory_space<vmem>>, vector<16xf32>,
        %get3A_338 = arith.index_cast %add3A_313 : i32 to index
        %get3A_339 = arith.constant 48 : index
        %get3A_340 = tpu.vector_load %arg17[%get3A_338, %get3A_339] {strides = array<i32>} : memref<128x128xf32, #tpu.memory_space<vmem>>, vector<16xf32>,
        %mul3A_341 = vector.broadcast %squeeze3A_300 : f32 to vector<16xf32>
        %mul3A_342 = arith.mulf %get3A_340, %mul3A_341 : vector<16xf32>
        %swap3A_343 = arith.index_cast %add3A_313 : i32 to index
        %swap3A_344 = arith.constant 48 : index
        %swap3A_345 = tpu.vector_load %arg17[%swap3A_343, %swap3A_344] {strides = array<i32>} : memref<128x128xf32, #tpu.memory_space<vmem>>, vector<16xf32>,
        tpu.vector_store %arg17[%swap3A_343, %swap3A_344], %mul3A_342 {strides = array<i32>} : memref<128x128xf32, #tpu.memory_space<vmem>>, vector<16xf32>,
        %get3A_346 = arith.index_cast %add3A_313 : i32 to index
        %get3A_347 = arith.constant 64 : index
        %get3A_348 = tpu.vector_load %arg17[%get3A_346, %get3A_347] {strides = array<i32>} : memref<128x128xf32, #tpu.memory_space<vmem>>, vector<16xf32>,
        %mul3A_349 = vector.broadcast %squeeze3A_300 : f32 to vector<16xf32>
        %mul3A_350 = arith.mulf %get3A_348, %mul3A_349 : vector<16xf32>
        %swap3A_351 = arith.index_cast %add3A_313 : i32 to index
        %swap3A_352 = arith.constant 64 : index
        %swap3A_353 = tpu.vector_load %arg17[%swap3A_351, %swap3A_352] {strides = array<i32>} : memref<128x128xf32, #tpu.memory_space<vmem>>, vector<16xf32>,
        tpu.vector_store %arg17[%swap3A_351, %swap3A_352], %mul3A_350 {strides = array<i32>} : memref<128x128xf32, #tpu.memory_space<vmem>>, vector<16xf32>,
        %get3A_354 = arith.index_cast %add3A_313 : i32 to index
        %get3A_355 = arith.constant 80 : index
        %get3A_356 = tpu.vector_load %arg17[%get3A_354, %get3A_355] {strides = array<i32>} : memref<128x128xf32, #tpu.memory_space<vmem>>, vector<16xf32>,
        %mul3A_357 = vector.broadcast %squeeze3A_300 : f32 to vector<16xf32>
        %mul3A_358 = arith.mulf %get3A_356, %mul3A_357 : vector<16xf32>
        %swap3A_359 = arith.index_cast %add3A_313 : i32 to index
        %swap3A_360 = arith.constant 80 : index
        %swap3A_361 = tpu.vector_load %arg17[%swap3A_359, %swap3A_360] {strides = array<i32>} : memref<128x128xf32, #tpu.memory_space<vmem>>, vector<16xf32>,
        tpu.vector_store %arg17[%swap3A_359, %swap3A_360], %mul3A_358 {strides = array<i32>} : memref<128x128xf32, #tpu.memory_space<vmem>>, vector<16xf32>,
        %get3A_362 = arith.index_cast %add3A_313 : i32 to index
        %get3A_363 = arith.constant 96 : index
        %get3A_364 = tpu.vector_load %arg17[%get3A_362, %get3A_363] {strides = array<i32>} : memref<128x128xf32, #tpu.memory_space<vmem>>, vector<16xf32>,
        %mul3A_365 = vector.broadcast %squeeze3A_300 : f32 to vector<16xf32>
        %mul3A_366 = arith.mulf %get3A_364, %mul3A_365 : vector<16xf32>
        %swap3A_367 = arith.index_cast %add3A_313 : i32 to index
        %swap3A_368 = arith.constant 96 : index
        %swap3A_369 = tpu.vector_load %arg17[%swap3A_367, %swap3A_368] {strides = array<i32>} : memref<128x128xf32, #tpu.memory_space<vmem>>, vector<16xf32>,
        tpu.vector_store %arg17[%swap3A_367, %swap3A_368], %mul3A_366 {strides = array<i32>} : memref<128x128xf32, #tpu.memory_space<vmem>>, vector<16xf32>,
        %get3A_370 = arith.index_cast %add3A_313 : i32 to index
        %get3A_371 = arith.constant 112 : index
        %get3A_372 = tpu.vector_load %arg17[%get3A_370, %get3A_371] {strides = array<i32>} : memref<128x128xf32, #tpu.memory_space<vmem>>, vector<16xf32>,
        %mul3A_373 = vector.broadcast %squeeze3A_300 : f32 to vector<16xf32>
        %mul3A_374 = arith.mulf %get3A_372, %mul3A_373 : vector<16xf32>
        %swap3A_375 = arith.index_cast %add3A_313 : i32 to index
        %swap3A_376 = arith.constant 112 : index
        %swap3A_377 = tpu.vector_load %arg17[%swap3A_375, %swap3A_376] {strides = array<i32>} : memref<128x128xf32, #tpu.memory_space<vmem>>, vector<16xf32>,
        tpu.vector_store %arg17[%swap3A_375, %swap3A_376], %mul3A_374 {strides = array<i32>} : memref<128x128xf32, #tpu.memory_space<vmem>>, vector<16xf32>,
        %slice3A_378 = vector.extract_strided_slice %get3A_65 {offsets = [4], sizes = [1], strides = [1]} : vector<16xf32> to vector<1xf32>
        %squeeze3A_379 = vector.extract %slice3A_378[0] : f32 from vector<1xf32>
        %slice3A_380 = vector.extract_strided_slice %get3A_67 {offsets = [4], sizes = [1], strides = [1]} : vector<16xi32> to vector<1xi32>
        %squeeze3A_381 = vector.extract %slice3A_380[0] : i32 from vector<1xi32>
        %eq3A_382 = arith.constant 0 : i32
        %eq3A_383 = vector.broadcast %eq3A_382 : i32 to vector<16xi32>
        %eq3A_384 = arith.cmpi eq, %iota3A, %eq3A_383 : vector<16xi32>
        %jit3A_385 = arith.constant 0.000000e+00 : f32
        %broadcast_in_dim3A_386 = vector.broadcast %squeeze3A_379 : f32 to vector<16xf32>
        %broadcast_in_dim3A_387 = vector.broadcast %jit3A_385 : f32 to vector<16xf32>
        %select_n3A_388 = arith.select %eq3A_384, %broadcast_in_dim3A_386, %broadcast_in_dim3A_387 : vector<16xi1>, vector<16xf32>
        %swap3A_389 = arith.index_cast %squeeze3A_381 : i32 to index
        %swap3A_390 = tpu.vector_load %arg12[%swap3A_389] {strides = array<i32>} : memref<10256xf32, #tpu.memory_space<vmem>>, vector<16xf32>,
        tpu.vector_store %arg12[%swap3A_389], %select_n3A_388 {add = true, strides = array<i32>} : memref<10256xf32, #tpu.memory_space<vmem>>, vector<16xf32>,
        %add3A_391 = arith.constant 4 : i32
        %add3A_392 = arith.addi %mul3A_64, %add3A_391 : i32
        %get3A_393 = arith.index_cast %add3A_392 : i32 to index
        %get3A_394 = arith.constant 0 : index
        %get3A_395 = tpu.vector_load %arg17[%get3A_393, %get3A_394] {strides = array<i32>} : memref<128x128xf32, #tpu.memory_space<vmem>>, vector<16xf32>,
        %mul3A_396 = vector.broadcast %squeeze3A_379 : f32 to vector<16xf32>
        %mul3A_397 = arith.mulf %get3A_395, %mul3A_396 : vector<16xf32>
        %swap3A_398 = arith.index_cast %add3A_392 : i32 to index
        %swap3A_399 = arith.constant 0 : index
        %swap3A_400 = tpu.vector_load %arg17[%swap3A_398, %swap3A_399] {strides = array<i32>} : memref<128x128xf32, #tpu.memory_space<vmem>>, vector<16xf32>,
        tpu.vector_store %arg17[%swap3A_398, %swap3A_399], %mul3A_397 {strides = array<i32>} : memref<128x128xf32, #tpu.memory_space<vmem>>, vector<16xf32>,
        %get3A_401 = arith.index_cast %add3A_392 : i32 to index
        %get3A_402 = arith.constant 16 : index
        %get3A_403 = tpu.vector_load %arg17[%get3A_401, %get3A_402] {strides = array<i32>} : memref<128x128xf32, #tpu.memory_space<vmem>>, vector<16xf32>,
        %mul3A_404 = vector.broadcast %squeeze3A_379 : f32 to vector<16xf32>
        %mul3A_405 = arith.mulf %get3A_403, %mul3A_404 : vector<16xf32>
        %swap3A_406 = arith.index_cast %add3A_392 : i32 to index
        %swap3A_407 = arith.constant 16 : index
        %swap3A_408 = tpu.vector_load %arg17[%swap3A_406, %swap3A_407] {strides = array<i32>} : memref<128x128xf32, #tpu.memory_space<vmem>>, vector<16xf32>,
        tpu.vector_store %arg17[%swap3A_406, %swap3A_407], %mul3A_405 {strides = array<i32>} : memref<128x128xf32, #tpu.memory_space<vmem>>, vector<16xf32>,
        %get3A_409 = arith.index_cast %add3A_392 : i32 to index
        %get3A_410 = arith.constant 32 : index
        %get3A_411 = tpu.vector_load %arg17[%get3A_409, %get3A_410] {strides = array<i32>} : memref<128x128xf32, #tpu.memory_space<vmem>>, vector<16xf32>,
        %mul3A_412 = vector.broadcast %squeeze3A_379 : f32 to vector<16xf32>
        %mul3A_413 = arith.mulf %get3A_411, %mul3A_412 : vector<16xf32>
        %swap3A_414 = arith.index_cast %add3A_392 : i32 to index
        %swap3A_415 = arith.constant 32 : index
        %swap3A_416 = tpu.vector_load %arg17[%swap3A_414, %swap3A_415] {strides = array<i32>} : memref<128x128xf32, #tpu.memory_space<vmem>>, vector<16xf32>,
        tpu.vector_store %arg17[%swap3A_414, %swap3A_415], %mul3A_413 {strides = array<i32>} : memref<128x128xf32, #tpu.memory_space<vmem>>, vector<16xf32>,
        %get3A_417 = arith.index_cast %add3A_392 : i32 to index
        %get3A_418 = arith.constant 48 : index
        %get3A_419 = tpu.vector_load %arg17[%get3A_417, %get3A_418] {strides = array<i32>} : memref<128x128xf32, #tpu.memory_space<vmem>>, vector<16xf32>,
        %mul3A_420 = vector.broadcast %squeeze3A_379 : f32 to vector<16xf32>
        %mul3A_421 = arith.mulf %get3A_419, %mul3A_420 : vector<16xf32>
        %swap3A_422 = arith.index_cast %add3A_392 : i32 to index
        %swap3A_423 = arith.constant 48 : index
        %swap3A_424 = tpu.vector_load %arg17[%swap3A_422, %swap3A_423] {strides = array<i32>} : memref<128x128xf32, #tpu.memory_space<vmem>>, vector<16xf32>,
        tpu.vector_store %arg17[%swap3A_422, %swap3A_423], %mul3A_421 {strides = array<i32>} : memref<128x128xf32, #tpu.memory_space<vmem>>, vector<16xf32>,
        %get3A_425 = arith.index_cast %add3A_392 : i32 to index
        %get3A_426 = arith.constant 64 : index
        %get3A_427 = tpu.vector_load %arg17[%get3A_425, %get3A_426] {strides = array<i32>} : memref<128x128xf32, #tpu.memory_space<vmem>>, vector<16xf32>,
        %mul3A_428 = vector.broadcast %squeeze3A_379 : f32 to vector<16xf32>
        %mul3A_429 = arith.mulf %get3A_427, %mul3A_428 : vector<16xf32>
        %swap3A_430 = arith.index_cast %add3A_392 : i32 to index
        %swap3A_431 = arith.constant 64 : index
        %swap3A_432 = tpu.vector_load %arg17[%swap3A_430, %swap3A_431] {strides = array<i32>} : memref<128x128xf32, #tpu.memory_space<vmem>>, vector<16xf32>,
        tpu.vector_store %arg17[%swap3A_430, %swap3A_431], %mul3A_429 {strides = array<i32>} : memref<128x128xf32, #tpu.memory_space<vmem>>, vector<16xf32>,
        %get3A_433 = arith.index_cast %add3A_392 : i32 to index
        %get3A_434 = arith.constant 80 : index
        %get3A_435 = tpu.vector_load %arg17[%get3A_433, %get3A_434] {strides = array<i32>} : memref<128x128xf32, #tpu.memory_space<vmem>>, vector<16xf32>,
        %mul3A_436 = vector.broadcast %squeeze3A_379 : f32 to vector<16xf32>
        %mul3A_437 = arith.mulf %get3A_435, %mul3A_436 : vector<16xf32>
        %swap3A_438 = arith.index_cast %add3A_392 : i32 to index
        %swap3A_439 = arith.constant 80 : index
        %swap3A_440 = tpu.vector_load %arg17[%swap3A_438, %swap3A_439] {strides = array<i32>} : memref<128x128xf32, #tpu.memory_space<vmem>>, vector<16xf32>,
        tpu.vector_store %arg17[%swap3A_438, %swap3A_439], %mul3A_437 {strides = array<i32>} : memref<128x128xf32, #tpu.memory_space<vmem>>, vector<16xf32>,
        %get3A_441 = arith.index_cast %add3A_392 : i32 to index
        %get3A_442 = arith.constant 96 : index
        %get3A_443 = tpu.vector_load %arg17[%get3A_441, %get3A_442] {strides = array<i32>} : memref<128x128xf32, #tpu.memory_space<vmem>>, vector<16xf32>,
        %mul3A_444 = vector.broadcast %squeeze3A_379 : f32 to vector<16xf32>
        %mul3A_445 = arith.mulf %get3A_443, %mul3A_444 : vector<16xf32>
        %swap3A_446 = arith.index_cast %add3A_392 : i32 to index
        %swap3A_447 = arith.constant 96 : index
        %swap3A_448 = tpu.vector_load %arg17[%swap3A_446, %swap3A_447] {strides = array<i32>} : memref<128x128xf32, #tpu.memory_space<vmem>>, vector<16xf32>,
        tpu.vector_store %arg17[%swap3A_446, %swap3A_447], %mul3A_445 {strides = array<i32>} : memref<128x128xf32, #tpu.memory_space<vmem>>, vector<16xf32>,
        %get3A_449 = arith.index_cast %add3A_392 : i32 to index
        %get3A_450 = arith.constant 112 : index
        %get3A_451 = tpu.vector_load %arg17[%get3A_449, %get3A_450] {strides = array<i32>} : memref<128x128xf32, #tpu.memory_space<vmem>>, vector<16xf32>,
        %mul3A_452 = vector.broadcast %squeeze3A_379 : f32 to vector<16xf32>
        %mul3A_453 = arith.mulf %get3A_451, %mul3A_452 : vector<16xf32>
        %swap3A_454 = arith.index_cast %add3A_392 : i32 to index
        %swap3A_455 = arith.constant 112 : index
        %swap3A_456 = tpu.vector_load %arg17[%swap3A_454, %swap3A_455] {strides = array<i32>} : memref<128x128xf32, #tpu.memory_space<vmem>>, vector<16xf32>,
        tpu.vector_store %arg17[%swap3A_454, %swap3A_455], %mul3A_453 {strides = array<i32>} : memref<128x128xf32, #tpu.memory_space<vmem>>, vector<16xf32>,
        %slice3A_457 = vector.extract_strided_slice %get3A_65 {offsets = [5], sizes = [1], strides = [1]} : vector<16xf32> to vector<1xf32>
        %squeeze3A_458 = vector.extract %slice3A_457[0] : f32 from vector<1xf32>
        %slice3A_459 = vector.extract_strided_slice %get3A_67 {offsets = [5], sizes = [1], strides = [1]} : vector<16xi32> to vector<1xi32>
        %squeeze3A_460 = vector.extract %slice3A_459[0] : i32 from vector<1xi32>
        %eq3A_461 = arith.constant 0 : i32
        %eq3A_462 = vector.broadcast %eq3A_461 : i32 to vector<16xi32>
        %eq3A_463 = arith.cmpi eq, %iota3A, %eq3A_462 : vector<16xi32>
        %jit3A_464 = arith.constant 0.000000e+00 : f32
        %broadcast_in_dim3A_465 = vector.broadcast %squeeze3A_458 : f32 to vector<16xf32>
        %broadcast_in_dim3A_466 = vector.broadcast %jit3A_464 : f32 to vector<16xf32>
        %select_n3A_467 = arith.select %eq3A_463, %broadcast_in_dim3A_465, %broadcast_in_dim3A_466 : vector<16xi1>, vector<16xf32>
        %swap3A_468 = arith.index_cast %squeeze3A_460 : i32 to index
        %swap3A_469 = tpu.vector_load %arg12[%swap3A_468] {strides = array<i32>} : memref<10256xf32, #tpu.memory_space<vmem>>, vector<16xf32>,
        tpu.vector_store %arg12[%swap3A_468], %select_n3A_467 {add = true, strides = array<i32>} : memref<10256xf32, #tpu.memory_space<vmem>>, vector<16xf32>,
        %add3A_470 = arith.constant 5 : i32
        %add3A_471 = arith.addi %mul3A_64, %add3A_470 : i32
        %get3A_472 = arith.index_cast %add3A_471 : i32 to index
        %get3A_473 = arith.constant 0 : index
        %get3A_474 = tpu.vector_load %arg17[%get3A_472, %get3A_473] {strides = array<i32>} : memref<128x128xf32, #tpu.memory_space<vmem>>, vector<16xf32>,
        %mul3A_475 = vector.broadcast %squeeze3A_458 : f32 to vector<16xf32>
        %mul3A_476 = arith.mulf %get3A_474, %mul3A_475 : vector<16xf32>
        %swap3A_477 = arith.index_cast %add3A_471 : i32 to index
        %swap3A_478 = arith.constant 0 : index
        %swap3A_479 = tpu.vector_load %arg17[%swap3A_477, %swap3A_478] {strides = array<i32>} : memref<128x128xf32, #tpu.memory_space<vmem>>, vector<16xf32>,
        tpu.vector_store %arg17[%swap3A_477, %swap3A_478], %mul3A_476 {strides = array<i32>} : memref<128x128xf32, #tpu.memory_space<vmem>>, vector<16xf32>,
        %get3A_480 = arith.index_cast %add3A_471 : i32 to index
        %get3A_481 = arith.constant 16 : index
        %get3A_482 = tpu.vector_load %arg17[%get3A_480, %get3A_481] {strides = array<i32>} : memref<128x128xf32, #tpu.memory_space<vmem>>, vector<16xf32>,
        %mul3A_483 = vector.broadcast %squeeze3A_458 : f32 to vector<16xf32>
        %mul3A_484 = arith.mulf %get3A_482, %mul3A_483 : vector<16xf32>
        %swap3A_485 = arith.index_cast %add3A_471 : i32 to index
        %swap3A_486 = arith.constant 16 : index
        %swap3A_487 = tpu.vector_load %arg17[%swap3A_485, %swap3A_486] {strides = array<i32>} : memref<128x128xf32, #tpu.memory_space<vmem>>, vector<16xf32>,
        tpu.vector_store %arg17[%swap3A_485, %swap3A_486], %mul3A_484 {strides = array<i32>} : memref<128x128xf32, #tpu.memory_space<vmem>>, vector<16xf32>,
        %get3A_488 = arith.index_cast %add3A_471 : i32 to index
        %get3A_489 = arith.constant 32 : index
        %get3A_490 = tpu.vector_load %arg17[%get3A_488, %get3A_489] {strides = array<i32>} : memref<128x128xf32, #tpu.memory_space<vmem>>, vector<16xf32>,
        %mul3A_491 = vector.broadcast %squeeze3A_458 : f32 to vector<16xf32>
        %mul3A_492 = arith.mulf %get3A_490, %mul3A_491 : vector<16xf32>
        %swap3A_493 = arith.index_cast %add3A_471 : i32 to index
        %swap3A_494 = arith.constant 32 : index
        %swap3A_495 = tpu.vector_load %arg17[%swap3A_493, %swap3A_494] {strides = array<i32>} : memref<128x128xf32, #tpu.memory_space<vmem>>, vector<16xf32>,
        tpu.vector_store %arg17[%swap3A_493, %swap3A_494], %mul3A_492 {strides = array<i32>} : memref<128x128xf32, #tpu.memory_space<vmem>>, vector<16xf32>,
        %get3A_496 = arith.index_cast %add3A_471 : i32 to index
        %get3A_497 = arith.constant 48 : index
        %get3A_498 = tpu.vector_load %arg17[%get3A_496, %get3A_497] {strides = array<i32>} : memref<128x128xf32, #tpu.memory_space<vmem>>, vector<16xf32>,
        %mul3A_499 = vector.broadcast %squeeze3A_458 : f32 to vector<16xf32>
        %mul3A_500 = arith.mulf %get3A_498, %mul3A_499 : vector<16xf32>
        %swap3A_501 = arith.index_cast %add3A_471 : i32 to index
        %swap3A_502 = arith.constant 48 : index
        %swap3A_503 = tpu.vector_load %arg17[%swap3A_501, %swap3A_502] {strides = array<i32>} : memref<128x128xf32, #tpu.memory_space<vmem>>, vector<16xf32>,
        tpu.vector_store %arg17[%swap3A_501, %swap3A_502], %mul3A_500 {strides = array<i32>} : memref<128x128xf32, #tpu.memory_space<vmem>>, vector<16xf32>,
        %get3A_504 = arith.index_cast %add3A_471 : i32 to index
        %get3A_505 = arith.constant 64 : index
        %get3A_506 = tpu.vector_load %arg17[%get3A_504, %get3A_505] {strides = array<i32>} : memref<128x128xf32, #tpu.memory_space<vmem>>, vector<16xf32>,
        %mul3A_507 = vector.broadcast %squeeze3A_458 : f32 to vector<16xf32>
        %mul3A_508 = arith.mulf %get3A_506, %mul3A_507 : vector<16xf32>
        %swap3A_509 = arith.index_cast %add3A_471 : i32 to index
        %swap3A_510 = arith.constant 64 : index
        %swap3A_511 = tpu.vector_load %arg17[%swap3A_509, %swap3A_510] {strides = array<i32>} : memref<128x128xf32, #tpu.memory_space<vmem>>, vector<16xf32>,
        tpu.vector_store %arg17[%swap3A_509, %swap3A_510], %mul3A_508 {strides = array<i32>} : memref<128x128xf32, #tpu.memory_space<vmem>>, vector<16xf32>,
        %get3A_512 = arith.index_cast %add3A_471 : i32 to index
        %get3A_513 = arith.constant 80 : index
        %get3A_514 = tpu.vector_load %arg17[%get3A_512, %get3A_513] {strides = array<i32>} : memref<128x128xf32, #tpu.memory_space<vmem>>, vector<16xf32>,
        %mul3A_515 = vector.broadcast %squeeze3A_458 : f32 to vector<16xf32>
        %mul3A_516 = arith.mulf %get3A_514, %mul3A_515 : vector<16xf32>
        %swap3A_517 = arith.index_cast %add3A_471 : i32 to index
        %swap3A_518 = arith.constant 80 : index
        %swap3A_519 = tpu.vector_load %arg17[%swap3A_517, %swap3A_518] {strides = array<i32>} : memref<128x128xf32, #tpu.memory_space<vmem>>, vector<16xf32>,
        tpu.vector_store %arg17[%swap3A_517, %swap3A_518], %mul3A_516 {strides = array<i32>} : memref<128x128xf32, #tpu.memory_space<vmem>>, vector<16xf32>,
        %get3A_520 = arith.index_cast %add3A_471 : i32 to index
        %get3A_521 = arith.constant 96 : index
        %get3A_522 = tpu.vector_load %arg17[%get3A_520, %get3A_521] {strides = array<i32>} : memref<128x128xf32, #tpu.memory_space<vmem>>, vector<16xf32>,
        %mul3A_523 = vector.broadcast %squeeze3A_458 : f32 to vector<16xf32>
        %mul3A_524 = arith.mulf %get3A_522, %mul3A_523 : vector<16xf32>
        %swap3A_525 = arith.index_cast %add3A_471 : i32 to index
        %swap3A_526 = arith.constant 96 : index
        %swap3A_527 = tpu.vector_load %arg17[%swap3A_525, %swap3A_526] {strides = array<i32>} : memref<128x128xf32, #tpu.memory_space<vmem>>, vector<16xf32>,
        tpu.vector_store %arg17[%swap3A_525, %swap3A_526], %mul3A_524 {strides = array<i32>} : memref<128x128xf32, #tpu.memory_space<vmem>>, vector<16xf32>,
        %get3A_528 = arith.index_cast %add3A_471 : i32 to index
        %get3A_529 = arith.constant 112 : index
        %get3A_530 = tpu.vector_load %arg17[%get3A_528, %get3A_529] {strides = array<i32>} : memref<128x128xf32, #tpu.memory_space<vmem>>, vector<16xf32>,
        %mul3A_531 = vector.broadcast %squeeze3A_458 : f32 to vector<16xf32>
        %mul3A_532 = arith.mulf %get3A_530, %mul3A_531 : vector<16xf32>
        %swap3A_533 = arith.index_cast %add3A_471 : i32 to index
        %swap3A_534 = arith.constant 112 : index
        %swap3A_535 = tpu.vector_load %arg17[%swap3A_533, %swap3A_534] {strides = array<i32>} : memref<128x128xf32, #tpu.memory_space<vmem>>, vector<16xf32>,
        tpu.vector_store %arg17[%swap3A_533, %swap3A_534], %mul3A_532 {strides = array<i32>} : memref<128x128xf32, #tpu.memory_space<vmem>>, vector<16xf32>,
        %slice3A_536 = vector.extract_strided_slice %get3A_65 {offsets = [6], sizes = [1], strides = [1]} : vector<16xf32> to vector<1xf32>
        %squeeze3A_537 = vector.extract %slice3A_536[0] : f32 from vector<1xf32>
        %slice3A_538 = vector.extract_strided_slice %get3A_67 {offsets = [6], sizes = [1], strides = [1]} : vector<16xi32> to vector<1xi32>
        %squeeze3A_539 = vector.extract %slice3A_538[0] : i32 from vector<1xi32>
        %eq3A_540 = arith.constant 0 : i32
        %eq3A_541 = vector.broadcast %eq3A_540 : i32 to vector<16xi32>
        %eq3A_542 = arith.cmpi eq, %iota3A, %eq3A_541 : vector<16xi32>
        %jit3A_543 = arith.constant 0.000000e+00 : f32
        %broadcast_in_dim3A_544 = vector.broadcast %squeeze3A_537 : f32 to vector<16xf32>
        %broadcast_in_dim3A_545 = vector.broadcast %jit3A_543 : f32 to vector<16xf32>
        %select_n3A_546 = arith.select %eq3A_542, %broadcast_in_dim3A_544, %broadcast_in_dim3A_545 : vector<16xi1>, vector<16xf32>
        %swap3A_547 = arith.index_cast %squeeze3A_539 : i32 to index
        %swap3A_548 = tpu.vector_load %arg12[%swap3A_547] {strides = array<i32>} : memref<10256xf32, #tpu.memory_space<vmem>>, vector<16xf32>,
        tpu.vector_store %arg12[%swap3A_547], %select_n3A_546 {add = true, strides = array<i32>} : memref<10256xf32, #tpu.memory_space<vmem>>, vector<16xf32>,
        %add3A_549 = arith.constant 6 : i32
        %add3A_550 = arith.addi %mul3A_64, %add3A_549 : i32
        %get3A_551 = arith.index_cast %add3A_550 : i32 to index
        %get3A_552 = arith.constant 0 : index
        %get3A_553 = tpu.vector_load %arg17[%get3A_551, %get3A_552] {strides = array<i32>} : memref<128x128xf32, #tpu.memory_space<vmem>>, vector<16xf32>,
        %mul3A_554 = vector.broadcast %squeeze3A_537 : f32 to vector<16xf32>
        %mul3A_555 = arith.mulf %get3A_553, %mul3A_554 : vector<16xf32>
        %swap3A_556 = arith.index_cast %add3A_550 : i32 to index
        %swap3A_557 = arith.constant 0 : index
        %swap3A_558 = tpu.vector_load %arg17[%swap3A_556, %swap3A_557] {strides = array<i32>} : memref<128x128xf32, #tpu.memory_space<vmem>>, vector<16xf32>,
        tpu.vector_store %arg17[%swap3A_556, %swap3A_557], %mul3A_555 {strides = array<i32>} : memref<128x128xf32, #tpu.memory_space<vmem>>, vector<16xf32>,
        %get3A_559 = arith.index_cast %add3A_550 : i32 to index
        %get3A_560 = arith.constant 16 : index
        %get3A_561 = tpu.vector_load %arg17[%get3A_559, %get3A_560] {strides = array<i32>} : memref<128x128xf32, #tpu.memory_space<vmem>>, vector<16xf32>,
        %mul3A_562 = vector.broadcast %squeeze3A_537 : f32 to vector<16xf32>
        %mul3A_563 = arith.mulf %get3A_561, %mul3A_562 : vector<16xf32>
        %swap3A_564 = arith.index_cast %add3A_550 : i32 to index
        %swap3A_565 = arith.constant 16 : index
        %swap3A_566 = tpu.vector_load %arg17[%swap3A_564, %swap3A_565] {strides = array<i32>} : memref<128x128xf32, #tpu.memory_space<vmem>>, vector<16xf32>,
        tpu.vector_store %arg17[%swap3A_564, %swap3A_565], %mul3A_563 {strides = array<i32>} : memref<128x128xf32, #tpu.memory_space<vmem>>, vector<16xf32>,
        %get3A_567 = arith.index_cast %add3A_550 : i32 to index
        %get3A_568 = arith.constant 32 : index
        %get3A_569 = tpu.vector_load %arg17[%get3A_567, %get3A_568] {strides = array<i32>} : memref<128x128xf32, #tpu.memory_space<vmem>>, vector<16xf32>,
        %mul3A_570 = vector.broadcast %squeeze3A_537 : f32 to vector<16xf32>
        %mul3A_571 = arith.mulf %get3A_569, %mul3A_570 : vector<16xf32>
        %swap3A_572 = arith.index_cast %add3A_550 : i32 to index
        %swap3A_573 = arith.constant 32 : index
        %swap3A_574 = tpu.vector_load %arg17[%swap3A_572, %swap3A_573] {strides = array<i32>} : memref<128x128xf32, #tpu.memory_space<vmem>>, vector<16xf32>,
        tpu.vector_store %arg17[%swap3A_572, %swap3A_573], %mul3A_571 {strides = array<i32>} : memref<128x128xf32, #tpu.memory_space<vmem>>, vector<16xf32>,
        %get3A_575 = arith.index_cast %add3A_550 : i32 to index
        %get3A_576 = arith.constant 48 : index
        %get3A_577 = tpu.vector_load %arg17[%get3A_575, %get3A_576] {strides = array<i32>} : memref<128x128xf32, #tpu.memory_space<vmem>>, vector<16xf32>,
        %mul3A_578 = vector.broadcast %squeeze3A_537 : f32 to vector<16xf32>
        %mul3A_579 = arith.mulf %get3A_577, %mul3A_578 : vector<16xf32>
        %swap3A_580 = arith.index_cast %add3A_550 : i32 to index
        %swap3A_581 = arith.constant 48 : index
        %swap3A_582 = tpu.vector_load %arg17[%swap3A_580, %swap3A_581] {strides = array<i32>} : memref<128x128xf32, #tpu.memory_space<vmem>>, vector<16xf32>,
        tpu.vector_store %arg17[%swap3A_580, %swap3A_581], %mul3A_579 {strides = array<i32>} : memref<128x128xf32, #tpu.memory_space<vmem>>, vector<16xf32>,
        %get3A_583 = arith.index_cast %add3A_550 : i32 to index
        %get3A_584 = arith.constant 64 : index
        %get3A_585 = tpu.vector_load %arg17[%get3A_583, %get3A_584] {strides = array<i32>} : memref<128x128xf32, #tpu.memory_space<vmem>>, vector<16xf32>,
        %mul3A_586 = vector.broadcast %squeeze3A_537 : f32 to vector<16xf32>
        %mul3A_587 = arith.mulf %get3A_585, %mul3A_586 : vector<16xf32>
        %swap3A_588 = arith.index_cast %add3A_550 : i32 to index
        %swap3A_589 = arith.constant 64 : index
        %swap3A_590 = tpu.vector_load %arg17[%swap3A_588, %swap3A_589] {strides = array<i32>} : memref<128x128xf32, #tpu.memory_space<vmem>>, vector<16xf32>,
        tpu.vector_store %arg17[%swap3A_588, %swap3A_589], %mul3A_587 {strides = array<i32>} : memref<128x128xf32, #tpu.memory_space<vmem>>, vector<16xf32>,
        %get3A_591 = arith.index_cast %add3A_550 : i32 to index
        %get3A_592 = arith.constant 80 : index
        %get3A_593 = tpu.vector_load %arg17[%get3A_591, %get3A_592] {strides = array<i32>} : memref<128x128xf32, #tpu.memory_space<vmem>>, vector<16xf32>,
        %mul3A_594 = vector.broadcast %squeeze3A_537 : f32 to vector<16xf32>
        %mul3A_595 = arith.mulf %get3A_593, %mul3A_594 : vector<16xf32>
        %swap3A_596 = arith.index_cast %add3A_550 : i32 to index
        %swap3A_597 = arith.constant 80 : index
        %swap3A_598 = tpu.vector_load %arg17[%swap3A_596, %swap3A_597] {strides = array<i32>} : memref<128x128xf32, #tpu.memory_space<vmem>>, vector<16xf32>,
        tpu.vector_store %arg17[%swap3A_596, %swap3A_597], %mul3A_595 {strides = array<i32>} : memref<128x128xf32, #tpu.memory_space<vmem>>, vector<16xf32>,
        %get3A_599 = arith.index_cast %add3A_550 : i32 to index
        %get3A_600 = arith.constant 96 : index
        %get3A_601 = tpu.vector_load %arg17[%get3A_599, %get3A_600] {strides = array<i32>} : memref<128x128xf32, #tpu.memory_space<vmem>>, vector<16xf32>,
        %mul3A_602 = vector.broadcast %squeeze3A_537 : f32 to vector<16xf32>
        %mul3A_603 = arith.mulf %get3A_601, %mul3A_602 : vector<16xf32>
        %swap3A_604 = arith.index_cast %add3A_550 : i32 to index
        %swap3A_605 = arith.constant 96 : index
        %swap3A_606 = tpu.vector_load %arg17[%swap3A_604, %swap3A_605] {strides = array<i32>} : memref<128x128xf32, #tpu.memory_space<vmem>>, vector<16xf32>,
        tpu.vector_store %arg17[%swap3A_604, %swap3A_605], %mul3A_603 {strides = array<i32>} : memref<128x128xf32, #tpu.memory_space<vmem>>, vector<16xf32>,
        %get3A_607 = arith.index_cast %add3A_550 : i32 to index
        %get3A_608 = arith.constant 112 : index
        %get3A_609 = tpu.vector_load %arg17[%get3A_607, %get3A_608] {strides = array<i32>} : memref<128x128xf32, #tpu.memory_space<vmem>>, vector<16xf32>,
        %mul3A_610 = vector.broadcast %squeeze3A_537 : f32 to vector<16xf32>
        %mul3A_611 = arith.mulf %get3A_609, %mul3A_610 : vector<16xf32>
        %swap3A_612 = arith.index_cast %add3A_550 : i32 to index
        %swap3A_613 = arith.constant 112 : index
        %swap3A_614 = tpu.vector_load %arg17[%swap3A_612, %swap3A_613] {strides = array<i32>} : memref<128x128xf32, #tpu.memory_space<vmem>>, vector<16xf32>,
        tpu.vector_store %arg17[%swap3A_612, %swap3A_613], %mul3A_611 {strides = array<i32>} : memref<128x128xf32, #tpu.memory_space<vmem>>, vector<16xf32>,
        %slice3A_615 = vector.extract_strided_slice %get3A_65 {offsets = [7], sizes = [1], strides = [1]} : vector<16xf32> to vector<1xf32>
        %squeeze3A_616 = vector.extract %slice3A_615[0] : f32 from vector<1xf32>
        %slice3A_617 = vector.extract_strided_slice %get3A_67 {offsets = [7], sizes = [1], strides = [1]} : vector<16xi32> to vector<1xi32>
        %squeeze3A_618 = vector.extract %slice3A_617[0] : i32 from vector<1xi32>
        %eq3A_619 = arith.constant 0 : i32
        %eq3A_620 = vector.broadcast %eq3A_619 : i32 to vector<16xi32>
        %eq3A_621 = arith.cmpi eq, %iota3A, %eq3A_620 : vector<16xi32>
        %jit3A_622 = arith.constant 0.000000e+00 : f32
        %broadcast_in_dim3A_623 = vector.broadcast %squeeze3A_616 : f32 to vector<16xf32>
        %broadcast_in_dim3A_624 = vector.broadcast %jit3A_622 : f32 to vector<16xf32>
        %select_n3A_625 = arith.select %eq3A_621, %broadcast_in_dim3A_623, %broadcast_in_dim3A_624 : vector<16xi1>, vector<16xf32>
        %swap3A_626 = arith.index_cast %squeeze3A_618 : i32 to index
        %swap3A_627 = tpu.vector_load %arg12[%swap3A_626] {strides = array<i32>} : memref<10256xf32, #tpu.memory_space<vmem>>, vector<16xf32>,
        tpu.vector_store %arg12[%swap3A_626], %select_n3A_625 {add = true, strides = array<i32>} : memref<10256xf32, #tpu.memory_space<vmem>>, vector<16xf32>,
        %add3A_628 = arith.constant 7 : i32
        %add3A_629 = arith.addi %mul3A_64, %add3A_628 : i32
        %get3A_630 = arith.index_cast %add3A_629 : i32 to index
        %get3A_631 = arith.constant 0 : index
        %get3A_632 = tpu.vector_load %arg17[%get3A_630, %get3A_631] {strides = array<i32>} : memref<128x128xf32, #tpu.memory_space<vmem>>, vector<16xf32>,
        %mul3A_633 = vector.broadcast %squeeze3A_616 : f32 to vector<16xf32>
        %mul3A_634 = arith.mulf %get3A_632, %mul3A_633 : vector<16xf32>
        %swap3A_635 = arith.index_cast %add3A_629 : i32 to index
        %swap3A_636 = arith.constant 0 : index
        %swap3A_637 = tpu.vector_load %arg17[%swap3A_635, %swap3A_636] {strides = array<i32>} : memref<128x128xf32, #tpu.memory_space<vmem>>, vector<16xf32>,
        tpu.vector_store %arg17[%swap3A_635, %swap3A_636], %mul3A_634 {strides = array<i32>} : memref<128x128xf32, #tpu.memory_space<vmem>>, vector<16xf32>,
        %get3A_638 = arith.index_cast %add3A_629 : i32 to index
        %get3A_639 = arith.constant 16 : index
        %get3A_640 = tpu.vector_load %arg17[%get3A_638, %get3A_639] {strides = array<i32>} : memref<128x128xf32, #tpu.memory_space<vmem>>, vector<16xf32>,
        %mul3A_641 = vector.broadcast %squeeze3A_616 : f32 to vector<16xf32>
        %mul3A_642 = arith.mulf %get3A_640, %mul3A_641 : vector<16xf32>
        %swap3A_643 = arith.index_cast %add3A_629 : i32 to index
        %swap3A_644 = arith.constant 16 : index
        %swap3A_645 = tpu.vector_load %arg17[%swap3A_643, %swap3A_644] {strides = array<i32>} : memref<128x128xf32, #tpu.memory_space<vmem>>, vector<16xf32>,
        tpu.vector_store %arg17[%swap3A_643, %swap3A_644], %mul3A_642 {strides = array<i32>} : memref<128x128xf32, #tpu.memory_space<vmem>>, vector<16xf32>,
        %get3A_646 = arith.index_cast %add3A_629 : i32 to index
        %get3A_647 = arith.constant 32 : index
        %get3A_648 = tpu.vector_load %arg17[%get3A_646, %get3A_647] {strides = array<i32>} : memref<128x128xf32, #tpu.memory_space<vmem>>, vector<16xf32>,
        %mul3A_649 = vector.broadcast %squeeze3A_616 : f32 to vector<16xf32>
        %mul3A_650 = arith.mulf %get3A_648, %mul3A_649 : vector<16xf32>
        %swap3A_651 = arith.index_cast %add3A_629 : i32 to index
        %swap3A_652 = arith.constant 32 : index
        %swap3A_653 = tpu.vector_load %arg17[%swap3A_651, %swap3A_652] {strides = array<i32>} : memref<128x128xf32, #tpu.memory_space<vmem>>, vector<16xf32>,
        tpu.vector_store %arg17[%swap3A_651, %swap3A_652], %mul3A_650 {strides = array<i32>} : memref<128x128xf32, #tpu.memory_space<vmem>>, vector<16xf32>,
        %get3A_654 = arith.index_cast %add3A_629 : i32 to index
        %get3A_655 = arith.constant 48 : index
        %get3A_656 = tpu.vector_load %arg17[%get3A_654, %get3A_655] {strides = array<i32>} : memref<128x128xf32, #tpu.memory_space<vmem>>, vector<16xf32>,
        %mul3A_657 = vector.broadcast %squeeze3A_616 : f32 to vector<16xf32>
        %mul3A_658 = arith.mulf %get3A_656, %mul3A_657 : vector<16xf32>
        %swap3A_659 = arith.index_cast %add3A_629 : i32 to index
        %swap3A_660 = arith.constant 48 : index
        %swap3A_661 = tpu.vector_load %arg17[%swap3A_659, %swap3A_660] {strides = array<i32>} : memref<128x128xf32, #tpu.memory_space<vmem>>, vector<16xf32>,
        tpu.vector_store %arg17[%swap3A_659, %swap3A_660], %mul3A_658 {strides = array<i32>} : memref<128x128xf32, #tpu.memory_space<vmem>>, vector<16xf32>,
        %get3A_662 = arith.index_cast %add3A_629 : i32 to index
        %get3A_663 = arith.constant 64 : index
        %get3A_664 = tpu.vector_load %arg17[%get3A_662, %get3A_663] {strides = array<i32>} : memref<128x128xf32, #tpu.memory_space<vmem>>, vector<16xf32>,
        %mul3A_665 = vector.broadcast %squeeze3A_616 : f32 to vector<16xf32>
        %mul3A_666 = arith.mulf %get3A_664, %mul3A_665 : vector<16xf32>
        %swap3A_667 = arith.index_cast %add3A_629 : i32 to index
        %swap3A_668 = arith.constant 64 : index
        %swap3A_669 = tpu.vector_load %arg17[%swap3A_667, %swap3A_668] {strides = array<i32>} : memref<128x128xf32, #tpu.memory_space<vmem>>, vector<16xf32>,
        tpu.vector_store %arg17[%swap3A_667, %swap3A_668], %mul3A_666 {strides = array<i32>} : memref<128x128xf32, #tpu.memory_space<vmem>>, vector<16xf32>,
        %get3A_670 = arith.index_cast %add3A_629 : i32 to index
        %get3A_671 = arith.constant 80 : index
        %get3A_672 = tpu.vector_load %arg17[%get3A_670, %get3A_671] {strides = array<i32>} : memref<128x128xf32, #tpu.memory_space<vmem>>, vector<16xf32>,
        %mul3A_673 = vector.broadcast %squeeze3A_616 : f32 to vector<16xf32>
        %mul3A_674 = arith.mulf %get3A_672, %mul3A_673 : vector<16xf32>
        %swap3A_675 = arith.index_cast %add3A_629 : i32 to index
        %swap3A_676 = arith.constant 80 : index
        %swap3A_677 = tpu.vector_load %arg17[%swap3A_675, %swap3A_676] {strides = array<i32>} : memref<128x128xf32, #tpu.memory_space<vmem>>, vector<16xf32>,
        tpu.vector_store %arg17[%swap3A_675, %swap3A_676], %mul3A_674 {strides = array<i32>} : memref<128x128xf32, #tpu.memory_space<vmem>>, vector<16xf32>,
        %get3A_678 = arith.index_cast %add3A_629 : i32 to index
        %get3A_679 = arith.constant 96 : index
        %get3A_680 = tpu.vector_load %arg17[%get3A_678, %get3A_679] {strides = array<i32>} : memref<128x128xf32, #tpu.memory_space<vmem>>, vector<16xf32>,
        %mul3A_681 = vector.broadcast %squeeze3A_616 : f32 to vector<16xf32>
        %mul3A_682 = arith.mulf %get3A_680, %mul3A_681 : vector<16xf32>
        %swap3A_683 = arith.index_cast %add3A_629 : i32 to index
        %swap3A_684 = arith.constant 96 : index
        %swap3A_685 = tpu.vector_load %arg17[%swap3A_683, %swap3A_684] {strides = array<i32>} : memref<128x128xf32, #tpu.memory_space<vmem>>, vector<16xf32>,
        tpu.vector_store %arg17[%swap3A_683, %swap3A_684], %mul3A_682 {strides = array<i32>} : memref<128x128xf32, #tpu.memory_space<vmem>>, vector<16xf32>,
        %get3A_686 = arith.index_cast %add3A_629 : i32 to index
        %get3A_687 = arith.constant 112 : index
        %get3A_688 = tpu.vector_load %arg17[%get3A_686, %get3A_687] {strides = array<i32>} : memref<128x128xf32, #tpu.memory_space<vmem>>, vector<16xf32>,
        %mul3A_689 = vector.broadcast %squeeze3A_616 : f32 to vector<16xf32>
        %mul3A_690 = arith.mulf %get3A_688, %mul3A_689 : vector<16xf32>
        %swap3A_691 = arith.index_cast %add3A_629 : i32 to index
        %swap3A_692 = arith.constant 112 : index
        %swap3A_693 = tpu.vector_load %arg17[%swap3A_691, %swap3A_692] {strides = array<i32>} : memref<128x128xf32, #tpu.memory_space<vmem>>, vector<16xf32>,
        tpu.vector_store %arg17[%swap3A_691, %swap3A_692], %mul3A_690 {strides = array<i32>} : memref<128x128xf32, #tpu.memory_space<vmem>>, vector<16xf32>,
        %slice3A_694 = vector.extract_strided_slice %get3A_65 {offsets = [8], sizes = [1], strides = [1]} : vector<16xf32> to vector<1xf32>
        %squeeze3A_695 = vector.extract %slice3A_694[0] : f32 from vector<1xf32>
        %slice3A_696 = vector.extract_strided_slice %get3A_67 {offsets = [8], sizes = [1], strides = [1]} : vector<16xi32> to vector<1xi32>
        %squeeze3A_697 = vector.extract %slice3A_696[0] : i32 from vector<1xi32>
        %eq3A_698 = arith.constant 0 : i32
        %eq3A_699 = vector.broadcast %eq3A_698 : i32 to vector<16xi32>
        %eq3A_700 = arith.cmpi eq, %iota3A, %eq3A_699 : vector<16xi32>
        %jit3A_701 = arith.constant 0.000000e+00 : f32
        %broadcast_in_dim3A_702 = vector.broadcast %squeeze3A_695 : f32 to vector<16xf32>
        %broadcast_in_dim3A_703 = vector.broadcast %jit3A_701 : f32 to vector<16xf32>
        %select_n3A_704 = arith.select %eq3A_700, %broadcast_in_dim3A_702, %broadcast_in_dim3A_703 : vector<16xi1>, vector<16xf32>
        %swap3A_705 = arith.index_cast %squeeze3A_697 : i32 to index
        %swap3A_706 = tpu.vector_load %arg12[%swap3A_705] {strides = array<i32>} : memref<10256xf32, #tpu.memory_space<vmem>>, vector<16xf32>,
        tpu.vector_store %arg12[%swap3A_705], %select_n3A_704 {add = true, strides = array<i32>} : memref<10256xf32, #tpu.memory_space<vmem>>, vector<16xf32>,
        %add3A_707 = arith.constant 8 : i32
        %add3A_708 = arith.addi %mul3A_64, %add3A_707 : i32
        %get3A_709 = arith.index_cast %add3A_708 : i32 to index
        %get3A_710 = arith.constant 0 : index
        %get3A_711 = tpu.vector_load %arg17[%get3A_709, %get3A_710] {strides = array<i32>} : memref<128x128xf32, #tpu.memory_space<vmem>>, vector<16xf32>,
        %mul3A_712 = vector.broadcast %squeeze3A_695 : f32 to vector<16xf32>
        %mul3A_713 = arith.mulf %get3A_711, %mul3A_712 : vector<16xf32>
        %swap3A_714 = arith.index_cast %add3A_708 : i32 to index
        %swap3A_715 = arith.constant 0 : index
        %swap3A_716 = tpu.vector_load %arg17[%swap3A_714, %swap3A_715] {strides = array<i32>} : memref<128x128xf32, #tpu.memory_space<vmem>>, vector<16xf32>,
        tpu.vector_store %arg17[%swap3A_714, %swap3A_715], %mul3A_713 {strides = array<i32>} : memref<128x128xf32, #tpu.memory_space<vmem>>, vector<16xf32>,
        %get3A_717 = arith.index_cast %add3A_708 : i32 to index
        %get3A_718 = arith.constant 16 : index
        %get3A_719 = tpu.vector_load %arg17[%get3A_717, %get3A_718] {strides = array<i32>} : memref<128x128xf32, #tpu.memory_space<vmem>>, vector<16xf32>,
        %mul3A_720 = vector.broadcast %squeeze3A_695 : f32 to vector<16xf32>
        %mul3A_721 = arith.mulf %get3A_719, %mul3A_720 : vector<16xf32>
        %swap3A_722 = arith.index_cast %add3A_708 : i32 to index
        %swap3A_723 = arith.constant 16 : index
        %swap3A_724 = tpu.vector_load %arg17[%swap3A_722, %swap3A_723] {strides = array<i32>} : memref<128x128xf32, #tpu.memory_space<vmem>>, vector<16xf32>,
        tpu.vector_store %arg17[%swap3A_722, %swap3A_723], %mul3A_721 {strides = array<i32>} : memref<128x128xf32, #tpu.memory_space<vmem>>, vector<16xf32>,
        %get3A_725 = arith.index_cast %add3A_708 : i32 to index
        %get3A_726 = arith.constant 32 : index
        %get3A_727 = tpu.vector_load %arg17[%get3A_725, %get3A_726] {strides = array<i32>} : memref<128x128xf32, #tpu.memory_space<vmem>>, vector<16xf32>,
        %mul3A_728 = vector.broadcast %squeeze3A_695 : f32 to vector<16xf32>
        %mul3A_729 = arith.mulf %get3A_727, %mul3A_728 : vector<16xf32>
        %swap3A_730 = arith.index_cast %add3A_708 : i32 to index
        %swap3A_731 = arith.constant 32 : index
        %swap3A_732 = tpu.vector_load %arg17[%swap3A_730, %swap3A_731] {strides = array<i32>} : memref<128x128xf32, #tpu.memory_space<vmem>>, vector<16xf32>,
        tpu.vector_store %arg17[%swap3A_730, %swap3A_731], %mul3A_729 {strides = array<i32>} : memref<128x128xf32, #tpu.memory_space<vmem>>, vector<16xf32>,
        %get3A_733 = arith.index_cast %add3A_708 : i32 to index
        %get3A_734 = arith.constant 48 : index
        %get3A_735 = tpu.vector_load %arg17[%get3A_733, %get3A_734] {strides = array<i32>} : memref<128x128xf32, #tpu.memory_space<vmem>>, vector<16xf32>,
        %mul3A_736 = vector.broadcast %squeeze3A_695 : f32 to vector<16xf32>
        %mul3A_737 = arith.mulf %get3A_735, %mul3A_736 : vector<16xf32>
        %swap3A_738 = arith.index_cast %add3A_708 : i32 to index
        %swap3A_739 = arith.constant 48 : index
        %swap3A_740 = tpu.vector_load %arg17[%swap3A_738, %swap3A_739] {strides = array<i32>} : memref<128x128xf32, #tpu.memory_space<vmem>>, vector<16xf32>,
        tpu.vector_store %arg17[%swap3A_738, %swap3A_739], %mul3A_737 {strides = array<i32>} : memref<128x128xf32, #tpu.memory_space<vmem>>, vector<16xf32>,
        %get3A_741 = arith.index_cast %add3A_708 : i32 to index
        %get3A_742 = arith.constant 64 : index
        %get3A_743 = tpu.vector_load %arg17[%get3A_741, %get3A_742] {strides = array<i32>} : memref<128x128xf32, #tpu.memory_space<vmem>>, vector<16xf32>,
        %mul3A_744 = vector.broadcast %squeeze3A_695 : f32 to vector<16xf32>
        %mul3A_745 = arith.mulf %get3A_743, %mul3A_744 : vector<16xf32>
        %swap3A_746 = arith.index_cast %add3A_708 : i32 to index
        %swap3A_747 = arith.constant 64 : index
        %swap3A_748 = tpu.vector_load %arg17[%swap3A_746, %swap3A_747] {strides = array<i32>} : memref<128x128xf32, #tpu.memory_space<vmem>>, vector<16xf32>,
        tpu.vector_store %arg17[%swap3A_746, %swap3A_747], %mul3A_745 {strides = array<i32>} : memref<128x128xf32, #tpu.memory_space<vmem>>, vector<16xf32>,
        %get3A_749 = arith.index_cast %add3A_708 : i32 to index
        %get3A_750 = arith.constant 80 : index
        %get3A_751 = tpu.vector_load %arg17[%get3A_749, %get3A_750] {strides = array<i32>} : memref<128x128xf32, #tpu.memory_space<vmem>>, vector<16xf32>,
        %mul3A_752 = vector.broadcast %squeeze3A_695 : f32 to vector<16xf32>
        %mul3A_753 = arith.mulf %get3A_751, %mul3A_752 : vector<16xf32>
        %swap3A_754 = arith.index_cast %add3A_708 : i32 to index
        %swap3A_755 = arith.constant 80 : index
        %swap3A_756 = tpu.vector_load %arg17[%swap3A_754, %swap3A_755] {strides = array<i32>} : memref<128x128xf32, #tpu.memory_space<vmem>>, vector<16xf32>,
        tpu.vector_store %arg17[%swap3A_754, %swap3A_755], %mul3A_753 {strides = array<i32>} : memref<128x128xf32, #tpu.memory_space<vmem>>, vector<16xf32>,
        %get3A_757 = arith.index_cast %add3A_708 : i32 to index
        %get3A_758 = arith.constant 96 : index
        %get3A_759 = tpu.vector_load %arg17[%get3A_757, %get3A_758] {strides = array<i32>} : memref<128x128xf32, #tpu.memory_space<vmem>>, vector<16xf32>,
        %mul3A_760 = vector.broadcast %squeeze3A_695 : f32 to vector<16xf32>
        %mul3A_761 = arith.mulf %get3A_759, %mul3A_760 : vector<16xf32>
        %swap3A_762 = arith.index_cast %add3A_708 : i32 to index
        %swap3A_763 = arith.constant 96 : index
        %swap3A_764 = tpu.vector_load %arg17[%swap3A_762, %swap3A_763] {strides = array<i32>} : memref<128x128xf32, #tpu.memory_space<vmem>>, vector<16xf32>,
        tpu.vector_store %arg17[%swap3A_762, %swap3A_763], %mul3A_761 {strides = array<i32>} : memref<128x128xf32, #tpu.memory_space<vmem>>, vector<16xf32>,
        %get3A_765 = arith.index_cast %add3A_708 : i32 to index
        %get3A_766 = arith.constant 112 : index
        %get3A_767 = tpu.vector_load %arg17[%get3A_765, %get3A_766] {strides = array<i32>} : memref<128x128xf32, #tpu.memory_space<vmem>>, vector<16xf32>,
        %mul3A_768 = vector.broadcast %squeeze3A_695 : f32 to vector<16xf32>
        %mul3A_769 = arith.mulf %get3A_767, %mul3A_768 : vector<16xf32>
        %swap3A_770 = arith.index_cast %add3A_708 : i32 to index
        %swap3A_771 = arith.constant 112 : index
        %swap3A_772 = tpu.vector_load %arg17[%swap3A_770, %swap3A_771] {strides = array<i32>} : memref<128x128xf32, #tpu.memory_space<vmem>>, vector<16xf32>,
        tpu.vector_store %arg17[%swap3A_770, %swap3A_771], %mul3A_769 {strides = array<i32>} : memref<128x128xf32, #tpu.memory_space<vmem>>, vector<16xf32>,
        %slice3A_773 = vector.extract_strided_slice %get3A_65 {offsets = [9], sizes = [1], strides = [1]} : vector<16xf32> to vector<1xf32>
        %squeeze3A_774 = vector.extract %slice3A_773[0] : f32 from vector<1xf32>
        %slice3A_775 = vector.extract_strided_slice %get3A_67 {offsets = [9], sizes = [1], strides = [1]} : vector<16xi32> to vector<1xi32>
        %squeeze3A_776 = vector.extract %slice3A_775[0] : i32 from vector<1xi32>
        %eq3A_777 = arith.constant 0 : i32
        %eq3A_778 = vector.broadcast %eq3A_777 : i32 to vector<16xi32>
        %eq3A_779 = arith.cmpi eq, %iota3A, %eq3A_778 : vector<16xi32>
        %jit3A_780 = arith.constant 0.000000e+00 : f32
        %broadcast_in_dim3A_781 = vector.broadcast %squeeze3A_774 : f32 to vector<16xf32>
        %broadcast_in_dim3A_782 = vector.broadcast %jit3A_780 : f32 to vector<16xf32>
        %select_n3A_783 = arith.select %eq3A_779, %broadcast_in_dim3A_781, %broadcast_in_dim3A_782 : vector<16xi1>, vector<16xf32>
        %swap3A_784 = arith.index_cast %squeeze3A_776 : i32 to index
        %swap3A_785 = tpu.vector_load %arg12[%swap3A_784] {strides = array<i32>} : memref<10256xf32, #tpu.memory_space<vmem>>, vector<16xf32>,
        tpu.vector_store %arg12[%swap3A_784], %select_n3A_783 {add = true, strides = array<i32>} : memref<10256xf32, #tpu.memory_space<vmem>>, vector<16xf32>,
        %add3A_786 = arith.constant 9 : i32
        %add3A_787 = arith.addi %mul3A_64, %add3A_786 : i32
        %get3A_788 = arith.index_cast %add3A_787 : i32 to index
        %get3A_789 = arith.constant 0 : index
        %get3A_790 = tpu.vector_load %arg17[%get3A_788, %get3A_789] {strides = array<i32>} : memref<128x128xf32, #tpu.memory_space<vmem>>, vector<16xf32>,
        %mul3A_791 = vector.broadcast %squeeze3A_774 : f32 to vector<16xf32>
        %mul3A_792 = arith.mulf %get3A_790, %mul3A_791 : vector<16xf32>
        %swap3A_793 = arith.index_cast %add3A_787 : i32 to index
        %swap3A_794 = arith.constant 0 : index
        %swap3A_795 = tpu.vector_load %arg17[%swap3A_793, %swap3A_794] {strides = array<i32>} : memref<128x128xf32, #tpu.memory_space<vmem>>, vector<16xf32>,
        tpu.vector_store %arg17[%swap3A_793, %swap3A_794], %mul3A_792 {strides = array<i32>} : memref<128x128xf32, #tpu.memory_space<vmem>>, vector<16xf32>,
        %get3A_796 = arith.index_cast %add3A_787 : i32 to index
        %get3A_797 = arith.constant 16 : index
        %get3A_798 = tpu.vector_load %arg17[%get3A_796, %get3A_797] {strides = array<i32>} : memref<128x128xf32, #tpu.memory_space<vmem>>, vector<16xf32>,
        %mul3A_799 = vector.broadcast %squeeze3A_774 : f32 to vector<16xf32>
        %mul3A_800 = arith.mulf %get3A_798, %mul3A_799 : vector<16xf32>
        %swap3A_801 = arith.index_cast %add3A_787 : i32 to index
        %swap3A_802 = arith.constant 16 : index
        %swap3A_803 = tpu.vector_load %arg17[%swap3A_801, %swap3A_802] {strides = array<i32>} : memref<128x128xf32, #tpu.memory_space<vmem>>, vector<16xf32>,
        tpu.vector_store %arg17[%swap3A_801, %swap3A_802], %mul3A_800 {strides = array<i32>} : memref<128x128xf32, #tpu.memory_space<vmem>>, vector<16xf32>,
        %get3A_804 = arith.index_cast %add3A_787 : i32 to index
        %get3A_805 = arith.constant 32 : index
        %get3A_806 = tpu.vector_load %arg17[%get3A_804, %get3A_805] {strides = array<i32>} : memref<128x128xf32, #tpu.memory_space<vmem>>, vector<16xf32>,
        %mul3A_807 = vector.broadcast %squeeze3A_774 : f32 to vector<16xf32>
        %mul3A_808 = arith.mulf %get3A_806, %mul3A_807 : vector<16xf32>
        %swap3A_809 = arith.index_cast %add3A_787 : i32 to index
        %swap3A_810 = arith.constant 32 : index
        %swap3A_811 = tpu.vector_load %arg17[%swap3A_809, %swap3A_810] {strides = array<i32>} : memref<128x128xf32, #tpu.memory_space<vmem>>, vector<16xf32>,
        tpu.vector_store %arg17[%swap3A_809, %swap3A_810], %mul3A_808 {strides = array<i32>} : memref<128x128xf32, #tpu.memory_space<vmem>>, vector<16xf32>,
        %get3A_812 = arith.index_cast %add3A_787 : i32 to index
        %get3A_813 = arith.constant 48 : index
        %get3A_814 = tpu.vector_load %arg17[%get3A_812, %get3A_813] {strides = array<i32>} : memref<128x128xf32, #tpu.memory_space<vmem>>, vector<16xf32>,
        %mul3A_815 = vector.broadcast %squeeze3A_774 : f32 to vector<16xf32>
        %mul3A_816 = arith.mulf %get3A_814, %mul3A_815 : vector<16xf32>
        %swap3A_817 = arith.index_cast %add3A_787 : i32 to index
        %swap3A_818 = arith.constant 48 : index
        %swap3A_819 = tpu.vector_load %arg17[%swap3A_817, %swap3A_818] {strides = array<i32>} : memref<128x128xf32, #tpu.memory_space<vmem>>, vector<16xf32>,
        tpu.vector_store %arg17[%swap3A_817, %swap3A_818], %mul3A_816 {strides = array<i32>} : memref<128x128xf32, #tpu.memory_space<vmem>>, vector<16xf32>,
        %get3A_820 = arith.index_cast %add3A_787 : i32 to index
        %get3A_821 = arith.constant 64 : index
        %get3A_822 = tpu.vector_load %arg17[%get3A_820, %get3A_821] {strides = array<i32>} : memref<128x128xf32, #tpu.memory_space<vmem>>, vector<16xf32>,
        %mul3A_823 = vector.broadcast %squeeze3A_774 : f32 to vector<16xf32>
        %mul3A_824 = arith.mulf %get3A_822, %mul3A_823 : vector<16xf32>
        %swap3A_825 = arith.index_cast %add3A_787 : i32 to index
        %swap3A_826 = arith.constant 64 : index
        %swap3A_827 = tpu.vector_load %arg17[%swap3A_825, %swap3A_826] {strides = array<i32>} : memref<128x128xf32, #tpu.memory_space<vmem>>, vector<16xf32>,
        tpu.vector_store %arg17[%swap3A_825, %swap3A_826], %mul3A_824 {strides = array<i32>} : memref<128x128xf32, #tpu.memory_space<vmem>>, vector<16xf32>,
        %get3A_828 = arith.index_cast %add3A_787 : i32 to index
        %get3A_829 = arith.constant 80 : index
        %get3A_830 = tpu.vector_load %arg17[%get3A_828, %get3A_829] {strides = array<i32>} : memref<128x128xf32, #tpu.memory_space<vmem>>, vector<16xf32>,
        %mul3A_831 = vector.broadcast %squeeze3A_774 : f32 to vector<16xf32>
        %mul3A_832 = arith.mulf %get3A_830, %mul3A_831 : vector<16xf32>
        %swap3A_833 = arith.index_cast %add3A_787 : i32 to index
        %swap3A_834 = arith.constant 80 : index
        %swap3A_835 = tpu.vector_load %arg17[%swap3A_833, %swap3A_834] {strides = array<i32>} : memref<128x128xf32, #tpu.memory_space<vmem>>, vector<16xf32>,
        tpu.vector_store %arg17[%swap3A_833, %swap3A_834], %mul3A_832 {strides = array<i32>} : memref<128x128xf32, #tpu.memory_space<vmem>>, vector<16xf32>,
        %get3A_836 = arith.index_cast %add3A_787 : i32 to index
        %get3A_837 = arith.constant 96 : index
        %get3A_838 = tpu.vector_load %arg17[%get3A_836, %get3A_837] {strides = array<i32>} : memref<128x128xf32, #tpu.memory_space<vmem>>, vector<16xf32>,
        %mul3A_839 = vector.broadcast %squeeze3A_774 : f32 to vector<16xf32>
        %mul3A_840 = arith.mulf %get3A_838, %mul3A_839 : vector<16xf32>
        %swap3A_841 = arith.index_cast %add3A_787 : i32 to index
        %swap3A_842 = arith.constant 96 : index
        %swap3A_843 = tpu.vector_load %arg17[%swap3A_841, %swap3A_842] {strides = array<i32>} : memref<128x128xf32, #tpu.memory_space<vmem>>, vector<16xf32>,
        tpu.vector_store %arg17[%swap3A_841, %swap3A_842], %mul3A_840 {strides = array<i32>} : memref<128x128xf32, #tpu.memory_space<vmem>>, vector<16xf32>,
        %get3A_844 = arith.index_cast %add3A_787 : i32 to index
        %get3A_845 = arith.constant 112 : index
        %get3A_846 = tpu.vector_load %arg17[%get3A_844, %get3A_845] {strides = array<i32>} : memref<128x128xf32, #tpu.memory_space<vmem>>, vector<16xf32>,
        %mul3A_847 = vector.broadcast %squeeze3A_774 : f32 to vector<16xf32>
        %mul3A_848 = arith.mulf %get3A_846, %mul3A_847 : vector<16xf32>
        %swap3A_849 = arith.index_cast %add3A_787 : i32 to index
        %swap3A_850 = arith.constant 112 : index
        %swap3A_851 = tpu.vector_load %arg17[%swap3A_849, %swap3A_850] {strides = array<i32>} : memref<128x128xf32, #tpu.memory_space<vmem>>, vector<16xf32>,
        tpu.vector_store %arg17[%swap3A_849, %swap3A_850], %mul3A_848 {strides = array<i32>} : memref<128x128xf32, #tpu.memory_space<vmem>>, vector<16xf32>,
        %slice3A_852 = vector.extract_strided_slice %get3A_65 {offsets = [10], sizes = [1], strides = [1]} : vector<16xf32> to vector<1xf32>
        %squeeze3A_853 = vector.extract %slice3A_852[0] : f32 from vector<1xf32>
        %slice3A_854 = vector.extract_strided_slice %get3A_67 {offsets = [10], sizes = [1], strides = [1]} : vector<16xi32> to vector<1xi32>
        %squeeze3A_855 = vector.extract %slice3A_854[0] : i32 from vector<1xi32>
        %eq3A_856 = arith.constant 0 : i32
        %eq3A_857 = vector.broadcast %eq3A_856 : i32 to vector<16xi32>
        %eq3A_858 = arith.cmpi eq, %iota3A, %eq3A_857 : vector<16xi32>
        %jit3A_859 = arith.constant 0.000000e+00 : f32
        %broadcast_in_dim3A_860 = vector.broadcast %squeeze3A_853 : f32 to vector<16xf32>
        %broadcast_in_dim3A_861 = vector.broadcast %jit3A_859 : f32 to vector<16xf32>
        %select_n3A_862 = arith.select %eq3A_858, %broadcast_in_dim3A_860, %broadcast_in_dim3A_861 : vector<16xi1>, vector<16xf32>
        %swap3A_863 = arith.index_cast %squeeze3A_855 : i32 to index
        %swap3A_864 = tpu.vector_load %arg12[%swap3A_863] {strides = array<i32>} : memref<10256xf32, #tpu.memory_space<vmem>>, vector<16xf32>,
        tpu.vector_store %arg12[%swap3A_863], %select_n3A_862 {add = true, strides = array<i32>} : memref<10256xf32, #tpu.memory_space<vmem>>, vector<16xf32>,
        %add3A_865 = arith.constant 10 : i32
        %add3A_866 = arith.addi %mul3A_64, %add3A_865 : i32
        %get3A_867 = arith.index_cast %add3A_866 : i32 to index
        %get3A_868 = arith.constant 0 : index
        %get3A_869 = tpu.vector_load %arg17[%get3A_867, %get3A_868] {strides = array<i32>} : memref<128x128xf32, #tpu.memory_space<vmem>>, vector<16xf32>,
        %mul3A_870 = vector.broadcast %squeeze3A_853 : f32 to vector<16xf32>
        %mul3A_871 = arith.mulf %get3A_869, %mul3A_870 : vector<16xf32>
        %swap3A_872 = arith.index_cast %add3A_866 : i32 to index
        %swap3A_873 = arith.constant 0 : index
        %swap3A_874 = tpu.vector_load %arg17[%swap3A_872, %swap3A_873] {strides = array<i32>} : memref<128x128xf32, #tpu.memory_space<vmem>>, vector<16xf32>,
        tpu.vector_store %arg17[%swap3A_872, %swap3A_873], %mul3A_871 {strides = array<i32>} : memref<128x128xf32, #tpu.memory_space<vmem>>, vector<16xf32>,
        %get3A_875 = arith.index_cast %add3A_866 : i32 to index
        %get3A_876 = arith.constant 16 : index
        %get3A_877 = tpu.vector_load %arg17[%get3A_875, %get3A_876] {strides = array<i32>} : memref<128x128xf32, #tpu.memory_space<vmem>>, vector<16xf32>,
        %mul3A_878 = vector.broadcast %squeeze3A_853 : f32 to vector<16xf32>
        %mul3A_879 = arith.mulf %get3A_877, %mul3A_878 : vector<16xf32>
        %swap3A_880 = arith.index_cast %add3A_866 : i32 to index
        %swap3A_881 = arith.constant 16 : index
        %swap3A_882 = tpu.vector_load %arg17[%swap3A_880, %swap3A_881] {strides = array<i32>} : memref<128x128xf32, #tpu.memory_space<vmem>>, vector<16xf32>,
        tpu.vector_store %arg17[%swap3A_880, %swap3A_881], %mul3A_879 {strides = array<i32>} : memref<128x128xf32, #tpu.memory_space<vmem>>, vector<16xf32>,
        %get3A_883 = arith.index_cast %add3A_866 : i32 to index
        %get3A_884 = arith.constant 32 : index
        %get3A_885 = tpu.vector_load %arg17[%get3A_883, %get3A_884] {strides = array<i32>} : memref<128x128xf32, #tpu.memory_space<vmem>>, vector<16xf32>,
        %mul3A_886 = vector.broadcast %squeeze3A_853 : f32 to vector<16xf32>
        %mul3A_887 = arith.mulf %get3A_885, %mul3A_886 : vector<16xf32>
        %swap3A_888 = arith.index_cast %add3A_866 : i32 to index
        %swap3A_889 = arith.constant 32 : index
        %swap3A_890 = tpu.vector_load %arg17[%swap3A_888, %swap3A_889] {strides = array<i32>} : memref<128x128xf32, #tpu.memory_space<vmem>>, vector<16xf32>,
        tpu.vector_store %arg17[%swap3A_888, %swap3A_889], %mul3A_887 {strides = array<i32>} : memref<128x128xf32, #tpu.memory_space<vmem>>, vector<16xf32>,
        %get3A_891 = arith.index_cast %add3A_866 : i32 to index
        %get3A_892 = arith.constant 48 : index
        %get3A_893 = tpu.vector_load %arg17[%get3A_891, %get3A_892] {strides = array<i32>} : memref<128x128xf32, #tpu.memory_space<vmem>>, vector<16xf32>,
        %mul3A_894 = vector.broadcast %squeeze3A_853 : f32 to vector<16xf32>
        %mul3A_895 = arith.mulf %get3A_893, %mul3A_894 : vector<16xf32>
        %swap3A_896 = arith.index_cast %add3A_866 : i32 to index
        %swap3A_897 = arith.constant 48 : index
        %swap3A_898 = tpu.vector_load %arg17[%swap3A_896, %swap3A_897] {strides = array<i32>} : memref<128x128xf32, #tpu.memory_space<vmem>>, vector<16xf32>,
        tpu.vector_store %arg17[%swap3A_896, %swap3A_897], %mul3A_895 {strides = array<i32>} : memref<128x128xf32, #tpu.memory_space<vmem>>, vector<16xf32>,
        %get3A_899 = arith.index_cast %add3A_866 : i32 to index
        %get3A_900 = arith.constant 64 : index
        %get3A_901 = tpu.vector_load %arg17[%get3A_899, %get3A_900] {strides = array<i32>} : memref<128x128xf32, #tpu.memory_space<vmem>>, vector<16xf32>,
        %mul3A_902 = vector.broadcast %squeeze3A_853 : f32 to vector<16xf32>
        %mul3A_903 = arith.mulf %get3A_901, %mul3A_902 : vector<16xf32>
        %swap3A_904 = arith.index_cast %add3A_866 : i32 to index
        %swap3A_905 = arith.constant 64 : index
        %swap3A_906 = tpu.vector_load %arg17[%swap3A_904, %swap3A_905] {strides = array<i32>} : memref<128x128xf32, #tpu.memory_space<vmem>>, vector<16xf32>,
        tpu.vector_store %arg17[%swap3A_904, %swap3A_905], %mul3A_903 {strides = array<i32>} : memref<128x128xf32, #tpu.memory_space<vmem>>, vector<16xf32>,
        %get3A_907 = arith.index_cast %add3A_866 : i32 to index
        %get3A_908 = arith.constant 80 : index
        %get3A_909 = tpu.vector_load %arg17[%get3A_907, %get3A_908] {strides = array<i32>} : memref<128x128xf32, #tpu.memory_space<vmem>>, vector<16xf32>,
        %mul3A_910 = vector.broadcast %squeeze3A_853 : f32 to vector<16xf32>
        %mul3A_911 = arith.mulf %get3A_909, %mul3A_910 : vector<16xf32>
        %swap3A_912 = arith.index_cast %add3A_866 : i32 to index
        %swap3A_913 = arith.constant 80 : index
        %swap3A_914 = tpu.vector_load %arg17[%swap3A_912, %swap3A_913] {strides = array<i32>} : memref<128x128xf32, #tpu.memory_space<vmem>>, vector<16xf32>,
        tpu.vector_store %arg17[%swap3A_912, %swap3A_913], %mul3A_911 {strides = array<i32>} : memref<128x128xf32, #tpu.memory_space<vmem>>, vector<16xf32>,
        %get3A_915 = arith.index_cast %add3A_866 : i32 to index
        %get3A_916 = arith.constant 96 : index
        %get3A_917 = tpu.vector_load %arg17[%get3A_915, %get3A_916] {strides = array<i32>} : memref<128x128xf32, #tpu.memory_space<vmem>>, vector<16xf32>,
        %mul3A_918 = vector.broadcast %squeeze3A_853 : f32 to vector<16xf32>
        %mul3A_919 = arith.mulf %get3A_917, %mul3A_918 : vector<16xf32>
        %swap3A_920 = arith.index_cast %add3A_866 : i32 to index
        %swap3A_921 = arith.constant 96 : index
        %swap3A_922 = tpu.vector_load %arg17[%swap3A_920, %swap3A_921] {strides = array<i32>} : memref<128x128xf32, #tpu.memory_space<vmem>>, vector<16xf32>,
        tpu.vector_store %arg17[%swap3A_920, %swap3A_921], %mul3A_919 {strides = array<i32>} : memref<128x128xf32, #tpu.memory_space<vmem>>, vector<16xf32>,
        %get3A_923 = arith.index_cast %add3A_866 : i32 to index
        %get3A_924 = arith.constant 112 : index
        %get3A_925 = tpu.vector_load %arg17[%get3A_923, %get3A_924] {strides = array<i32>} : memref<128x128xf32, #tpu.memory_space<vmem>>, vector<16xf32>,
        %mul3A_926 = vector.broadcast %squeeze3A_853 : f32 to vector<16xf32>
        %mul3A_927 = arith.mulf %get3A_925, %mul3A_926 : vector<16xf32>
        %swap3A_928 = arith.index_cast %add3A_866 : i32 to index
        %swap3A_929 = arith.constant 112 : index
        %swap3A_930 = tpu.vector_load %arg17[%swap3A_928, %swap3A_929] {strides = array<i32>} : memref<128x128xf32, #tpu.memory_space<vmem>>, vector<16xf32>,
        tpu.vector_store %arg17[%swap3A_928, %swap3A_929], %mul3A_927 {strides = array<i32>} : memref<128x128xf32, #tpu.memory_space<vmem>>, vector<16xf32>,
        %slice3A_931 = vector.extract_strided_slice %get3A_65 {offsets = [11], sizes = [1], strides = [1]} : vector<16xf32> to vector<1xf32>
        %squeeze3A_932 = vector.extract %slice3A_931[0] : f32 from vector<1xf32>
        %slice3A_933 = vector.extract_strided_slice %get3A_67 {offsets = [11], sizes = [1], strides = [1]} : vector<16xi32> to vector<1xi32>
        %squeeze3A_934 = vector.extract %slice3A_933[0] : i32 from vector<1xi32>
        %eq3A_935 = arith.constant 0 : i32
        %eq3A_936 = vector.broadcast %eq3A_935 : i32 to vector<16xi32>
        %eq3A_937 = arith.cmpi eq, %iota3A, %eq3A_936 : vector<16xi32>
        %jit3A_938 = arith.constant 0.000000e+00 : f32
        %broadcast_in_dim3A_939 = vector.broadcast %squeeze3A_932 : f32 to vector<16xf32>
        %broadcast_in_dim3A_940 = vector.broadcast %jit3A_938 : f32 to vector<16xf32>
        %select_n3A_941 = arith.select %eq3A_937, %broadcast_in_dim3A_939, %broadcast_in_dim3A_940 : vector<16xi1>, vector<16xf32>
        %swap3A_942 = arith.index_cast %squeeze3A_934 : i32 to index
        %swap3A_943 = tpu.vector_load %arg12[%swap3A_942] {strides = array<i32>} : memref<10256xf32, #tpu.memory_space<vmem>>, vector<16xf32>,
        tpu.vector_store %arg12[%swap3A_942], %select_n3A_941 {add = true, strides = array<i32>} : memref<10256xf32, #tpu.memory_space<vmem>>, vector<16xf32>,
        %add3A_944 = arith.constant 11 : i32
        %add3A_945 = arith.addi %mul3A_64, %add3A_944 : i32
        %get3A_946 = arith.index_cast %add3A_945 : i32 to index
        %get3A_947 = arith.constant 0 : index
        %get3A_948 = tpu.vector_load %arg17[%get3A_946, %get3A_947] {strides = array<i32>} : memref<128x128xf32, #tpu.memory_space<vmem>>, vector<16xf32>,
        %mul3A_949 = vector.broadcast %squeeze3A_932 : f32 to vector<16xf32>
        %mul3A_950 = arith.mulf %get3A_948, %mul3A_949 : vector<16xf32>
        %swap3A_951 = arith.index_cast %add3A_945 : i32 to index
        %swap3A_952 = arith.constant 0 : index
        %swap3A_953 = tpu.vector_load %arg17[%swap3A_951, %swap3A_952] {strides = array<i32>} : memref<128x128xf32, #tpu.memory_space<vmem>>, vector<16xf32>,
        tpu.vector_store %arg17[%swap3A_951, %swap3A_952], %mul3A_950 {strides = array<i32>} : memref<128x128xf32, #tpu.memory_space<vmem>>, vector<16xf32>,
        %get3A_954 = arith.index_cast %add3A_945 : i32 to index
        %get3A_955 = arith.constant 16 : index
        %get3A_956 = tpu.vector_load %arg17[%get3A_954, %get3A_955] {strides = array<i32>} : memref<128x128xf32, #tpu.memory_space<vmem>>, vector<16xf32>,
        %mul3A_957 = vector.broadcast %squeeze3A_932 : f32 to vector<16xf32>
        %mul3A_958 = arith.mulf %get3A_956, %mul3A_957 : vector<16xf32>
        %swap3A_959 = arith.index_cast %add3A_945 : i32 to index
        %swap3A_960 = arith.constant 16 : index
        %swap3A_961 = tpu.vector_load %arg17[%swap3A_959, %swap3A_960] {strides = array<i32>} : memref<128x128xf32, #tpu.memory_space<vmem>>, vector<16xf32>,
        tpu.vector_store %arg17[%swap3A_959, %swap3A_960], %mul3A_958 {strides = array<i32>} : memref<128x128xf32, #tpu.memory_space<vmem>>, vector<16xf32>,
        %get3A_962 = arith.index_cast %add3A_945 : i32 to index
        %get3A_963 = arith.constant 32 : index
        %get3A_964 = tpu.vector_load %arg17[%get3A_962, %get3A_963] {strides = array<i32>} : memref<128x128xf32, #tpu.memory_space<vmem>>, vector<16xf32>,
        %mul3A_965 = vector.broadcast %squeeze3A_932 : f32 to vector<16xf32>
        %mul3A_966 = arith.mulf %get3A_964, %mul3A_965 : vector<16xf32>
        %swap3A_967 = arith.index_cast %add3A_945 : i32 to index
        %swap3A_968 = arith.constant 32 : index
        %swap3A_969 = tpu.vector_load %arg17[%swap3A_967, %swap3A_968] {strides = array<i32>} : memref<128x128xf32, #tpu.memory_space<vmem>>, vector<16xf32>,
        tpu.vector_store %arg17[%swap3A_967, %swap3A_968], %mul3A_966 {strides = array<i32>} : memref<128x128xf32, #tpu.memory_space<vmem>>, vector<16xf32>,
        %get3A_970 = arith.index_cast %add3A_945 : i32 to index
        %get3A_971 = arith.constant 48 : index
        %get3A_972 = tpu.vector_load %arg17[%get3A_970, %get3A_971] {strides = array<i32>} : memref<128x128xf32, #tpu.memory_space<vmem>>, vector<16xf32>,
        %mul3A_973 = vector.broadcast %squeeze3A_932 : f32 to vector<16xf32>
        %mul3A_974 = arith.mulf %get3A_972, %mul3A_973 : vector<16xf32>
        %swap3A_975 = arith.index_cast %add3A_945 : i32 to index
        %swap3A_976 = arith.constant 48 : index
        %swap3A_977 = tpu.vector_load %arg17[%swap3A_975, %swap3A_976] {strides = array<i32>} : memref<128x128xf32, #tpu.memory_space<vmem>>, vector<16xf32>,
        tpu.vector_store %arg17[%swap3A_975, %swap3A_976], %mul3A_974 {strides = array<i32>} : memref<128x128xf32, #tpu.memory_space<vmem>>, vector<16xf32>,
        %get3A_978 = arith.index_cast %add3A_945 : i32 to index
        %get3A_979 = arith.constant 64 : index
        %get3A_980 = tpu.vector_load %arg17[%get3A_978, %get3A_979] {strides = array<i32>} : memref<128x128xf32, #tpu.memory_space<vmem>>, vector<16xf32>,
        %mul3A_981 = vector.broadcast %squeeze3A_932 : f32 to vector<16xf32>
        %mul3A_982 = arith.mulf %get3A_980, %mul3A_981 : vector<16xf32>
        %swap3A_983 = arith.index_cast %add3A_945 : i32 to index
        %swap3A_984 = arith.constant 64 : index
        %swap3A_985 = tpu.vector_load %arg17[%swap3A_983, %swap3A_984] {strides = array<i32>} : memref<128x128xf32, #tpu.memory_space<vmem>>, vector<16xf32>,
        tpu.vector_store %arg17[%swap3A_983, %swap3A_984], %mul3A_982 {strides = array<i32>} : memref<128x128xf32, #tpu.memory_space<vmem>>, vector<16xf32>,
        %get3A_986 = arith.index_cast %add3A_945 : i32 to index
        %get3A_987 = arith.constant 80 : index
        %get3A_988 = tpu.vector_load %arg17[%get3A_986, %get3A_987] {strides = array<i32>} : memref<128x128xf32, #tpu.memory_space<vmem>>, vector<16xf32>,
        %mul3A_989 = vector.broadcast %squeeze3A_932 : f32 to vector<16xf32>
        %mul3A_990 = arith.mulf %get3A_988, %mul3A_989 : vector<16xf32>
        %swap3A_991 = arith.index_cast %add3A_945 : i32 to index
        %swap3A_992 = arith.constant 80 : index
        %swap3A_993 = tpu.vector_load %arg17[%swap3A_991, %swap3A_992] {strides = array<i32>} : memref<128x128xf32, #tpu.memory_space<vmem>>, vector<16xf32>,
        tpu.vector_store %arg17[%swap3A_991, %swap3A_992], %mul3A_990 {strides = array<i32>} : memref<128x128xf32, #tpu.memory_space<vmem>>, vector<16xf32>,
        %get3A_994 = arith.index_cast %add3A_945 : i32 to index
        %get3A_995 = arith.constant 96 : index
        %get3A_996 = tpu.vector_load %arg17[%get3A_994, %get3A_995] {strides = array<i32>} : memref<128x128xf32, #tpu.memory_space<vmem>>, vector<16xf32>,
        %mul3A_997 = vector.broadcast %squeeze3A_932 : f32 to vector<16xf32>
        %mul3A_998 = arith.mulf %get3A_996, %mul3A_997 : vector<16xf32>
        %swap3A_999 = arith.index_cast %add3A_945 : i32 to index
        %swap3A_1000 = arith.constant 96 : index
        %swap3A_1001 = tpu.vector_load %arg17[%swap3A_999, %swap3A_1000] {strides = array<i32>} : memref<128x128xf32, #tpu.memory_space<vmem>>, vector<16xf32>,
        tpu.vector_store %arg17[%swap3A_999, %swap3A_1000], %mul3A_998 {strides = array<i32>} : memref<128x128xf32, #tpu.memory_space<vmem>>, vector<16xf32>,
        %get3A_1002 = arith.index_cast %add3A_945 : i32 to index
        %get3A_1003 = arith.constant 112 : index
        %get3A_1004 = tpu.vector_load %arg17[%get3A_1002, %get3A_1003] {strides = array<i32>} : memref<128x128xf32, #tpu.memory_space<vmem>>, vector<16xf32>,
        %mul3A_1005 = vector.broadcast %squeeze3A_932 : f32 to vector<16xf32>
        %mul3A_1006 = arith.mulf %get3A_1004, %mul3A_1005 : vector<16xf32>
        %swap3A_1007 = arith.index_cast %add3A_945 : i32 to index
        %swap3A_1008 = arith.constant 112 : index
        %swap3A_1009 = tpu.vector_load %arg17[%swap3A_1007, %swap3A_1008] {strides = array<i32>} : memref<128x128xf32, #tpu.memory_space<vmem>>, vector<16xf32>,
        tpu.vector_store %arg17[%swap3A_1007, %swap3A_1008], %mul3A_1006 {strides = array<i32>} : memref<128x128xf32, #tpu.memory_space<vmem>>, vector<16xf32>,
        %slice3A_1010 = vector.extract_strided_slice %get3A_65 {offsets = [12], sizes = [1], strides = [1]} : vector<16xf32> to vector<1xf32>
        %squeeze3A_1011 = vector.extract %slice3A_1010[0] : f32 from vector<1xf32>
        %slice3A_1012 = vector.extract_strided_slice %get3A_67 {offsets = [12], sizes = [1], strides = [1]} : vector<16xi32> to vector<1xi32>
        %squeeze3A_1013 = vector.extract %slice3A_1012[0] : i32 from vector<1xi32>
        %eq3A_1014 = arith.constant 0 : i32
        %eq3A_1015 = vector.broadcast %eq3A_1014 : i32 to vector<16xi32>
        %eq3A_1016 = arith.cmpi eq, %iota3A, %eq3A_1015 : vector<16xi32>
        %jit3A_1017 = arith.constant 0.000000e+00 : f32
        %broadcast_in_dim3A_1018 = vector.broadcast %squeeze3A_1011 : f32 to vector<16xf32>
        %broadcast_in_dim3A_1019 = vector.broadcast %jit3A_1017 : f32 to vector<16xf32>
        %select_n3A_1020 = arith.select %eq3A_1016, %broadcast_in_dim3A_1018, %broadcast_in_dim3A_1019 : vector<16xi1>, vector<16xf32>
        %swap3A_1021 = arith.index_cast %squeeze3A_1013 : i32 to index
        %swap3A_1022 = tpu.vector_load %arg12[%swap3A_1021] {strides = array<i32>} : memref<10256xf32, #tpu.memory_space<vmem>>, vector<16xf32>,
        tpu.vector_store %arg12[%swap3A_1021], %select_n3A_1020 {add = true, strides = array<i32>} : memref<10256xf32, #tpu.memory_space<vmem>>, vector<16xf32>,
        %add3A_1023 = arith.constant 12 : i32
        %add3A_1024 = arith.addi %mul3A_64, %add3A_1023 : i32
        %get3A_1025 = arith.index_cast %add3A_1024 : i32 to index
        %get3A_1026 = arith.constant 0 : index
        %get3A_1027 = tpu.vector_load %arg17[%get3A_1025, %get3A_1026] {strides = array<i32>} : memref<128x128xf32, #tpu.memory_space<vmem>>, vector<16xf32>,
        %mul3A_1028 = vector.broadcast %squeeze3A_1011 : f32 to vector<16xf32>
        %mul3A_1029 = arith.mulf %get3A_1027, %mul3A_1028 : vector<16xf32>
        %swap3A_1030 = arith.index_cast %add3A_1024 : i32 to index
        %swap3A_1031 = arith.constant 0 : index
        %swap3A_1032 = tpu.vector_load %arg17[%swap3A_1030, %swap3A_1031] {strides = array<i32>} : memref<128x128xf32, #tpu.memory_space<vmem>>, vector<16xf32>,
        tpu.vector_store %arg17[%swap3A_1030, %swap3A_1031], %mul3A_1029 {strides = array<i32>} : memref<128x128xf32, #tpu.memory_space<vmem>>, vector<16xf32>,
        %get3A_1033 = arith.index_cast %add3A_1024 : i32 to index
        %get3A_1034 = arith.constant 16 : index
        %get3A_1035 = tpu.vector_load %arg17[%get3A_1033, %get3A_1034] {strides = array<i32>} : memref<128x128xf32, #tpu.memory_space<vmem>>, vector<16xf32>,
        %mul3A_1036 = vector.broadcast %squeeze3A_1011 : f32 to vector<16xf32>
        %mul3A_1037 = arith.mulf %get3A_1035, %mul3A_1036 : vector<16xf32>
        %swap3A_1038 = arith.index_cast %add3A_1024 : i32 to index
        %swap3A_1039 = arith.constant 16 : index
        %swap3A_1040 = tpu.vector_load %arg17[%swap3A_1038, %swap3A_1039] {strides = array<i32>} : memref<128x128xf32, #tpu.memory_space<vmem>>, vector<16xf32>,
        tpu.vector_store %arg17[%swap3A_1038, %swap3A_1039], %mul3A_1037 {strides = array<i32>} : memref<128x128xf32, #tpu.memory_space<vmem>>, vector<16xf32>,
        %get3A_1041 = arith.index_cast %add3A_1024 : i32 to index
        %get3A_1042 = arith.constant 32 : index
        %get3A_1043 = tpu.vector_load %arg17[%get3A_1041, %get3A_1042] {strides = array<i32>} : memref<128x128xf32, #tpu.memory_space<vmem>>, vector<16xf32>,
        %mul3A_1044 = vector.broadcast %squeeze3A_1011 : f32 to vector<16xf32>
        %mul3A_1045 = arith.mulf %get3A_1043, %mul3A_1044 : vector<16xf32>
        %swap3A_1046 = arith.index_cast %add3A_1024 : i32 to index
        %swap3A_1047 = arith.constant 32 : index
        %swap3A_1048 = tpu.vector_load %arg17[%swap3A_1046, %swap3A_1047] {strides = array<i32>} : memref<128x128xf32, #tpu.memory_space<vmem>>, vector<16xf32>,
        tpu.vector_store %arg17[%swap3A_1046, %swap3A_1047], %mul3A_1045 {strides = array<i32>} : memref<128x128xf32, #tpu.memory_space<vmem>>, vector<16xf32>,
        %get3A_1049 = arith.index_cast %add3A_1024 : i32 to index
        %get3A_1050 = arith.constant 48 : index
        %get3A_1051 = tpu.vector_load %arg17[%get3A_1049, %get3A_1050] {strides = array<i32>} : memref<128x128xf32, #tpu.memory_space<vmem>>, vector<16xf32>,
        %mul3A_1052 = vector.broadcast %squeeze3A_1011 : f32 to vector<16xf32>
        %mul3A_1053 = arith.mulf %get3A_1051, %mul3A_1052 : vector<16xf32>
        %swap3A_1054 = arith.index_cast %add3A_1024 : i32 to index
        %swap3A_1055 = arith.constant 48 : index
        %swap3A_1056 = tpu.vector_load %arg17[%swap3A_1054, %swap3A_1055] {strides = array<i32>} : memref<128x128xf32, #tpu.memory_space<vmem>>, vector<16xf32>,
        tpu.vector_store %arg17[%swap3A_1054, %swap3A_1055], %mul3A_1053 {strides = array<i32>} : memref<128x128xf32, #tpu.memory_space<vmem>>, vector<16xf32>,
        %get3A_1057 = arith.index_cast %add3A_1024 : i32 to index
        %get3A_1058 = arith.constant 64 : index
        %get3A_1059 = tpu.vector_load %arg17[%get3A_1057, %get3A_1058] {strides = array<i32>} : memref<128x128xf32, #tpu.memory_space<vmem>>, vector<16xf32>,
        %mul3A_1060 = vector.broadcast %squeeze3A_1011 : f32 to vector<16xf32>
        %mul3A_1061 = arith.mulf %get3A_1059, %mul3A_1060 : vector<16xf32>
        %swap3A_1062 = arith.index_cast %add3A_1024 : i32 to index
        %swap3A_1063 = arith.constant 64 : index
        %swap3A_1064 = tpu.vector_load %arg17[%swap3A_1062, %swap3A_1063] {strides = array<i32>} : memref<128x128xf32, #tpu.memory_space<vmem>>, vector<16xf32>,
        tpu.vector_store %arg17[%swap3A_1062, %swap3A_1063], %mul3A_1061 {strides = array<i32>} : memref<128x128xf32, #tpu.memory_space<vmem>>, vector<16xf32>,
        %get3A_1065 = arith.index_cast %add3A_1024 : i32 to index
        %get3A_1066 = arith.constant 80 : index
        %get3A_1067 = tpu.vector_load %arg17[%get3A_1065, %get3A_1066] {strides = array<i32>} : memref<128x128xf32, #tpu.memory_space<vmem>>, vector<16xf32>,
        %mul3A_1068 = vector.broadcast %squeeze3A_1011 : f32 to vector<16xf32>
        %mul3A_1069 = arith.mulf %get3A_1067, %mul3A_1068 : vector<16xf32>
        %swap3A_1070 = arith.index_cast %add3A_1024 : i32 to index
        %swap3A_1071 = arith.constant 80 : index
        %swap3A_1072 = tpu.vector_load %arg17[%swap3A_1070, %swap3A_1071] {strides = array<i32>} : memref<128x128xf32, #tpu.memory_space<vmem>>, vector<16xf32>,
        tpu.vector_store %arg17[%swap3A_1070, %swap3A_1071], %mul3A_1069 {strides = array<i32>} : memref<128x128xf32, #tpu.memory_space<vmem>>, vector<16xf32>,
        %get3A_1073 = arith.index_cast %add3A_1024 : i32 to index
        %get3A_1074 = arith.constant 96 : index
        %get3A_1075 = tpu.vector_load %arg17[%get3A_1073, %get3A_1074] {strides = array<i32>} : memref<128x128xf32, #tpu.memory_space<vmem>>, vector<16xf32>,
        %mul3A_1076 = vector.broadcast %squeeze3A_1011 : f32 to vector<16xf32>
        %mul3A_1077 = arith.mulf %get3A_1075, %mul3A_1076 : vector<16xf32>
        %swap3A_1078 = arith.index_cast %add3A_1024 : i32 to index
        %swap3A_1079 = arith.constant 96 : index
        %swap3A_1080 = tpu.vector_load %arg17[%swap3A_1078, %swap3A_1079] {strides = array<i32>} : memref<128x128xf32, #tpu.memory_space<vmem>>, vector<16xf32>,
        tpu.vector_store %arg17[%swap3A_1078, %swap3A_1079], %mul3A_1077 {strides = array<i32>} : memref<128x128xf32, #tpu.memory_space<vmem>>, vector<16xf32>,
        %get3A_1081 = arith.index_cast %add3A_1024 : i32 to index
        %get3A_1082 = arith.constant 112 : index
        %get3A_1083 = tpu.vector_load %arg17[%get3A_1081, %get3A_1082] {strides = array<i32>} : memref<128x128xf32, #tpu.memory_space<vmem>>, vector<16xf32>,
        %mul3A_1084 = vector.broadcast %squeeze3A_1011 : f32 to vector<16xf32>
        %mul3A_1085 = arith.mulf %get3A_1083, %mul3A_1084 : vector<16xf32>
        %swap3A_1086 = arith.index_cast %add3A_1024 : i32 to index
        %swap3A_1087 = arith.constant 112 : index
        %swap3A_1088 = tpu.vector_load %arg17[%swap3A_1086, %swap3A_1087] {strides = array<i32>} : memref<128x128xf32, #tpu.memory_space<vmem>>, vector<16xf32>,
        tpu.vector_store %arg17[%swap3A_1086, %swap3A_1087], %mul3A_1085 {strides = array<i32>} : memref<128x128xf32, #tpu.memory_space<vmem>>, vector<16xf32>,
        %slice3A_1089 = vector.extract_strided_slice %get3A_65 {offsets = [13], sizes = [1], strides = [1]} : vector<16xf32> to vector<1xf32>
        %squeeze3A_1090 = vector.extract %slice3A_1089[0] : f32 from vector<1xf32>
        %slice3A_1091 = vector.extract_strided_slice %get3A_67 {offsets = [13], sizes = [1], strides = [1]} : vector<16xi32> to vector<1xi32>
        %squeeze3A_1092 = vector.extract %slice3A_1091[0] : i32 from vector<1xi32>
        %eq3A_1093 = arith.constant 0 : i32
        %eq3A_1094 = vector.broadcast %eq3A_1093 : i32 to vector<16xi32>
        %eq3A_1095 = arith.cmpi eq, %iota3A, %eq3A_1094 : vector<16xi32>
        %jit3A_1096 = arith.constant 0.000000e+00 : f32
        %broadcast_in_dim3A_1097 = vector.broadcast %squeeze3A_1090 : f32 to vector<16xf32>
        %broadcast_in_dim3A_1098 = vector.broadcast %jit3A_1096 : f32 to vector<16xf32>
        %select_n3A_1099 = arith.select %eq3A_1095, %broadcast_in_dim3A_1097, %broadcast_in_dim3A_1098 : vector<16xi1>, vector<16xf32>
        %swap3A_1100 = arith.index_cast %squeeze3A_1092 : i32 to index
        %swap3A_1101 = tpu.vector_load %arg12[%swap3A_1100] {strides = array<i32>} : memref<10256xf32, #tpu.memory_space<vmem>>, vector<16xf32>,
        tpu.vector_store %arg12[%swap3A_1100], %select_n3A_1099 {add = true, strides = array<i32>} : memref<10256xf32, #tpu.memory_space<vmem>>, vector<16xf32>,
        %add3A_1102 = arith.constant 13 : i32
        %add3A_1103 = arith.addi %mul3A_64, %add3A_1102 : i32
        %get3A_1104 = arith.index_cast %add3A_1103 : i32 to index
        %get3A_1105 = arith.constant 0 : index
        %get3A_1106 = tpu.vector_load %arg17[%get3A_1104, %get3A_1105] {strides = array<i32>} : memref<128x128xf32, #tpu.memory_space<vmem>>, vector<16xf32>,
        %mul3A_1107 = vector.broadcast %squeeze3A_1090 : f32 to vector<16xf32>
        %mul3A_1108 = arith.mulf %get3A_1106, %mul3A_1107 : vector<16xf32>
        %swap3A_1109 = arith.index_cast %add3A_1103 : i32 to index
        %swap3A_1110 = arith.constant 0 : index
        %swap3A_1111 = tpu.vector_load %arg17[%swap3A_1109, %swap3A_1110] {strides = array<i32>} : memref<128x128xf32, #tpu.memory_space<vmem>>, vector<16xf32>,
        tpu.vector_store %arg17[%swap3A_1109, %swap3A_1110], %mul3A_1108 {strides = array<i32>} : memref<128x128xf32, #tpu.memory_space<vmem>>, vector<16xf32>,
        %get3A_1112 = arith.index_cast %add3A_1103 : i32 to index
        %get3A_1113 = arith.constant 16 : index
        %get3A_1114 = tpu.vector_load %arg17[%get3A_1112, %get3A_1113] {strides = array<i32>} : memref<128x128xf32, #tpu.memory_space<vmem>>, vector<16xf32>,
        %mul3A_1115 = vector.broadcast %squeeze3A_1090 : f32 to vector<16xf32>
        %mul3A_1116 = arith.mulf %get3A_1114, %mul3A_1115 : vector<16xf32>
        %swap3A_1117 = arith.index_cast %add3A_1103 : i32 to index
        %swap3A_1118 = arith.constant 16 : index
        %swap3A_1119 = tpu.vector_load %arg17[%swap3A_1117, %swap3A_1118] {strides = array<i32>} : memref<128x128xf32, #tpu.memory_space<vmem>>, vector<16xf32>,
        tpu.vector_store %arg17[%swap3A_1117, %swap3A_1118], %mul3A_1116 {strides = array<i32>} : memref<128x128xf32, #tpu.memory_space<vmem>>, vector<16xf32>,
        %get3A_1120 = arith.index_cast %add3A_1103 : i32 to index
        %get3A_1121 = arith.constant 32 : index
        %get3A_1122 = tpu.vector_load %arg17[%get3A_1120, %get3A_1121] {strides = array<i32>} : memref<128x128xf32, #tpu.memory_space<vmem>>, vector<16xf32>,
        %mul3A_1123 = vector.broadcast %squeeze3A_1090 : f32 to vector<16xf32>
        %mul3A_1124 = arith.mulf %get3A_1122, %mul3A_1123 : vector<16xf32>
        %swap3A_1125 = arith.index_cast %add3A_1103 : i32 to index
        %swap3A_1126 = arith.constant 32 : index
        %swap3A_1127 = tpu.vector_load %arg17[%swap3A_1125, %swap3A_1126] {strides = array<i32>} : memref<128x128xf32, #tpu.memory_space<vmem>>, vector<16xf32>,
        tpu.vector_store %arg17[%swap3A_1125, %swap3A_1126], %mul3A_1124 {strides = array<i32>} : memref<128x128xf32, #tpu.memory_space<vmem>>, vector<16xf32>,
        %get3A_1128 = arith.index_cast %add3A_1103 : i32 to index
        %get3A_1129 = arith.constant 48 : index
        %get3A_1130 = tpu.vector_load %arg17[%get3A_1128, %get3A_1129] {strides = array<i32>} : memref<128x128xf32, #tpu.memory_space<vmem>>, vector<16xf32>,
        %mul3A_1131 = vector.broadcast %squeeze3A_1090 : f32 to vector<16xf32>
        %mul3A_1132 = arith.mulf %get3A_1130, %mul3A_1131 : vector<16xf32>
        %swap3A_1133 = arith.index_cast %add3A_1103 : i32 to index
        %swap3A_1134 = arith.constant 48 : index
        %swap3A_1135 = tpu.vector_load %arg17[%swap3A_1133, %swap3A_1134] {strides = array<i32>} : memref<128x128xf32, #tpu.memory_space<vmem>>, vector<16xf32>,
        tpu.vector_store %arg17[%swap3A_1133, %swap3A_1134], %mul3A_1132 {strides = array<i32>} : memref<128x128xf32, #tpu.memory_space<vmem>>, vector<16xf32>,
        %get3A_1136 = arith.index_cast %add3A_1103 : i32 to index
        %get3A_1137 = arith.constant 64 : index
        %get3A_1138 = tpu.vector_load %arg17[%get3A_1136, %get3A_1137] {strides = array<i32>} : memref<128x128xf32, #tpu.memory_space<vmem>>, vector<16xf32>,
        %mul3A_1139 = vector.broadcast %squeeze3A_1090 : f32 to vector<16xf32>
        %mul3A_1140 = arith.mulf %get3A_1138, %mul3A_1139 : vector<16xf32>
        %swap3A_1141 = arith.index_cast %add3A_1103 : i32 to index
        %swap3A_1142 = arith.constant 64 : index
        %swap3A_1143 = tpu.vector_load %arg17[%swap3A_1141, %swap3A_1142] {strides = array<i32>} : memref<128x128xf32, #tpu.memory_space<vmem>>, vector<16xf32>,
        tpu.vector_store %arg17[%swap3A_1141, %swap3A_1142], %mul3A_1140 {strides = array<i32>} : memref<128x128xf32, #tpu.memory_space<vmem>>, vector<16xf32>,
        %get3A_1144 = arith.index_cast %add3A_1103 : i32 to index
        %get3A_1145 = arith.constant 80 : index
        %get3A_1146 = tpu.vector_load %arg17[%get3A_1144, %get3A_1145] {strides = array<i32>} : memref<128x128xf32, #tpu.memory_space<vmem>>, vector<16xf32>,
        %mul3A_1147 = vector.broadcast %squeeze3A_1090 : f32 to vector<16xf32>
        %mul3A_1148 = arith.mulf %get3A_1146, %mul3A_1147 : vector<16xf32>
        %swap3A_1149 = arith.index_cast %add3A_1103 : i32 to index
        %swap3A_1150 = arith.constant 80 : index
        %swap3A_1151 = tpu.vector_load %arg17[%swap3A_1149, %swap3A_1150] {strides = array<i32>} : memref<128x128xf32, #tpu.memory_space<vmem>>, vector<16xf32>,
        tpu.vector_store %arg17[%swap3A_1149, %swap3A_1150], %mul3A_1148 {strides = array<i32>} : memref<128x128xf32, #tpu.memory_space<vmem>>, vector<16xf32>,
        %get3A_1152 = arith.index_cast %add3A_1103 : i32 to index
        %get3A_1153 = arith.constant 96 : index
        %get3A_1154 = tpu.vector_load %arg17[%get3A_1152, %get3A_1153] {strides = array<i32>} : memref<128x128xf32, #tpu.memory_space<vmem>>, vector<16xf32>,
        %mul3A_1155 = vector.broadcast %squeeze3A_1090 : f32 to vector<16xf32>
        %mul3A_1156 = arith.mulf %get3A_1154, %mul3A_1155 : vector<16xf32>
        %swap3A_1157 = arith.index_cast %add3A_1103 : i32 to index
        %swap3A_1158 = arith.constant 96 : index
        %swap3A_1159 = tpu.vector_load %arg17[%swap3A_1157, %swap3A_1158] {strides = array<i32>} : memref<128x128xf32, #tpu.memory_space<vmem>>, vector<16xf32>,
        tpu.vector_store %arg17[%swap3A_1157, %swap3A_1158], %mul3A_1156 {strides = array<i32>} : memref<128x128xf32, #tpu.memory_space<vmem>>, vector<16xf32>,
        %get3A_1160 = arith.index_cast %add3A_1103 : i32 to index
        %get3A_1161 = arith.constant 112 : index
        %get3A_1162 = tpu.vector_load %arg17[%get3A_1160, %get3A_1161] {strides = array<i32>} : memref<128x128xf32, #tpu.memory_space<vmem>>, vector<16xf32>,
        %mul3A_1163 = vector.broadcast %squeeze3A_1090 : f32 to vector<16xf32>
        %mul3A_1164 = arith.mulf %get3A_1162, %mul3A_1163 : vector<16xf32>
        %swap3A_1165 = arith.index_cast %add3A_1103 : i32 to index
        %swap3A_1166 = arith.constant 112 : index
        %swap3A_1167 = tpu.vector_load %arg17[%swap3A_1165, %swap3A_1166] {strides = array<i32>} : memref<128x128xf32, #tpu.memory_space<vmem>>, vector<16xf32>,
        tpu.vector_store %arg17[%swap3A_1165, %swap3A_1166], %mul3A_1164 {strides = array<i32>} : memref<128x128xf32, #tpu.memory_space<vmem>>, vector<16xf32>,
        %slice3A_1168 = vector.extract_strided_slice %get3A_65 {offsets = [14], sizes = [1], strides = [1]} : vector<16xf32> to vector<1xf32>
        %squeeze3A_1169 = vector.extract %slice3A_1168[0] : f32 from vector<1xf32>
        %slice3A_1170 = vector.extract_strided_slice %get3A_67 {offsets = [14], sizes = [1], strides = [1]} : vector<16xi32> to vector<1xi32>
        %squeeze3A_1171 = vector.extract %slice3A_1170[0] : i32 from vector<1xi32>
        %eq3A_1172 = arith.constant 0 : i32
        %eq3A_1173 = vector.broadcast %eq3A_1172 : i32 to vector<16xi32>
        %eq3A_1174 = arith.cmpi eq, %iota3A, %eq3A_1173 : vector<16xi32>
        %jit3A_1175 = arith.constant 0.000000e+00 : f32
        %broadcast_in_dim3A_1176 = vector.broadcast %squeeze3A_1169 : f32 to vector<16xf32>
        %broadcast_in_dim3A_1177 = vector.broadcast %jit3A_1175 : f32 to vector<16xf32>
        %select_n3A_1178 = arith.select %eq3A_1174, %broadcast_in_dim3A_1176, %broadcast_in_dim3A_1177 : vector<16xi1>, vector<16xf32>
        %swap3A_1179 = arith.index_cast %squeeze3A_1171 : i32 to index
        %swap3A_1180 = tpu.vector_load %arg12[%swap3A_1179] {strides = array<i32>} : memref<10256xf32, #tpu.memory_space<vmem>>, vector<16xf32>,
        tpu.vector_store %arg12[%swap3A_1179], %select_n3A_1178 {add = true, strides = array<i32>} : memref<10256xf32, #tpu.memory_space<vmem>>, vector<16xf32>,
        %add3A_1181 = arith.constant 14 : i32
        %add3A_1182 = arith.addi %mul3A_64, %add3A_1181 : i32
        %get3A_1183 = arith.index_cast %add3A_1182 : i32 to index
        %get3A_1184 = arith.constant 0 : index
        %get3A_1185 = tpu.vector_load %arg17[%get3A_1183, %get3A_1184] {strides = array<i32>} : memref<128x128xf32, #tpu.memory_space<vmem>>, vector<16xf32>,
        %mul3A_1186 = vector.broadcast %squeeze3A_1169 : f32 to vector<16xf32>
        %mul3A_1187 = arith.mulf %get3A_1185, %mul3A_1186 : vector<16xf32>
        %swap3A_1188 = arith.index_cast %add3A_1182 : i32 to index
        %swap3A_1189 = arith.constant 0 : index
        %swap3A_1190 = tpu.vector_load %arg17[%swap3A_1188, %swap3A_1189] {strides = array<i32>} : memref<128x128xf32, #tpu.memory_space<vmem>>, vector<16xf32>,
        tpu.vector_store %arg17[%swap3A_1188, %swap3A_1189], %mul3A_1187 {strides = array<i32>} : memref<128x128xf32, #tpu.memory_space<vmem>>, vector<16xf32>,
        %get3A_1191 = arith.index_cast %add3A_1182 : i32 to index
        %get3A_1192 = arith.constant 16 : index
        %get3A_1193 = tpu.vector_load %arg17[%get3A_1191, %get3A_1192] {strides = array<i32>} : memref<128x128xf32, #tpu.memory_space<vmem>>, vector<16xf32>,
        %mul3A_1194 = vector.broadcast %squeeze3A_1169 : f32 to vector<16xf32>
        %mul3A_1195 = arith.mulf %get3A_1193, %mul3A_1194 : vector<16xf32>
        %swap3A_1196 = arith.index_cast %add3A_1182 : i32 to index
        %swap3A_1197 = arith.constant 16 : index
        %swap3A_1198 = tpu.vector_load %arg17[%swap3A_1196, %swap3A_1197] {strides = array<i32>} : memref<128x128xf32, #tpu.memory_space<vmem>>, vector<16xf32>,
        tpu.vector_store %arg17[%swap3A_1196, %swap3A_1197], %mul3A_1195 {strides = array<i32>} : memref<128x128xf32, #tpu.memory_space<vmem>>, vector<16xf32>,
        %get3A_1199 = arith.index_cast %add3A_1182 : i32 to index
        %get3A_1200 = arith.constant 32 : index
        %get3A_1201 = tpu.vector_load %arg17[%get3A_1199, %get3A_1200] {strides = array<i32>} : memref<128x128xf32, #tpu.memory_space<vmem>>, vector<16xf32>,
        %mul3A_1202 = vector.broadcast %squeeze3A_1169 : f32 to vector<16xf32>
        %mul3A_1203 = arith.mulf %get3A_1201, %mul3A_1202 : vector<16xf32>
        %swap3A_1204 = arith.index_cast %add3A_1182 : i32 to index
        %swap3A_1205 = arith.constant 32 : index
        %swap3A_1206 = tpu.vector_load %arg17[%swap3A_1204, %swap3A_1205] {strides = array<i32>} : memref<128x128xf32, #tpu.memory_space<vmem>>, vector<16xf32>,
        tpu.vector_store %arg17[%swap3A_1204, %swap3A_1205], %mul3A_1203 {strides = array<i32>} : memref<128x128xf32, #tpu.memory_space<vmem>>, vector<16xf32>,
        %get3A_1207 = arith.index_cast %add3A_1182 : i32 to index
        %get3A_1208 = arith.constant 48 : index
        %get3A_1209 = tpu.vector_load %arg17[%get3A_1207, %get3A_1208] {strides = array<i32>} : memref<128x128xf32, #tpu.memory_space<vmem>>, vector<16xf32>,
        %mul3A_1210 = vector.broadcast %squeeze3A_1169 : f32 to vector<16xf32>
        %mul3A_1211 = arith.mulf %get3A_1209, %mul3A_1210 : vector<16xf32>
        %swap3A_1212 = arith.index_cast %add3A_1182 : i32 to index
        %swap3A_1213 = arith.constant 48 : index
        %swap3A_1214 = tpu.vector_load %arg17[%swap3A_1212, %swap3A_1213] {strides = array<i32>} : memref<128x128xf32, #tpu.memory_space<vmem>>, vector<16xf32>,
        tpu.vector_store %arg17[%swap3A_1212, %swap3A_1213], %mul3A_1211 {strides = array<i32>} : memref<128x128xf32, #tpu.memory_space<vmem>>, vector<16xf32>,
        %get3A_1215 = arith.index_cast %add3A_1182 : i32 to index
        %get3A_1216 = arith.constant 64 : index
        %get3A_1217 = tpu.vector_load %arg17[%get3A_1215, %get3A_1216] {strides = array<i32>} : memref<128x128xf32, #tpu.memory_space<vmem>>, vector<16xf32>,
        %mul3A_1218 = vector.broadcast %squeeze3A_1169 : f32 to vector<16xf32>
        %mul3A_1219 = arith.mulf %get3A_1217, %mul3A_1218 : vector<16xf32>
        %swap3A_1220 = arith.index_cast %add3A_1182 : i32 to index
        %swap3A_1221 = arith.constant 64 : index
        %swap3A_1222 = tpu.vector_load %arg17[%swap3A_1220, %swap3A_1221] {strides = array<i32>} : memref<128x128xf32, #tpu.memory_space<vmem>>, vector<16xf32>,
        tpu.vector_store %arg17[%swap3A_1220, %swap3A_1221], %mul3A_1219 {strides = array<i32>} : memref<128x128xf32, #tpu.memory_space<vmem>>, vector<16xf32>,
        %get3A_1223 = arith.index_cast %add3A_1182 : i32 to index
        %get3A_1224 = arith.constant 80 : index
        %get3A_1225 = tpu.vector_load %arg17[%get3A_1223, %get3A_1224] {strides = array<i32>} : memref<128x128xf32, #tpu.memory_space<vmem>>, vector<16xf32>,
        %mul3A_1226 = vector.broadcast %squeeze3A_1169 : f32 to vector<16xf32>
        %mul3A_1227 = arith.mulf %get3A_1225, %mul3A_1226 : vector<16xf32>
        %swap3A_1228 = arith.index_cast %add3A_1182 : i32 to index
        %swap3A_1229 = arith.constant 80 : index
        %swap3A_1230 = tpu.vector_load %arg17[%swap3A_1228, %swap3A_1229] {strides = array<i32>} : memref<128x128xf32, #tpu.memory_space<vmem>>, vector<16xf32>,
        tpu.vector_store %arg17[%swap3A_1228, %swap3A_1229], %mul3A_1227 {strides = array<i32>} : memref<128x128xf32, #tpu.memory_space<vmem>>, vector<16xf32>,
        %get3A_1231 = arith.index_cast %add3A_1182 : i32 to index
        %get3A_1232 = arith.constant 96 : index
        %get3A_1233 = tpu.vector_load %arg17[%get3A_1231, %get3A_1232] {strides = array<i32>} : memref<128x128xf32, #tpu.memory_space<vmem>>, vector<16xf32>,
        %mul3A_1234 = vector.broadcast %squeeze3A_1169 : f32 to vector<16xf32>
        %mul3A_1235 = arith.mulf %get3A_1233, %mul3A_1234 : vector<16xf32>
        %swap3A_1236 = arith.index_cast %add3A_1182 : i32 to index
        %swap3A_1237 = arith.constant 96 : index
        %swap3A_1238 = tpu.vector_load %arg17[%swap3A_1236, %swap3A_1237] {strides = array<i32>} : memref<128x128xf32, #tpu.memory_space<vmem>>, vector<16xf32>,
        tpu.vector_store %arg17[%swap3A_1236, %swap3A_1237], %mul3A_1235 {strides = array<i32>} : memref<128x128xf32, #tpu.memory_space<vmem>>, vector<16xf32>,
        %get3A_1239 = arith.index_cast %add3A_1182 : i32 to index
        %get3A_1240 = arith.constant 112 : index
        %get3A_1241 = tpu.vector_load %arg17[%get3A_1239, %get3A_1240] {strides = array<i32>} : memref<128x128xf32, #tpu.memory_space<vmem>>, vector<16xf32>,
        %mul3A_1242 = vector.broadcast %squeeze3A_1169 : f32 to vector<16xf32>
        %mul3A_1243 = arith.mulf %get3A_1241, %mul3A_1242 : vector<16xf32>
        %swap3A_1244 = arith.index_cast %add3A_1182 : i32 to index
        %swap3A_1245 = arith.constant 112 : index
        %swap3A_1246 = tpu.vector_load %arg17[%swap3A_1244, %swap3A_1245] {strides = array<i32>} : memref<128x128xf32, #tpu.memory_space<vmem>>, vector<16xf32>,
        tpu.vector_store %arg17[%swap3A_1244, %swap3A_1245], %mul3A_1243 {strides = array<i32>} : memref<128x128xf32, #tpu.memory_space<vmem>>, vector<16xf32>,
        %slice3A_1247 = vector.extract_strided_slice %get3A_65 {offsets = [15], sizes = [1], strides = [1]} : vector<16xf32> to vector<1xf32>
        %squeeze3A_1248 = vector.extract %slice3A_1247[0] : f32 from vector<1xf32>
        %slice3A_1249 = vector.extract_strided_slice %get3A_67 {offsets = [15], sizes = [1], strides = [1]} : vector<16xi32> to vector<1xi32>
        %squeeze3A_1250 = vector.extract %slice3A_1249[0] : i32 from vector<1xi32>
        %eq3A_1251 = arith.constant 0 : i32
        %eq3A_1252 = vector.broadcast %eq3A_1251 : i32 to vector<16xi32>
        %eq3A_1253 = arith.cmpi eq, %iota3A, %eq3A_1252 : vector<16xi32>
        %jit3A_1254 = arith.constant 0.000000e+00 : f32
        %broadcast_in_dim3A_1255 = vector.broadcast %squeeze3A_1248 : f32 to vector<16xf32>
        %broadcast_in_dim3A_1256 = vector.broadcast %jit3A_1254 : f32 to vector<16xf32>
        %select_n3A_1257 = arith.select %eq3A_1253, %broadcast_in_dim3A_1255, %broadcast_in_dim3A_1256 : vector<16xi1>, vector<16xf32>
        %swap3A_1258 = arith.index_cast %squeeze3A_1250 : i32 to index
        %swap3A_1259 = tpu.vector_load %arg12[%swap3A_1258] {strides = array<i32>} : memref<10256xf32, #tpu.memory_space<vmem>>, vector<16xf32>,
        tpu.vector_store %arg12[%swap3A_1258], %select_n3A_1257 {add = true, strides = array<i32>} : memref<10256xf32, #tpu.memory_space<vmem>>, vector<16xf32>,
        %add3A_1260 = arith.constant 15 : i32
        %add3A_1261 = arith.addi %mul3A_64, %add3A_1260 : i32
        %get3A_1262 = arith.index_cast %add3A_1261 : i32 to index
        %get3A_1263 = arith.constant 0 : index
        %get3A_1264 = tpu.vector_load %arg17[%get3A_1262, %get3A_1263] {strides = array<i32>} : memref<128x128xf32, #tpu.memory_space<vmem>>, vector<16xf32>,
        %mul3A_1265 = vector.broadcast %squeeze3A_1248 : f32 to vector<16xf32>
        %mul3A_1266 = arith.mulf %get3A_1264, %mul3A_1265 : vector<16xf32>
        %swap3A_1267 = arith.index_cast %add3A_1261 : i32 to index
        %swap3A_1268 = arith.constant 0 : index
        %swap3A_1269 = tpu.vector_load %arg17[%swap3A_1267, %swap3A_1268] {strides = array<i32>} : memref<128x128xf32, #tpu.memory_space<vmem>>, vector<16xf32>,
        tpu.vector_store %arg17[%swap3A_1267, %swap3A_1268], %mul3A_1266 {strides = array<i32>} : memref<128x128xf32, #tpu.memory_space<vmem>>, vector<16xf32>,
        %get3A_1270 = arith.index_cast %add3A_1261 : i32 to index
        %get3A_1271 = arith.constant 16 : index
        %get3A_1272 = tpu.vector_load %arg17[%get3A_1270, %get3A_1271] {strides = array<i32>} : memref<128x128xf32, #tpu.memory_space<vmem>>, vector<16xf32>,
        %mul3A_1273 = vector.broadcast %squeeze3A_1248 : f32 to vector<16xf32>
        %mul3A_1274 = arith.mulf %get3A_1272, %mul3A_1273 : vector<16xf32>
        %swap3A_1275 = arith.index_cast %add3A_1261 : i32 to index
        %swap3A_1276 = arith.constant 16 : index
        %swap3A_1277 = tpu.vector_load %arg17[%swap3A_1275, %swap3A_1276] {strides = array<i32>} : memref<128x128xf32, #tpu.memory_space<vmem>>, vector<16xf32>,
        tpu.vector_store %arg17[%swap3A_1275, %swap3A_1276], %mul3A_1274 {strides = array<i32>} : memref<128x128xf32, #tpu.memory_space<vmem>>, vector<16xf32>,
        %get3A_1278 = arith.index_cast %add3A_1261 : i32 to index
        %get3A_1279 = arith.constant 32 : index
        %get3A_1280 = tpu.vector_load %arg17[%get3A_1278, %get3A_1279] {strides = array<i32>} : memref<128x128xf32, #tpu.memory_space<vmem>>, vector<16xf32>,
        %mul3A_1281 = vector.broadcast %squeeze3A_1248 : f32 to vector<16xf32>
        %mul3A_1282 = arith.mulf %get3A_1280, %mul3A_1281 : vector<16xf32>
        %swap3A_1283 = arith.index_cast %add3A_1261 : i32 to index
        %swap3A_1284 = arith.constant 32 : index
        %swap3A_1285 = tpu.vector_load %arg17[%swap3A_1283, %swap3A_1284] {strides = array<i32>} : memref<128x128xf32, #tpu.memory_space<vmem>>, vector<16xf32>,
        tpu.vector_store %arg17[%swap3A_1283, %swap3A_1284], %mul3A_1282 {strides = array<i32>} : memref<128x128xf32, #tpu.memory_space<vmem>>, vector<16xf32>,
        %get3A_1286 = arith.index_cast %add3A_1261 : i32 to index
        %get3A_1287 = arith.constant 48 : index
        %get3A_1288 = tpu.vector_load %arg17[%get3A_1286, %get3A_1287] {strides = array<i32>} : memref<128x128xf32, #tpu.memory_space<vmem>>, vector<16xf32>,
        %mul3A_1289 = vector.broadcast %squeeze3A_1248 : f32 to vector<16xf32>
        %mul3A_1290 = arith.mulf %get3A_1288, %mul3A_1289 : vector<16xf32>
        %swap3A_1291 = arith.index_cast %add3A_1261 : i32 to index
        %swap3A_1292 = arith.constant 48 : index
        %swap3A_1293 = tpu.vector_load %arg17[%swap3A_1291, %swap3A_1292] {strides = array<i32>} : memref<128x128xf32, #tpu.memory_space<vmem>>, vector<16xf32>,
        tpu.vector_store %arg17[%swap3A_1291, %swap3A_1292], %mul3A_1290 {strides = array<i32>} : memref<128x128xf32, #tpu.memory_space<vmem>>, vector<16xf32>,
        %get3A_1294 = arith.index_cast %add3A_1261 : i32 to index
        %get3A_1295 = arith.constant 64 : index
        %get3A_1296 = tpu.vector_load %arg17[%get3A_1294, %get3A_1295] {strides = array<i32>} : memref<128x128xf32, #tpu.memory_space<vmem>>, vector<16xf32>,
        %mul3A_1297 = vector.broadcast %squeeze3A_1248 : f32 to vector<16xf32>
        %mul3A_1298 = arith.mulf %get3A_1296, %mul3A_1297 : vector<16xf32>
        %swap3A_1299 = arith.index_cast %add3A_1261 : i32 to index
        %swap3A_1300 = arith.constant 64 : index
        %swap3A_1301 = tpu.vector_load %arg17[%swap3A_1299, %swap3A_1300] {strides = array<i32>} : memref<128x128xf32, #tpu.memory_space<vmem>>, vector<16xf32>,
        tpu.vector_store %arg17[%swap3A_1299, %swap3A_1300], %mul3A_1298 {strides = array<i32>} : memref<128x128xf32, #tpu.memory_space<vmem>>, vector<16xf32>,
        %get3A_1302 = arith.index_cast %add3A_1261 : i32 to index
        %get3A_1303 = arith.constant 80 : index
        %get3A_1304 = tpu.vector_load %arg17[%get3A_1302, %get3A_1303] {strides = array<i32>} : memref<128x128xf32, #tpu.memory_space<vmem>>, vector<16xf32>,
        %mul3A_1305 = vector.broadcast %squeeze3A_1248 : f32 to vector<16xf32>
        %mul3A_1306 = arith.mulf %get3A_1304, %mul3A_1305 : vector<16xf32>
        %swap3A_1307 = arith.index_cast %add3A_1261 : i32 to index
        %swap3A_1308 = arith.constant 80 : index
        %swap3A_1309 = tpu.vector_load %arg17[%swap3A_1307, %swap3A_1308] {strides = array<i32>} : memref<128x128xf32, #tpu.memory_space<vmem>>, vector<16xf32>,
        tpu.vector_store %arg17[%swap3A_1307, %swap3A_1308], %mul3A_1306 {strides = array<i32>} : memref<128x128xf32, #tpu.memory_space<vmem>>, vector<16xf32>,
        %get3A_1310 = arith.index_cast %add3A_1261 : i32 to index
        %get3A_1311 = arith.constant 96 : index
        %get3A_1312 = tpu.vector_load %arg17[%get3A_1310, %get3A_1311] {strides = array<i32>} : memref<128x128xf32, #tpu.memory_space<vmem>>, vector<16xf32>,
        %mul3A_1313 = vector.broadcast %squeeze3A_1248 : f32 to vector<16xf32>
        %mul3A_1314 = arith.mulf %get3A_1312, %mul3A_1313 : vector<16xf32>
        %swap3A_1315 = arith.index_cast %add3A_1261 : i32 to index
        %swap3A_1316 = arith.constant 96 : index
        %swap3A_1317 = tpu.vector_load %arg17[%swap3A_1315, %swap3A_1316] {strides = array<i32>} : memref<128x128xf32, #tpu.memory_space<vmem>>, vector<16xf32>,
        tpu.vector_store %arg17[%swap3A_1315, %swap3A_1316], %mul3A_1314 {strides = array<i32>} : memref<128x128xf32, #tpu.memory_space<vmem>>, vector<16xf32>,
        %get3A_1318 = arith.index_cast %add3A_1261 : i32 to index
        %get3A_1319 = arith.constant 112 : index
        %get3A_1320 = tpu.vector_load %arg17[%get3A_1318, %get3A_1319] {strides = array<i32>} : memref<128x128xf32, #tpu.memory_space<vmem>>, vector<16xf32>,
        %mul3A_1321 = vector.broadcast %squeeze3A_1248 : f32 to vector<16xf32>
        %mul3A_1322 = arith.mulf %get3A_1320, %mul3A_1321 : vector<16xf32>
        %swap3A_1323 = arith.index_cast %add3A_1261 : i32 to index
        %swap3A_1324 = arith.constant 112 : index
        %swap3A_1325 = tpu.vector_load %arg17[%swap3A_1323, %swap3A_1324] {strides = array<i32>} : memref<128x128xf32, #tpu.memory_space<vmem>>, vector<16xf32>,
        tpu.vector_store %arg17[%swap3A_1323, %swap3A_1324], %mul3A_1322 {strides = array<i32>} : memref<128x128xf32, #tpu.memory_space<vmem>>, vector<16xf32>,
        %scan3A_1326 = arith.constant 0 : i32
        scf.yield %scan3A_1326 : i32
      }
      %scan3A_59 = arith.constant 8 : i32
      "tpu.region"() ({
        %run_scoped3A = tpu.sem_alloc : memref<!tpu.dma_semaphore, #tpu.memory_space<semaphore_mem>>
        %dma_start3A_61 = arith.constant 0 : i32
        %dma_start3A_62 = arith.constant 0 : i32
        %dma_start3A_63 = tpu.memref_slice %arg18[%dma_start3A_61, %dma_start3A_62] : memref<10240x128xf32, #tpu.memory_space<vmem_shared>> -> memref<10240x128xf32, #tpu.memory_space<vmem_shared>>
        tpu.enqueue_indirect_dma source(%arg17 : memref<128x128xf32, #tpu.memory_space<vmem>>) target(%dma_start3A_63 : memref<10240x128xf32, #tpu.memory_space<vmem_shared>>) offsets(%arg14 : memref<128xi32, #tpu.memory_space<vmem>>) semaphore(%run_scoped3A : memref<!tpu.dma_semaphore, #tpu.memory_space<semaphore_mem>>) {add = true}
        %dma_wait3A_64 = arith.constant 0 : i32
        %dma_wait3A_65 = arith.constant 0 : i32
        %dma_wait3A_66 = tpu.memref_slice %arg18[%dma_wait3A_64, %dma_wait3A_65] : memref<10240x128xf32, #tpu.memory_space<vmem_shared>> -> memref<10240x128xf32, #tpu.memory_space<vmem_shared>>
        tpu.wait_indirect_dma semaphore(%run_scoped3A : memref<!tpu.dma_semaphore, #tpu.memory_space<semaphore_mem>>) src(%arg17 : memref<128x128xf32, #tpu.memory_space<vmem>>) dst(%dma_wait3A_66 : memref<10240x128xf32, #tpu.memory_space<vmem_shared>>)
        tpu.yield
      }) : () -> ()
      %scan3A_60 = arith.constant 0 : i32
      scf.yield %scan3A_60 : i32
    }
    %scan3A_31 = arith.constant 81 : i32
    %barrier3A_32 = arith.constant 0 : index
    tpu.barrier barrier_id(%barrier3A_32)
    "tpu.region"() ({
      %run_scoped3A = tpu.sem_alloc : memref<!tpu.dma_semaphore, #tpu.memory_space<semaphore_mem>>
      %dma_start3A = arith.constant 0 : i32
      %dma_start3A_37 = tpu.memref_slice %arg12[%dma_start3A] : memref<10256xf32, #tpu.memory_space<vmem>> -> memref<10240xf32, #tpu.memory_space<vmem>>
      %dma_start3A_38 = arith.constant 0 : i32
      %dma_start3A_39 = tpu.memref_slice %arg9[%arg0, %arg1, %dma_start3A_38] : memref<2x16x10240xf32, #tpu.memory_space<hbm>> -> memref<1x1x10240xf32, #tpu.memory_space<hbm>>
      %dma_start3A_40 = tpu.memref_squeeze %dma_start3A_39 : memref<1x1x10240xf32, #tpu.memory_space<hbm>> -> memref<10240xf32, #tpu.memory_space<hbm>>
      %dma_start3A_41 = arith.constant 0 : i32
      %dma_start3A_42 = tpu.memref_slice %arg9[%arg0, %arg1, %dma_start3A_41] : memref<2x16x10240xf32, #tpu.memory_space<hbm>> -> memref<1x1x10240xf32, #tpu.memory_space<hbm>>
      %dma_start3A_43 = tpu.memref_squeeze %dma_start3A_42 : memref<1x1x10240xf32, #tpu.memory_space<hbm>> -> memref<10240xf32, #tpu.memory_space<hbm>>
      %dma_start3A_44 = arith.constant 0 : i32
      %dma_start3A_45 = tpu.memref_slice %arg12[%dma_start3A_44] : memref<10256xf32, #tpu.memory_space<vmem>> -> memref<10240xf32, #tpu.memory_space<vmem>>
      tpu.enqueue_dma source(%dma_start3A_45 : memref<10240xf32, #tpu.memory_space<vmem>>) target(%dma_start3A_43 : memref<10240xf32, #tpu.memory_space<hbm>>) target_semaphore(%run_scoped3A : memref<!tpu.dma_semaphore, #tpu.memory_space<semaphore_mem>>)
      %dma_wait3A = arith.constant 0 : i32
      %dma_wait3A_46 = tpu.memref_slice %arg12[%dma_wait3A] : memref<10256xf32, #tpu.memory_space<vmem>> -> memref<10240xf32, #tpu.memory_space<vmem>>
      %dma_wait3A_47 = arith.constant 0 : i32
      %dma_wait3A_48 = tpu.memref_slice %arg9[%arg0, %arg1, %dma_wait3A_47] : memref<2x16x10240xf32, #tpu.memory_space<hbm>> -> memref<1x1x10240xf32, #tpu.memory_space<hbm>>
      %dma_wait3A_49 = tpu.memref_squeeze %dma_wait3A_48 : memref<1x1x10240xf32, #tpu.memory_space<hbm>> -> memref<10240xf32, #tpu.memory_space<hbm>>
      %dma_wait3A_50 = arith.constant 0 : i32
      %dma_wait3A_51 = tpu.memref_slice %arg9[%arg0, %arg1, %dma_wait3A_50] : memref<2x16x10240xf32, #tpu.memory_space<hbm>> -> memref<1x1x10240xf32, #tpu.memory_space<hbm>>
      %dma_wait3A_52 = tpu.memref_squeeze %dma_wait3A_51 : memref<1x1x10240xf32, #tpu.memory_space<hbm>> -> memref<10240xf32, #tpu.memory_space<hbm>>
      %dma_wait3A_53 = arith.constant 0 : i32
      %dma_wait3A_54 = tpu.memref_slice %arg12[%dma_wait3A_53] : memref<10256xf32, #tpu.memory_space<vmem>> -> memref<10240xf32, #tpu.memory_space<vmem>>
      tpu.wait_dma2 semaphore(%run_scoped3A : memref<!tpu.dma_semaphore, #tpu.memory_space<semaphore_mem>>) src(%dma_wait3A_54 : memref<10240xf32, #tpu.memory_space<vmem>>) dst(%dma_wait3A_52 : memref<10240xf32, #tpu.memory_space<hbm>>)
      tpu.yield
    }) : () -> ()
    %mul3A_33 = arith.constant 320 : i32
    %mul3A_34 = arith.muli %arg1, %mul3A_33 : i32
    %mul3A_35 = arith.constant 320 : i32
    %mul3A_36 = arith.muli %arg1, %mul3A_35 : i32
    "tpu.region"() ({
      %run_scoped3A = tpu.sem_alloc : memref<!tpu.dma_semaphore, #tpu.memory_space<semaphore_mem>>
      %dma_start3A = arith.constant 0 : i32
      %dma_start3A_37 = tpu.memref_slice %arg8[%arg0, %mul3A_36, %dma_start3A] : memref<2x10240x128xf32, #tpu.memory_space<hbm>> -> memref<1x320x128xf32, #tpu.memory_space<hbm>>
      %dma_start3A_38 = tpu.memref_squeeze %dma_start3A_37 : memref<1x320x128xf32, #tpu.memory_space<hbm>> -> memref<320x128xf32, #tpu.memory_space<hbm>>
      %dma_start3A_39 = arith.constant 0 : i32
      %dma_start3A_40 = tpu.memref_slice %arg18[%mul3A_34, %dma_start3A_39] : memref<10240x128xf32, #tpu.memory_space<vmem_shared>> -> memref<320x128xf32, #tpu.memory_space<vmem_shared>>
      tpu.enqueue_dma source(%dma_start3A_40 : memref<320x128xf32, #tpu.memory_space<vmem_shared>>) target(%dma_start3A_38 : memref<320x128xf32, #tpu.memory_space<hbm>>) target_semaphore(%run_scoped3A : memref<!tpu.dma_semaphore, #tpu.memory_space<semaphore_mem>>)
      %dma_wait3A = arith.constant 0 : i32
      %dma_wait3A_41 = tpu.memref_slice %arg8[%arg0, %mul3A_36, %dma_wait3A] : memref<2x10240x128xf32, #tpu.memory_space<hbm>> -> memref<1x320x128xf32, #tpu.memory_space<hbm>>
      %dma_wait3A_42 = tpu.memref_squeeze %dma_wait3A_41 : memref<1x320x128xf32, #tpu.memory_space<hbm>> -> memref<320x128xf32, #tpu.memory_space<hbm>>
      %dma_wait3A_43 = arith.constant 0 : i32
      %dma_wait3A_44 = tpu.memref_slice %arg18[%mul3A_34, %dma_wait3A_43] : memref<10240x128xf32, #tpu.memory_space<vmem_shared>> -> memref<320x128xf32, #tpu.memory_space<vmem_shared>>
      tpu.wait_dma2 semaphore(%run_scoped3A : memref<!tpu.dma_semaphore, #tpu.memory_space<semaphore_mem>>) src(%dma_wait3A_44 : memref<320x128xf32, #tpu.memory_space<vmem_shared>>) dst(%dma_wait3A_42 : memref<320x128xf32, #tpu.memory_space<hbm>>)
      tpu.yield
    }) : () -> ()
    return
  }
}

#map = affine_map<(d0, d1) -> (0, 0)>
#map1 = affine_map<(d0, d1) -> (0)>
#map2 = affine_map<(d0, d1) -> (0, 0, 0)>
module attributes {stable_mosaic.version = 14 : i64} {
  func.func @_edge_pass(%arg0: i32, %arg1: i32, %arg2: memref<10240x128xf32, #tpu.memory_space<hbm>>, %arg3: memref<10240xf32, #tpu.memory_space<hbm>>, %arg4: memref<10240xf32, #tpu.memory_space<hbm>>, %arg5: memref<331776xi32, #tpu.memory_space<hbm>>, %arg6: memref<331776xi32, #tpu.memory_space<hbm>>, %arg7: memref<331776xf32, #tpu.memory_space<hbm>>, %arg8: memref<2x10240x128xf32, #tpu.memory_space<hbm>>, %arg9: memref<2x16x10240xf32, #tpu.memory_space<hbm>>, %arg10: memref<10240xf32, #tpu.memory_space<vmem>>, %arg11: memref<10240xf32, #tpu.memory_space<vmem>>, %arg12: memref<10256xf32, #tpu.memory_space<vmem>>, %arg13: memref<128xi32, #tpu.memory_space<vmem>>, %arg14: memref<128xi32, #tpu.memory_space<vmem>>, %arg15: memref<128xf32, #tpu.memory_space<vmem>>, %arg16: memref<128xf32, #tpu.memory_space<vmem>>, %arg17: memref<128x128xf32, #tpu.memory_space<vmem>>, %arg18: memref<10240x128xf32, #tpu.memory_space<vmem_shared>>, %arg19: memref<!tpu.dma_semaphore, #tpu.memory_space<semaphore_mem>>) attributes {dimension_semantics = [#tpu.dimension_semantics<core_parallel>, #tpu.dimension_semantics<subcore_parallel>], iteration_bounds = array<i64: 2, 16>, scalar_prefetch = 0 : i64, scratch_operands = 10 : i64, tpu.core_type = #tpu.core_type<sc_vector_subcore>, window_params = [{transform_indices = #map}, {transform_indices = #map1}, {transform_indices = #map1}, {transform_indices = #map1}, {transform_indices = #map1}, {transform_indices = #map1}, {transform_indices = #map2}, {transform_indices = #map2}]} {
    %mul3A = arith.constant 2 : i32
    %mul3A_0 = arith.muli %arg1, %mul3A : i32
    %add3A = arith.addi %mul3A_0, %arg0 : i32
    %broadcast_in_dim3A = arith.constant 0.000000e+00 : f32
    %broadcast_in_dim3A_1 = vector.broadcast %broadcast_in_dim3A : f32 to vector<16xf32>
    %scan3A = arith.constant 0 : i32
    %scan3A_2 = arith.constant 0 : i32
    %scan3A_3 = arith.constant 128 : i32
    %scan3A_4 = arith.addi %scan3A_2, %scan3A_3 : i32
    %scan3A_5 = arith.constant 1 : i32
    %scan3A_6 = scf.for %scan3A_37 = %scan3A_2 to %scan3A_4 step %scan3A_5 iter_args(%scan3A_38 = %scan3A) -> (i32)  : i32 {
      %swap3A = arith.index_cast %scan3A_37 : i32 to index
      %swap3A_39 = arith.constant 0 : index
      %swap3A_40 = tpu.vector_load %arg17[%swap3A, %swap3A_39] {strides = array<i32>} : memref<128x128xf32, #tpu.memory_space<vmem>>, vector<16xf32>,
      tpu.vector_store %arg17[%swap3A, %swap3A_39], %broadcast_in_dim3A_1 {strides = array<i32>} : memref<128x128xf32, #tpu.memory_space<vmem>>, vector<16xf32>,
      %swap3A_41 = arith.index_cast %scan3A_37 : i32 to index
      %swap3A_42 = arith.constant 16 : index
      %swap3A_43 = tpu.vector_load %arg17[%swap3A_41, %swap3A_42] {strides = array<i32>} : memref<128x128xf32, #tpu.memory_space<vmem>>, vector<16xf32>,
      tpu.vector_store %arg17[%swap3A_41, %swap3A_42], %broadcast_in_dim3A_1 {strides = array<i32>} : memref<128x128xf32, #tpu.memory_space<vmem>>, vector<16xf32>,
      %swap3A_44 = arith.index_cast %scan3A_37 : i32 to index
      %swap3A_45 = arith.constant 32 : index
      %swap3A_46 = tpu.vector_load %arg17[%swap3A_44, %swap3A_45] {strides = array<i32>} : memref<128x128xf32, #tpu.memory_space<vmem>>, vector<16xf32>,
      tpu.vector_store %arg17[%swap3A_44, %swap3A_45], %broadcast_in_dim3A_1 {strides = array<i32>} : memref<128x128xf32, #tpu.memory_space<vmem>>, vector<16xf32>,
      %swap3A_47 = arith.index_cast %scan3A_37 : i32 to index
      %swap3A_48 = arith.constant 48 : index
      %swap3A_49 = tpu.vector_load %arg17[%swap3A_47, %swap3A_48] {strides = array<i32>} : memref<128x128xf32, #tpu.memory_space<vmem>>, vector<16xf32>,
      tpu.vector_store %arg17[%swap3A_47, %swap3A_48], %broadcast_in_dim3A_1 {strides = array<i32>} : memref<128x128xf32, #tpu.memory_space<vmem>>, vector<16xf32>,
      %swap3A_50 = arith.index_cast %scan3A_37 : i32 to index
      %swap3A_51 = arith.constant 64 : index
      %swap3A_52 = tpu.vector_load %arg17[%swap3A_50, %swap3A_51] {strides = array<i32>} : memref<128x128xf32, #tpu.memory_space<vmem>>, vector<16xf32>,
      tpu.vector_store %arg17[%swap3A_50, %swap3A_51], %broadcast_in_dim3A_1 {strides = array<i32>} : memref<128x128xf32, #tpu.memory_space<vmem>>, vector<16xf32>,
      %swap3A_53 = arith.index_cast %scan3A_37 : i32 to index
      %swap3A_54 = arith.constant 80 : index
      %swap3A_55 = tpu.vector_load %arg17[%swap3A_53, %swap3A_54] {strides = array<i32>} : memref<128x128xf32, #tpu.memory_space<vmem>>, vector<16xf32>,
      tpu.vector_store %arg17[%swap3A_53, %swap3A_54], %broadcast_in_dim3A_1 {strides = array<i32>} : memref<128x128xf32, #tpu.memory_space<vmem>>, vector<16xf32>,
      %swap3A_56 = arith.index_cast %scan3A_37 : i32 to index
      %swap3A_57 = arith.constant 96 : index
      %swap3A_58 = tpu.vector_load %arg17[%swap3A_56, %swap3A_57] {strides = array<i32>} : memref<128x128xf32, #tpu.memory_space<vmem>>, vector<16xf32>,
      tpu.vector_store %arg17[%swap3A_56, %swap3A_57], %broadcast_in_dim3A_1 {strides = array<i32>} : memref<128x128xf32, #tpu.memory_space<vmem>>, vector<16xf32>,
      %swap3A_59 = arith.index_cast %scan3A_37 : i32 to index
      %swap3A_60 = arith.constant 112 : index
      %swap3A_61 = tpu.vector_load %arg17[%swap3A_59, %swap3A_60] {strides = array<i32>} : memref<128x128xf32, #tpu.memory_space<vmem>>, vector<16xf32>,
      tpu.vector_store %arg17[%swap3A_59, %swap3A_60], %broadcast_in_dim3A_1 {strides = array<i32>} : memref<128x128xf32, #tpu.memory_space<vmem>>, vector<16xf32>,
      %scan3A_62 = arith.constant 0 : i32
      scf.yield %scan3A_62 : i32
    }
    %scan3A_7 = arith.constant 128 : i32
    %mul3A_8 = arith.constant 320 : i32
    %mul3A_9 = arith.muli %arg1, %mul3A_8 : i32
    %add3A_10 = arith.constant 0 : i32
    %add3A_11 = arith.addi %mul3A_9, %add3A_10 : i32
    "tpu.region"() ({
      %run_scoped3A = tpu.sem_alloc : memref<!tpu.dma_semaphore, #tpu.memory_space<semaphore_mem>>
      %dma_start3A = arith.constant 0 : i32
      %dma_start3A_37 = tpu.memref_slice %arg18[%add3A_11, %dma_start3A] : memref<10240x128xf32, #tpu.memory_space<vmem_shared>> -> memref<128x128xf32, #tpu.memory_space<vmem_shared>>
      %dma_start3A_38 = arith.constant 0 : i32
      %dma_start3A_39 = tpu.memref_slice %arg18[%add3A_11, %dma_start3A_38] : memref<10240x128xf32, #tpu.memory_space<vmem_shared>> -> memref<128x128xf32, #tpu.memory_space<vmem_shared>>
      tpu.enqueue_dma source(%arg17 : memref<128x128xf32, #tpu.memory_space<vmem>>) target(%dma_start3A_39 : memref<128x128xf32, #tpu.memory_space<vmem_shared>>) target_semaphore(%run_scoped3A : memref<!tpu.dma_semaphore, #tpu.memory_space<semaphore_mem>>)
      %dma_wait3A = arith.constant 0 : i32
      %dma_wait3A_40 = tpu.memref_slice %arg18[%add3A_11, %dma_wait3A] : memref<10240x128xf32, #tpu.memory_space<vmem_shared>> -> memref<128x128xf32, #tpu.memory_space<vmem_shared>>
      %dma_wait3A_41 = arith.constant 0 : i32
      %dma_wait3A_42 = tpu.memref_slice %arg18[%add3A_11, %dma_wait3A_41] : memref<10240x128xf32, #tpu.memory_space<vmem_shared>> -> memref<128x128xf32, #tpu.memory_space<vmem_shared>>
      tpu.wait_dma2 semaphore(%run_scoped3A : memref<!tpu.dma_semaphore, #tpu.memory_space<semaphore_mem>>) src(%arg17 : memref<128x128xf32, #tpu.memory_space<vmem>>) dst(%dma_wait3A_42 : memref<128x128xf32, #tpu.memory_space<vmem_shared>>)
      tpu.yield
    }) : () -> ()
    %mul3A_12 = arith.constant 320 : i32
    %mul3A_13 = arith.muli %arg1, %mul3A_12 : i32
    %add3A_14 = arith.constant 128 : i32
    %add3A_15 = arith.addi %mul3A_13, %add3A_14 : i32
    "tpu.region"() ({
      %run_scoped3A = tpu.sem_alloc : memref<!tpu.dma_semaphore, #tpu.memory_space<semaphore_mem>>
      %dma_start3A = arith.constant 0 : i32
      %dma_start3A_37 = tpu.memref_slice %arg18[%add3A_15, %dma_start3A] : memref<10240x128xf32, #tpu.memory_space<vmem_shared>> -> memref<128x128xf32, #tpu.memory_space<vmem_shared>>
      %dma_start3A_38 = arith.constant 0 : i32
      %dma_start3A_39 = tpu.memref_slice %arg18[%add3A_15, %dma_start3A_38] : memref<10240x128xf32, #tpu.memory_space<vmem_shared>> -> memref<128x128xf32, #tpu.memory_space<vmem_shared>>
      tpu.enqueue_dma source(%arg17 : memref<128x128xf32, #tpu.memory_space<vmem>>) target(%dma_start3A_39 : memref<128x128xf32, #tpu.memory_space<vmem_shared>>) target_semaphore(%run_scoped3A : memref<!tpu.dma_semaphore, #tpu.memory_space<semaphore_mem>>)
      %dma_wait3A = arith.constant 0 : i32
      %dma_wait3A_40 = tpu.memref_slice %arg18[%add3A_15, %dma_wait3A] : memref<10240x128xf32, #tpu.memory_space<vmem_shared>> -> memref<128x128xf32, #tpu.memory_space<vmem_shared>>
      %dma_wait3A_41 = arith.constant 0 : i32
      %dma_wait3A_42 = tpu.memref_slice %arg18[%add3A_15, %dma_wait3A_41] : memref<10240x128xf32, #tpu.memory_space<vmem_shared>> -> memref<128x128xf32, #tpu.memory_space<vmem_shared>>
      tpu.wait_dma2 semaphore(%run_scoped3A : memref<!tpu.dma_semaphore, #tpu.memory_space<semaphore_mem>>) src(%arg17 : memref<128x128xf32, #tpu.memory_space<vmem>>) dst(%dma_wait3A_42 : memref<128x128xf32, #tpu.memory_space<vmem_shared>>)
      tpu.yield
    }) : () -> ()
    %scan3A_16 = arith.constant 0 : i32
    %scan3A_17 = arith.constant 0 : i32
    %scan3A_18 = arith.constant 641 : i32
    %scan3A_19 = arith.addi %scan3A_17, %scan3A_18 : i32
    %scan3A_20 = arith.constant 1 : i32
    %scan3A_21 = scf.for %scan3A_37 = %scan3A_17 to %scan3A_19 step %scan3A_20 iter_args(%scan3A_38 = %scan3A_16) -> (i32)  : i32 {
      %mul3A_39 = arith.constant 16 : i32
      %mul3A_40 = arith.muli %scan3A_37, %mul3A_39 : i32
      %swap3A = arith.index_cast %mul3A_40 : i32 to index
      %swap3A_41 = tpu.vector_load %arg12[%swap3A] {strides = array<i32>} : memref<10256xf32, #tpu.memory_space<vmem>>, vector<16xf32>,
      tpu.vector_store %arg12[%swap3A], %broadcast_in_dim3A_1 {strides = array<i32>} : memref<10256xf32, #tpu.memory_space<vmem>>, vector<16xf32>,
      %scan3A_42 = arith.constant 0 : i32
      scf.yield %scan3A_42 : i32
    }
    %scan3A_22 = arith.constant 641 : i32
    "tpu.region"() ({
      %run_scoped3A = tpu.sem_alloc : memref<!tpu.dma_semaphore, #tpu.memory_space<semaphore_mem>>
      tpu.enqueue_dma source(%arg3 : memref<10240xf32, #tpu.memory_space<hbm>>) target(%arg10 : memref<10240xf32, #tpu.memory_space<vmem>>) target_semaphore(%run_scoped3A : memref<!tpu.dma_semaphore, #tpu.memory_space<semaphore_mem>>)
      tpu.wait_dma2 semaphore(%run_scoped3A : memref<!tpu.dma_semaphore, #tpu.memory_space<semaphore_mem>>) src(%arg3 : memref<10240xf32, #tpu.memory_space<hbm>>) dst(%arg10 : memref<10240xf32, #tpu.memory_space<vmem>>)
      tpu.yield
    }) : () -> ()
    "tpu.region"() ({
      %run_scoped3A = tpu.sem_alloc : memref<!tpu.dma_semaphore, #tpu.memory_space<semaphore_mem>>
      tpu.enqueue_dma source(%arg4 : memref<10240xf32, #tpu.memory_space<hbm>>) target(%arg11 : memref<10240xf32, #tpu.memory_space<vmem>>) target_semaphore(%run_scoped3A : memref<!tpu.dma_semaphore, #tpu.memory_space<semaphore_mem>>)
      tpu.wait_dma2 semaphore(%run_scoped3A : memref<!tpu.dma_semaphore, #tpu.memory_space<semaphore_mem>>) src(%arg4 : memref<10240xf32, #tpu.memory_space<hbm>>) dst(%arg11 : memref<10240xf32, #tpu.memory_space<vmem>>)
      tpu.yield
    }) : () -> ()
    %barrier3A = arith.constant 0 : index
    tpu.barrier barrier_id(%barrier3A)
    %mul3A_23 = arith.constant 10368 : i32
    %mul3A_24 = arith.muli %add3A, %mul3A_23 : i32
    %scan3A_25 = arith.constant 0 : i32
    %scan3A_26 = arith.constant 0 : i32
    %scan3A_27 = arith.constant 81 : i32
    %scan3A_28 = arith.addi %scan3A_26, %scan3A_27 : i32
    %scan3A_29 = arith.constant 1 : i32
    %scan3A_30 = scf.for %scan3A_37 = %scan3A_26 to %scan3A_28 step %scan3A_29 iter_args(%scan3A_38 = %scan3A_25) -> (i32)  : i32 {
      %mul3A_39 = arith.constant 128 : i32
      %mul3A_40 = arith.muli %scan3A_37, %mul3A_39 : i32
      %add3A_41 = arith.addi %mul3A_24, %mul3A_40 : i32
      "tpu.region"() ({
        %run_scoped3A = tpu.sem_alloc : memref<!tpu.dma_semaphore, #tpu.memory_space<semaphore_mem>>
        %dma_start3A_61 = tpu.memref_slice %arg5[%add3A_41] : memref<331776xi32, #tpu.memory_space<hbm>> -> memref<128xi32, #tpu.memory_space<hbm>>
        %dma_start3A_62 = tpu.memref_slice %arg5[%add3A_41] : memref<331776xi32, #tpu.memory_space<hbm>> -> memref<128xi32, #tpu.memory_space<hbm>>
        tpu.enqueue_dma source(%dma_start3A_62 : memref<128xi32, #tpu.memory_space<hbm>>) target(%arg13 : memref<128xi32, #tpu.memory_space<vmem>>) target_semaphore(%run_scoped3A : memref<!tpu.dma_semaphore, #tpu.memory_space<semaphore_mem>>)
        %dma_wait3A_63 = tpu.memref_slice %arg5[%add3A_41] : memref<331776xi32, #tpu.memory_space<hbm>> -> memref<128xi32, #tpu.memory_space<hbm>>
        %dma_wait3A_64 = tpu.memref_slice %arg5[%add3A_41] : memref<331776xi32, #tpu.memory_space<hbm>> -> memref<128xi32, #tpu.memory_space<hbm>>
        tpu.wait_dma2 semaphore(%run_scoped3A : memref<!tpu.dma_semaphore, #tpu.memory_space<semaphore_mem>>) src(%dma_wait3A_64 : memref<128xi32, #tpu.memory_space<hbm>>) dst(%arg13 : memref<128xi32, #tpu.memory_space<vmem>>)
        tpu.yield
      }) : () -> ()
      "tpu.region"() ({
        %run_scoped3A = tpu.sem_alloc : memref<!tpu.dma_semaphore, #tpu.memory_space<semaphore_mem>>
        %dma_start3A_61 = tpu.memref_slice %arg6[%add3A_41] : memref<331776xi32, #tpu.memory_space<hbm>> -> memref<128xi32, #tpu.memory_space<hbm>>
        %dma_start3A_62 = tpu.memref_slice %arg6[%add3A_41] : memref<331776xi32, #tpu.memory_space<hbm>> -> memref<128xi32, #tpu.memory_space<hbm>>
        tpu.enqueue_dma source(%dma_start3A_62 : memref<128xi32, #tpu.memory_space<hbm>>) target(%arg14 : memref<128xi32, #tpu.memory_space<vmem>>) target_semaphore(%run_scoped3A : memref<!tpu.dma_semaphore, #tpu.memory_space<semaphore_mem>>)
        %dma_wait3A_63 = tpu.memref_slice %arg6[%add3A_41] : memref<331776xi32, #tpu.memory_space<hbm>> -> memref<128xi32, #tpu.memory_space<hbm>>
        %dma_wait3A_64 = tpu.memref_slice %arg6[%add3A_41] : memref<331776xi32, #tpu.memory_space<hbm>> -> memref<128xi32, #tpu.memory_space<hbm>>
        tpu.wait_dma2 semaphore(%run_scoped3A : memref<!tpu.dma_semaphore, #tpu.memory_space<semaphore_mem>>) src(%dma_wait3A_64 : memref<128xi32, #tpu.memory_space<hbm>>) dst(%arg14 : memref<128xi32, #tpu.memory_space<vmem>>)
        tpu.yield
      }) : () -> ()
      "tpu.region"() ({
        %run_scoped3A = tpu.sem_alloc : memref<!tpu.dma_semaphore, #tpu.memory_space<semaphore_mem>>
        %dma_start3A_61 = tpu.memref_slice %arg7[%add3A_41] : memref<331776xf32, #tpu.memory_space<hbm>> -> memref<128xf32, #tpu.memory_space<hbm>>
        %dma_start3A_62 = tpu.memref_slice %arg7[%add3A_41] : memref<331776xf32, #tpu.memory_space<hbm>> -> memref<128xf32, #tpu.memory_space<hbm>>
        tpu.enqueue_dma source(%dma_start3A_62 : memref<128xf32, #tpu.memory_space<hbm>>) target(%arg15 : memref<128xf32, #tpu.memory_space<vmem>>) target_semaphore(%run_scoped3A : memref<!tpu.dma_semaphore, #tpu.memory_space<semaphore_mem>>)
        %dma_wait3A_63 = tpu.memref_slice %arg7[%add3A_41] : memref<331776xf32, #tpu.memory_space<hbm>> -> memref<128xf32, #tpu.memory_space<hbm>>
        %dma_wait3A_64 = tpu.memref_slice %arg7[%add3A_41] : memref<331776xf32, #tpu.memory_space<hbm>> -> memref<128xf32, #tpu.memory_space<hbm>>
        tpu.wait_dma2 semaphore(%run_scoped3A : memref<!tpu.dma_semaphore, #tpu.memory_space<semaphore_mem>>) src(%dma_wait3A_64 : memref<128xf32, #tpu.memory_space<hbm>>) dst(%arg15 : memref<128xf32, #tpu.memory_space<vmem>>)
        tpu.yield
      }) : () -> ()
      %dma_start3A = arith.constant 0 : i32
      %dma_start3A_42 = arith.constant 0 : i32
      %dma_start3A_43 = tpu.memref_slice %arg2[%dma_start3A, %dma_start3A_42] : memref<10240x128xf32, #tpu.memory_space<hbm>> -> memref<10240x128xf32, #tpu.memory_space<hbm>>
      tpu.enqueue_indirect_dma source(%dma_start3A_43 : memref<10240x128xf32, #tpu.memory_space<hbm>>) target(%arg17 : memref<128x128xf32, #tpu.memory_space<vmem>>) offsets(%arg13 : memref<128xi32, #tpu.memory_space<vmem>>) semaphore(%arg19 : memref<!tpu.dma_semaphore, #tpu.memory_space<semaphore_mem>>)
      %scan3A_44 = arith.constant 0 : i32
      %scan3A_45 = arith.constant 0 : i32
      %scan3A_46 = arith.constant 8 : i32
      %scan3A_47 = arith.addi %scan3A_45, %scan3A_46 : i32
      %scan3A_48 = arith.constant 1 : i32
      %scan3A_49 = scf.for %scan3A_61 = %scan3A_45 to %scan3A_47 step %scan3A_48 iter_args(%scan3A_62 = %scan3A_44) -> (i32)  : i32 {
        %mul3A_63 = arith.constant 16 : i32
        %mul3A_64 = arith.muli %scan3A_61, %mul3A_63 : i32
        %get3A = arith.index_cast %mul3A_64 : i32 to index
        %get3A_65 = tpu.vector_load %arg13[%get3A] {strides = array<i32>} : memref<128xi32, #tpu.memory_space<vmem>>, vector<16xi32>,
        %gather3A = tpu.vector_load_idx %arg10[%get3A_65] : memref<10240xf32, #tpu.memory_space<vmem>>[vector<16xi32>], vector<16xf32>,
        %get3A_66 = arith.index_cast %mul3A_64 : i32 to index
        %get3A_67 = tpu.vector_load %arg14[%get3A_66] {strides = array<i32>} : memref<128xi32, #tpu.memory_space<vmem>>, vector<16xi32>,
        %gather3A_68 = tpu.vector_load_idx %arg11[%get3A_67] : memref<10240xf32, #tpu.memory_space<vmem>>[vector<16xi32>], vector<16xf32>,
        %add3A_69 = arith.addf %gather3A, %gather3A_68 : vector<16xf32>
        %ge3A = arith.constant 0.000000e+00 : f32
        %ge3A_70 = vector.broadcast %ge3A : f32 to vector<16xf32>
        %ge3A_71 = arith.cmpf oge, %add3A_69, %ge3A_70 : vector<16xf32>
        %mul3A_72 = arith.constant 2.000000e-01 : f32
        %mul3A_73 = vector.broadcast %mul3A_72 : f32 to vector<16xf32>
        %mul3A_74 = arith.mulf %mul3A_73, %add3A_69 : vector<16xf32>
        %select_n3A = arith.select %ge3A_71, %add3A_69, %mul3A_74 : vector<16xi1>, vector<16xf32>
        %get3A_75 = arith.index_cast %mul3A_64 : i32 to index
        %get3A_76 = tpu.vector_load %arg15[%get3A_75] {strides = array<i32>} : memref<128xf32, #tpu.memory_space<vmem>>, vector<16xf32>,
        %mul3A_77 = arith.mulf %select_n3A, %get3A_76 : vector<16xf32>
        %exp3A = math.exp %mul3A_77 : vector<16xf32>
        %swap3A = arith.index_cast %mul3A_64 : i32 to index
        %swap3A_78 = tpu.vector_load %arg16[%swap3A] {strides = array<i32>} : memref<128xf32, #tpu.memory_space<vmem>>, vector<16xf32>,
        tpu.vector_store %arg16[%swap3A], %exp3A {strides = array<i32>} : memref<128xf32, #tpu.memory_space<vmem>>, vector<16xf32>,
        %scan3A_79 = arith.constant 0 : i32
        scf.yield %scan3A_79 : i32
      }
      %scan3A_50 = arith.constant 8 : i32
      %dma_wait3A = arith.constant 0 : i32
      %dma_wait3A_51 = arith.constant 0 : i32
      %dma_wait3A_52 = tpu.memref_slice %arg2[%dma_wait3A, %dma_wait3A_51] : memref<10240x128xf32, #tpu.memory_space<hbm>> -> memref<10240x128xf32, #tpu.memory_space<hbm>>
      tpu.wait_indirect_dma semaphore(%arg19 : memref<!tpu.dma_semaphore, #tpu.memory_space<semaphore_mem>>) src(%dma_wait3A_52 : memref<10240x128xf32, #tpu.memory_space<hbm>>) dst(%arg17 : memref<128x128xf32, #tpu.memory_space<vmem>>)
      %iota3A = tpu.iota {dimensions = array<i32: 0>} : vector<16xi32>
      %scan3A_53 = arith.constant 0 : i32
      %scan3A_54 = arith.constant 0 : i32
      %scan3A_55 = arith.constant 8 : i32
      %scan3A_56 = arith.addi %scan3A_54, %scan3A_55 : i32
      %scan3A_57 = arith.constant 1 : i32
      %scan3A_58 = scf.for %scan3A_61 = %scan3A_54 to %scan3A_56 step %scan3A_57 iter_args(%scan3A_62 = %scan3A_53) -> (i32)  : i32 {
        %mul3A_63 = arith.constant 16 : i32
        %mul3A_64 = arith.muli %scan3A_61, %mul3A_63 : i32
        %get3A = arith.index_cast %mul3A_64 : i32 to index
        %get3A_65 = tpu.vector_load %arg16[%get3A] {strides = array<i32>} : memref<128xf32, #tpu.memory_space<vmem>>, vector<16xf32>,
        %get3A_66 = arith.index_cast %mul3A_64 : i32 to index
        %get3A_67 = tpu.vector_load %arg14[%get3A_66] {strides = array<i32>} : memref<128xi32, #tpu.memory_space<vmem>>, vector<16xi32>,
        %slice3A = vector.extract_strided_slice %get3A_65 {offsets = [0], sizes = [1], strides = [1]} : vector<16xf32> to vector<1xf32>
        %squeeze3A = vector.extract %slice3A[0] : f32 from vector<1xf32>
        %slice3A_68 = vector.extract_strided_slice %get3A_67 {offsets = [0], sizes = [1], strides = [1]} : vector<16xi32> to vector<1xi32>
        %squeeze3A_69 = vector.extract %slice3A_68[0] : i32 from vector<1xi32>
        %eq3A = arith.constant 0 : i32
        %eq3A_70 = vector.broadcast %eq3A : i32 to vector<16xi32>
        %eq3A_71 = arith.cmpi eq, %iota3A, %eq3A_70 : vector<16xi32>
        %jit3A = arith.constant 0.000000e+00 : f32
        %broadcast_in_dim3A_72 = vector.broadcast %squeeze3A : f32 to vector<16xf32>
        %broadcast_in_dim3A_73 = vector.broadcast %jit3A : f32 to vector<16xf32>
        %select_n3A = arith.select %eq3A_71, %broadcast_in_dim3A_72, %broadcast_in_dim3A_73 : vector<16xi1>, vector<16xf32>
        %swap3A = arith.index_cast %squeeze3A_69 : i32 to index
        %swap3A_74 = tpu.vector_load %arg12[%swap3A] {strides = array<i32>} : memref<10256xf32, #tpu.memory_space<vmem>>, vector<16xf32>,
        tpu.vector_store %arg12[%swap3A], %select_n3A {add = true, strides = array<i32>} : memref<10256xf32, #tpu.memory_space<vmem>>, vector<16xf32>,
        %add3A_75 = arith.constant 0 : i32
        %add3A_76 = arith.addi %mul3A_64, %add3A_75 : i32
        %get3A_77 = arith.index_cast %add3A_76 : i32 to index
        %get3A_78 = arith.constant 0 : index
        %get3A_79 = tpu.vector_load %arg17[%get3A_77, %get3A_78] {strides = array<i32>} : memref<128x128xf32, #tpu.memory_space<vmem>>, vector<16xf32>,
        %mul3A_80 = vector.broadcast %squeeze3A : f32 to vector<16xf32>
        %mul3A_81 = arith.mulf %get3A_79, %mul3A_80 : vector<16xf32>
        %swap3A_82 = arith.index_cast %add3A_76 : i32 to index
        %swap3A_83 = arith.constant 0 : index
        %swap3A_84 = tpu.vector_load %arg17[%swap3A_82, %swap3A_83] {strides = array<i32>} : memref<128x128xf32, #tpu.memory_space<vmem>>, vector<16xf32>,
        tpu.vector_store %arg17[%swap3A_82, %swap3A_83], %mul3A_81 {strides = array<i32>} : memref<128x128xf32, #tpu.memory_space<vmem>>, vector<16xf32>,
        %get3A_85 = arith.index_cast %add3A_76 : i32 to index
        %get3A_86 = arith.constant 16 : index
        %get3A_87 = tpu.vector_load %arg17[%get3A_85, %get3A_86] {strides = array<i32>} : memref<128x128xf32, #tpu.memory_space<vmem>>, vector<16xf32>,
        %mul3A_88 = vector.broadcast %squeeze3A : f32 to vector<16xf32>
        %mul3A_89 = arith.mulf %get3A_87, %mul3A_88 : vector<16xf32>
        %swap3A_90 = arith.index_cast %add3A_76 : i32 to index
        %swap3A_91 = arith.constant 16 : index
        %swap3A_92 = tpu.vector_load %arg17[%swap3A_90, %swap3A_91] {strides = array<i32>} : memref<128x128xf32, #tpu.memory_space<vmem>>, vector<16xf32>,
        tpu.vector_store %arg17[%swap3A_90, %swap3A_91], %mul3A_89 {strides = array<i32>} : memref<128x128xf32, #tpu.memory_space<vmem>>, vector<16xf32>,
        %get3A_93 = arith.index_cast %add3A_76 : i32 to index
        %get3A_94 = arith.constant 32 : index
        %get3A_95 = tpu.vector_load %arg17[%get3A_93, %get3A_94] {strides = array<i32>} : memref<128x128xf32, #tpu.memory_space<vmem>>, vector<16xf32>,
        %mul3A_96 = vector.broadcast %squeeze3A : f32 to vector<16xf32>
        %mul3A_97 = arith.mulf %get3A_95, %mul3A_96 : vector<16xf32>
        %swap3A_98 = arith.index_cast %add3A_76 : i32 to index
        %swap3A_99 = arith.constant 32 : index
        %swap3A_100 = tpu.vector_load %arg17[%swap3A_98, %swap3A_99] {strides = array<i32>} : memref<128x128xf32, #tpu.memory_space<vmem>>, vector<16xf32>,
        tpu.vector_store %arg17[%swap3A_98, %swap3A_99], %mul3A_97 {strides = array<i32>} : memref<128x128xf32, #tpu.memory_space<vmem>>, vector<16xf32>,
        %get3A_101 = arith.index_cast %add3A_76 : i32 to index
        %get3A_102 = arith.constant 48 : index
        %get3A_103 = tpu.vector_load %arg17[%get3A_101, %get3A_102] {strides = array<i32>} : memref<128x128xf32, #tpu.memory_space<vmem>>, vector<16xf32>,
        %mul3A_104 = vector.broadcast %squeeze3A : f32 to vector<16xf32>
        %mul3A_105 = arith.mulf %get3A_103, %mul3A_104 : vector<16xf32>
        %swap3A_106 = arith.index_cast %add3A_76 : i32 to index
        %swap3A_107 = arith.constant 48 : index
        %swap3A_108 = tpu.vector_load %arg17[%swap3A_106, %swap3A_107] {strides = array<i32>} : memref<128x128xf32, #tpu.memory_space<vmem>>, vector<16xf32>,
        tpu.vector_store %arg17[%swap3A_106, %swap3A_107], %mul3A_105 {strides = array<i32>} : memref<128x128xf32, #tpu.memory_space<vmem>>, vector<16xf32>,
        %get3A_109 = arith.index_cast %add3A_76 : i32 to index
        %get3A_110 = arith.constant 64 : index
        %get3A_111 = tpu.vector_load %arg17[%get3A_109, %get3A_110] {strides = array<i32>} : memref<128x128xf32, #tpu.memory_space<vmem>>, vector<16xf32>,
        %mul3A_112 = vector.broadcast %squeeze3A : f32 to vector<16xf32>
        %mul3A_113 = arith.mulf %get3A_111, %mul3A_112 : vector<16xf32>
        %swap3A_114 = arith.index_cast %add3A_76 : i32 to index
        %swap3A_115 = arith.constant 64 : index
        %swap3A_116 = tpu.vector_load %arg17[%swap3A_114, %swap3A_115] {strides = array<i32>} : memref<128x128xf32, #tpu.memory_space<vmem>>, vector<16xf32>,
        tpu.vector_store %arg17[%swap3A_114, %swap3A_115], %mul3A_113 {strides = array<i32>} : memref<128x128xf32, #tpu.memory_space<vmem>>, vector<16xf32>,
        %get3A_117 = arith.index_cast %add3A_76 : i32 to index
        %get3A_118 = arith.constant 80 : index
        %get3A_119 = tpu.vector_load %arg17[%get3A_117, %get3A_118] {strides = array<i32>} : memref<128x128xf32, #tpu.memory_space<vmem>>, vector<16xf32>,
        %mul3A_120 = vector.broadcast %squeeze3A : f32 to vector<16xf32>
        %mul3A_121 = arith.mulf %get3A_119, %mul3A_120 : vector<16xf32>
        %swap3A_122 = arith.index_cast %add3A_76 : i32 to index
        %swap3A_123 = arith.constant 80 : index
        %swap3A_124 = tpu.vector_load %arg17[%swap3A_122, %swap3A_123] {strides = array<i32>} : memref<128x128xf32, #tpu.memory_space<vmem>>, vector<16xf32>,
        tpu.vector_store %arg17[%swap3A_122, %swap3A_123], %mul3A_121 {strides = array<i32>} : memref<128x128xf32, #tpu.memory_space<vmem>>, vector<16xf32>,
        %get3A_125 = arith.index_cast %add3A_76 : i32 to index
        %get3A_126 = arith.constant 96 : index
        %get3A_127 = tpu.vector_load %arg17[%get3A_125, %get3A_126] {strides = array<i32>} : memref<128x128xf32, #tpu.memory_space<vmem>>, vector<16xf32>,
        %mul3A_128 = vector.broadcast %squeeze3A : f32 to vector<16xf32>
        %mul3A_129 = arith.mulf %get3A_127, %mul3A_128 : vector<16xf32>
        %swap3A_130 = arith.index_cast %add3A_76 : i32 to index
        %swap3A_131 = arith.constant 96 : index
        %swap3A_132 = tpu.vector_load %arg17[%swap3A_130, %swap3A_131] {strides = array<i32>} : memref<128x128xf32, #tpu.memory_space<vmem>>, vector<16xf32>,
        tpu.vector_store %arg17[%swap3A_130, %swap3A_131], %mul3A_129 {strides = array<i32>} : memref<128x128xf32, #tpu.memory_space<vmem>>, vector<16xf32>,
        %get3A_133 = arith.index_cast %add3A_76 : i32 to index
        %get3A_134 = arith.constant 112 : index
        %get3A_135 = tpu.vector_load %arg17[%get3A_133, %get3A_134] {strides = array<i32>} : memref<128x128xf32, #tpu.memory_space<vmem>>, vector<16xf32>,
        %mul3A_136 = vector.broadcast %squeeze3A : f32 to vector<16xf32>
        %mul3A_137 = arith.mulf %get3A_135, %mul3A_136 : vector<16xf32>
        %swap3A_138 = arith.index_cast %add3A_76 : i32 to index
        %swap3A_139 = arith.constant 112 : index
        %swap3A_140 = tpu.vector_load %arg17[%swap3A_138, %swap3A_139] {strides = array<i32>} : memref<128x128xf32, #tpu.memory_space<vmem>>, vector<16xf32>,
        tpu.vector_store %arg17[%swap3A_138, %swap3A_139], %mul3A_137 {strides = array<i32>} : memref<128x128xf32, #tpu.memory_space<vmem>>, vector<16xf32>,
        %slice3A_141 = vector.extract_strided_slice %get3A_65 {offsets = [1], sizes = [1], strides = [1]} : vector<16xf32> to vector<1xf32>
        %squeeze3A_142 = vector.extract %slice3A_141[0] : f32 from vector<1xf32>
        %slice3A_143 = vector.extract_strided_slice %get3A_67 {offsets = [1], sizes = [1], strides = [1]} : vector<16xi32> to vector<1xi32>
        %squeeze3A_144 = vector.extract %slice3A_143[0] : i32 from vector<1xi32>
        %eq3A_145 = arith.constant 0 : i32
        %eq3A_146 = vector.broadcast %eq3A_145 : i32 to vector<16xi32>
        %eq3A_147 = arith.cmpi eq, %iota3A, %eq3A_146 : vector<16xi32>
        %jit3A_148 = arith.constant 0.000000e+00 : f32
        %broadcast_in_dim3A_149 = vector.broadcast %squeeze3A_142 : f32 to vector<16xf32>
        %broadcast_in_dim3A_150 = vector.broadcast %jit3A_148 : f32 to vector<16xf32>
        %select_n3A_151 = arith.select %eq3A_147, %broadcast_in_dim3A_149, %broadcast_in_dim3A_150 : vector<16xi1>, vector<16xf32>
        %swap3A_152 = arith.index_cast %squeeze3A_144 : i32 to index
        %swap3A_153 = tpu.vector_load %arg12[%swap3A_152] {strides = array<i32>} : memref<10256xf32, #tpu.memory_space<vmem>>, vector<16xf32>,
        tpu.vector_store %arg12[%swap3A_152], %select_n3A_151 {add = true, strides = array<i32>} : memref<10256xf32, #tpu.memory_space<vmem>>, vector<16xf32>,
        %add3A_154 = arith.constant 1 : i32
        %add3A_155 = arith.addi %mul3A_64, %add3A_154 : i32
        %get3A_156 = arith.index_cast %add3A_155 : i32 to index
        %get3A_157 = arith.constant 0 : index
        %get3A_158 = tpu.vector_load %arg17[%get3A_156, %get3A_157] {strides = array<i32>} : memref<128x128xf32, #tpu.memory_space<vmem>>, vector<16xf32>,
        %mul3A_159 = vector.broadcast %squeeze3A_142 : f32 to vector<16xf32>
        %mul3A_160 = arith.mulf %get3A_158, %mul3A_159 : vector<16xf32>
        %swap3A_161 = arith.index_cast %add3A_155 : i32 to index
        %swap3A_162 = arith.constant 0 : index
        %swap3A_163 = tpu.vector_load %arg17[%swap3A_161, %swap3A_162] {strides = array<i32>} : memref<128x128xf32, #tpu.memory_space<vmem>>, vector<16xf32>,
        tpu.vector_store %arg17[%swap3A_161, %swap3A_162], %mul3A_160 {strides = array<i32>} : memref<128x128xf32, #tpu.memory_space<vmem>>, vector<16xf32>,
        %get3A_164 = arith.index_cast %add3A_155 : i32 to index
        %get3A_165 = arith.constant 16 : index
        %get3A_166 = tpu.vector_load %arg17[%get3A_164, %get3A_165] {strides = array<i32>} : memref<128x128xf32, #tpu.memory_space<vmem>>, vector<16xf32>,
        %mul3A_167 = vector.broadcast %squeeze3A_142 : f32 to vector<16xf32>
        %mul3A_168 = arith.mulf %get3A_166, %mul3A_167 : vector<16xf32>
        %swap3A_169 = arith.index_cast %add3A_155 : i32 to index
        %swap3A_170 = arith.constant 16 : index
        %swap3A_171 = tpu.vector_load %arg17[%swap3A_169, %swap3A_170] {strides = array<i32>} : memref<128x128xf32, #tpu.memory_space<vmem>>, vector<16xf32>,
        tpu.vector_store %arg17[%swap3A_169, %swap3A_170], %mul3A_168 {strides = array<i32>} : memref<128x128xf32, #tpu.memory_space<vmem>>, vector<16xf32>,
        %get3A_172 = arith.index_cast %add3A_155 : i32 to index
        %get3A_173 = arith.constant 32 : index
        %get3A_174 = tpu.vector_load %arg17[%get3A_172, %get3A_173] {strides = array<i32>} : memref<128x128xf32, #tpu.memory_space<vmem>>, vector<16xf32>,
        %mul3A_175 = vector.broadcast %squeeze3A_142 : f32 to vector<16xf32>
        %mul3A_176 = arith.mulf %get3A_174, %mul3A_175 : vector<16xf32>
        %swap3A_177 = arith.index_cast %add3A_155 : i32 to index
        %swap3A_178 = arith.constant 32 : index
        %swap3A_179 = tpu.vector_load %arg17[%swap3A_177, %swap3A_178] {strides = array<i32>} : memref<128x128xf32, #tpu.memory_space<vmem>>, vector<16xf32>,
        tpu.vector_store %arg17[%swap3A_177, %swap3A_178], %mul3A_176 {strides = array<i32>} : memref<128x128xf32, #tpu.memory_space<vmem>>, vector<16xf32>,
        %get3A_180 = arith.index_cast %add3A_155 : i32 to index
        %get3A_181 = arith.constant 48 : index
        %get3A_182 = tpu.vector_load %arg17[%get3A_180, %get3A_181] {strides = array<i32>} : memref<128x128xf32, #tpu.memory_space<vmem>>, vector<16xf32>,
        %mul3A_183 = vector.broadcast %squeeze3A_142 : f32 to vector<16xf32>
        %mul3A_184 = arith.mulf %get3A_182, %mul3A_183 : vector<16xf32>
        %swap3A_185 = arith.index_cast %add3A_155 : i32 to index
        %swap3A_186 = arith.constant 48 : index
        %swap3A_187 = tpu.vector_load %arg17[%swap3A_185, %swap3A_186] {strides = array<i32>} : memref<128x128xf32, #tpu.memory_space<vmem>>, vector<16xf32>,
        tpu.vector_store %arg17[%swap3A_185, %swap3A_186], %mul3A_184 {strides = array<i32>} : memref<128x128xf32, #tpu.memory_space<vmem>>, vector<16xf32>,
        %get3A_188 = arith.index_cast %add3A_155 : i32 to index
        %get3A_189 = arith.constant 64 : index
        %get3A_190 = tpu.vector_load %arg17[%get3A_188, %get3A_189] {strides = array<i32>} : memref<128x128xf32, #tpu.memory_space<vmem>>, vector<16xf32>,
        %mul3A_191 = vector.broadcast %squeeze3A_142 : f32 to vector<16xf32>
        %mul3A_192 = arith.mulf %get3A_190, %mul3A_191 : vector<16xf32>
        %swap3A_193 = arith.index_cast %add3A_155 : i32 to index
        %swap3A_194 = arith.constant 64 : index
        %swap3A_195 = tpu.vector_load %arg17[%swap3A_193, %swap3A_194] {strides = array<i32>} : memref<128x128xf32, #tpu.memory_space<vmem>>, vector<16xf32>,
        tpu.vector_store %arg17[%swap3A_193, %swap3A_194], %mul3A_192 {strides = array<i32>} : memref<128x128xf32, #tpu.memory_space<vmem>>, vector<16xf32>,
        %get3A_196 = arith.index_cast %add3A_155 : i32 to index
        %get3A_197 = arith.constant 80 : index
        %get3A_198 = tpu.vector_load %arg17[%get3A_196, %get3A_197] {strides = array<i32>} : memref<128x128xf32, #tpu.memory_space<vmem>>, vector<16xf32>,
        %mul3A_199 = vector.broadcast %squeeze3A_142 : f32 to vector<16xf32>
        %mul3A_200 = arith.mulf %get3A_198, %mul3A_199 : vector<16xf32>
        %swap3A_201 = arith.index_cast %add3A_155 : i32 to index
        %swap3A_202 = arith.constant 80 : index
        %swap3A_203 = tpu.vector_load %arg17[%swap3A_201, %swap3A_202] {strides = array<i32>} : memref<128x128xf32, #tpu.memory_space<vmem>>, vector<16xf32>,
        tpu.vector_store %arg17[%swap3A_201, %swap3A_202], %mul3A_200 {strides = array<i32>} : memref<128x128xf32, #tpu.memory_space<vmem>>, vector<16xf32>,
        %get3A_204 = arith.index_cast %add3A_155 : i32 to index
        %get3A_205 = arith.constant 96 : index
        %get3A_206 = tpu.vector_load %arg17[%get3A_204, %get3A_205] {strides = array<i32>} : memref<128x128xf32, #tpu.memory_space<vmem>>, vector<16xf32>,
        %mul3A_207 = vector.broadcast %squeeze3A_142 : f32 to vector<16xf32>
        %mul3A_208 = arith.mulf %get3A_206, %mul3A_207 : vector<16xf32>
        %swap3A_209 = arith.index_cast %add3A_155 : i32 to index
        %swap3A_210 = arith.constant 96 : index
        %swap3A_211 = tpu.vector_load %arg17[%swap3A_209, %swap3A_210] {strides = array<i32>} : memref<128x128xf32, #tpu.memory_space<vmem>>, vector<16xf32>,
        tpu.vector_store %arg17[%swap3A_209, %swap3A_210], %mul3A_208 {strides = array<i32>} : memref<128x128xf32, #tpu.memory_space<vmem>>, vector<16xf32>,
        %get3A_212 = arith.index_cast %add3A_155 : i32 to index
        %get3A_213 = arith.constant 112 : index
        %get3A_214 = tpu.vector_load %arg17[%get3A_212, %get3A_213] {strides = array<i32>} : memref<128x128xf32, #tpu.memory_space<vmem>>, vector<16xf32>,
        %mul3A_215 = vector.broadcast %squeeze3A_142 : f32 to vector<16xf32>
        %mul3A_216 = arith.mulf %get3A_214, %mul3A_215 : vector<16xf32>
        %swap3A_217 = arith.index_cast %add3A_155 : i32 to index
        %swap3A_218 = arith.constant 112 : index
        %swap3A_219 = tpu.vector_load %arg17[%swap3A_217, %swap3A_218] {strides = array<i32>} : memref<128x128xf32, #tpu.memory_space<vmem>>, vector<16xf32>,
        tpu.vector_store %arg17[%swap3A_217, %swap3A_218], %mul3A_216 {strides = array<i32>} : memref<128x128xf32, #tpu.memory_space<vmem>>, vector<16xf32>,
        %slice3A_220 = vector.extract_strided_slice %get3A_65 {offsets = [2], sizes = [1], strides = [1]} : vector<16xf32> to vector<1xf32>
        %squeeze3A_221 = vector.extract %slice3A_220[0] : f32 from vector<1xf32>
        %slice3A_222 = vector.extract_strided_slice %get3A_67 {offsets = [2], sizes = [1], strides = [1]} : vector<16xi32> to vector<1xi32>
        %squeeze3A_223 = vector.extract %slice3A_222[0] : i32 from vector<1xi32>
        %eq3A_224 = arith.constant 0 : i32
        %eq3A_225 = vector.broadcast %eq3A_224 : i32 to vector<16xi32>
        %eq3A_226 = arith.cmpi eq, %iota3A, %eq3A_225 : vector<16xi32>
        %jit3A_227 = arith.constant 0.000000e+00 : f32
        %broadcast_in_dim3A_228 = vector.broadcast %squeeze3A_221 : f32 to vector<16xf32>
        %broadcast_in_dim3A_229 = vector.broadcast %jit3A_227 : f32 to vector<16xf32>
        %select_n3A_230 = arith.select %eq3A_226, %broadcast_in_dim3A_228, %broadcast_in_dim3A_229 : vector<16xi1>, vector<16xf32>
        %swap3A_231 = arith.index_cast %squeeze3A_223 : i32 to index
        %swap3A_232 = tpu.vector_load %arg12[%swap3A_231] {strides = array<i32>} : memref<10256xf32, #tpu.memory_space<vmem>>, vector<16xf32>,
        tpu.vector_store %arg12[%swap3A_231], %select_n3A_230 {add = true, strides = array<i32>} : memref<10256xf32, #tpu.memory_space<vmem>>, vector<16xf32>,
        %add3A_233 = arith.constant 2 : i32
        %add3A_234 = arith.addi %mul3A_64, %add3A_233 : i32
        %get3A_235 = arith.index_cast %add3A_234 : i32 to index
        %get3A_236 = arith.constant 0 : index
        %get3A_237 = tpu.vector_load %arg17[%get3A_235, %get3A_236] {strides = array<i32>} : memref<128x128xf32, #tpu.memory_space<vmem>>, vector<16xf32>,
        %mul3A_238 = vector.broadcast %squeeze3A_221 : f32 to vector<16xf32>
        %mul3A_239 = arith.mulf %get3A_237, %mul3A_238 : vector<16xf32>
        %swap3A_240 = arith.index_cast %add3A_234 : i32 to index
        %swap3A_241 = arith.constant 0 : index
        %swap3A_242 = tpu.vector_load %arg17[%swap3A_240, %swap3A_241] {strides = array<i32>} : memref<128x128xf32, #tpu.memory_space<vmem>>, vector<16xf32>,
        tpu.vector_store %arg17[%swap3A_240, %swap3A_241], %mul3A_239 {strides = array<i32>} : memref<128x128xf32, #tpu.memory_space<vmem>>, vector<16xf32>,
        %get3A_243 = arith.index_cast %add3A_234 : i32 to index
        %get3A_244 = arith.constant 16 : index
        %get3A_245 = tpu.vector_load %arg17[%get3A_243, %get3A_244] {strides = array<i32>} : memref<128x128xf32, #tpu.memory_space<vmem>>, vector<16xf32>,
        %mul3A_246 = vector.broadcast %squeeze3A_221 : f32 to vector<16xf32>
        %mul3A_247 = arith.mulf %get3A_245, %mul3A_246 : vector<16xf32>
        %swap3A_248 = arith.index_cast %add3A_234 : i32 to index
        %swap3A_249 = arith.constant 16 : index
        %swap3A_250 = tpu.vector_load %arg17[%swap3A_248, %swap3A_249] {strides = array<i32>} : memref<128x128xf32, #tpu.memory_space<vmem>>, vector<16xf32>,
        tpu.vector_store %arg17[%swap3A_248, %swap3A_249], %mul3A_247 {strides = array<i32>} : memref<128x128xf32, #tpu.memory_space<vmem>>, vector<16xf32>,
        %get3A_251 = arith.index_cast %add3A_234 : i32 to index
        %get3A_252 = arith.constant 32 : index
        %get3A_253 = tpu.vector_load %arg17[%get3A_251, %get3A_252] {strides = array<i32>} : memref<128x128xf32, #tpu.memory_space<vmem>>, vector<16xf32>,
        %mul3A_254 = vector.broadcast %squeeze3A_221 : f32 to vector<16xf32>
        %mul3A_255 = arith.mulf %get3A_253, %mul3A_254 : vector<16xf32>
        %swap3A_256 = arith.index_cast %add3A_234 : i32 to index
        %swap3A_257 = arith.constant 32 : index
        %swap3A_258 = tpu.vector_load %arg17[%swap3A_256, %swap3A_257] {strides = array<i32>} : memref<128x128xf32, #tpu.memory_space<vmem>>, vector<16xf32>,
        tpu.vector_store %arg17[%swap3A_256, %swap3A_257], %mul3A_255 {strides = array<i32>} : memref<128x128xf32, #tpu.memory_space<vmem>>, vector<16xf32>,
        %get3A_259 = arith.index_cast %add3A_234 : i32 to index
        %get3A_260 = arith.constant 48 : index
        %get3A_261 = tpu.vector_load %arg17[%get3A_259, %get3A_260] {strides = array<i32>} : memref<128x128xf32, #tpu.memory_space<vmem>>, vector<16xf32>,
        %mul3A_262 = vector.broadcast %squeeze3A_221 : f32 to vector<16xf32>
        %mul3A_263 = arith.mulf %get3A_261, %mul3A_262 : vector<16xf32>
        %swap3A_264 = arith.index_cast %add3A_234 : i32 to index
        %swap3A_265 = arith.constant 48 : index
        %swap3A_266 = tpu.vector_load %arg17[%swap3A_264, %swap3A_265] {strides = array<i32>} : memref<128x128xf32, #tpu.memory_space<vmem>>, vector<16xf32>,
        tpu.vector_store %arg17[%swap3A_264, %swap3A_265], %mul3A_263 {strides = array<i32>} : memref<128x128xf32, #tpu.memory_space<vmem>>, vector<16xf32>,
        %get3A_267 = arith.index_cast %add3A_234 : i32 to index
        %get3A_268 = arith.constant 64 : index
        %get3A_269 = tpu.vector_load %arg17[%get3A_267, %get3A_268] {strides = array<i32>} : memref<128x128xf32, #tpu.memory_space<vmem>>, vector<16xf32>,
        %mul3A_270 = vector.broadcast %squeeze3A_221 : f32 to vector<16xf32>
        %mul3A_271 = arith.mulf %get3A_269, %mul3A_270 : vector<16xf32>
        %swap3A_272 = arith.index_cast %add3A_234 : i32 to index
        %swap3A_273 = arith.constant 64 : index
        %swap3A_274 = tpu.vector_load %arg17[%swap3A_272, %swap3A_273] {strides = array<i32>} : memref<128x128xf32, #tpu.memory_space<vmem>>, vector<16xf32>,
        tpu.vector_store %arg17[%swap3A_272, %swap3A_273], %mul3A_271 {strides = array<i32>} : memref<128x128xf32, #tpu.memory_space<vmem>>, vector<16xf32>,
        %get3A_275 = arith.index_cast %add3A_234 : i32 to index
        %get3A_276 = arith.constant 80 : index
        %get3A_277 = tpu.vector_load %arg17[%get3A_275, %get3A_276] {strides = array<i32>} : memref<128x128xf32, #tpu.memory_space<vmem>>, vector<16xf32>,
        %mul3A_278 = vector.broadcast %squeeze3A_221 : f32 to vector<16xf32>
        %mul3A_279 = arith.mulf %get3A_277, %mul3A_278 : vector<16xf32>
        %swap3A_280 = arith.index_cast %add3A_234 : i32 to index
        %swap3A_281 = arith.constant 80 : index
        %swap3A_282 = tpu.vector_load %arg17[%swap3A_280, %swap3A_281] {strides = array<i32>} : memref<128x128xf32, #tpu.memory_space<vmem>>, vector<16xf32>,
        tpu.vector_store %arg17[%swap3A_280, %swap3A_281], %mul3A_279 {strides = array<i32>} : memref<128x128xf32, #tpu.memory_space<vmem>>, vector<16xf32>,
        %get3A_283 = arith.index_cast %add3A_234 : i32 to index
        %get3A_284 = arith.constant 96 : index
        %get3A_285 = tpu.vector_load %arg17[%get3A_283, %get3A_284] {strides = array<i32>} : memref<128x128xf32, #tpu.memory_space<vmem>>, vector<16xf32>,
        %mul3A_286 = vector.broadcast %squeeze3A_221 : f32 to vector<16xf32>
        %mul3A_287 = arith.mulf %get3A_285, %mul3A_286 : vector<16xf32>
        %swap3A_288 = arith.index_cast %add3A_234 : i32 to index
        %swap3A_289 = arith.constant 96 : index
        %swap3A_290 = tpu.vector_load %arg17[%swap3A_288, %swap3A_289] {strides = array<i32>} : memref<128x128xf32, #tpu.memory_space<vmem>>, vector<16xf32>,
        tpu.vector_store %arg17[%swap3A_288, %swap3A_289], %mul3A_287 {strides = array<i32>} : memref<128x128xf32, #tpu.memory_space<vmem>>, vector<16xf32>,
        %get3A_291 = arith.index_cast %add3A_234 : i32 to index
        %get3A_292 = arith.constant 112 : index
        %get3A_293 = tpu.vector_load %arg17[%get3A_291, %get3A_292] {strides = array<i32>} : memref<128x128xf32, #tpu.memory_space<vmem>>, vector<16xf32>,
        %mul3A_294 = vector.broadcast %squeeze3A_221 : f32 to vector<16xf32>
        %mul3A_295 = arith.mulf %get3A_293, %mul3A_294 : vector<16xf32>
        %swap3A_296 = arith.index_cast %add3A_234 : i32 to index
        %swap3A_297 = arith.constant 112 : index
        %swap3A_298 = tpu.vector_load %arg17[%swap3A_296, %swap3A_297] {strides = array<i32>} : memref<128x128xf32, #tpu.memory_space<vmem>>, vector<16xf32>,
        tpu.vector_store %arg17[%swap3A_296, %swap3A_297], %mul3A_295 {strides = array<i32>} : memref<128x128xf32, #tpu.memory_space<vmem>>, vector<16xf32>,
        %slice3A_299 = vector.extract_strided_slice %get3A_65 {offsets = [3], sizes = [1], strides = [1]} : vector<16xf32> to vector<1xf32>
        %squeeze3A_300 = vector.extract %slice3A_299[0] : f32 from vector<1xf32>
        %slice3A_301 = vector.extract_strided_slice %get3A_67 {offsets = [3], sizes = [1], strides = [1]} : vector<16xi32> to vector<1xi32>
        %squeeze3A_302 = vector.extract %slice3A_301[0] : i32 from vector<1xi32>
        %eq3A_303 = arith.constant 0 : i32
        %eq3A_304 = vector.broadcast %eq3A_303 : i32 to vector<16xi32>
        %eq3A_305 = arith.cmpi eq, %iota3A, %eq3A_304 : vector<16xi32>
        %jit3A_306 = arith.constant 0.000000e+00 : f32
        %broadcast_in_dim3A_307 = vector.broadcast %squeeze3A_300 : f32 to vector<16xf32>
        %broadcast_in_dim3A_308 = vector.broadcast %jit3A_306 : f32 to vector<16xf32>
        %select_n3A_309 = arith.select %eq3A_305, %broadcast_in_dim3A_307, %broadcast_in_dim3A_308 : vector<16xi1>, vector<16xf32>
        %swap3A_310 = arith.index_cast %squeeze3A_302 : i32 to index
        %swap3A_311 = tpu.vector_load %arg12[%swap3A_310] {strides = array<i32>} : memref<10256xf32, #tpu.memory_space<vmem>>, vector<16xf32>,
        tpu.vector_store %arg12[%swap3A_310], %select_n3A_309 {add = true, strides = array<i32>} : memref<10256xf32, #tpu.memory_space<vmem>>, vector<16xf32>,
        %add3A_312 = arith.constant 3 : i32
        %add3A_313 = arith.addi %mul3A_64, %add3A_312 : i32
        %get3A_314 = arith.index_cast %add3A_313 : i32 to index
        %get3A_315 = arith.constant 0 : index
        %get3A_316 = tpu.vector_load %arg17[%get3A_314, %get3A_315] {strides = array<i32>} : memref<128x128xf32, #tpu.memory_space<vmem>>, vector<16xf32>,
        %mul3A_317 = vector.broadcast %squeeze3A_300 : f32 to vector<16xf32>
        %mul3A_318 = arith.mulf %get3A_316, %mul3A_317 : vector<16xf32>
        %swap3A_319 = arith.index_cast %add3A_313 : i32 to index
        %swap3A_320 = arith.constant 0 : index
        %swap3A_321 = tpu.vector_load %arg17[%swap3A_319, %swap3A_320] {strides = array<i32>} : memref<128x128xf32, #tpu.memory_space<vmem>>, vector<16xf32>,
        tpu.vector_store %arg17[%swap3A_319, %swap3A_320], %mul3A_318 {strides = array<i32>} : memref<128x128xf32, #tpu.memory_space<vmem>>, vector<16xf32>,
        %get3A_322 = arith.index_cast %add3A_313 : i32 to index
        %get3A_323 = arith.constant 16 : index
        %get3A_324 = tpu.vector_load %arg17[%get3A_322, %get3A_323] {strides = array<i32>} : memref<128x128xf32, #tpu.memory_space<vmem>>, vector<16xf32>,
        %mul3A_325 = vector.broadcast %squeeze3A_300 : f32 to vector<16xf32>
        %mul3A_326 = arith.mulf %get3A_324, %mul3A_325 : vector<16xf32>
        %swap3A_327 = arith.index_cast %add3A_313 : i32 to index
        %swap3A_328 = arith.constant 16 : index
        %swap3A_329 = tpu.vector_load %arg17[%swap3A_327, %swap3A_328] {strides = array<i32>} : memref<128x128xf32, #tpu.memory_space<vmem>>, vector<16xf32>,
        tpu.vector_store %arg17[%swap3A_327, %swap3A_328], %mul3A_326 {strides = array<i32>} : memref<128x128xf32, #tpu.memory_space<vmem>>, vector<16xf32>,
        %get3A_330 = arith.index_cast %add3A_313 : i32 to index
        %get3A_331 = arith.constant 32 : index
        %get3A_332 = tpu.vector_load %arg17[%get3A_330, %get3A_331] {strides = array<i32>} : memref<128x128xf32, #tpu.memory_space<vmem>>, vector<16xf32>,
        %mul3A_333 = vector.broadcast %squeeze3A_300 : f32 to vector<16xf32>
        %mul3A_334 = arith.mulf %get3A_332, %mul3A_333 : vector<16xf32>
        %swap3A_335 = arith.index_cast %add3A_313 : i32 to index
        %swap3A_336 = arith.constant 32 : index
        %swap3A_337 = tpu.vector_load %arg17[%swap3A_335, %swap3A_336] {strides = array<i32>} : memref<128x128xf32, #tpu.memory_space<vmem>>, vector<16xf32>,
        tpu.vector_store %arg17[%swap3A_335, %swap3A_336], %mul3A_334 {strides = array<i32>} : memref<128x128xf32, #tpu.memory_space<vmem>>, vector<16xf32>,
        %get3A_338 = arith.index_cast %add3A_313 : i32 to index
        %get3A_339 = arith.constant 48 : index
        %get3A_340 = tpu.vector_load %arg17[%get3A_338, %get3A_339] {strides = array<i32>} : memref<128x128xf32, #tpu.memory_space<vmem>>, vector<16xf32>,
        %mul3A_341 = vector.broadcast %squeeze3A_300 : f32 to vector<16xf32>
        %mul3A_342 = arith.mulf %get3A_340, %mul3A_341 : vector<16xf32>
        %swap3A_343 = arith.index_cast %add3A_313 : i32 to index
        %swap3A_344 = arith.constant 48 : index
        %swap3A_345 = tpu.vector_load %arg17[%swap3A_343, %swap3A_344] {strides = array<i32>} : memref<128x128xf32, #tpu.memory_space<vmem>>, vector<16xf32>,
        tpu.vector_store %arg17[%swap3A_343, %swap3A_344], %mul3A_342 {strides = array<i32>} : memref<128x128xf32, #tpu.memory_space<vmem>>, vector<16xf32>,
        %get3A_346 = arith.index_cast %add3A_313 : i32 to index
        %get3A_347 = arith.constant 64 : index
        %get3A_348 = tpu.vector_load %arg17[%get3A_346, %get3A_347] {strides = array<i32>} : memref<128x128xf32, #tpu.memory_space<vmem>>, vector<16xf32>,
        %mul3A_349 = vector.broadcast %squeeze3A_300 : f32 to vector<16xf32>
        %mul3A_350 = arith.mulf %get3A_348, %mul3A_349 : vector<16xf32>
        %swap3A_351 = arith.index_cast %add3A_313 : i32 to index
        %swap3A_352 = arith.constant 64 : index
        %swap3A_353 = tpu.vector_load %arg17[%swap3A_351, %swap3A_352] {strides = array<i32>} : memref<128x128xf32, #tpu.memory_space<vmem>>, vector<16xf32>,
        tpu.vector_store %arg17[%swap3A_351, %swap3A_352], %mul3A_350 {strides = array<i32>} : memref<128x128xf32, #tpu.memory_space<vmem>>, vector<16xf32>,
        %get3A_354 = arith.index_cast %add3A_313 : i32 to index
        %get3A_355 = arith.constant 80 : index
        %get3A_356 = tpu.vector_load %arg17[%get3A_354, %get3A_355] {strides = array<i32>} : memref<128x128xf32, #tpu.memory_space<vmem>>, vector<16xf32>,
        %mul3A_357 = vector.broadcast %squeeze3A_300 : f32 to vector<16xf32>
        %mul3A_358 = arith.mulf %get3A_356, %mul3A_357 : vector<16xf32>
        %swap3A_359 = arith.index_cast %add3A_313 : i32 to index
        %swap3A_360 = arith.constant 80 : index
        %swap3A_361 = tpu.vector_load %arg17[%swap3A_359, %swap3A_360] {strides = array<i32>} : memref<128x128xf32, #tpu.memory_space<vmem>>, vector<16xf32>,
        tpu.vector_store %arg17[%swap3A_359, %swap3A_360], %mul3A_358 {strides = array<i32>} : memref<128x128xf32, #tpu.memory_space<vmem>>, vector<16xf32>,
        %get3A_362 = arith.index_cast %add3A_313 : i32 to index
        %get3A_363 = arith.constant 96 : index
        %get3A_364 = tpu.vector_load %arg17[%get3A_362, %get3A_363] {strides = array<i32>} : memref<128x128xf32, #tpu.memory_space<vmem>>, vector<16xf32>,
        %mul3A_365 = vector.broadcast %squeeze3A_300 : f32 to vector<16xf32>
        %mul3A_366 = arith.mulf %get3A_364, %mul3A_365 : vector<16xf32>
        %swap3A_367 = arith.index_cast %add3A_313 : i32 to index
        %swap3A_368 = arith.constant 96 : index
        %swap3A_369 = tpu.vector_load %arg17[%swap3A_367, %swap3A_368] {strides = array<i32>} : memref<128x128xf32, #tpu.memory_space<vmem>>, vector<16xf32>,
        tpu.vector_store %arg17[%swap3A_367, %swap3A_368], %mul3A_366 {strides = array<i32>} : memref<128x128xf32, #tpu.memory_space<vmem>>, vector<16xf32>,
        %get3A_370 = arith.index_cast %add3A_313 : i32 to index
        %get3A_371 = arith.constant 112 : index
        %get3A_372 = tpu.vector_load %arg17[%get3A_370, %get3A_371] {strides = array<i32>} : memref<128x128xf32, #tpu.memory_space<vmem>>, vector<16xf32>,
        %mul3A_373 = vector.broadcast %squeeze3A_300 : f32 to vector<16xf32>
        %mul3A_374 = arith.mulf %get3A_372, %mul3A_373 : vector<16xf32>
        %swap3A_375 = arith.index_cast %add3A_313 : i32 to index
        %swap3A_376 = arith.constant 112 : index
        %swap3A_377 = tpu.vector_load %arg17[%swap3A_375, %swap3A_376] {strides = array<i32>} : memref<128x128xf32, #tpu.memory_space<vmem>>, vector<16xf32>,
        tpu.vector_store %arg17[%swap3A_375, %swap3A_376], %mul3A_374 {strides = array<i32>} : memref<128x128xf32, #tpu.memory_space<vmem>>, vector<16xf32>,
        %slice3A_378 = vector.extract_strided_slice %get3A_65 {offsets = [4], sizes = [1], strides = [1]} : vector<16xf32> to vector<1xf32>
        %squeeze3A_379 = vector.extract %slice3A_378[0] : f32 from vector<1xf32>
        %slice3A_380 = vector.extract_strided_slice %get3A_67 {offsets = [4], sizes = [1], strides = [1]} : vector<16xi32> to vector<1xi32>
        %squeeze3A_381 = vector.extract %slice3A_380[0] : i32 from vector<1xi32>
        %eq3A_382 = arith.constant 0 : i32
        %eq3A_383 = vector.broadcast %eq3A_382 : i32 to vector<16xi32>
        %eq3A_384 = arith.cmpi eq, %iota3A, %eq3A_383 : vector<16xi32>
        %jit3A_385 = arith.constant 0.000000e+00 : f32
        %broadcast_in_dim3A_386 = vector.broadcast %squeeze3A_379 : f32 to vector<16xf32>
        %broadcast_in_dim3A_387 = vector.broadcast %jit3A_385 : f32 to vector<16xf32>
        %select_n3A_388 = arith.select %eq3A_384, %broadcast_in_dim3A_386, %broadcast_in_dim3A_387 : vector<16xi1>, vector<16xf32>
        %swap3A_389 = arith.index_cast %squeeze3A_381 : i32 to index
        %swap3A_390 = tpu.vector_load %arg12[%swap3A_389] {strides = array<i32>} : memref<10256xf32, #tpu.memory_space<vmem>>, vector<16xf32>,
        tpu.vector_store %arg12[%swap3A_389], %select_n3A_388 {add = true, strides = array<i32>} : memref<10256xf32, #tpu.memory_space<vmem>>, vector<16xf32>,
        %add3A_391 = arith.constant 4 : i32
        %add3A_392 = arith.addi %mul3A_64, %add3A_391 : i32
        %get3A_393 = arith.index_cast %add3A_392 : i32 to index
        %get3A_394 = arith.constant 0 : index
        %get3A_395 = tpu.vector_load %arg17[%get3A_393, %get3A_394] {strides = array<i32>} : memref<128x128xf32, #tpu.memory_space<vmem>>, vector<16xf32>,
        %mul3A_396 = vector.broadcast %squeeze3A_379 : f32 to vector<16xf32>
        %mul3A_397 = arith.mulf %get3A_395, %mul3A_396 : vector<16xf32>
        %swap3A_398 = arith.index_cast %add3A_392 : i32 to index
        %swap3A_399 = arith.constant 0 : index
        %swap3A_400 = tpu.vector_load %arg17[%swap3A_398, %swap3A_399] {strides = array<i32>} : memref<128x128xf32, #tpu.memory_space<vmem>>, vector<16xf32>,
        tpu.vector_store %arg17[%swap3A_398, %swap3A_399], %mul3A_397 {strides = array<i32>} : memref<128x128xf32, #tpu.memory_space<vmem>>, vector<16xf32>,
        %get3A_401 = arith.index_cast %add3A_392 : i32 to index
        %get3A_402 = arith.constant 16 : index
        %get3A_403 = tpu.vector_load %arg17[%get3A_401, %get3A_402] {strides = array<i32>} : memref<128x128xf32, #tpu.memory_space<vmem>>, vector<16xf32>,
        %mul3A_404 = vector.broadcast %squeeze3A_379 : f32 to vector<16xf32>
        %mul3A_405 = arith.mulf %get3A_403, %mul3A_404 : vector<16xf32>
        %swap3A_406 = arith.index_cast %add3A_392 : i32 to index
        %swap3A_407 = arith.constant 16 : index
        %swap3A_408 = tpu.vector_load %arg17[%swap3A_406, %swap3A_407] {strides = array<i32>} : memref<128x128xf32, #tpu.memory_space<vmem>>, vector<16xf32>,
        tpu.vector_store %arg17[%swap3A_406, %swap3A_407], %mul3A_405 {strides = array<i32>} : memref<128x128xf32, #tpu.memory_space<vmem>>, vector<16xf32>,
        %get3A_409 = arith.index_cast %add3A_392 : i32 to index
        %get3A_410 = arith.constant 32 : index
        %get3A_411 = tpu.vector_load %arg17[%get3A_409, %get3A_410] {strides = array<i32>} : memref<128x128xf32, #tpu.memory_space<vmem>>, vector<16xf32>,
        %mul3A_412 = vector.broadcast %squeeze3A_379 : f32 to vector<16xf32>
        %mul3A_413 = arith.mulf %get3A_411, %mul3A_412 : vector<16xf32>
        %swap3A_414 = arith.index_cast %add3A_392 : i32 to index
        %swap3A_415 = arith.constant 32 : index
        %swap3A_416 = tpu.vector_load %arg17[%swap3A_414, %swap3A_415] {strides = array<i32>} : memref<128x128xf32, #tpu.memory_space<vmem>>, vector<16xf32>,
        tpu.vector_store %arg17[%swap3A_414, %swap3A_415], %mul3A_413 {strides = array<i32>} : memref<128x128xf32, #tpu.memory_space<vmem>>, vector<16xf32>,
        %get3A_417 = arith.index_cast %add3A_392 : i32 to index
        %get3A_418 = arith.constant 48 : index
        %get3A_419 = tpu.vector_load %arg17[%get3A_417, %get3A_418] {strides = array<i32>} : memref<128x128xf32, #tpu.memory_space<vmem>>, vector<16xf32>,
        %mul3A_420 = vector.broadcast %squeeze3A_379 : f32 to vector<16xf32>
        %mul3A_421 = arith.mulf %get3A_419, %mul3A_420 : vector<16xf32>
        %swap3A_422 = arith.index_cast %add3A_392 : i32 to index
        %swap3A_423 = arith.constant 48 : index
        %swap3A_424 = tpu.vector_load %arg17[%swap3A_422, %swap3A_423] {strides = array<i32>} : memref<128x128xf32, #tpu.memory_space<vmem>>, vector<16xf32>,
        tpu.vector_store %arg17[%swap3A_422, %swap3A_423], %mul3A_421 {strides = array<i32>} : memref<128x128xf32, #tpu.memory_space<vmem>>, vector<16xf32>,
        %get3A_425 = arith.index_cast %add3A_392 : i32 to index
        %get3A_426 = arith.constant 64 : index
        %get3A_427 = tpu.vector_load %arg17[%get3A_425, %get3A_426] {strides = array<i32>} : memref<128x128xf32, #tpu.memory_space<vmem>>, vector<16xf32>,
        %mul3A_428 = vector.broadcast %squeeze3A_379 : f32 to vector<16xf32>
        %mul3A_429 = arith.mulf %get3A_427, %mul3A_428 : vector<16xf32>
        %swap3A_430 = arith.index_cast %add3A_392 : i32 to index
        %swap3A_431 = arith.constant 64 : index
        %swap3A_432 = tpu.vector_load %arg17[%swap3A_430, %swap3A_431] {strides = array<i32>} : memref<128x128xf32, #tpu.memory_space<vmem>>, vector<16xf32>,
        tpu.vector_store %arg17[%swap3A_430, %swap3A_431], %mul3A_429 {strides = array<i32>} : memref<128x128xf32, #tpu.memory_space<vmem>>, vector<16xf32>,
        %get3A_433 = arith.index_cast %add3A_392 : i32 to index
        %get3A_434 = arith.constant 80 : index
        %get3A_435 = tpu.vector_load %arg17[%get3A_433, %get3A_434] {strides = array<i32>} : memref<128x128xf32, #tpu.memory_space<vmem>>, vector<16xf32>,
        %mul3A_436 = vector.broadcast %squeeze3A_379 : f32 to vector<16xf32>
        %mul3A_437 = arith.mulf %get3A_435, %mul3A_436 : vector<16xf32>
        %swap3A_438 = arith.index_cast %add3A_392 : i32 to index
        %swap3A_439 = arith.constant 80 : index
        %swap3A_440 = tpu.vector_load %arg17[%swap3A_438, %swap3A_439] {strides = array<i32>} : memref<128x128xf32, #tpu.memory_space<vmem>>, vector<16xf32>,
        tpu.vector_store %arg17[%swap3A_438, %swap3A_439], %mul3A_437 {strides = array<i32>} : memref<128x128xf32, #tpu.memory_space<vmem>>, vector<16xf32>,
        %get3A_441 = arith.index_cast %add3A_392 : i32 to index
        %get3A_442 = arith.constant 96 : index
        %get3A_443 = tpu.vector_load %arg17[%get3A_441, %get3A_442] {strides = array<i32>} : memref<128x128xf32, #tpu.memory_space<vmem>>, vector<16xf32>,
        %mul3A_444 = vector.broadcast %squeeze3A_379 : f32 to vector<16xf32>
        %mul3A_445 = arith.mulf %get3A_443, %mul3A_444 : vector<16xf32>
        %swap3A_446 = arith.index_cast %add3A_392 : i32 to index
        %swap3A_447 = arith.constant 96 : index
        %swap3A_448 = tpu.vector_load %arg17[%swap3A_446, %swap3A_447] {strides = array<i32>} : memref<128x128xf32, #tpu.memory_space<vmem>>, vector<16xf32>,
        tpu.vector_store %arg17[%swap3A_446, %swap3A_447], %mul3A_445 {strides = array<i32>} : memref<128x128xf32, #tpu.memory_space<vmem>>, vector<16xf32>,
        %get3A_449 = arith.index_cast %add3A_392 : i32 to index
        %get3A_450 = arith.constant 112 : index
        %get3A_451 = tpu.vector_load %arg17[%get3A_449, %get3A_450] {strides = array<i32>} : memref<128x128xf32, #tpu.memory_space<vmem>>, vector<16xf32>,
        %mul3A_452 = vector.broadcast %squeeze3A_379 : f32 to vector<16xf32>
        %mul3A_453 = arith.mulf %get3A_451, %mul3A_452 : vector<16xf32>
        %swap3A_454 = arith.index_cast %add3A_392 : i32 to index
        %swap3A_455 = arith.constant 112 : index
        %swap3A_456 = tpu.vector_load %arg17[%swap3A_454, %swap3A_455] {strides = array<i32>} : memref<128x128xf32, #tpu.memory_space<vmem>>, vector<16xf32>,
        tpu.vector_store %arg17[%swap3A_454, %swap3A_455], %mul3A_453 {strides = array<i32>} : memref<128x128xf32, #tpu.memory_space<vmem>>, vector<16xf32>,
        %slice3A_457 = vector.extract_strided_slice %get3A_65 {offsets = [5], sizes = [1], strides = [1]} : vector<16xf32> to vector<1xf32>
        %squeeze3A_458 = vector.extract %slice3A_457[0] : f32 from vector<1xf32>
        %slice3A_459 = vector.extract_strided_slice %get3A_67 {offsets = [5], sizes = [1], strides = [1]} : vector<16xi32> to vector<1xi32>
        %squeeze3A_460 = vector.extract %slice3A_459[0] : i32 from vector<1xi32>
        %eq3A_461 = arith.constant 0 : i32
        %eq3A_462 = vector.broadcast %eq3A_461 : i32 to vector<16xi32>
        %eq3A_463 = arith.cmpi eq, %iota3A, %eq3A_462 : vector<16xi32>
        %jit3A_464 = arith.constant 0.000000e+00 : f32
        %broadcast_in_dim3A_465 = vector.broadcast %squeeze3A_458 : f32 to vector<16xf32>
        %broadcast_in_dim3A_466 = vector.broadcast %jit3A_464 : f32 to vector<16xf32>
        %select_n3A_467 = arith.select %eq3A_463, %broadcast_in_dim3A_465, %broadcast_in_dim3A_466 : vector<16xi1>, vector<16xf32>
        %swap3A_468 = arith.index_cast %squeeze3A_460 : i32 to index
        %swap3A_469 = tpu.vector_load %arg12[%swap3A_468] {strides = array<i32>} : memref<10256xf32, #tpu.memory_space<vmem>>, vector<16xf32>,
        tpu.vector_store %arg12[%swap3A_468], %select_n3A_467 {add = true, strides = array<i32>} : memref<10256xf32, #tpu.memory_space<vmem>>, vector<16xf32>,
        %add3A_470 = arith.constant 5 : i32
        %add3A_471 = arith.addi %mul3A_64, %add3A_470 : i32
        %get3A_472 = arith.index_cast %add3A_471 : i32 to index
        %get3A_473 = arith.constant 0 : index
        %get3A_474 = tpu.vector_load %arg17[%get3A_472, %get3A_473] {strides = array<i32>} : memref<128x128xf32, #tpu.memory_space<vmem>>, vector<16xf32>,
        %mul3A_475 = vector.broadcast %squeeze3A_458 : f32 to vector<16xf32>
        %mul3A_476 = arith.mulf %get3A_474, %mul3A_475 : vector<16xf32>
        %swap3A_477 = arith.index_cast %add3A_471 : i32 to index
        %swap3A_478 = arith.constant 0 : index
        %swap3A_479 = tpu.vector_load %arg17[%swap3A_477, %swap3A_478] {strides = array<i32>} : memref<128x128xf32, #tpu.memory_space<vmem>>, vector<16xf32>,
        tpu.vector_store %arg17[%swap3A_477, %swap3A_478], %mul3A_476 {strides = array<i32>} : memref<128x128xf32, #tpu.memory_space<vmem>>, vector<16xf32>,
        %get3A_480 = arith.index_cast %add3A_471 : i32 to index
        %get3A_481 = arith.constant 16 : index
        %get3A_482 = tpu.vector_load %arg17[%get3A_480, %get3A_481] {strides = array<i32>} : memref<128x128xf32, #tpu.memory_space<vmem>>, vector<16xf32>,
        %mul3A_483 = vector.broadcast %squeeze3A_458 : f32 to vector<16xf32>
        %mul3A_484 = arith.mulf %get3A_482, %mul3A_483 : vector<16xf32>
        %swap3A_485 = arith.index_cast %add3A_471 : i32 to index
        %swap3A_486 = arith.constant 16 : index
        %swap3A_487 = tpu.vector_load %arg17[%swap3A_485, %swap3A_486] {strides = array<i32>} : memref<128x128xf32, #tpu.memory_space<vmem>>, vector<16xf32>,
        tpu.vector_store %arg17[%swap3A_485, %swap3A_486], %mul3A_484 {strides = array<i32>} : memref<128x128xf32, #tpu.memory_space<vmem>>, vector<16xf32>,
        %get3A_488 = arith.index_cast %add3A_471 : i32 to index
        %get3A_489 = arith.constant 32 : index
        %get3A_490 = tpu.vector_load %arg17[%get3A_488, %get3A_489] {strides = array<i32>} : memref<128x128xf32, #tpu.memory_space<vmem>>, vector<16xf32>,
        %mul3A_491 = vector.broadcast %squeeze3A_458 : f32 to vector<16xf32>
        %mul3A_492 = arith.mulf %get3A_490, %mul3A_491 : vector<16xf32>
        %swap3A_493 = arith.index_cast %add3A_471 : i32 to index
        %swap3A_494 = arith.constant 32 : index
        %swap3A_495 = tpu.vector_load %arg17[%swap3A_493, %swap3A_494] {strides = array<i32>} : memref<128x128xf32, #tpu.memory_space<vmem>>, vector<16xf32>,
        tpu.vector_store %arg17[%swap3A_493, %swap3A_494], %mul3A_492 {strides = array<i32>} : memref<128x128xf32, #tpu.memory_space<vmem>>, vector<16xf32>,
        %get3A_496 = arith.index_cast %add3A_471 : i32 to index
        %get3A_497 = arith.constant 48 : index
        %get3A_498 = tpu.vector_load %arg17[%get3A_496, %get3A_497] {strides = array<i32>} : memref<128x128xf32, #tpu.memory_space<vmem>>, vector<16xf32>,
        %mul3A_499 = vector.broadcast %squeeze3A_458 : f32 to vector<16xf32>
        %mul3A_500 = arith.mulf %get3A_498, %mul3A_499 : vector<16xf32>
        %swap3A_501 = arith.index_cast %add3A_471 : i32 to index
        %swap3A_502 = arith.constant 48 : index
        %swap3A_503 = tpu.vector_load %arg17[%swap3A_501, %swap3A_502] {strides = array<i32>} : memref<128x128xf32, #tpu.memory_space<vmem>>, vector<16xf32>,
        tpu.vector_store %arg17[%swap3A_501, %swap3A_502], %mul3A_500 {strides = array<i32>} : memref<128x128xf32, #tpu.memory_space<vmem>>, vector<16xf32>,
        %get3A_504 = arith.index_cast %add3A_471 : i32 to index
        %get3A_505 = arith.constant 64 : index
        %get3A_506 = tpu.vector_load %arg17[%get3A_504, %get3A_505] {strides = array<i32>} : memref<128x128xf32, #tpu.memory_space<vmem>>, vector<16xf32>,
        %mul3A_507 = vector.broadcast %squeeze3A_458 : f32 to vector<16xf32>
        %mul3A_508 = arith.mulf %get3A_506, %mul3A_507 : vector<16xf32>
        %swap3A_509 = arith.index_cast %add3A_471 : i32 to index
        %swap3A_510 = arith.constant 64 : index
        %swap3A_511 = tpu.vector_load %arg17[%swap3A_509, %swap3A_510] {strides = array<i32>} : memref<128x128xf32, #tpu.memory_space<vmem>>, vector<16xf32>,
        tpu.vector_store %arg17[%swap3A_509, %swap3A_510], %mul3A_508 {strides = array<i32>} : memref<128x128xf32, #tpu.memory_space<vmem>>, vector<16xf32>,
        %get3A_512 = arith.index_cast %add3A_471 : i32 to index
        %get3A_513 = arith.constant 80 : index
        %get3A_514 = tpu.vector_load %arg17[%get3A_512, %get3A_513] {strides = array<i32>} : memref<128x128xf32, #tpu.memory_space<vmem>>, vector<16xf32>,
        %mul3A_515 = vector.broadcast %squeeze3A_458 : f32 to vector<16xf32>
        %mul3A_516 = arith.mulf %get3A_514, %mul3A_515 : vector<16xf32>
        %swap3A_517 = arith.index_cast %add3A_471 : i32 to index
        %swap3A_518 = arith.constant 80 : index
        %swap3A_519 = tpu.vector_load %arg17[%swap3A_517, %swap3A_518] {strides = array<i32>} : memref<128x128xf32, #tpu.memory_space<vmem>>, vector<16xf32>,
        tpu.vector_store %arg17[%swap3A_517, %swap3A_518], %mul3A_516 {strides = array<i32>} : memref<128x128xf32, #tpu.memory_space<vmem>>, vector<16xf32>,
        %get3A_520 = arith.index_cast %add3A_471 : i32 to index
        %get3A_521 = arith.constant 96 : index
        %get3A_522 = tpu.vector_load %arg17[%get3A_520, %get3A_521] {strides = array<i32>} : memref<128x128xf32, #tpu.memory_space<vmem>>, vector<16xf32>,
        %mul3A_523 = vector.broadcast %squeeze3A_458 : f32 to vector<16xf32>
        %mul3A_524 = arith.mulf %get3A_522, %mul3A_523 : vector<16xf32>
        %swap3A_525 = arith.index_cast %add3A_471 : i32 to index
        %swap3A_526 = arith.constant 96 : index
        %swap3A_527 = tpu.vector_load %arg17[%swap3A_525, %swap3A_526] {strides = array<i32>} : memref<128x128xf32, #tpu.memory_space<vmem>>, vector<16xf32>,
        tpu.vector_store %arg17[%swap3A_525, %swap3A_526], %mul3A_524 {strides = array<i32>} : memref<128x128xf32, #tpu.memory_space<vmem>>, vector<16xf32>,
        %get3A_528 = arith.index_cast %add3A_471 : i32 to index
        %get3A_529 = arith.constant 112 : index
        %get3A_530 = tpu.vector_load %arg17[%get3A_528, %get3A_529] {strides = array<i32>} : memref<128x128xf32, #tpu.memory_space<vmem>>, vector<16xf32>,
        %mul3A_531 = vector.broadcast %squeeze3A_458 : f32 to vector<16xf32>
        %mul3A_532 = arith.mulf %get3A_530, %mul3A_531 : vector<16xf32>
        %swap3A_533 = arith.index_cast %add3A_471 : i32 to index
        %swap3A_534 = arith.constant 112 : index
        %swap3A_535 = tpu.vector_load %arg17[%swap3A_533, %swap3A_534] {strides = array<i32>} : memref<128x128xf32, #tpu.memory_space<vmem>>, vector<16xf32>,
        tpu.vector_store %arg17[%swap3A_533, %swap3A_534], %mul3A_532 {strides = array<i32>} : memref<128x128xf32, #tpu.memory_space<vmem>>, vector<16xf32>,
        %slice3A_536 = vector.extract_strided_slice %get3A_65 {offsets = [6], sizes = [1], strides = [1]} : vector<16xf32> to vector<1xf32>
        %squeeze3A_537 = vector.extract %slice3A_536[0] : f32 from vector<1xf32>
        %slice3A_538 = vector.extract_strided_slice %get3A_67 {offsets = [6], sizes = [1], strides = [1]} : vector<16xi32> to vector<1xi32>
        %squeeze3A_539 = vector.extract %slice3A_538[0] : i32 from vector<1xi32>
        %eq3A_540 = arith.constant 0 : i32
        %eq3A_541 = vector.broadcast %eq3A_540 : i32 to vector<16xi32>
        %eq3A_542 = arith.cmpi eq, %iota3A, %eq3A_541 : vector<16xi32>
        %jit3A_543 = arith.constant 0.000000e+00 : f32
        %broadcast_in_dim3A_544 = vector.broadcast %squeeze3A_537 : f32 to vector<16xf32>
        %broadcast_in_dim3A_545 = vector.broadcast %jit3A_543 : f32 to vector<16xf32>
        %select_n3A_546 = arith.select %eq3A_542, %broadcast_in_dim3A_544, %broadcast_in_dim3A_545 : vector<16xi1>, vector<16xf32>
        %swap3A_547 = arith.index_cast %squeeze3A_539 : i32 to index
        %swap3A_548 = tpu.vector_load %arg12[%swap3A_547] {strides = array<i32>} : memref<10256xf32, #tpu.memory_space<vmem>>, vector<16xf32>,
        tpu.vector_store %arg12[%swap3A_547], %select_n3A_546 {add = true, strides = array<i32>} : memref<10256xf32, #tpu.memory_space<vmem>>, vector<16xf32>,
        %add3A_549 = arith.constant 6 : i32
        %add3A_550 = arith.addi %mul3A_64, %add3A_549 : i32
        %get3A_551 = arith.index_cast %add3A_550 : i32 to index
        %get3A_552 = arith.constant 0 : index
        %get3A_553 = tpu.vector_load %arg17[%get3A_551, %get3A_552] {strides = array<i32>} : memref<128x128xf32, #tpu.memory_space<vmem>>, vector<16xf32>,
        %mul3A_554 = vector.broadcast %squeeze3A_537 : f32 to vector<16xf32>
        %mul3A_555 = arith.mulf %get3A_553, %mul3A_554 : vector<16xf32>
        %swap3A_556 = arith.index_cast %add3A_550 : i32 to index
        %swap3A_557 = arith.constant 0 : index
        %swap3A_558 = tpu.vector_load %arg17[%swap3A_556, %swap3A_557] {strides = array<i32>} : memref<128x128xf32, #tpu.memory_space<vmem>>, vector<16xf32>,
        tpu.vector_store %arg17[%swap3A_556, %swap3A_557], %mul3A_555 {strides = array<i32>} : memref<128x128xf32, #tpu.memory_space<vmem>>, vector<16xf32>,
        %get3A_559 = arith.index_cast %add3A_550 : i32 to index
        %get3A_560 = arith.constant 16 : index
        %get3A_561 = tpu.vector_load %arg17[%get3A_559, %get3A_560] {strides = array<i32>} : memref<128x128xf32, #tpu.memory_space<vmem>>, vector<16xf32>,
        %mul3A_562 = vector.broadcast %squeeze3A_537 : f32 to vector<16xf32>
        %mul3A_563 = arith.mulf %get3A_561, %mul3A_562 : vector<16xf32>
        %swap3A_564 = arith.index_cast %add3A_550 : i32 to index
        %swap3A_565 = arith.constant 16 : index
        %swap3A_566 = tpu.vector_load %arg17[%swap3A_564, %swap3A_565] {strides = array<i32>} : memref<128x128xf32, #tpu.memory_space<vmem>>, vector<16xf32>,
        tpu.vector_store %arg17[%swap3A_564, %swap3A_565], %mul3A_563 {strides = array<i32>} : memref<128x128xf32, #tpu.memory_space<vmem>>, vector<16xf32>,
        %get3A_567 = arith.index_cast %add3A_550 : i32 to index
        %get3A_568 = arith.constant 32 : index
        %get3A_569 = tpu.vector_load %arg17[%get3A_567, %get3A_568] {strides = array<i32>} : memref<128x128xf32, #tpu.memory_space<vmem>>, vector<16xf32>,
        %mul3A_570 = vector.broadcast %squeeze3A_537 : f32 to vector<16xf32>
        %mul3A_571 = arith.mulf %get3A_569, %mul3A_570 : vector<16xf32>
        %swap3A_572 = arith.index_cast %add3A_550 : i32 to index
        %swap3A_573 = arith.constant 32 : index
        %swap3A_574 = tpu.vector_load %arg17[%swap3A_572, %swap3A_573] {strides = array<i32>} : memref<128x128xf32, #tpu.memory_space<vmem>>, vector<16xf32>,
        tpu.vector_store %arg17[%swap3A_572, %swap3A_573], %mul3A_571 {strides = array<i32>} : memref<128x128xf32, #tpu.memory_space<vmem>>, vector<16xf32>,
        %get3A_575 = arith.index_cast %add3A_550 : i32 to index
        %get3A_576 = arith.constant 48 : index
        %get3A_577 = tpu.vector_load %arg17[%get3A_575, %get3A_576] {strides = array<i32>} : memref<128x128xf32, #tpu.memory_space<vmem>>, vector<16xf32>,
        %mul3A_578 = vector.broadcast %squeeze3A_537 : f32 to vector<16xf32>
        %mul3A_579 = arith.mulf %get3A_577, %mul3A_578 : vector<16xf32>
        %swap3A_580 = arith.index_cast %add3A_550 : i32 to index
        %swap3A_581 = arith.constant 48 : index
        %swap3A_582 = tpu.vector_load %arg17[%swap3A_580, %swap3A_581] {strides = array<i32>} : memref<128x128xf32, #tpu.memory_space<vmem>>, vector<16xf32>,
        tpu.vector_store %arg17[%swap3A_580, %swap3A_581], %mul3A_579 {strides = array<i32>} : memref<128x128xf32, #tpu.memory_space<vmem>>, vector<16xf32>,
        %get3A_583 = arith.index_cast %add3A_550 : i32 to index
        %get3A_584 = arith.constant 64 : index
        %get3A_585 = tpu.vector_load %arg17[%get3A_583, %get3A_584] {strides = array<i32>} : memref<128x128xf32, #tpu.memory_space<vmem>>, vector<16xf32>,
        %mul3A_586 = vector.broadcast %squeeze3A_537 : f32 to vector<16xf32>
        %mul3A_587 = arith.mulf %get3A_585, %mul3A_586 : vector<16xf32>
        %swap3A_588 = arith.index_cast %add3A_550 : i32 to index
        %swap3A_589 = arith.constant 64 : index
        %swap3A_590 = tpu.vector_load %arg17[%swap3A_588, %swap3A_589] {strides = array<i32>} : memref<128x128xf32, #tpu.memory_space<vmem>>, vector<16xf32>,
        tpu.vector_store %arg17[%swap3A_588, %swap3A_589], %mul3A_587 {strides = array<i32>} : memref<128x128xf32, #tpu.memory_space<vmem>>, vector<16xf32>,
        %get3A_591 = arith.index_cast %add3A_550 : i32 to index
        %get3A_592 = arith.constant 80 : index
        %get3A_593 = tpu.vector_load %arg17[%get3A_591, %get3A_592] {strides = array<i32>} : memref<128x128xf32, #tpu.memory_space<vmem>>, vector<16xf32>,
        %mul3A_594 = vector.broadcast %squeeze3A_537 : f32 to vector<16xf32>
        %mul3A_595 = arith.mulf %get3A_593, %mul3A_594 : vector<16xf32>
        %swap3A_596 = arith.index_cast %add3A_550 : i32 to index
        %swap3A_597 = arith.constant 80 : index
        %swap3A_598 = tpu.vector_load %arg17[%swap3A_596, %swap3A_597] {strides = array<i32>} : memref<128x128xf32, #tpu.memory_space<vmem>>, vector<16xf32>,
        tpu.vector_store %arg17[%swap3A_596, %swap3A_597], %mul3A_595 {strides = array<i32>} : memref<128x128xf32, #tpu.memory_space<vmem>>, vector<16xf32>,
        %get3A_599 = arith.index_cast %add3A_550 : i32 to index
        %get3A_600 = arith.constant 96 : index
        %get3A_601 = tpu.vector_load %arg17[%get3A_599, %get3A_600] {strides = array<i32>} : memref<128x128xf32, #tpu.memory_space<vmem>>, vector<16xf32>,
        %mul3A_602 = vector.broadcast %squeeze3A_537 : f32 to vector<16xf32>
        %mul3A_603 = arith.mulf %get3A_601, %mul3A_602 : vector<16xf32>
        %swap3A_604 = arith.index_cast %add3A_550 : i32 to index
        %swap3A_605 = arith.constant 96 : index
        %swap3A_606 = tpu.vector_load %arg17[%swap3A_604, %swap3A_605] {strides = array<i32>} : memref<128x128xf32, #tpu.memory_space<vmem>>, vector<16xf32>,
        tpu.vector_store %arg17[%swap3A_604, %swap3A_605], %mul3A_603 {strides = array<i32>} : memref<128x128xf32, #tpu.memory_space<vmem>>, vector<16xf32>,
        %get3A_607 = arith.index_cast %add3A_550 : i32 to index
        %get3A_608 = arith.constant 112 : index
        %get3A_609 = tpu.vector_load %arg17[%get3A_607, %get3A_608] {strides = array<i32>} : memref<128x128xf32, #tpu.memory_space<vmem>>, vector<16xf32>,
        %mul3A_610 = vector.broadcast %squeeze3A_537 : f32 to vector<16xf32>
        %mul3A_611 = arith.mulf %get3A_609, %mul3A_610 : vector<16xf32>
        %swap3A_612 = arith.index_cast %add3A_550 : i32 to index
        %swap3A_613 = arith.constant 112 : index
        %swap3A_614 = tpu.vector_load %arg17[%swap3A_612, %swap3A_613] {strides = array<i32>} : memref<128x128xf32, #tpu.memory_space<vmem>>, vector<16xf32>,
        tpu.vector_store %arg17[%swap3A_612, %swap3A_613], %mul3A_611 {strides = array<i32>} : memref<128x128xf32, #tpu.memory_space<vmem>>, vector<16xf32>,
        %slice3A_615 = vector.extract_strided_slice %get3A_65 {offsets = [7], sizes = [1], strides = [1]} : vector<16xf32> to vector<1xf32>
        %squeeze3A_616 = vector.extract %slice3A_615[0] : f32 from vector<1xf32>
        %slice3A_617 = vector.extract_strided_slice %get3A_67 {offsets = [7], sizes = [1], strides = [1]} : vector<16xi32> to vector<1xi32>
        %squeeze3A_618 = vector.extract %slice3A_617[0] : i32 from vector<1xi32>
        %eq3A_619 = arith.constant 0 : i32
        %eq3A_620 = vector.broadcast %eq3A_619 : i32 to vector<16xi32>
        %eq3A_621 = arith.cmpi eq, %iota3A, %eq3A_620 : vector<16xi32>
        %jit3A_622 = arith.constant 0.000000e+00 : f32
        %broadcast_in_dim3A_623 = vector.broadcast %squeeze3A_616 : f32 to vector<16xf32>
        %broadcast_in_dim3A_624 = vector.broadcast %jit3A_622 : f32 to vector<16xf32>
        %select_n3A_625 = arith.select %eq3A_621, %broadcast_in_dim3A_623, %broadcast_in_dim3A_624 : vector<16xi1>, vector<16xf32>
        %swap3A_626 = arith.index_cast %squeeze3A_618 : i32 to index
        %swap3A_627 = tpu.vector_load %arg12[%swap3A_626] {strides = array<i32>} : memref<10256xf32, #tpu.memory_space<vmem>>, vector<16xf32>,
        tpu.vector_store %arg12[%swap3A_626], %select_n3A_625 {add = true, strides = array<i32>} : memref<10256xf32, #tpu.memory_space<vmem>>, vector<16xf32>,
        %add3A_628 = arith.constant 7 : i32
        %add3A_629 = arith.addi %mul3A_64, %add3A_628 : i32
        %get3A_630 = arith.index_cast %add3A_629 : i32 to index
        %get3A_631 = arith.constant 0 : index
        %get3A_632 = tpu.vector_load %arg17[%get3A_630, %get3A_631] {strides = array<i32>} : memref<128x128xf32, #tpu.memory_space<vmem>>, vector<16xf32>,
        %mul3A_633 = vector.broadcast %squeeze3A_616 : f32 to vector<16xf32>
        %mul3A_634 = arith.mulf %get3A_632, %mul3A_633 : vector<16xf32>
        %swap3A_635 = arith.index_cast %add3A_629 : i32 to index
        %swap3A_636 = arith.constant 0 : index
        %swap3A_637 = tpu.vector_load %arg17[%swap3A_635, %swap3A_636] {strides = array<i32>} : memref<128x128xf32, #tpu.memory_space<vmem>>, vector<16xf32>,
        tpu.vector_store %arg17[%swap3A_635, %swap3A_636], %mul3A_634 {strides = array<i32>} : memref<128x128xf32, #tpu.memory_space<vmem>>, vector<16xf32>,
        %get3A_638 = arith.index_cast %add3A_629 : i32 to index
        %get3A_639 = arith.constant 16 : index
        %get3A_640 = tpu.vector_load %arg17[%get3A_638, %get3A_639] {strides = array<i32>} : memref<128x128xf32, #tpu.memory_space<vmem>>, vector<16xf32>,
        %mul3A_641 = vector.broadcast %squeeze3A_616 : f32 to vector<16xf32>
        %mul3A_642 = arith.mulf %get3A_640, %mul3A_641 : vector<16xf32>
        %swap3A_643 = arith.index_cast %add3A_629 : i32 to index
        %swap3A_644 = arith.constant 16 : index
        %swap3A_645 = tpu.vector_load %arg17[%swap3A_643, %swap3A_644] {strides = array<i32>} : memref<128x128xf32, #tpu.memory_space<vmem>>, vector<16xf32>,
        tpu.vector_store %arg17[%swap3A_643, %swap3A_644], %mul3A_642 {strides = array<i32>} : memref<128x128xf32, #tpu.memory_space<vmem>>, vector<16xf32>,
        %get3A_646 = arith.index_cast %add3A_629 : i32 to index
        %get3A_647 = arith.constant 32 : index
        %get3A_648 = tpu.vector_load %arg17[%get3A_646, %get3A_647] {strides = array<i32>} : memref<128x128xf32, #tpu.memory_space<vmem>>, vector<16xf32>,
        %mul3A_649 = vector.broadcast %squeeze3A_616 : f32 to vector<16xf32>
        %mul3A_650 = arith.mulf %get3A_648, %mul3A_649 : vector<16xf32>
        %swap3A_651 = arith.index_cast %add3A_629 : i32 to index
        %swap3A_652 = arith.constant 32 : index
        %swap3A_653 = tpu.vector_load %arg17[%swap3A_651, %swap3A_652] {strides = array<i32>} : memref<128x128xf32, #tpu.memory_space<vmem>>, vector<16xf32>,
        tpu.vector_store %arg17[%swap3A_651, %swap3A_652], %mul3A_650 {strides = array<i32>} : memref<128x128xf32, #tpu.memory_space<vmem>>, vector<16xf32>,
        %get3A_654 = arith.index_cast %add3A_629 : i32 to index
        %get3A_655 = arith.constant 48 : index
        %get3A_656 = tpu.vector_load %arg17[%get3A_654, %get3A_655] {strides = array<i32>} : memref<128x128xf32, #tpu.memory_space<vmem>>, vector<16xf32>,
        %mul3A_657 = vector.broadcast %squeeze3A_616 : f32 to vector<16xf32>
        %mul3A_658 = arith.mulf %get3A_656, %mul3A_657 : vector<16xf32>
        %swap3A_659 = arith.index_cast %add3A_629 : i32 to index
        %swap3A_660 = arith.constant 48 : index
        %swap3A_661 = tpu.vector_load %arg17[%swap3A_659, %swap3A_660] {strides = array<i32>} : memref<128x128xf32, #tpu.memory_space<vmem>>, vector<16xf32>,
        tpu.vector_store %arg17[%swap3A_659, %swap3A_660], %mul3A_658 {strides = array<i32>} : memref<128x128xf32, #tpu.memory_space<vmem>>, vector<16xf32>,
        %get3A_662 = arith.index_cast %add3A_629 : i32 to index
        %get3A_663 = arith.constant 64 : index
        %get3A_664 = tpu.vector_load %arg17[%get3A_662, %get3A_663] {strides = array<i32>} : memref<128x128xf32, #tpu.memory_space<vmem>>, vector<16xf32>,
        %mul3A_665 = vector.broadcast %squeeze3A_616 : f32 to vector<16xf32>
        %mul3A_666 = arith.mulf %get3A_664, %mul3A_665 : vector<16xf32>
        %swap3A_667 = arith.index_cast %add3A_629 : i32 to index
        %swap3A_668 = arith.constant 64 : index
        %swap3A_669 = tpu.vector_load %arg17[%swap3A_667, %swap3A_668] {strides = array<i32>} : memref<128x128xf32, #tpu.memory_space<vmem>>, vector<16xf32>,
        tpu.vector_store %arg17[%swap3A_667, %swap3A_668], %mul3A_666 {strides = array<i32>} : memref<128x128xf32, #tpu.memory_space<vmem>>, vector<16xf32>,
        %get3A_670 = arith.index_cast %add3A_629 : i32 to index
        %get3A_671 = arith.constant 80 : index
        %get3A_672 = tpu.vector_load %arg17[%get3A_670, %get3A_671] {strides = array<i32>} : memref<128x128xf32, #tpu.memory_space<vmem>>, vector<16xf32>,
        %mul3A_673 = vector.broadcast %squeeze3A_616 : f32 to vector<16xf32>
        %mul3A_674 = arith.mulf %get3A_672, %mul3A_673 : vector<16xf32>
        %swap3A_675 = arith.index_cast %add3A_629 : i32 to index
        %swap3A_676 = arith.constant 80 : index
        %swap3A_677 = tpu.vector_load %arg17[%swap3A_675, %swap3A_676] {strides = array<i32>} : memref<128x128xf32, #tpu.memory_space<vmem>>, vector<16xf32>,
        tpu.vector_store %arg17[%swap3A_675, %swap3A_676], %mul3A_674 {strides = array<i32>} : memref<128x128xf32, #tpu.memory_space<vmem>>, vector<16xf32>,
        %get3A_678 = arith.index_cast %add3A_629 : i32 to index
        %get3A_679 = arith.constant 96 : index
        %get3A_680 = tpu.vector_load %arg17[%get3A_678, %get3A_679] {strides = array<i32>} : memref<128x128xf32, #tpu.memory_space<vmem>>, vector<16xf32>,
        %mul3A_681 = vector.broadcast %squeeze3A_616 : f32 to vector<16xf32>
        %mul3A_682 = arith.mulf %get3A_680, %mul3A_681 : vector<16xf32>
        %swap3A_683 = arith.index_cast %add3A_629 : i32 to index
        %swap3A_684 = arith.constant 96 : index
        %swap3A_685 = tpu.vector_load %arg17[%swap3A_683, %swap3A_684] {strides = array<i32>} : memref<128x128xf32, #tpu.memory_space<vmem>>, vector<16xf32>,
        tpu.vector_store %arg17[%swap3A_683, %swap3A_684], %mul3A_682 {strides = array<i32>} : memref<128x128xf32, #tpu.memory_space<vmem>>, vector<16xf32>,
        %get3A_686 = arith.index_cast %add3A_629 : i32 to index
        %get3A_687 = arith.constant 112 : index
        %get3A_688 = tpu.vector_load %arg17[%get3A_686, %get3A_687] {strides = array<i32>} : memref<128x128xf32, #tpu.memory_space<vmem>>, vector<16xf32>,
        %mul3A_689 = vector.broadcast %squeeze3A_616 : f32 to vector<16xf32>
        %mul3A_690 = arith.mulf %get3A_688, %mul3A_689 : vector<16xf32>
        %swap3A_691 = arith.index_cast %add3A_629 : i32 to index
        %swap3A_692 = arith.constant 112 : index
        %swap3A_693 = tpu.vector_load %arg17[%swap3A_691, %swap3A_692] {strides = array<i32>} : memref<128x128xf32, #tpu.memory_space<vmem>>, vector<16xf32>,
        tpu.vector_store %arg17[%swap3A_691, %swap3A_692], %mul3A_690 {strides = array<i32>} : memref<128x128xf32, #tpu.memory_space<vmem>>, vector<16xf32>,
        %slice3A_694 = vector.extract_strided_slice %get3A_65 {offsets = [8], sizes = [1], strides = [1]} : vector<16xf32> to vector<1xf32>
        %squeeze3A_695 = vector.extract %slice3A_694[0] : f32 from vector<1xf32>
        %slice3A_696 = vector.extract_strided_slice %get3A_67 {offsets = [8], sizes = [1], strides = [1]} : vector<16xi32> to vector<1xi32>
        %squeeze3A_697 = vector.extract %slice3A_696[0] : i32 from vector<1xi32>
        %eq3A_698 = arith.constant 0 : i32
        %eq3A_699 = vector.broadcast %eq3A_698 : i32 to vector<16xi32>
        %eq3A_700 = arith.cmpi eq, %iota3A, %eq3A_699 : vector<16xi32>
        %jit3A_701 = arith.constant 0.000000e+00 : f32
        %broadcast_in_dim3A_702 = vector.broadcast %squeeze3A_695 : f32 to vector<16xf32>
        %broadcast_in_dim3A_703 = vector.broadcast %jit3A_701 : f32 to vector<16xf32>
        %select_n3A_704 = arith.select %eq3A_700, %broadcast_in_dim3A_702, %broadcast_in_dim3A_703 : vector<16xi1>, vector<16xf32>
        %swap3A_705 = arith.index_cast %squeeze3A_697 : i32 to index
        %swap3A_706 = tpu.vector_load %arg12[%swap3A_705] {strides = array<i32>} : memref<10256xf32, #tpu.memory_space<vmem>>, vector<16xf32>,
        tpu.vector_store %arg12[%swap3A_705], %select_n3A_704 {add = true, strides = array<i32>} : memref<10256xf32, #tpu.memory_space<vmem>>, vector<16xf32>,
        %add3A_707 = arith.constant 8 : i32
        %add3A_708 = arith.addi %mul3A_64, %add3A_707 : i32
        %get3A_709 = arith.index_cast %add3A_708 : i32 to index
        %get3A_710 = arith.constant 0 : index
        %get3A_711 = tpu.vector_load %arg17[%get3A_709, %get3A_710] {strides = array<i32>} : memref<128x128xf32, #tpu.memory_space<vmem>>, vector<16xf32>,
        %mul3A_712 = vector.broadcast %squeeze3A_695 : f32 to vector<16xf32>
        %mul3A_713 = arith.mulf %get3A_711, %mul3A_712 : vector<16xf32>
        %swap3A_714 = arith.index_cast %add3A_708 : i32 to index
        %swap3A_715 = arith.constant 0 : index
        %swap3A_716 = tpu.vector_load %arg17[%swap3A_714, %swap3A_715] {strides = array<i32>} : memref<128x128xf32, #tpu.memory_space<vmem>>, vector<16xf32>,
        tpu.vector_store %arg17[%swap3A_714, %swap3A_715], %mul3A_713 {strides = array<i32>} : memref<128x128xf32, #tpu.memory_space<vmem>>, vector<16xf32>,
        %get3A_717 = arith.index_cast %add3A_708 : i32 to index
        %get3A_718 = arith.constant 16 : index
        %get3A_719 = tpu.vector_load %arg17[%get3A_717, %get3A_718] {strides = array<i32>} : memref<128x128xf32, #tpu.memory_space<vmem>>, vector<16xf32>,
        %mul3A_720 = vector.broadcast %squeeze3A_695 : f32 to vector<16xf32>
        %mul3A_721 = arith.mulf %get3A_719, %mul3A_720 : vector<16xf32>
        %swap3A_722 = arith.index_cast %add3A_708 : i32 to index
        %swap3A_723 = arith.constant 16 : index
        %swap3A_724 = tpu.vector_load %arg17[%swap3A_722, %swap3A_723] {strides = array<i32>} : memref<128x128xf32, #tpu.memory_space<vmem>>, vector<16xf32>,
        tpu.vector_store %arg17[%swap3A_722, %swap3A_723], %mul3A_721 {strides = array<i32>} : memref<128x128xf32, #tpu.memory_space<vmem>>, vector<16xf32>,
        %get3A_725 = arith.index_cast %add3A_708 : i32 to index
        %get3A_726 = arith.constant 32 : index
        %get3A_727 = tpu.vector_load %arg17[%get3A_725, %get3A_726] {strides = array<i32>} : memref<128x128xf32, #tpu.memory_space<vmem>>, vector<16xf32>,
        %mul3A_728 = vector.broadcast %squeeze3A_695 : f32 to vector<16xf32>
        %mul3A_729 = arith.mulf %get3A_727, %mul3A_728 : vector<16xf32>
        %swap3A_730 = arith.index_cast %add3A_708 : i32 to index
        %swap3A_731 = arith.constant 32 : index
        %swap3A_732 = tpu.vector_load %arg17[%swap3A_730, %swap3A_731] {strides = array<i32>} : memref<128x128xf32, #tpu.memory_space<vmem>>, vector<16xf32>,
        tpu.vector_store %arg17[%swap3A_730, %swap3A_731], %mul3A_729 {strides = array<i32>} : memref<128x128xf32, #tpu.memory_space<vmem>>, vector<16xf32>,
        %get3A_733 = arith.index_cast %add3A_708 : i32 to index
        %get3A_734 = arith.constant 48 : index
        %get3A_735 = tpu.vector_load %arg17[%get3A_733, %get3A_734] {strides = array<i32>} : memref<128x128xf32, #tpu.memory_space<vmem>>, vector<16xf32>,
        %mul3A_736 = vector.broadcast %squeeze3A_695 : f32 to vector<16xf32>
        %mul3A_737 = arith.mulf %get3A_735, %mul3A_736 : vector<16xf32>
        %swap3A_738 = arith.index_cast %add3A_708 : i32 to index
        %swap3A_739 = arith.constant 48 : index
        %swap3A_740 = tpu.vector_load %arg17[%swap3A_738, %swap3A_739] {strides = array<i32>} : memref<128x128xf32, #tpu.memory_space<vmem>>, vector<16xf32>,
        tpu.vector_store %arg17[%swap3A_738, %swap3A_739], %mul3A_737 {strides = array<i32>} : memref<128x128xf32, #tpu.memory_space<vmem>>, vector<16xf32>,
        %get3A_741 = arith.index_cast %add3A_708 : i32 to index
        %get3A_742 = arith.constant 64 : index
        %get3A_743 = tpu.vector_load %arg17[%get3A_741, %get3A_742] {strides = array<i32>} : memref<128x128xf32, #tpu.memory_space<vmem>>, vector<16xf32>,
        %mul3A_744 = vector.broadcast %squeeze3A_695 : f32 to vector<16xf32>
        %mul3A_745 = arith.mulf %get3A_743, %mul3A_744 : vector<16xf32>
        %swap3A_746 = arith.index_cast %add3A_708 : i32 to index
        %swap3A_747 = arith.constant 64 : index
        %swap3A_748 = tpu.vector_load %arg17[%swap3A_746, %swap3A_747] {strides = array<i32>} : memref<128x128xf32, #tpu.memory_space<vmem>>, vector<16xf32>,
        tpu.vector_store %arg17[%swap3A_746, %swap3A_747], %mul3A_745 {strides = array<i32>} : memref<128x128xf32, #tpu.memory_space<vmem>>, vector<16xf32>,
        %get3A_749 = arith.index_cast %add3A_708 : i32 to index
        %get3A_750 = arith.constant 80 : index
        %get3A_751 = tpu.vector_load %arg17[%get3A_749, %get3A_750] {strides = array<i32>} : memref<128x128xf32, #tpu.memory_space<vmem>>, vector<16xf32>,
        %mul3A_752 = vector.broadcast %squeeze3A_695 : f32 to vector<16xf32>
        %mul3A_753 = arith.mulf %get3A_751, %mul3A_752 : vector<16xf32>
        %swap3A_754 = arith.index_cast %add3A_708 : i32 to index
        %swap3A_755 = arith.constant 80 : index
        %swap3A_756 = tpu.vector_load %arg17[%swap3A_754, %swap3A_755] {strides = array<i32>} : memref<128x128xf32, #tpu.memory_space<vmem>>, vector<16xf32>,
        tpu.vector_store %arg17[%swap3A_754, %swap3A_755], %mul3A_753 {strides = array<i32>} : memref<128x128xf32, #tpu.memory_space<vmem>>, vector<16xf32>,
        %get3A_757 = arith.index_cast %add3A_708 : i32 to index
        %get3A_758 = arith.constant 96 : index
        %get3A_759 = tpu.vector_load %arg17[%get3A_757, %get3A_758] {strides = array<i32>} : memref<128x128xf32, #tpu.memory_space<vmem>>, vector<16xf32>,
        %mul3A_760 = vector.broadcast %squeeze3A_695 : f32 to vector<16xf32>
        %mul3A_761 = arith.mulf %get3A_759, %mul3A_760 : vector<16xf32>
        %swap3A_762 = arith.index_cast %add3A_708 : i32 to index
        %swap3A_763 = arith.constant 96 : index
        %swap3A_764 = tpu.vector_load %arg17[%swap3A_762, %swap3A_763] {strides = array<i32>} : memref<128x128xf32, #tpu.memory_space<vmem>>, vector<16xf32>,
        tpu.vector_store %arg17[%swap3A_762, %swap3A_763], %mul3A_761 {strides = array<i32>} : memref<128x128xf32, #tpu.memory_space<vmem>>, vector<16xf32>,
        %get3A_765 = arith.index_cast %add3A_708 : i32 to index
        %get3A_766 = arith.constant 112 : index
        %get3A_767 = tpu.vector_load %arg17[%get3A_765, %get3A_766] {strides = array<i32>} : memref<128x128xf32, #tpu.memory_space<vmem>>, vector<16xf32>,
        %mul3A_768 = vector.broadcast %squeeze3A_695 : f32 to vector<16xf32>
        %mul3A_769 = arith.mulf %get3A_767, %mul3A_768 : vector<16xf32>
        %swap3A_770 = arith.index_cast %add3A_708 : i32 to index
        %swap3A_771 = arith.constant 112 : index
        %swap3A_772 = tpu.vector_load %arg17[%swap3A_770, %swap3A_771] {strides = array<i32>} : memref<128x128xf32, #tpu.memory_space<vmem>>, vector<16xf32>,
        tpu.vector_store %arg17[%swap3A_770, %swap3A_771], %mul3A_769 {strides = array<i32>} : memref<128x128xf32, #tpu.memory_space<vmem>>, vector<16xf32>,
        %slice3A_773 = vector.extract_strided_slice %get3A_65 {offsets = [9], sizes = [1], strides = [1]} : vector<16xf32> to vector<1xf32>
        %squeeze3A_774 = vector.extract %slice3A_773[0] : f32 from vector<1xf32>
        %slice3A_775 = vector.extract_strided_slice %get3A_67 {offsets = [9], sizes = [1], strides = [1]} : vector<16xi32> to vector<1xi32>
        %squeeze3A_776 = vector.extract %slice3A_775[0] : i32 from vector<1xi32>
        %eq3A_777 = arith.constant 0 : i32
        %eq3A_778 = vector.broadcast %eq3A_777 : i32 to vector<16xi32>
        %eq3A_779 = arith.cmpi eq, %iota3A, %eq3A_778 : vector<16xi32>
        %jit3A_780 = arith.constant 0.000000e+00 : f32
        %broadcast_in_dim3A_781 = vector.broadcast %squeeze3A_774 : f32 to vector<16xf32>
        %broadcast_in_dim3A_782 = vector.broadcast %jit3A_780 : f32 to vector<16xf32>
        %select_n3A_783 = arith.select %eq3A_779, %broadcast_in_dim3A_781, %broadcast_in_dim3A_782 : vector<16xi1>, vector<16xf32>
        %swap3A_784 = arith.index_cast %squeeze3A_776 : i32 to index
        %swap3A_785 = tpu.vector_load %arg12[%swap3A_784] {strides = array<i32>} : memref<10256xf32, #tpu.memory_space<vmem>>, vector<16xf32>,
        tpu.vector_store %arg12[%swap3A_784], %select_n3A_783 {add = true, strides = array<i32>} : memref<10256xf32, #tpu.memory_space<vmem>>, vector<16xf32>,
        %add3A_786 = arith.constant 9 : i32
        %add3A_787 = arith.addi %mul3A_64, %add3A_786 : i32
        %get3A_788 = arith.index_cast %add3A_787 : i32 to index
        %get3A_789 = arith.constant 0 : index
        %get3A_790 = tpu.vector_load %arg17[%get3A_788, %get3A_789] {strides = array<i32>} : memref<128x128xf32, #tpu.memory_space<vmem>>, vector<16xf32>,
        %mul3A_791 = vector.broadcast %squeeze3A_774 : f32 to vector<16xf32>
        %mul3A_792 = arith.mulf %get3A_790, %mul3A_791 : vector<16xf32>
        %swap3A_793 = arith.index_cast %add3A_787 : i32 to index
        %swap3A_794 = arith.constant 0 : index
        %swap3A_795 = tpu.vector_load %arg17[%swap3A_793, %swap3A_794] {strides = array<i32>} : memref<128x128xf32, #tpu.memory_space<vmem>>, vector<16xf32>,
        tpu.vector_store %arg17[%swap3A_793, %swap3A_794], %mul3A_792 {strides = array<i32>} : memref<128x128xf32, #tpu.memory_space<vmem>>, vector<16xf32>,
        %get3A_796 = arith.index_cast %add3A_787 : i32 to index
        %get3A_797 = arith.constant 16 : index
        %get3A_798 = tpu.vector_load %arg17[%get3A_796, %get3A_797] {strides = array<i32>} : memref<128x128xf32, #tpu.memory_space<vmem>>, vector<16xf32>,
        %mul3A_799 = vector.broadcast %squeeze3A_774 : f32 to vector<16xf32>
        %mul3A_800 = arith.mulf %get3A_798, %mul3A_799 : vector<16xf32>
        %swap3A_801 = arith.index_cast %add3A_787 : i32 to index
        %swap3A_802 = arith.constant 16 : index
        %swap3A_803 = tpu.vector_load %arg17[%swap3A_801, %swap3A_802] {strides = array<i32>} : memref<128x128xf32, #tpu.memory_space<vmem>>, vector<16xf32>,
        tpu.vector_store %arg17[%swap3A_801, %swap3A_802], %mul3A_800 {strides = array<i32>} : memref<128x128xf32, #tpu.memory_space<vmem>>, vector<16xf32>,
        %get3A_804 = arith.index_cast %add3A_787 : i32 to index
        %get3A_805 = arith.constant 32 : index
        %get3A_806 = tpu.vector_load %arg17[%get3A_804, %get3A_805] {strides = array<i32>} : memref<128x128xf32, #tpu.memory_space<vmem>>, vector<16xf32>,
        %mul3A_807 = vector.broadcast %squeeze3A_774 : f32 to vector<16xf32>
        %mul3A_808 = arith.mulf %get3A_806, %mul3A_807 : vector<16xf32>
        %swap3A_809 = arith.index_cast %add3A_787 : i32 to index
        %swap3A_810 = arith.constant 32 : index
        %swap3A_811 = tpu.vector_load %arg17[%swap3A_809, %swap3A_810] {strides = array<i32>} : memref<128x128xf32, #tpu.memory_space<vmem>>, vector<16xf32>,
        tpu.vector_store %arg17[%swap3A_809, %swap3A_810], %mul3A_808 {strides = array<i32>} : memref<128x128xf32, #tpu.memory_space<vmem>>, vector<16xf32>,
        %get3A_812 = arith.index_cast %add3A_787 : i32 to index
        %get3A_813 = arith.constant 48 : index
        %get3A_814 = tpu.vector_load %arg17[%get3A_812, %get3A_813] {strides = array<i32>} : memref<128x128xf32, #tpu.memory_space<vmem>>, vector<16xf32>,
        %mul3A_815 = vector.broadcast %squeeze3A_774 : f32 to vector<16xf32>
        %mul3A_816 = arith.mulf %get3A_814, %mul3A_815 : vector<16xf32>
        %swap3A_817 = arith.index_cast %add3A_787 : i32 to index
        %swap3A_818 = arith.constant 48 : index
        %swap3A_819 = tpu.vector_load %arg17[%swap3A_817, %swap3A_818] {strides = array<i32>} : memref<128x128xf32, #tpu.memory_space<vmem>>, vector<16xf32>,
        tpu.vector_store %arg17[%swap3A_817, %swap3A_818], %mul3A_816 {strides = array<i32>} : memref<128x128xf32, #tpu.memory_space<vmem>>, vector<16xf32>,
        %get3A_820 = arith.index_cast %add3A_787 : i32 to index
        %get3A_821 = arith.constant 64 : index
        %get3A_822 = tpu.vector_load %arg17[%get3A_820, %get3A_821] {strides = array<i32>} : memref<128x128xf32, #tpu.memory_space<vmem>>, vector<16xf32>,
        %mul3A_823 = vector.broadcast %squeeze3A_774 : f32 to vector<16xf32>
        %mul3A_824 = arith.mulf %get3A_822, %mul3A_823 : vector<16xf32>
        %swap3A_825 = arith.index_cast %add3A_787 : i32 to index
        %swap3A_826 = arith.constant 64 : index
        %swap3A_827 = tpu.vector_load %arg17[%swap3A_825, %swap3A_826] {strides = array<i32>} : memref<128x128xf32, #tpu.memory_space<vmem>>, vector<16xf32>,
        tpu.vector_store %arg17[%swap3A_825, %swap3A_826], %mul3A_824 {strides = array<i32>} : memref<128x128xf32, #tpu.memory_space<vmem>>, vector<16xf32>,
        %get3A_828 = arith.index_cast %add3A_787 : i32 to index
        %get3A_829 = arith.constant 80 : index
        %get3A_830 = tpu.vector_load %arg17[%get3A_828, %get3A_829] {strides = array<i32>} : memref<128x128xf32, #tpu.memory_space<vmem>>, vector<16xf32>,
        %mul3A_831 = vector.broadcast %squeeze3A_774 : f32 to vector<16xf32>
        %mul3A_832 = arith.mulf %get3A_830, %mul3A_831 : vector<16xf32>
        %swap3A_833 = arith.index_cast %add3A_787 : i32 to index
        %swap3A_834 = arith.constant 80 : index
        %swap3A_835 = tpu.vector_load %arg17[%swap3A_833, %swap3A_834] {strides = array<i32>} : memref<128x128xf32, #tpu.memory_space<vmem>>, vector<16xf32>,
        tpu.vector_store %arg17[%swap3A_833, %swap3A_834], %mul3A_832 {strides = array<i32>} : memref<128x128xf32, #tpu.memory_space<vmem>>, vector<16xf32>,
        %get3A_836 = arith.index_cast %add3A_787 : i32 to index
        %get3A_837 = arith.constant 96 : index
        %get3A_838 = tpu.vector_load %arg17[%get3A_836, %get3A_837] {strides = array<i32>} : memref<128x128xf32, #tpu.memory_space<vmem>>, vector<16xf32>,
        %mul3A_839 = vector.broadcast %squeeze3A_774 : f32 to vector<16xf32>
        %mul3A_840 = arith.mulf %get3A_838, %mul3A_839 : vector<16xf32>
        %swap3A_841 = arith.index_cast %add3A_787 : i32 to index
        %swap3A_842 = arith.constant 96 : index
        %swap3A_843 = tpu.vector_load %arg17[%swap3A_841, %swap3A_842] {strides = array<i32>} : memref<128x128xf32, #tpu.memory_space<vmem>>, vector<16xf32>,
        tpu.vector_store %arg17[%swap3A_841, %swap3A_842], %mul3A_840 {strides = array<i32>} : memref<128x128xf32, #tpu.memory_space<vmem>>, vector<16xf32>,
        %get3A_844 = arith.index_cast %add3A_787 : i32 to index
        %get3A_845 = arith.constant 112 : index
        %get3A_846 = tpu.vector_load %arg17[%get3A_844, %get3A_845] {strides = array<i32>} : memref<128x128xf32, #tpu.memory_space<vmem>>, vector<16xf32>,
        %mul3A_847 = vector.broadcast %squeeze3A_774 : f32 to vector<16xf32>
        %mul3A_848 = arith.mulf %get3A_846, %mul3A_847 : vector<16xf32>
        %swap3A_849 = arith.index_cast %add3A_787 : i32 to index
        %swap3A_850 = arith.constant 112 : index
        %swap3A_851 = tpu.vector_load %arg17[%swap3A_849, %swap3A_850] {strides = array<i32>} : memref<128x128xf32, #tpu.memory_space<vmem>>, vector<16xf32>,
        tpu.vector_store %arg17[%swap3A_849, %swap3A_850], %mul3A_848 {strides = array<i32>} : memref<128x128xf32, #tpu.memory_space<vmem>>, vector<16xf32>,
        %slice3A_852 = vector.extract_strided_slice %get3A_65 {offsets = [10], sizes = [1], strides = [1]} : vector<16xf32> to vector<1xf32>
        %squeeze3A_853 = vector.extract %slice3A_852[0] : f32 from vector<1xf32>
        %slice3A_854 = vector.extract_strided_slice %get3A_67 {offsets = [10], sizes = [1], strides = [1]} : vector<16xi32> to vector<1xi32>
        %squeeze3A_855 = vector.extract %slice3A_854[0] : i32 from vector<1xi32>
        %eq3A_856 = arith.constant 0 : i32
        %eq3A_857 = vector.broadcast %eq3A_856 : i32 to vector<16xi32>
        %eq3A_858 = arith.cmpi eq, %iota3A, %eq3A_857 : vector<16xi32>
        %jit3A_859 = arith.constant 0.000000e+00 : f32
        %broadcast_in_dim3A_860 = vector.broadcast %squeeze3A_853 : f32 to vector<16xf32>
        %broadcast_in_dim3A_861 = vector.broadcast %jit3A_859 : f32 to vector<16xf32>
        %select_n3A_862 = arith.select %eq3A_858, %broadcast_in_dim3A_860, %broadcast_in_dim3A_861 : vector<16xi1>, vector<16xf32>
        %swap3A_863 = arith.index_cast %squeeze3A_855 : i32 to index
        %swap3A_864 = tpu.vector_load %arg12[%swap3A_863] {strides = array<i32>} : memref<10256xf32, #tpu.memory_space<vmem>>, vector<16xf32>,
        tpu.vector_store %arg12[%swap3A_863], %select_n3A_862 {add = true, strides = array<i32>} : memref<10256xf32, #tpu.memory_space<vmem>>, vector<16xf32>,
        %add3A_865 = arith.constant 10 : i32
        %add3A_866 = arith.addi %mul3A_64, %add3A_865 : i32
        %get3A_867 = arith.index_cast %add3A_866 : i32 to index
        %get3A_868 = arith.constant 0 : index
        %get3A_869 = tpu.vector_load %arg17[%get3A_867, %get3A_868] {strides = array<i32>} : memref<128x128xf32, #tpu.memory_space<vmem>>, vector<16xf32>,
        %mul3A_870 = vector.broadcast %squeeze3A_853 : f32 to vector<16xf32>
        %mul3A_871 = arith.mulf %get3A_869, %mul3A_870 : vector<16xf32>
        %swap3A_872 = arith.index_cast %add3A_866 : i32 to index
        %swap3A_873 = arith.constant 0 : index
        %swap3A_874 = tpu.vector_load %arg17[%swap3A_872, %swap3A_873] {strides = array<i32>} : memref<128x128xf32, #tpu.memory_space<vmem>>, vector<16xf32>,
        tpu.vector_store %arg17[%swap3A_872, %swap3A_873], %mul3A_871 {strides = array<i32>} : memref<128x128xf32, #tpu.memory_space<vmem>>, vector<16xf32>,
        %get3A_875 = arith.index_cast %add3A_866 : i32 to index
        %get3A_876 = arith.constant 16 : index
        %get3A_877 = tpu.vector_load %arg17[%get3A_875, %get3A_876] {strides = array<i32>} : memref<128x128xf32, #tpu.memory_space<vmem>>, vector<16xf32>,
        %mul3A_878 = vector.broadcast %squeeze3A_853 : f32 to vector<16xf32>
        %mul3A_879 = arith.mulf %get3A_877, %mul3A_878 : vector<16xf32>
        %swap3A_880 = arith.index_cast %add3A_866 : i32 to index
        %swap3A_881 = arith.constant 16 : index
        %swap3A_882 = tpu.vector_load %arg17[%swap3A_880, %swap3A_881] {strides = array<i32>} : memref<128x128xf32, #tpu.memory_space<vmem>>, vector<16xf32>,
        tpu.vector_store %arg17[%swap3A_880, %swap3A_881], %mul3A_879 {strides = array<i32>} : memref<128x128xf32, #tpu.memory_space<vmem>>, vector<16xf32>,
        %get3A_883 = arith.index_cast %add3A_866 : i32 to index
        %get3A_884 = arith.constant 32 : index
        %get3A_885 = tpu.vector_load %arg17[%get3A_883, %get3A_884] {strides = array<i32>} : memref<128x128xf32, #tpu.memory_space<vmem>>, vector<16xf32>,
        %mul3A_886 = vector.broadcast %squeeze3A_853 : f32 to vector<16xf32>
        %mul3A_887 = arith.mulf %get3A_885, %mul3A_886 : vector<16xf32>
        %swap3A_888 = arith.index_cast %add3A_866 : i32 to index
        %swap3A_889 = arith.constant 32 : index
        %swap3A_890 = tpu.vector_load %arg17[%swap3A_888, %swap3A_889] {strides = array<i32>} : memref<128x128xf32, #tpu.memory_space<vmem>>, vector<16xf32>,
        tpu.vector_store %arg17[%swap3A_888, %swap3A_889], %mul3A_887 {strides = array<i32>} : memref<128x128xf32, #tpu.memory_space<vmem>>, vector<16xf32>,
        %get3A_891 = arith.index_cast %add3A_866 : i32 to index
        %get3A_892 = arith.constant 48 : index
        %get3A_893 = tpu.vector_load %arg17[%get3A_891, %get3A_892] {strides = array<i32>} : memref<128x128xf32, #tpu.memory_space<vmem>>, vector<16xf32>,
        %mul3A_894 = vector.broadcast %squeeze3A_853 : f32 to vector<16xf32>
        %mul3A_895 = arith.mulf %get3A_893, %mul3A_894 : vector<16xf32>
        %swap3A_896 = arith.index_cast %add3A_866 : i32 to index
        %swap3A_897 = arith.constant 48 : index
        %swap3A_898 = tpu.vector_load %arg17[%swap3A_896, %swap3A_897] {strides = array<i32>} : memref<128x128xf32, #tpu.memory_space<vmem>>, vector<16xf32>,
        tpu.vector_store %arg17[%swap3A_896, %swap3A_897], %mul3A_895 {strides = array<i32>} : memref<128x128xf32, #tpu.memory_space<vmem>>, vector<16xf32>,
        %get3A_899 = arith.index_cast %add3A_866 : i32 to index
        %get3A_900 = arith.constant 64 : index
        %get3A_901 = tpu.vector_load %arg17[%get3A_899, %get3A_900] {strides = array<i32>} : memref<128x128xf32, #tpu.memory_space<vmem>>, vector<16xf32>,
        %mul3A_902 = vector.broadcast %squeeze3A_853 : f32 to vector<16xf32>
        %mul3A_903 = arith.mulf %get3A_901, %mul3A_902 : vector<16xf32>
        %swap3A_904 = arith.index_cast %add3A_866 : i32 to index
        %swap3A_905 = arith.constant 64 : index
        %swap3A_906 = tpu.vector_load %arg17[%swap3A_904, %swap3A_905] {strides = array<i32>} : memref<128x128xf32, #tpu.memory_space<vmem>>, vector<16xf32>,
        tpu.vector_store %arg17[%swap3A_904, %swap3A_905], %mul3A_903 {strides = array<i32>} : memref<128x128xf32, #tpu.memory_space<vmem>>, vector<16xf32>,
        %get3A_907 = arith.index_cast %add3A_866 : i32 to index
        %get3A_908 = arith.constant 80 : index
        %get3A_909 = tpu.vector_load %arg17[%get3A_907, %get3A_908] {strides = array<i32>} : memref<128x128xf32, #tpu.memory_space<vmem>>, vector<16xf32>,
        %mul3A_910 = vector.broadcast %squeeze3A_853 : f32 to vector<16xf32>
        %mul3A_911 = arith.mulf %get3A_909, %mul3A_910 : vector<16xf32>
        %swap3A_912 = arith.index_cast %add3A_866 : i32 to index
        %swap3A_913 = arith.constant 80 : index
        %swap3A_914 = tpu.vector_load %arg17[%swap3A_912, %swap3A_913] {strides = array<i32>} : memref<128x128xf32, #tpu.memory_space<vmem>>, vector<16xf32>,
        tpu.vector_store %arg17[%swap3A_912, %swap3A_913], %mul3A_911 {strides = array<i32>} : memref<128x128xf32, #tpu.memory_space<vmem>>, vector<16xf32>,
        %get3A_915 = arith.index_cast %add3A_866 : i32 to index
        %get3A_916 = arith.constant 96 : index
        %get3A_917 = tpu.vector_load %arg17[%get3A_915, %get3A_916] {strides = array<i32>} : memref<128x128xf32, #tpu.memory_space<vmem>>, vector<16xf32>,
        %mul3A_918 = vector.broadcast %squeeze3A_853 : f32 to vector<16xf32>
        %mul3A_919 = arith.mulf %get3A_917, %mul3A_918 : vector<16xf32>
        %swap3A_920 = arith.index_cast %add3A_866 : i32 to index
        %swap3A_921 = arith.constant 96 : index
        %swap3A_922 = tpu.vector_load %arg17[%swap3A_920, %swap3A_921] {strides = array<i32>} : memref<128x128xf32, #tpu.memory_space<vmem>>, vector<16xf32>,
        tpu.vector_store %arg17[%swap3A_920, %swap3A_921], %mul3A_919 {strides = array<i32>} : memref<128x128xf32, #tpu.memory_space<vmem>>, vector<16xf32>,
        %get3A_923 = arith.index_cast %add3A_866 : i32 to index
        %get3A_924 = arith.constant 112 : index
        %get3A_925 = tpu.vector_load %arg17[%get3A_923, %get3A_924] {strides = array<i32>} : memref<128x128xf32, #tpu.memory_space<vmem>>, vector<16xf32>,
        %mul3A_926 = vector.broadcast %squeeze3A_853 : f32 to vector<16xf32>
        %mul3A_927 = arith.mulf %get3A_925, %mul3A_926 : vector<16xf32>
        %swap3A_928 = arith.index_cast %add3A_866 : i32 to index
        %swap3A_929 = arith.constant 112 : index
        %swap3A_930 = tpu.vector_load %arg17[%swap3A_928, %swap3A_929] {strides = array<i32>} : memref<128x128xf32, #tpu.memory_space<vmem>>, vector<16xf32>,
        tpu.vector_store %arg17[%swap3A_928, %swap3A_929], %mul3A_927 {strides = array<i32>} : memref<128x128xf32, #tpu.memory_space<vmem>>, vector<16xf32>,
        %slice3A_931 = vector.extract_strided_slice %get3A_65 {offsets = [11], sizes = [1], strides = [1]} : vector<16xf32> to vector<1xf32>
        %squeeze3A_932 = vector.extract %slice3A_931[0] : f32 from vector<1xf32>
        %slice3A_933 = vector.extract_strided_slice %get3A_67 {offsets = [11], sizes = [1], strides = [1]} : vector<16xi32> to vector<1xi32>
        %squeeze3A_934 = vector.extract %slice3A_933[0] : i32 from vector<1xi32>
        %eq3A_935 = arith.constant 0 : i32
        %eq3A_936 = vector.broadcast %eq3A_935 : i32 to vector<16xi32>
        %eq3A_937 = arith.cmpi eq, %iota3A, %eq3A_936 : vector<16xi32>
        %jit3A_938 = arith.constant 0.000000e+00 : f32
        %broadcast_in_dim3A_939 = vector.broadcast %squeeze3A_932 : f32 to vector<16xf32>
        %broadcast_in_dim3A_940 = vector.broadcast %jit3A_938 : f32 to vector<16xf32>
        %select_n3A_941 = arith.select %eq3A_937, %broadcast_in_dim3A_939, %broadcast_in_dim3A_940 : vector<16xi1>, vector<16xf32>
        %swap3A_942 = arith.index_cast %squeeze3A_934 : i32 to index
        %swap3A_943 = tpu.vector_load %arg12[%swap3A_942] {strides = array<i32>} : memref<10256xf32, #tpu.memory_space<vmem>>, vector<16xf32>,
        tpu.vector_store %arg12[%swap3A_942], %select_n3A_941 {add = true, strides = array<i32>} : memref<10256xf32, #tpu.memory_space<vmem>>, vector<16xf32>,
        %add3A_944 = arith.constant 11 : i32
        %add3A_945 = arith.addi %mul3A_64, %add3A_944 : i32
        %get3A_946 = arith.index_cast %add3A_945 : i32 to index
        %get3A_947 = arith.constant 0 : index
        %get3A_948 = tpu.vector_load %arg17[%get3A_946, %get3A_947] {strides = array<i32>} : memref<128x128xf32, #tpu.memory_space<vmem>>, vector<16xf32>,
        %mul3A_949 = vector.broadcast %squeeze3A_932 : f32 to vector<16xf32>
        %mul3A_950 = arith.mulf %get3A_948, %mul3A_949 : vector<16xf32>
        %swap3A_951 = arith.index_cast %add3A_945 : i32 to index
        %swap3A_952 = arith.constant 0 : index
        %swap3A_953 = tpu.vector_load %arg17[%swap3A_951, %swap3A_952] {strides = array<i32>} : memref<128x128xf32, #tpu.memory_space<vmem>>, vector<16xf32>,
        tpu.vector_store %arg17[%swap3A_951, %swap3A_952], %mul3A_950 {strides = array<i32>} : memref<128x128xf32, #tpu.memory_space<vmem>>, vector<16xf32>,
        %get3A_954 = arith.index_cast %add3A_945 : i32 to index
        %get3A_955 = arith.constant 16 : index
        %get3A_956 = tpu.vector_load %arg17[%get3A_954, %get3A_955] {strides = array<i32>} : memref<128x128xf32, #tpu.memory_space<vmem>>, vector<16xf32>,
        %mul3A_957 = vector.broadcast %squeeze3A_932 : f32 to vector<16xf32>
        %mul3A_958 = arith.mulf %get3A_956, %mul3A_957 : vector<16xf32>
        %swap3A_959 = arith.index_cast %add3A_945 : i32 to index
        %swap3A_960 = arith.constant 16 : index
        %swap3A_961 = tpu.vector_load %arg17[%swap3A_959, %swap3A_960] {strides = array<i32>} : memref<128x128xf32, #tpu.memory_space<vmem>>, vector<16xf32>,
        tpu.vector_store %arg17[%swap3A_959, %swap3A_960], %mul3A_958 {strides = array<i32>} : memref<128x128xf32, #tpu.memory_space<vmem>>, vector<16xf32>,
        %get3A_962 = arith.index_cast %add3A_945 : i32 to index
        %get3A_963 = arith.constant 32 : index
        %get3A_964 = tpu.vector_load %arg17[%get3A_962, %get3A_963] {strides = array<i32>} : memref<128x128xf32, #tpu.memory_space<vmem>>, vector<16xf32>,
        %mul3A_965 = vector.broadcast %squeeze3A_932 : f32 to vector<16xf32>
        %mul3A_966 = arith.mulf %get3A_964, %mul3A_965 : vector<16xf32>
        %swap3A_967 = arith.index_cast %add3A_945 : i32 to index
        %swap3A_968 = arith.constant 32 : index
        %swap3A_969 = tpu.vector_load %arg17[%swap3A_967, %swap3A_968] {strides = array<i32>} : memref<128x128xf32, #tpu.memory_space<vmem>>, vector<16xf32>,
        tpu.vector_store %arg17[%swap3A_967, %swap3A_968], %mul3A_966 {strides = array<i32>} : memref<128x128xf32, #tpu.memory_space<vmem>>, vector<16xf32>,
        %get3A_970 = arith.index_cast %add3A_945 : i32 to index
        %get3A_971 = arith.constant 48 : index
        %get3A_972 = tpu.vector_load %arg17[%get3A_970, %get3A_971] {strides = array<i32>} : memref<128x128xf32, #tpu.memory_space<vmem>>, vector<16xf32>,
        %mul3A_973 = vector.broadcast %squeeze3A_932 : f32 to vector<16xf32>
        %mul3A_974 = arith.mulf %get3A_972, %mul3A_973 : vector<16xf32>
        %swap3A_975 = arith.index_cast %add3A_945 : i32 to index
        %swap3A_976 = arith.constant 48 : index
        %swap3A_977 = tpu.vector_load %arg17[%swap3A_975, %swap3A_976] {strides = array<i32>} : memref<128x128xf32, #tpu.memory_space<vmem>>, vector<16xf32>,
        tpu.vector_store %arg17[%swap3A_975, %swap3A_976], %mul3A_974 {strides = array<i32>} : memref<128x128xf32, #tpu.memory_space<vmem>>, vector<16xf32>,
        %get3A_978 = arith.index_cast %add3A_945 : i32 to index
        %get3A_979 = arith.constant 64 : index
        %get3A_980 = tpu.vector_load %arg17[%get3A_978, %get3A_979] {strides = array<i32>} : memref<128x128xf32, #tpu.memory_space<vmem>>, vector<16xf32>,
        %mul3A_981 = vector.broadcast %squeeze3A_932 : f32 to vector<16xf32>
        %mul3A_982 = arith.mulf %get3A_980, %mul3A_981 : vector<16xf32>
        %swap3A_983 = arith.index_cast %add3A_945 : i32 to index
        %swap3A_984 = arith.constant 64 : index
        %swap3A_985 = tpu.vector_load %arg17[%swap3A_983, %swap3A_984] {strides = array<i32>} : memref<128x128xf32, #tpu.memory_space<vmem>>, vector<16xf32>,
        tpu.vector_store %arg17[%swap3A_983, %swap3A_984], %mul3A_982 {strides = array<i32>} : memref<128x128xf32, #tpu.memory_space<vmem>>, vector<16xf32>,
        %get3A_986 = arith.index_cast %add3A_945 : i32 to index
        %get3A_987 = arith.constant 80 : index
        %get3A_988 = tpu.vector_load %arg17[%get3A_986, %get3A_987] {strides = array<i32>} : memref<128x128xf32, #tpu.memory_space<vmem>>, vector<16xf32>,
        %mul3A_989 = vector.broadcast %squeeze3A_932 : f32 to vector<16xf32>
        %mul3A_990 = arith.mulf %get3A_988, %mul3A_989 : vector<16xf32>
        %swap3A_991 = arith.index_cast %add3A_945 : i32 to index
        %swap3A_992 = arith.constant 80 : index
        %swap3A_993 = tpu.vector_load %arg17[%swap3A_991, %swap3A_992] {strides = array<i32>} : memref<128x128xf32, #tpu.memory_space<vmem>>, vector<16xf32>,
        tpu.vector_store %arg17[%swap3A_991, %swap3A_992], %mul3A_990 {strides = array<i32>} : memref<128x128xf32, #tpu.memory_space<vmem>>, vector<16xf32>,
        %get3A_994 = arith.index_cast %add3A_945 : i32 to index
        %get3A_995 = arith.constant 96 : index
        %get3A_996 = tpu.vector_load %arg17[%get3A_994, %get3A_995] {strides = array<i32>} : memref<128x128xf32, #tpu.memory_space<vmem>>, vector<16xf32>,
        %mul3A_997 = vector.broadcast %squeeze3A_932 : f32 to vector<16xf32>
        %mul3A_998 = arith.mulf %get3A_996, %mul3A_997 : vector<16xf32>
        %swap3A_999 = arith.index_cast %add3A_945 : i32 to index
        %swap3A_1000 = arith.constant 96 : index
        %swap3A_1001 = tpu.vector_load %arg17[%swap3A_999, %swap3A_1000] {strides = array<i32>} : memref<128x128xf32, #tpu.memory_space<vmem>>, vector<16xf32>,
        tpu.vector_store %arg17[%swap3A_999, %swap3A_1000], %mul3A_998 {strides = array<i32>} : memref<128x128xf32, #tpu.memory_space<vmem>>, vector<16xf32>,
        %get3A_1002 = arith.index_cast %add3A_945 : i32 to index
        %get3A_1003 = arith.constant 112 : index
        %get3A_1004 = tpu.vector_load %arg17[%get3A_1002, %get3A_1003] {strides = array<i32>} : memref<128x128xf32, #tpu.memory_space<vmem>>, vector<16xf32>,
        %mul3A_1005 = vector.broadcast %squeeze3A_932 : f32 to vector<16xf32>
        %mul3A_1006 = arith.mulf %get3A_1004, %mul3A_1005 : vector<16xf32>
        %swap3A_1007 = arith.index_cast %add3A_945 : i32 to index
        %swap3A_1008 = arith.constant 112 : index
        %swap3A_1009 = tpu.vector_load %arg17[%swap3A_1007, %swap3A_1008] {strides = array<i32>} : memref<128x128xf32, #tpu.memory_space<vmem>>, vector<16xf32>,
        tpu.vector_store %arg17[%swap3A_1007, %swap3A_1008], %mul3A_1006 {strides = array<i32>} : memref<128x128xf32, #tpu.memory_space<vmem>>, vector<16xf32>,
        %slice3A_1010 = vector.extract_strided_slice %get3A_65 {offsets = [12], sizes = [1], strides = [1]} : vector<16xf32> to vector<1xf32>
        %squeeze3A_1011 = vector.extract %slice3A_1010[0] : f32 from vector<1xf32>
        %slice3A_1012 = vector.extract_strided_slice %get3A_67 {offsets = [12], sizes = [1], strides = [1]} : vector<16xi32> to vector<1xi32>
        %squeeze3A_1013 = vector.extract %slice3A_1012[0] : i32 from vector<1xi32>
        %eq3A_1014 = arith.constant 0 : i32
        %eq3A_1015 = vector.broadcast %eq3A_1014 : i32 to vector<16xi32>
        %eq3A_1016 = arith.cmpi eq, %iota3A, %eq3A_1015 : vector<16xi32>
        %jit3A_1017 = arith.constant 0.000000e+00 : f32
        %broadcast_in_dim3A_1018 = vector.broadcast %squeeze3A_1011 : f32 to vector<16xf32>
        %broadcast_in_dim3A_1019 = vector.broadcast %jit3A_1017 : f32 to vector<16xf32>
        %select_n3A_1020 = arith.select %eq3A_1016, %broadcast_in_dim3A_1018, %broadcast_in_dim3A_1019 : vector<16xi1>, vector<16xf32>
        %swap3A_1021 = arith.index_cast %squeeze3A_1013 : i32 to index
        %swap3A_1022 = tpu.vector_load %arg12[%swap3A_1021] {strides = array<i32>} : memref<10256xf32, #tpu.memory_space<vmem>>, vector<16xf32>,
        tpu.vector_store %arg12[%swap3A_1021], %select_n3A_1020 {add = true, strides = array<i32>} : memref<10256xf32, #tpu.memory_space<vmem>>, vector<16xf32>,
        %add3A_1023 = arith.constant 12 : i32
        %add3A_1024 = arith.addi %mul3A_64, %add3A_1023 : i32
        %get3A_1025 = arith.index_cast %add3A_1024 : i32 to index
        %get3A_1026 = arith.constant 0 : index
        %get3A_1027 = tpu.vector_load %arg17[%get3A_1025, %get3A_1026] {strides = array<i32>} : memref<128x128xf32, #tpu.memory_space<vmem>>, vector<16xf32>,
        %mul3A_1028 = vector.broadcast %squeeze3A_1011 : f32 to vector<16xf32>
        %mul3A_1029 = arith.mulf %get3A_1027, %mul3A_1028 : vector<16xf32>
        %swap3A_1030 = arith.index_cast %add3A_1024 : i32 to index
        %swap3A_1031 = arith.constant 0 : index
        %swap3A_1032 = tpu.vector_load %arg17[%swap3A_1030, %swap3A_1031] {strides = array<i32>} : memref<128x128xf32, #tpu.memory_space<vmem>>, vector<16xf32>,
        tpu.vector_store %arg17[%swap3A_1030, %swap3A_1031], %mul3A_1029 {strides = array<i32>} : memref<128x128xf32, #tpu.memory_space<vmem>>, vector<16xf32>,
        %get3A_1033 = arith.index_cast %add3A_1024 : i32 to index
        %get3A_1034 = arith.constant 16 : index
        %get3A_1035 = tpu.vector_load %arg17[%get3A_1033, %get3A_1034] {strides = array<i32>} : memref<128x128xf32, #tpu.memory_space<vmem>>, vector<16xf32>,
        %mul3A_1036 = vector.broadcast %squeeze3A_1011 : f32 to vector<16xf32>
        %mul3A_1037 = arith.mulf %get3A_1035, %mul3A_1036 : vector<16xf32>
        %swap3A_1038 = arith.index_cast %add3A_1024 : i32 to index
        %swap3A_1039 = arith.constant 16 : index
        %swap3A_1040 = tpu.vector_load %arg17[%swap3A_1038, %swap3A_1039] {strides = array<i32>} : memref<128x128xf32, #tpu.memory_space<vmem>>, vector<16xf32>,
        tpu.vector_store %arg17[%swap3A_1038, %swap3A_1039], %mul3A_1037 {strides = array<i32>} : memref<128x128xf32, #tpu.memory_space<vmem>>, vector<16xf32>,
        %get3A_1041 = arith.index_cast %add3A_1024 : i32 to index
        %get3A_1042 = arith.constant 32 : index
        %get3A_1043 = tpu.vector_load %arg17[%get3A_1041, %get3A_1042] {strides = array<i32>} : memref<128x128xf32, #tpu.memory_space<vmem>>, vector<16xf32>,
        %mul3A_1044 = vector.broadcast %squeeze3A_1011 : f32 to vector<16xf32>
        %mul3A_1045 = arith.mulf %get3A_1043, %mul3A_1044 : vector<16xf32>
        %swap3A_1046 = arith.index_cast %add3A_1024 : i32 to index
        %swap3A_1047 = arith.constant 32 : index
        %swap3A_1048 = tpu.vector_load %arg17[%swap3A_1046, %swap3A_1047] {strides = array<i32>} : memref<128x128xf32, #tpu.memory_space<vmem>>, vector<16xf32>,
        tpu.vector_store %arg17[%swap3A_1046, %swap3A_1047], %mul3A_1045 {strides = array<i32>} : memref<128x128xf32, #tpu.memory_space<vmem>>, vector<16xf32>,
        %get3A_1049 = arith.index_cast %add3A_1024 : i32 to index
        %get3A_1050 = arith.constant 48 : index
        %get3A_1051 = tpu.vector_load %arg17[%get3A_1049, %get3A_1050] {strides = array<i32>} : memref<128x128xf32, #tpu.memory_space<vmem>>, vector<16xf32>,
        %mul3A_1052 = vector.broadcast %squeeze3A_1011 : f32 to vector<16xf32>
        %mul3A_1053 = arith.mulf %get3A_1051, %mul3A_1052 : vector<16xf32>
        %swap3A_1054 = arith.index_cast %add3A_1024 : i32 to index
        %swap3A_1055 = arith.constant 48 : index
        %swap3A_1056 = tpu.vector_load %arg17[%swap3A_1054, %swap3A_1055] {strides = array<i32>} : memref<128x128xf32, #tpu.memory_space<vmem>>, vector<16xf32>,
        tpu.vector_store %arg17[%swap3A_1054, %swap3A_1055], %mul3A_1053 {strides = array<i32>} : memref<128x128xf32, #tpu.memory_space<vmem>>, vector<16xf32>,
        %get3A_1057 = arith.index_cast %add3A_1024 : i32 to index
        %get3A_1058 = arith.constant 64 : index
        %get3A_1059 = tpu.vector_load %arg17[%get3A_1057, %get3A_1058] {strides = array<i32>} : memref<128x128xf32, #tpu.memory_space<vmem>>, vector<16xf32>,
        %mul3A_1060 = vector.broadcast %squeeze3A_1011 : f32 to vector<16xf32>
        %mul3A_1061 = arith.mulf %get3A_1059, %mul3A_1060 : vector<16xf32>
        %swap3A_1062 = arith.index_cast %add3A_1024 : i32 to index
        %swap3A_1063 = arith.constant 64 : index
        %swap3A_1064 = tpu.vector_load %arg17[%swap3A_1062, %swap3A_1063] {strides = array<i32>} : memref<128x128xf32, #tpu.memory_space<vmem>>, vector<16xf32>,
        tpu.vector_store %arg17[%swap3A_1062, %swap3A_1063], %mul3A_1061 {strides = array<i32>} : memref<128x128xf32, #tpu.memory_space<vmem>>, vector<16xf32>,
        %get3A_1065 = arith.index_cast %add3A_1024 : i32 to index
        %get3A_1066 = arith.constant 80 : index
        %get3A_1067 = tpu.vector_load %arg17[%get3A_1065, %get3A_1066] {strides = array<i32>} : memref<128x128xf32, #tpu.memory_space<vmem>>, vector<16xf32>,
        %mul3A_1068 = vector.broadcast %squeeze3A_1011 : f32 to vector<16xf32>
        %mul3A_1069 = arith.mulf %get3A_1067, %mul3A_1068 : vector<16xf32>
        %swap3A_1070 = arith.index_cast %add3A_1024 : i32 to index
        %swap3A_1071 = arith.constant 80 : index
        %swap3A_1072 = tpu.vector_load %arg17[%swap3A_1070, %swap3A_1071] {strides = array<i32>} : memref<128x128xf32, #tpu.memory_space<vmem>>, vector<16xf32>,
        tpu.vector_store %arg17[%swap3A_1070, %swap3A_1071], %mul3A_1069 {strides = array<i32>} : memref<128x128xf32, #tpu.memory_space<vmem>>, vector<16xf32>,
        %get3A_1073 = arith.index_cast %add3A_1024 : i32 to index
        %get3A_1074 = arith.constant 96 : index
        %get3A_1075 = tpu.vector_load %arg17[%get3A_1073, %get3A_1074] {strides = array<i32>} : memref<128x128xf32, #tpu.memory_space<vmem>>, vector<16xf32>,
        %mul3A_1076 = vector.broadcast %squeeze3A_1011 : f32 to vector<16xf32>
        %mul3A_1077 = arith.mulf %get3A_1075, %mul3A_1076 : vector<16xf32>
        %swap3A_1078 = arith.index_cast %add3A_1024 : i32 to index
        %swap3A_1079 = arith.constant 96 : index
        %swap3A_1080 = tpu.vector_load %arg17[%swap3A_1078, %swap3A_1079] {strides = array<i32>} : memref<128x128xf32, #tpu.memory_space<vmem>>, vector<16xf32>,
        tpu.vector_store %arg17[%swap3A_1078, %swap3A_1079], %mul3A_1077 {strides = array<i32>} : memref<128x128xf32, #tpu.memory_space<vmem>>, vector<16xf32>,
        %get3A_1081 = arith.index_cast %add3A_1024 : i32 to index
        %get3A_1082 = arith.constant 112 : index
        %get3A_1083 = tpu.vector_load %arg17[%get3A_1081, %get3A_1082] {strides = array<i32>} : memref<128x128xf32, #tpu.memory_space<vmem>>, vector<16xf32>,
        %mul3A_1084 = vector.broadcast %squeeze3A_1011 : f32 to vector<16xf32>
        %mul3A_1085 = arith.mulf %get3A_1083, %mul3A_1084 : vector<16xf32>
        %swap3A_1086 = arith.index_cast %add3A_1024 : i32 to index
        %swap3A_1087 = arith.constant 112 : index
        %swap3A_1088 = tpu.vector_load %arg17[%swap3A_1086, %swap3A_1087] {strides = array<i32>} : memref<128x128xf32, #tpu.memory_space<vmem>>, vector<16xf32>,
        tpu.vector_store %arg17[%swap3A_1086, %swap3A_1087], %mul3A_1085 {strides = array<i32>} : memref<128x128xf32, #tpu.memory_space<vmem>>, vector<16xf32>,
        %slice3A_1089 = vector.extract_strided_slice %get3A_65 {offsets = [13], sizes = [1], strides = [1]} : vector<16xf32> to vector<1xf32>
        %squeeze3A_1090 = vector.extract %slice3A_1089[0] : f32 from vector<1xf32>
        %slice3A_1091 = vector.extract_strided_slice %get3A_67 {offsets = [13], sizes = [1], strides = [1]} : vector<16xi32> to vector<1xi32>
        %squeeze3A_1092 = vector.extract %slice3A_1091[0] : i32 from vector<1xi32>
        %eq3A_1093 = arith.constant 0 : i32
        %eq3A_1094 = vector.broadcast %eq3A_1093 : i32 to vector<16xi32>
        %eq3A_1095 = arith.cmpi eq, %iota3A, %eq3A_1094 : vector<16xi32>
        %jit3A_1096 = arith.constant 0.000000e+00 : f32
        %broadcast_in_dim3A_1097 = vector.broadcast %squeeze3A_1090 : f32 to vector<16xf32>
        %broadcast_in_dim3A_1098 = vector.broadcast %jit3A_1096 : f32 to vector<16xf32>
        %select_n3A_1099 = arith.select %eq3A_1095, %broadcast_in_dim3A_1097, %broadcast_in_dim3A_1098 : vector<16xi1>, vector<16xf32>
        %swap3A_1100 = arith.index_cast %squeeze3A_1092 : i32 to index
        %swap3A_1101 = tpu.vector_load %arg12[%swap3A_1100] {strides = array<i32>} : memref<10256xf32, #tpu.memory_space<vmem>>, vector<16xf32>,
        tpu.vector_store %arg12[%swap3A_1100], %select_n3A_1099 {add = true, strides = array<i32>} : memref<10256xf32, #tpu.memory_space<vmem>>, vector<16xf32>,
        %add3A_1102 = arith.constant 13 : i32
        %add3A_1103 = arith.addi %mul3A_64, %add3A_1102 : i32
        %get3A_1104 = arith.index_cast %add3A_1103 : i32 to index
        %get3A_1105 = arith.constant 0 : index
        %get3A_1106 = tpu.vector_load %arg17[%get3A_1104, %get3A_1105] {strides = array<i32>} : memref<128x128xf32, #tpu.memory_space<vmem>>, vector<16xf32>,
        %mul3A_1107 = vector.broadcast %squeeze3A_1090 : f32 to vector<16xf32>
        %mul3A_1108 = arith.mulf %get3A_1106, %mul3A_1107 : vector<16xf32>
        %swap3A_1109 = arith.index_cast %add3A_1103 : i32 to index
        %swap3A_1110 = arith.constant 0 : index
        %swap3A_1111 = tpu.vector_load %arg17[%swap3A_1109, %swap3A_1110] {strides = array<i32>} : memref<128x128xf32, #tpu.memory_space<vmem>>, vector<16xf32>,
        tpu.vector_store %arg17[%swap3A_1109, %swap3A_1110], %mul3A_1108 {strides = array<i32>} : memref<128x128xf32, #tpu.memory_space<vmem>>, vector<16xf32>,
        %get3A_1112 = arith.index_cast %add3A_1103 : i32 to index
        %get3A_1113 = arith.constant 16 : index
        %get3A_1114 = tpu.vector_load %arg17[%get3A_1112, %get3A_1113] {strides = array<i32>} : memref<128x128xf32, #tpu.memory_space<vmem>>, vector<16xf32>,
        %mul3A_1115 = vector.broadcast %squeeze3A_1090 : f32 to vector<16xf32>
        %mul3A_1116 = arith.mulf %get3A_1114, %mul3A_1115 : vector<16xf32>
        %swap3A_1117 = arith.index_cast %add3A_1103 : i32 to index
        %swap3A_1118 = arith.constant 16 : index
        %swap3A_1119 = tpu.vector_load %arg17[%swap3A_1117, %swap3A_1118] {strides = array<i32>} : memref<128x128xf32, #tpu.memory_space<vmem>>, vector<16xf32>,
        tpu.vector_store %arg17[%swap3A_1117, %swap3A_1118], %mul3A_1116 {strides = array<i32>} : memref<128x128xf32, #tpu.memory_space<vmem>>, vector<16xf32>,
        %get3A_1120 = arith.index_cast %add3A_1103 : i32 to index
        %get3A_1121 = arith.constant 32 : index
        %get3A_1122 = tpu.vector_load %arg17[%get3A_1120, %get3A_1121] {strides = array<i32>} : memref<128x128xf32, #tpu.memory_space<vmem>>, vector<16xf32>,
        %mul3A_1123 = vector.broadcast %squeeze3A_1090 : f32 to vector<16xf32>
        %mul3A_1124 = arith.mulf %get3A_1122, %mul3A_1123 : vector<16xf32>
        %swap3A_1125 = arith.index_cast %add3A_1103 : i32 to index
        %swap3A_1126 = arith.constant 32 : index
        %swap3A_1127 = tpu.vector_load %arg17[%swap3A_1125, %swap3A_1126] {strides = array<i32>} : memref<128x128xf32, #tpu.memory_space<vmem>>, vector<16xf32>,
        tpu.vector_store %arg17[%swap3A_1125, %swap3A_1126], %mul3A_1124 {strides = array<i32>} : memref<128x128xf32, #tpu.memory_space<vmem>>, vector<16xf32>,
        %get3A_1128 = arith.index_cast %add3A_1103 : i32 to index
        %get3A_1129 = arith.constant 48 : index
        %get3A_1130 = tpu.vector_load %arg17[%get3A_1128, %get3A_1129] {strides = array<i32>} : memref<128x128xf32, #tpu.memory_space<vmem>>, vector<16xf32>,
        %mul3A_1131 = vector.broadcast %squeeze3A_1090 : f32 to vector<16xf32>
        %mul3A_1132 = arith.mulf %get3A_1130, %mul3A_1131 : vector<16xf32>
        %swap3A_1133 = arith.index_cast %add3A_1103 : i32 to index
        %swap3A_1134 = arith.constant 48 : index
        %swap3A_1135 = tpu.vector_load %arg17[%swap3A_1133, %swap3A_1134] {strides = array<i32>} : memref<128x128xf32, #tpu.memory_space<vmem>>, vector<16xf32>,
        tpu.vector_store %arg17[%swap3A_1133, %swap3A_1134], %mul3A_1132 {strides = array<i32>} : memref<128x128xf32, #tpu.memory_space<vmem>>, vector<16xf32>,
        %get3A_1136 = arith.index_cast %add3A_1103 : i32 to index
        %get3A_1137 = arith.constant 64 : index
        %get3A_1138 = tpu.vector_load %arg17[%get3A_1136, %get3A_1137] {strides = array<i32>} : memref<128x128xf32, #tpu.memory_space<vmem>>, vector<16xf32>,
        %mul3A_1139 = vector.broadcast %squeeze3A_1090 : f32 to vector<16xf32>
        %mul3A_1140 = arith.mulf %get3A_1138, %mul3A_1139 : vector<16xf32>
        %swap3A_1141 = arith.index_cast %add3A_1103 : i32 to index
        %swap3A_1142 = arith.constant 64 : index
        %swap3A_1143 = tpu.vector_load %arg17[%swap3A_1141, %swap3A_1142] {strides = array<i32>} : memref<128x128xf32, #tpu.memory_space<vmem>>, vector<16xf32>,
        tpu.vector_store %arg17[%swap3A_1141, %swap3A_1142], %mul3A_1140 {strides = array<i32>} : memref<128x128xf32, #tpu.memory_space<vmem>>, vector<16xf32>,
        %get3A_1144 = arith.index_cast %add3A_1103 : i32 to index
        %get3A_1145 = arith.constant 80 : index
        %get3A_1146 = tpu.vector_load %arg17[%get3A_1144, %get3A_1145] {strides = array<i32>} : memref<128x128xf32, #tpu.memory_space<vmem>>, vector<16xf32>,
        %mul3A_1147 = vector.broadcast %squeeze3A_1090 : f32 to vector<16xf32>
        %mul3A_1148 = arith.mulf %get3A_1146, %mul3A_1147 : vector<16xf32>
        %swap3A_1149 = arith.index_cast %add3A_1103 : i32 to index
        %swap3A_1150 = arith.constant 80 : index
        %swap3A_1151 = tpu.vector_load %arg17[%swap3A_1149, %swap3A_1150] {strides = array<i32>} : memref<128x128xf32, #tpu.memory_space<vmem>>, vector<16xf32>,
        tpu.vector_store %arg17[%swap3A_1149, %swap3A_1150], %mul3A_1148 {strides = array<i32>} : memref<128x128xf32, #tpu.memory_space<vmem>>, vector<16xf32>,
        %get3A_1152 = arith.index_cast %add3A_1103 : i32 to index
        %get3A_1153 = arith.constant 96 : index
        %get3A_1154 = tpu.vector_load %arg17[%get3A_1152, %get3A_1153] {strides = array<i32>} : memref<128x128xf32, #tpu.memory_space<vmem>>, vector<16xf32>,
        %mul3A_1155 = vector.broadcast %squeeze3A_1090 : f32 to vector<16xf32>
        %mul3A_1156 = arith.mulf %get3A_1154, %mul3A_1155 : vector<16xf32>
        %swap3A_1157 = arith.index_cast %add3A_1103 : i32 to index
        %swap3A_1158 = arith.constant 96 : index
        %swap3A_1159 = tpu.vector_load %arg17[%swap3A_1157, %swap3A_1158] {strides = array<i32>} : memref<128x128xf32, #tpu.memory_space<vmem>>, vector<16xf32>,
        tpu.vector_store %arg17[%swap3A_1157, %swap3A_1158], %mul3A_1156 {strides = array<i32>} : memref<128x128xf32, #tpu.memory_space<vmem>>, vector<16xf32>,
        %get3A_1160 = arith.index_cast %add3A_1103 : i32 to index
        %get3A_1161 = arith.constant 112 : index
        %get3A_1162 = tpu.vector_load %arg17[%get3A_1160, %get3A_1161] {strides = array<i32>} : memref<128x128xf32, #tpu.memory_space<vmem>>, vector<16xf32>,
        %mul3A_1163 = vector.broadcast %squeeze3A_1090 : f32 to vector<16xf32>
        %mul3A_1164 = arith.mulf %get3A_1162, %mul3A_1163 : vector<16xf32>
        %swap3A_1165 = arith.index_cast %add3A_1103 : i32 to index
        %swap3A_1166 = arith.constant 112 : index
        %swap3A_1167 = tpu.vector_load %arg17[%swap3A_1165, %swap3A_1166] {strides = array<i32>} : memref<128x128xf32, #tpu.memory_space<vmem>>, vector<16xf32>,
        tpu.vector_store %arg17[%swap3A_1165, %swap3A_1166], %mul3A_1164 {strides = array<i32>} : memref<128x128xf32, #tpu.memory_space<vmem>>, vector<16xf32>,
        %slice3A_1168 = vector.extract_strided_slice %get3A_65 {offsets = [14], sizes = [1], strides = [1]} : vector<16xf32> to vector<1xf32>
        %squeeze3A_1169 = vector.extract %slice3A_1168[0] : f32 from vector<1xf32>
        %slice3A_1170 = vector.extract_strided_slice %get3A_67 {offsets = [14], sizes = [1], strides = [1]} : vector<16xi32> to vector<1xi32>
        %squeeze3A_1171 = vector.extract %slice3A_1170[0] : i32 from vector<1xi32>
        %eq3A_1172 = arith.constant 0 : i32
        %eq3A_1173 = vector.broadcast %eq3A_1172 : i32 to vector<16xi32>
        %eq3A_1174 = arith.cmpi eq, %iota3A, %eq3A_1173 : vector<16xi32>
        %jit3A_1175 = arith.constant 0.000000e+00 : f32
        %broadcast_in_dim3A_1176 = vector.broadcast %squeeze3A_1169 : f32 to vector<16xf32>
        %broadcast_in_dim3A_1177 = vector.broadcast %jit3A_1175 : f32 to vector<16xf32>
        %select_n3A_1178 = arith.select %eq3A_1174, %broadcast_in_dim3A_1176, %broadcast_in_dim3A_1177 : vector<16xi1>, vector<16xf32>
        %swap3A_1179 = arith.index_cast %squeeze3A_1171 : i32 to index
        %swap3A_1180 = tpu.vector_load %arg12[%swap3A_1179] {strides = array<i32>} : memref<10256xf32, #tpu.memory_space<vmem>>, vector<16xf32>,
        tpu.vector_store %arg12[%swap3A_1179], %select_n3A_1178 {add = true, strides = array<i32>} : memref<10256xf32, #tpu.memory_space<vmem>>, vector<16xf32>,
        %add3A_1181 = arith.constant 14 : i32
        %add3A_1182 = arith.addi %mul3A_64, %add3A_1181 : i32
        %get3A_1183 = arith.index_cast %add3A_1182 : i32 to index
        %get3A_1184 = arith.constant 0 : index
        %get3A_1185 = tpu.vector_load %arg17[%get3A_1183, %get3A_1184] {strides = array<i32>} : memref<128x128xf32, #tpu.memory_space<vmem>>, vector<16xf32>,
        %mul3A_1186 = vector.broadcast %squeeze3A_1169 : f32 to vector<16xf32>
        %mul3A_1187 = arith.mulf %get3A_1185, %mul3A_1186 : vector<16xf32>
        %swap3A_1188 = arith.index_cast %add3A_1182 : i32 to index
        %swap3A_1189 = arith.constant 0 : index
        %swap3A_1190 = tpu.vector_load %arg17[%swap3A_1188, %swap3A_1189] {strides = array<i32>} : memref<128x128xf32, #tpu.memory_space<vmem>>, vector<16xf32>,
        tpu.vector_store %arg17[%swap3A_1188, %swap3A_1189], %mul3A_1187 {strides = array<i32>} : memref<128x128xf32, #tpu.memory_space<vmem>>, vector<16xf32>,
        %get3A_1191 = arith.index_cast %add3A_1182 : i32 to index
        %get3A_1192 = arith.constant 16 : index
        %get3A_1193 = tpu.vector_load %arg17[%get3A_1191, %get3A_1192] {strides = array<i32>} : memref<128x128xf32, #tpu.memory_space<vmem>>, vector<16xf32>,
        %mul3A_1194 = vector.broadcast %squeeze3A_1169 : f32 to vector<16xf32>
        %mul3A_1195 = arith.mulf %get3A_1193, %mul3A_1194 : vector<16xf32>
        %swap3A_1196 = arith.index_cast %add3A_1182 : i32 to index
        %swap3A_1197 = arith.constant 16 : index
        %swap3A_1198 = tpu.vector_load %arg17[%swap3A_1196, %swap3A_1197] {strides = array<i32>} : memref<128x128xf32, #tpu.memory_space<vmem>>, vector<16xf32>,
        tpu.vector_store %arg17[%swap3A_1196, %swap3A_1197], %mul3A_1195 {strides = array<i32>} : memref<128x128xf32, #tpu.memory_space<vmem>>, vector<16xf32>,
        %get3A_1199 = arith.index_cast %add3A_1182 : i32 to index
        %get3A_1200 = arith.constant 32 : index
        %get3A_1201 = tpu.vector_load %arg17[%get3A_1199, %get3A_1200] {strides = array<i32>} : memref<128x128xf32, #tpu.memory_space<vmem>>, vector<16xf32>,
        %mul3A_1202 = vector.broadcast %squeeze3A_1169 : f32 to vector<16xf32>
        %mul3A_1203 = arith.mulf %get3A_1201, %mul3A_1202 : vector<16xf32>
        %swap3A_1204 = arith.index_cast %add3A_1182 : i32 to index
        %swap3A_1205 = arith.constant 32 : index
        %swap3A_1206 = tpu.vector_load %arg17[%swap3A_1204, %swap3A_1205] {strides = array<i32>} : memref<128x128xf32, #tpu.memory_space<vmem>>, vector<16xf32>,
        tpu.vector_store %arg17[%swap3A_1204, %swap3A_1205], %mul3A_1203 {strides = array<i32>} : memref<128x128xf32, #tpu.memory_space<vmem>>, vector<16xf32>,
        %get3A_1207 = arith.index_cast %add3A_1182 : i32 to index
        %get3A_1208 = arith.constant 48 : index
        %get3A_1209 = tpu.vector_load %arg17[%get3A_1207, %get3A_1208] {strides = array<i32>} : memref<128x128xf32, #tpu.memory_space<vmem>>, vector<16xf32>,
        %mul3A_1210 = vector.broadcast %squeeze3A_1169 : f32 to vector<16xf32>
        %mul3A_1211 = arith.mulf %get3A_1209, %mul3A_1210 : vector<16xf32>
        %swap3A_1212 = arith.index_cast %add3A_1182 : i32 to index
        %swap3A_1213 = arith.constant 48 : index
        %swap3A_1214 = tpu.vector_load %arg17[%swap3A_1212, %swap3A_1213] {strides = array<i32>} : memref<128x128xf32, #tpu.memory_space<vmem>>, vector<16xf32>,
        tpu.vector_store %arg17[%swap3A_1212, %swap3A_1213], %mul3A_1211 {strides = array<i32>} : memref<128x128xf32, #tpu.memory_space<vmem>>, vector<16xf32>,
        %get3A_1215 = arith.index_cast %add3A_1182 : i32 to index
        %get3A_1216 = arith.constant 64 : index
        %get3A_1217 = tpu.vector_load %arg17[%get3A_1215, %get3A_1216] {strides = array<i32>} : memref<128x128xf32, #tpu.memory_space<vmem>>, vector<16xf32>,
        %mul3A_1218 = vector.broadcast %squeeze3A_1169 : f32 to vector<16xf32>
        %mul3A_1219 = arith.mulf %get3A_1217, %mul3A_1218 : vector<16xf32>
        %swap3A_1220 = arith.index_cast %add3A_1182 : i32 to index
        %swap3A_1221 = arith.constant 64 : index
        %swap3A_1222 = tpu.vector_load %arg17[%swap3A_1220, %swap3A_1221] {strides = array<i32>} : memref<128x128xf32, #tpu.memory_space<vmem>>, vector<16xf32>,
        tpu.vector_store %arg17[%swap3A_1220, %swap3A_1221], %mul3A_1219 {strides = array<i32>} : memref<128x128xf32, #tpu.memory_space<vmem>>, vector<16xf32>,
        %get3A_1223 = arith.index_cast %add3A_1182 : i32 to index
        %get3A_1224 = arith.constant 80 : index
        %get3A_1225 = tpu.vector_load %arg17[%get3A_1223, %get3A_1224] {strides = array<i32>} : memref<128x128xf32, #tpu.memory_space<vmem>>, vector<16xf32>,
        %mul3A_1226 = vector.broadcast %squeeze3A_1169 : f32 to vector<16xf32>
        %mul3A_1227 = arith.mulf %get3A_1225, %mul3A_1226 : vector<16xf32>
        %swap3A_1228 = arith.index_cast %add3A_1182 : i32 to index
        %swap3A_1229 = arith.constant 80 : index
        %swap3A_1230 = tpu.vector_load %arg17[%swap3A_1228, %swap3A_1229] {strides = array<i32>} : memref<128x128xf32, #tpu.memory_space<vmem>>, vector<16xf32>,
        tpu.vector_store %arg17[%swap3A_1228, %swap3A_1229], %mul3A_1227 {strides = array<i32>} : memref<128x128xf32, #tpu.memory_space<vmem>>, vector<16xf32>,
        %get3A_1231 = arith.index_cast %add3A_1182 : i32 to index
        %get3A_1232 = arith.constant 96 : index
        %get3A_1233 = tpu.vector_load %arg17[%get3A_1231, %get3A_1232] {strides = array<i32>} : memref<128x128xf32, #tpu.memory_space<vmem>>, vector<16xf32>,
        %mul3A_1234 = vector.broadcast %squeeze3A_1169 : f32 to vector<16xf32>
        %mul3A_1235 = arith.mulf %get3A_1233, %mul3A_1234 : vector<16xf32>
        %swap3A_1236 = arith.index_cast %add3A_1182 : i32 to index
        %swap3A_1237 = arith.constant 96 : index
        %swap3A_1238 = tpu.vector_load %arg17[%swap3A_1236, %swap3A_1237] {strides = array<i32>} : memref<128x128xf32, #tpu.memory_space<vmem>>, vector<16xf32>,
        tpu.vector_store %arg17[%swap3A_1236, %swap3A_1237], %mul3A_1235 {strides = array<i32>} : memref<128x128xf32, #tpu.memory_space<vmem>>, vector<16xf32>,
        %get3A_1239 = arith.index_cast %add3A_1182 : i32 to index
        %get3A_1240 = arith.constant 112 : index
        %get3A_1241 = tpu.vector_load %arg17[%get3A_1239, %get3A_1240] {strides = array<i32>} : memref<128x128xf32, #tpu.memory_space<vmem>>, vector<16xf32>,
        %mul3A_1242 = vector.broadcast %squeeze3A_1169 : f32 to vector<16xf32>
        %mul3A_1243 = arith.mulf %get3A_1241, %mul3A_1242 : vector<16xf32>
        %swap3A_1244 = arith.index_cast %add3A_1182 : i32 to index
        %swap3A_1245 = arith.constant 112 : index
        %swap3A_1246 = tpu.vector_load %arg17[%swap3A_1244, %swap3A_1245] {strides = array<i32>} : memref<128x128xf32, #tpu.memory_space<vmem>>, vector<16xf32>,
        tpu.vector_store %arg17[%swap3A_1244, %swap3A_1245], %mul3A_1243 {strides = array<i32>} : memref<128x128xf32, #tpu.memory_space<vmem>>, vector<16xf32>,
        %slice3A_1247 = vector.extract_strided_slice %get3A_65 {offsets = [15], sizes = [1], strides = [1]} : vector<16xf32> to vector<1xf32>
        %squeeze3A_1248 = vector.extract %slice3A_1247[0] : f32 from vector<1xf32>
        %slice3A_1249 = vector.extract_strided_slice %get3A_67 {offsets = [15], sizes = [1], strides = [1]} : vector<16xi32> to vector<1xi32>
        %squeeze3A_1250 = vector.extract %slice3A_1249[0] : i32 from vector<1xi32>
        %eq3A_1251 = arith.constant 0 : i32
        %eq3A_1252 = vector.broadcast %eq3A_1251 : i32 to vector<16xi32>
        %eq3A_1253 = arith.cmpi eq, %iota3A, %eq3A_1252 : vector<16xi32>
        %jit3A_1254 = arith.constant 0.000000e+00 : f32
        %broadcast_in_dim3A_1255 = vector.broadcast %squeeze3A_1248 : f32 to vector<16xf32>
        %broadcast_in_dim3A_1256 = vector.broadcast %jit3A_1254 : f32 to vector<16xf32>
        %select_n3A_1257 = arith.select %eq3A_1253, %broadcast_in_dim3A_1255, %broadcast_in_dim3A_1256 : vector<16xi1>, vector<16xf32>
        %swap3A_1258 = arith.index_cast %squeeze3A_1250 : i32 to index
        %swap3A_1259 = tpu.vector_load %arg12[%swap3A_1258] {strides = array<i32>} : memref<10256xf32, #tpu.memory_space<vmem>>, vector<16xf32>,
        tpu.vector_store %arg12[%swap3A_1258], %select_n3A_1257 {add = true, strides = array<i32>} : memref<10256xf32, #tpu.memory_space<vmem>>, vector<16xf32>,
        %add3A_1260 = arith.constant 15 : i32
        %add3A_1261 = arith.addi %mul3A_64, %add3A_1260 : i32
        %get3A_1262 = arith.index_cast %add3A_1261 : i32 to index
        %get3A_1263 = arith.constant 0 : index
        %get3A_1264 = tpu.vector_load %arg17[%get3A_1262, %get3A_1263] {strides = array<i32>} : memref<128x128xf32, #tpu.memory_space<vmem>>, vector<16xf32>,
        %mul3A_1265 = vector.broadcast %squeeze3A_1248 : f32 to vector<16xf32>
        %mul3A_1266 = arith.mulf %get3A_1264, %mul3A_1265 : vector<16xf32>
        %swap3A_1267 = arith.index_cast %add3A_1261 : i32 to index
        %swap3A_1268 = arith.constant 0 : index
        %swap3A_1269 = tpu.vector_load %arg17[%swap3A_1267, %swap3A_1268] {strides = array<i32>} : memref<128x128xf32, #tpu.memory_space<vmem>>, vector<16xf32>,
        tpu.vector_store %arg17[%swap3A_1267, %swap3A_1268], %mul3A_1266 {strides = array<i32>} : memref<128x128xf32, #tpu.memory_space<vmem>>, vector<16xf32>,
        %get3A_1270 = arith.index_cast %add3A_1261 : i32 to index
        %get3A_1271 = arith.constant 16 : index
        %get3A_1272 = tpu.vector_load %arg17[%get3A_1270, %get3A_1271] {strides = array<i32>} : memref<128x128xf32, #tpu.memory_space<vmem>>, vector<16xf32>,
        %mul3A_1273 = vector.broadcast %squeeze3A_1248 : f32 to vector<16xf32>
        %mul3A_1274 = arith.mulf %get3A_1272, %mul3A_1273 : vector<16xf32>
        %swap3A_1275 = arith.index_cast %add3A_1261 : i32 to index
        %swap3A_1276 = arith.constant 16 : index
        %swap3A_1277 = tpu.vector_load %arg17[%swap3A_1275, %swap3A_1276] {strides = array<i32>} : memref<128x128xf32, #tpu.memory_space<vmem>>, vector<16xf32>,
        tpu.vector_store %arg17[%swap3A_1275, %swap3A_1276], %mul3A_1274 {strides = array<i32>} : memref<128x128xf32, #tpu.memory_space<vmem>>, vector<16xf32>,
        %get3A_1278 = arith.index_cast %add3A_1261 : i32 to index
        %get3A_1279 = arith.constant 32 : index
        %get3A_1280 = tpu.vector_load %arg17[%get3A_1278, %get3A_1279] {strides = array<i32>} : memref<128x128xf32, #tpu.memory_space<vmem>>, vector<16xf32>,
        %mul3A_1281 = vector.broadcast %squeeze3A_1248 : f32 to vector<16xf32>
        %mul3A_1282 = arith.mulf %get3A_1280, %mul3A_1281 : vector<16xf32>
        %swap3A_1283 = arith.index_cast %add3A_1261 : i32 to index
        %swap3A_1284 = arith.constant 32 : index
        %swap3A_1285 = tpu.vector_load %arg17[%swap3A_1283, %swap3A_1284] {strides = array<i32>} : memref<128x128xf32, #tpu.memory_space<vmem>>, vector<16xf32>,
        tpu.vector_store %arg17[%swap3A_1283, %swap3A_1284], %mul3A_1282 {strides = array<i32>} : memref<128x128xf32, #tpu.memory_space<vmem>>, vector<16xf32>,
        %get3A_1286 = arith.index_cast %add3A_1261 : i32 to index
        %get3A_1287 = arith.constant 48 : index
        %get3A_1288 = tpu.vector_load %arg17[%get3A_1286, %get3A_1287] {strides = array<i32>} : memref<128x128xf32, #tpu.memory_space<vmem>>, vector<16xf32>,
        %mul3A_1289 = vector.broadcast %squeeze3A_1248 : f32 to vector<16xf32>
        %mul3A_1290 = arith.mulf %get3A_1288, %mul3A_1289 : vector<16xf32>
        %swap3A_1291 = arith.index_cast %add3A_1261 : i32 to index
        %swap3A_1292 = arith.constant 48 : index
        %swap3A_1293 = tpu.vector_load %arg17[%swap3A_1291, %swap3A_1292] {strides = array<i32>} : memref<128x128xf32, #tpu.memory_space<vmem>>, vector<16xf32>,
        tpu.vector_store %arg17[%swap3A_1291, %swap3A_1292], %mul3A_1290 {strides = array<i32>} : memref<128x128xf32, #tpu.memory_space<vmem>>, vector<16xf32>,
        %get3A_1294 = arith.index_cast %add3A_1261 : i32 to index
        %get3A_1295 = arith.constant 64 : index
        %get3A_1296 = tpu.vector_load %arg17[%get3A_1294, %get3A_1295] {strides = array<i32>} : memref<128x128xf32, #tpu.memory_space<vmem>>, vector<16xf32>,
        %mul3A_1297 = vector.broadcast %squeeze3A_1248 : f32 to vector<16xf32>
        %mul3A_1298 = arith.mulf %get3A_1296, %mul3A_1297 : vector<16xf32>
        %swap3A_1299 = arith.index_cast %add3A_1261 : i32 to index
        %swap3A_1300 = arith.constant 64 : index
        %swap3A_1301 = tpu.vector_load %arg17[%swap3A_1299, %swap3A_1300] {strides = array<i32>} : memref<128x128xf32, #tpu.memory_space<vmem>>, vector<16xf32>,
        tpu.vector_store %arg17[%swap3A_1299, %swap3A_1300], %mul3A_1298 {strides = array<i32>} : memref<128x128xf32, #tpu.memory_space<vmem>>, vector<16xf32>,
        %get3A_1302 = arith.index_cast %add3A_1261 : i32 to index
        %get3A_1303 = arith.constant 80 : index
        %get3A_1304 = tpu.vector_load %arg17[%get3A_1302, %get3A_1303] {strides = array<i32>} : memref<128x128xf32, #tpu.memory_space<vmem>>, vector<16xf32>,
        %mul3A_1305 = vector.broadcast %squeeze3A_1248 : f32 to vector<16xf32>
        %mul3A_1306 = arith.mulf %get3A_1304, %mul3A_1305 : vector<16xf32>
        %swap3A_1307 = arith.index_cast %add3A_1261 : i32 to index
        %swap3A_1308 = arith.constant 80 : index
        %swap3A_1309 = tpu.vector_load %arg17[%swap3A_1307, %swap3A_1308] {strides = array<i32>} : memref<128x128xf32, #tpu.memory_space<vmem>>, vector<16xf32>,
        tpu.vector_store %arg17[%swap3A_1307, %swap3A_1308], %mul3A_1306 {strides = array<i32>} : memref<128x128xf32, #tpu.memory_space<vmem>>, vector<16xf32>,
        %get3A_1310 = arith.index_cast %add3A_1261 : i32 to index
        %get3A_1311 = arith.constant 96 : index
        %get3A_1312 = tpu.vector_load %arg17[%get3A_1310, %get3A_1311] {strides = array<i32>} : memref<128x128xf32, #tpu.memory_space<vmem>>, vector<16xf32>,
        %mul3A_1313 = vector.broadcast %squeeze3A_1248 : f32 to vector<16xf32>
        %mul3A_1314 = arith.mulf %get3A_1312, %mul3A_1313 : vector<16xf32>
        %swap3A_1315 = arith.index_cast %add3A_1261 : i32 to index
        %swap3A_1316 = arith.constant 96 : index
        %swap3A_1317 = tpu.vector_load %arg17[%swap3A_1315, %swap3A_1316] {strides = array<i32>} : memref<128x128xf32, #tpu.memory_space<vmem>>, vector<16xf32>,
        tpu.vector_store %arg17[%swap3A_1315, %swap3A_1316], %mul3A_1314 {strides = array<i32>} : memref<128x128xf32, #tpu.memory_space<vmem>>, vector<16xf32>,
        %get3A_1318 = arith.index_cast %add3A_1261 : i32 to index
        %get3A_1319 = arith.constant 112 : index
        %get3A_1320 = tpu.vector_load %arg17[%get3A_1318, %get3A_1319] {strides = array<i32>} : memref<128x128xf32, #tpu.memory_space<vmem>>, vector<16xf32>,
        %mul3A_1321 = vector.broadcast %squeeze3A_1248 : f32 to vector<16xf32>
        %mul3A_1322 = arith.mulf %get3A_1320, %mul3A_1321 : vector<16xf32>
        %swap3A_1323 = arith.index_cast %add3A_1261 : i32 to index
        %swap3A_1324 = arith.constant 112 : index
        %swap3A_1325 = tpu.vector_load %arg17[%swap3A_1323, %swap3A_1324] {strides = array<i32>} : memref<128x128xf32, #tpu.memory_space<vmem>>, vector<16xf32>,
        tpu.vector_store %arg17[%swap3A_1323, %swap3A_1324], %mul3A_1322 {strides = array<i32>} : memref<128x128xf32, #tpu.memory_space<vmem>>, vector<16xf32>,
        %scan3A_1326 = arith.constant 0 : i32
        scf.yield %scan3A_1326 : i32
      }
      %scan3A_59 = arith.constant 8 : i32
      "tpu.region"() ({
        %run_scoped3A = tpu.sem_alloc : memref<!tpu.dma_semaphore, #tpu.memory_space<semaphore_mem>>
        %dma_start3A_61 = arith.constant 0 : i32
        %dma_start3A_62 = arith.constant 0 : i32
        %dma_start3A_63 = tpu.memref_slice %arg18[%dma_start3A_61, %dma_start3A_62] : memref<10240x128xf32, #tpu.memory_space<vmem_shared>> -> memref<10240x128xf32, #tpu.memory_space<vmem_shared>>
        tpu.enqueue_indirect_dma source(%arg17 : memref<128x128xf32, #tpu.memory_space<vmem>>) target(%dma_start3A_63 : memref<10240x128xf32, #tpu.memory_space<vmem_shared>>) offsets(%arg14 : memref<128xi32, #tpu.memory_space<vmem>>) semaphore(%run_scoped3A : memref<!tpu.dma_semaphore, #tpu.memory_space<semaphore_mem>>) {add = true}
        %dma_wait3A_64 = arith.constant 0 : i32
        %dma_wait3A_65 = arith.constant 0 : i32
        %dma_wait3A_66 = tpu.memref_slice %arg18[%dma_wait3A_64, %dma_wait3A_65] : memref<10240x128xf32, #tpu.memory_space<vmem_shared>> -> memref<10240x128xf32, #tpu.memory_space<vmem_shared>>
        tpu.wait_indirect_dma semaphore(%run_scoped3A : memref<!tpu.dma_semaphore, #tpu.memory_space<semaphore_mem>>) src(%arg17 : memref<128x128xf32, #tpu.memory_space<vmem>>) dst(%dma_wait3A_66 : memref<10240x128xf32, #tpu.memory_space<vmem_shared>>)
        tpu.yield
      }) : () -> ()
      %scan3A_60 = arith.constant 0 : i32
      scf.yield %scan3A_60 : i32
    }
    %scan3A_31 = arith.constant 81 : i32
    %barrier3A_32 = arith.constant 0 : index
    tpu.barrier barrier_id(%barrier3A_32)
    "tpu.region"() ({
      %run_scoped3A = tpu.sem_alloc : memref<!tpu.dma_semaphore, #tpu.memory_space<semaphore_mem>>
      %dma_start3A = arith.constant 0 : i32
      %dma_start3A_37 = tpu.memref_slice %arg12[%dma_start3A] : memref<10256xf32, #tpu.memory_space<vmem>> -> memref<10240xf32, #tpu.memory_space<vmem>>
      %dma_start3A_38 = arith.constant 0 : i32
      %dma_start3A_39 = tpu.memref_slice %arg9[%arg0, %arg1, %dma_start3A_38] : memref<2x16x10240xf32, #tpu.memory_space<hbm>> -> memref<1x1x10240xf32, #tpu.memory_space<hbm>>
      %dma_start3A_40 = tpu.memref_squeeze %dma_start3A_39 : memref<1x1x10240xf32, #tpu.memory_space<hbm>> -> memref<10240xf32, #tpu.memory_space<hbm>>
      %dma_start3A_41 = arith.constant 0 : i32
      %dma_start3A_42 = tpu.memref_slice %arg9[%arg0, %arg1, %dma_start3A_41] : memref<2x16x10240xf32, #tpu.memory_space<hbm>> -> memref<1x1x10240xf32, #tpu.memory_space<hbm>>
      %dma_start3A_43 = tpu.memref_squeeze %dma_start3A_42 : memref<1x1x10240xf32, #tpu.memory_space<hbm>> -> memref<10240xf32, #tpu.memory_space<hbm>>
      %dma_start3A_44 = arith.constant 0 : i32
      %dma_start3A_45 = tpu.memref_slice %arg12[%dma_start3A_44] : memref<10256xf32, #tpu.memory_space<vmem>> -> memref<10240xf32, #tpu.memory_space<vmem>>
      tpu.enqueue_dma source(%dma_start3A_45 : memref<10240xf32, #tpu.memory_space<vmem>>) target(%dma_start3A_43 : memref<10240xf32, #tpu.memory_space<hbm>>) target_semaphore(%run_scoped3A : memref<!tpu.dma_semaphore, #tpu.memory_space<semaphore_mem>>)
      %dma_wait3A = arith.constant 0 : i32
      %dma_wait3A_46 = tpu.memref_slice %arg12[%dma_wait3A] : memref<10256xf32, #tpu.memory_space<vmem>> -> memref<10240xf32, #tpu.memory_space<vmem>>
      %dma_wait3A_47 = arith.constant 0 : i32
      %dma_wait3A_48 = tpu.memref_slice %arg9[%arg0, %arg1, %dma_wait3A_47] : memref<2x16x10240xf32, #tpu.memory_space<hbm>> -> memref<1x1x10240xf32, #tpu.memory_space<hbm>>
      %dma_wait3A_49 = tpu.memref_squeeze %dma_wait3A_48 : memref<1x1x10240xf32, #tpu.memory_space<hbm>> -> memref<10240xf32, #tpu.memory_space<hbm>>
      %dma_wait3A_50 = arith.constant 0 : i32
      %dma_wait3A_51 = tpu.memref_slice %arg9[%arg0, %arg1, %dma_wait3A_50] : memref<2x16x10240xf32, #tpu.memory_space<hbm>> -> memref<1x1x10240xf32, #tpu.memory_space<hbm>>
      %dma_wait3A_52 = tpu.memref_squeeze %dma_wait3A_51 : memref<1x1x10240xf32, #tpu.memory_space<hbm>> -> memref<10240xf32, #tpu.memory_space<hbm>>
      %dma_wait3A_53 = arith.constant 0 : i32
      %dma_wait3A_54 = tpu.memref_slice %arg12[%dma_wait3A_53] : memref<10256xf32, #tpu.memory_space<vmem>> -> memref<10240xf32, #tpu.memory_space<vmem>>
      tpu.wait_dma2 semaphore(%run_scoped3A : memref<!tpu.dma_semaphore, #tpu.memory_space<semaphore_mem>>) src(%dma_wait3A_54 : memref<10240xf32, #tpu.memory_space<vmem>>) dst(%dma_wait3A_52 : memref<10240xf32, #tpu.memory_space<hbm>>)
      tpu.yield
    }) : () -> ()
    %mul3A_33 = arith.constant 320 : i32
    %mul3A_34 = arith.muli %arg1, %mul3A_33 : i32
    %mul3A_35 = arith.constant 320 : i32
    %mul3A_36 = arith.muli %arg1, %mul3A_35 : i32
    "tpu.region"() ({
      %run_scoped3A = tpu.sem_alloc : memref<!tpu.dma_semaphore, #tpu.memory_space<semaphore_mem>>
      %dma_start3A = arith.constant 0 : i32
      %dma_start3A_37 = tpu.memref_slice %arg8[%arg0, %mul3A_36, %dma_start3A] : memref<2x10240x128xf32, #tpu.memory_space<hbm>> -> memref<1x320x128xf32, #tpu.memory_space<hbm>>
      %dma_start3A_38 = tpu.memref_squeeze %dma_start3A_37 : memref<1x320x128xf32, #tpu.memory_space<hbm>> -> memref<320x128xf32, #tpu.memory_space<hbm>>
      %dma_start3A_39 = arith.constant 0 : i32
      %dma_start3A_40 = tpu.memref_slice %arg18[%mul3A_34, %dma_start3A_39] : memref<10240x128xf32, #tpu.memory_space<vmem_shared>> -> memref<320x128xf32, #tpu.memory_space<vmem_shared>>
      tpu.enqueue_dma source(%dma_start3A_40 : memref<320x128xf32, #tpu.memory_space<vmem_shared>>) target(%dma_start3A_38 : memref<320x128xf32, #tpu.memory_space<hbm>>) target_semaphore(%run_scoped3A : memref<!tpu.dma_semaphore, #tpu.memory_space<semaphore_mem>>)
      %dma_wait3A = arith.constant 0 : i32
      %dma_wait3A_41 = tpu.memref_slice %arg8[%arg0, %mul3A_36, %dma_wait3A] : memref<2x10240x128xf32, #tpu.memory_space<hbm>> -> memref<1x320x128xf32, #tpu.memory_space<hbm>>
      %dma_wait3A_42 = tpu.memref_squeeze %dma_wait3A_41 : memref<1x320x128xf32, #tpu.memory_space<hbm>> -> memref<320x128xf32, #tpu.memory_space<hbm>>
      %dma_wait3A_43 = arith.constant 0 : i32
      %dma_wait3A_44 = tpu.memref_slice %arg18[%mul3A_34, %dma_wait3A_43] : memref<10240x128xf32, #tpu.memory_space<vmem_shared>> -> memref<320x128xf32, #tpu.memory_space<vmem_shared>>
      tpu.wait_dma2 semaphore(%run_scoped3A : memref<!tpu.dma_semaphore, #tpu.memory_space<semaphore_mem>>) src(%dma_wait3A_44 : memref<320x128xf32, #tpu.memory_space<vmem_shared>>) dst(%dma_wait3A_42 : memref<320x128xf32, #tpu.memory_space<hbm>>)
      tpu.yield
    }) : () -> ()
    return
  }
}

module attributes {stable_mosaic.version = 14 : i64} {
  func.func @_tc1_body(%arg0: i32, %arg1: memref<2048x128xf32, #tpu.memory_space<vmem>>, %arg2: memref<128x128xf32, #tpu.memory_space<vmem>>, %arg3: memref<128xf32, #tpu.memory_space<vmem>>, %arg4: memref<128xf32, #tpu.memory_space<vmem>>, %arg5: memref<2048x128xf32, #tpu.memory_space<vmem>>, %arg6: memref<2048xf32, #tpu.memory_space<vmem>>, %arg7: memref<2048xf32, #tpu.memory_space<vmem>>) attributes {dimension_semantics = [#tpu.dimension_semantics<arbitrary>], iteration_bounds = array<i64: 5>, scalar_prefetch = 0 : i64, scratch_operands = 0 : i64, tpu.core_type = #tpu.core_type<tc>, window_params = [{transform_indices = @transform_0, window_bounds = array<i64: 2048, 128>}, {pipeline_mode = #tpu.pipeline_mode<synchronous>, transform_indices = @transform_1, window_bounds = array<i64: 128, 128>}, {pipeline_mode = #tpu.pipeline_mode<synchronous>, transform_indices = @transform_2, window_bounds = array<i64: 128>}, {pipeline_mode = #tpu.pipeline_mode<synchronous>, transform_indices = @transform_3, window_bounds = array<i64: 128>}, {transform_indices = @transform_4, window_bounds = array<i64: 2048, 128>}, {transform_indices = @transform_5, window_bounds = array<i64: 2048>}, {transform_indices = @transform_6, window_bounds = array<i64: 2048>}]} {
    %get3A = arith.constant 0 : index
    %get3A_0 = arith.constant 0 : index
    %get3A_1 = vector.load %arg1[%get3A, %get3A_0] : memref<2048x128xf32, #tpu.memory_space<vmem>>, vector<2048x128xf32>
    %get3A_2 = arith.constant 0 : index
    %get3A_3 = arith.constant 0 : index
    %get3A_4 = vector.load %arg2[%get3A_2, %get3A_3] : memref<128x128xf32, #tpu.memory_space<vmem>>, vector<128x128xf32>
    %dot_general3A = arith.constant dense<0.000000e+00> : vector<2048x128xf32>
    %dot_general3A_5 = tpu.matmul %get3A_1, %get3A_4, %dot_general3A {dimension_numbers = #tpu.dot_dimension_numbers<[1], [1], [0], [0], [0, 0, 1, 0], [], []>, transpose_lhs_hint = false} : vector<2048x128xf32>, vector<128x128xf32>, vector<2048x128xf32> -> vector<2048x128xf32>
    %swap3A = arith.constant 0 : index
    %swap3A_6 = arith.constant 0 : index
    %swap3A_7 = vector.load %arg5[%swap3A, %swap3A_6] : memref<2048x128xf32, #tpu.memory_space<vmem>>, vector<2048x128xf32>
    tpu.vector_store %arg5[%swap3A, %swap3A_6], %dot_general3A_5 {strides = array<i32>} : memref<2048x128xf32, #tpu.memory_space<vmem>>, vector<2048x128xf32>,
    %get3A_8 = arith.constant 0 : index
    %get3A_9 = vector.load %arg3[%get3A_8] : memref<128xf32, #tpu.memory_space<vmem>>, vector<128xf32>
    %broadcast_in_dim3A = vector.shape_cast %get3A_9 : vector<128xf32> to vector<1x128xf32>
    %mul3A = vector.broadcast %broadcast_in_dim3A : vector<1x128xf32> to vector<2048x128xf32>
    %mul3A_10 = arith.mulf %dot_general3A_5, %mul3A : vector<2048x128xf32>
    %reduce_sum3A = arith.constant dense<0.000000e+00> : vector<2048xf32>
    %reduce_sum3A_11 = vector.multi_reduction <add>, %mul3A_10, %reduce_sum3A [1] : vector<2048x128xf32> to vector<2048xf32>
    %swap3A_12 = arith.constant 0 : index
    %swap3A_13 = vector.load %arg6[%swap3A_12] : memref<2048xf32, #tpu.memory_space<vmem>>, vector<2048xf32>
    tpu.vector_store %arg6[%swap3A_12], %reduce_sum3A_11 {strides = array<i32>} : memref<2048xf32, #tpu.memory_space<vmem>>, vector<2048xf32>,
    %get3A_14 = arith.constant 0 : index
    %get3A_15 = vector.load %arg4[%get3A_14] : memref<128xf32, #tpu.memory_space<vmem>>, vector<128xf32>
    %broadcast_in_dim3A_16 = vector.shape_cast %get3A_15 : vector<128xf32> to vector<1x128xf32>
    %mul3A_17 = vector.broadcast %broadcast_in_dim3A_16 : vector<1x128xf32> to vector<2048x128xf32>
    %mul3A_18 = arith.mulf %dot_general3A_5, %mul3A_17 : vector<2048x128xf32>
    %reduce_sum3A_19 = arith.constant dense<0.000000e+00> : vector<2048xf32>
    %reduce_sum3A_20 = vector.multi_reduction <add>, %mul3A_18, %reduce_sum3A_19 [1] : vector<2048x128xf32> to vector<2048xf32>
    %swap3A_21 = arith.constant 0 : index
    %swap3A_22 = vector.load %arg7[%swap3A_21] : memref<2048xf32, #tpu.memory_space<vmem>>, vector<2048xf32>
    tpu.vector_store %arg7[%swap3A_21], %reduce_sum3A_20 {strides = array<i32>} : memref<2048xf32, #tpu.memory_space<vmem>>, vector<2048xf32>,
    return
  }
  func.func @transform_0(%arg0: i32) -> (i32, i32) {
    %c0_i32 = arith.constant 0 : i32
    %c0_i32_0 = arith.constant 0 : i32
    return %arg0, %c0_i32 : i32, i32
  }
  func.func @transform_1(%arg0: i32) -> (i32, i32) {
    %c0_i32 = arith.constant 0 : i32
    %c0_i32_0 = arith.constant 0 : i32
    %c0_i32_1 = arith.constant 0 : i32
    return %c0_i32, %c0_i32_0 : i32, i32
  }
  func.func @transform_2(%arg0: i32) -> i32 {
    %c0_i32 = arith.constant 0 : i32
    %c0_i32_0 = arith.constant 0 : i32
    return %c0_i32 : i32
  }
  func.func @transform_3(%arg0: i32) -> i32 {
    %c0_i32 = arith.constant 0 : i32
    %c0_i32_0 = arith.constant 0 : i32
    return %c0_i32 : i32
  }
  func.func @transform_4(%arg0: i32) -> (i32, i32) {
    %c0_i32 = arith.constant 0 : i32
    %c0_i32_0 = arith.constant 0 : i32
    return %arg0, %c0_i32 : i32, i32
  }
  func.func @transform_5(%arg0: i32) -> i32 {
    %c0_i32 = arith.constant 0 : i32
    return %arg0 : i32
  }
  func.func @transform_6(%arg0: i32) -> i32 {
    %c0_i32 = arith.constant 0 : i32
    return %arg0 : i32
  }
}

module attributes {stable_mosaic.version = 14 : i64} {
  func.func @_tc2_body(%arg0: i32, %arg1: memref<2x2048x128xf32, #tpu.memory_space<vmem>>, %arg2: memref<2x16x2048xf32, #tpu.memory_space<vmem>>, %arg3: memref<128x128xf32, #tpu.memory_space<vmem>>, %arg4: memref<128xf32, #tpu.memory_space<vmem>>, %arg5: memref<128xf32, #tpu.memory_space<vmem>>, %arg6: memref<2048x128xf32, #tpu.memory_space<vmem>>, %arg7: memref<2048xf32, #tpu.memory_space<vmem>>, %arg8: memref<2048xf32, #tpu.memory_space<vmem>>) attributes {dimension_semantics = [#tpu.dimension_semantics<arbitrary>], iteration_bounds = array<i64: 5>, scalar_prefetch = 0 : i64, scratch_operands = 0 : i64, tpu.core_type = #tpu.core_type<tc>, window_params = [{transform_indices = @transform_0, window_bounds = array<i64: 2, 2048, 128>}, {transform_indices = @transform_1, window_bounds = array<i64: 2, 16, 2048>}, {pipeline_mode = #tpu.pipeline_mode<synchronous>, transform_indices = @transform_2, window_bounds = array<i64: 128, 128>}, {pipeline_mode = #tpu.pipeline_mode<synchronous>, transform_indices = @transform_3, window_bounds = array<i64: 128>}, {pipeline_mode = #tpu.pipeline_mode<synchronous>, transform_indices = @transform_4, window_bounds = array<i64: 128>}, {transform_indices = @transform_5, window_bounds = array<i64: 2048, 128>}, {transform_indices = @transform_6, window_bounds = array<i64: 2048>}, {transform_indices = @transform_7, window_bounds = array<i64: 2048>}]} {
    %get3A = arith.constant 0 : index
    %get3A_0 = arith.constant 0 : index
    %get3A_1 = arith.constant 0 : index
    %get3A_2 = vector.load %arg2[%get3A, %get3A_0, %get3A_1] : memref<2x16x2048xf32, #tpu.memory_space<vmem>>, vector<2x16x2048xf32>
    %reduce_sum3A = arith.constant dense<0.000000e+00> : vector<2048xf32>
    %reduce_sum3A_3 = vector.multi_reduction <add>, %get3A_2, %reduce_sum3A [0, 1] : vector<2x16x2048xf32> to vector<2048xf32>
    %get3A_4 = arith.constant 0 : index
    %get3A_5 = arith.constant 0 : index
    %get3A_6 = arith.constant 0 : index
    %get3A_7 = vector.load %arg1[%get3A_4, %get3A_5, %get3A_6] : memref<2x2048x128xf32, #tpu.memory_space<vmem>>, vector<1x2048x128xf32>
    %get3A_8 = vector.shape_cast %get3A_7 : vector<1x2048x128xf32> to vector<2048x128xf32>
    %get3A_9 = arith.constant 1 : index
    %get3A_10 = arith.constant 0 : index
    %get3A_11 = arith.constant 0 : index
    %get3A_12 = vector.load %arg1[%get3A_9, %get3A_10, %get3A_11] : memref<2x2048x128xf32, #tpu.memory_space<vmem>>, vector<1x2048x128xf32>
    %get3A_13 = vector.shape_cast %get3A_12 : vector<1x2048x128xf32> to vector<2048x128xf32>
    %add3A = arith.addf %get3A_8, %get3A_13 : vector<2048x128xf32>
    %add3A_14 = arith.constant 1.000000e-16 : f32
    %add3A_15 = vector.broadcast %add3A_14 : f32 to vector<2048xf32>
    %add3A_16 = arith.addf %reduce_sum3A_3, %add3A_15 : vector<2048xf32>
    %broadcast_in_dim3A = vector.shape_cast %add3A_16 : vector<2048xf32> to vector<2048x1xf32>
    %div3A = vector.broadcast %broadcast_in_dim3A : vector<2048x1xf32> to vector<2048x128xf32>
    %div3A_17 = arith.divf %add3A, %div3A : vector<2048x128xf32>
    %max3A = arith.constant 0.000000e+00 : f32
    %max3A_18 = vector.broadcast %max3A : f32 to vector<2048x128xf32>
    %max3A_19 = arith.maximumf %div3A_17, %max3A_18 : vector<2048x128xf32>
    %get3A_20 = arith.constant 0 : index
    %get3A_21 = arith.constant 0 : index
    %get3A_22 = vector.load %arg3[%get3A_20, %get3A_21] : memref<128x128xf32, #tpu.memory_space<vmem>>, vector<128x128xf32>
    %dot_general3A = arith.constant dense<0.000000e+00> : vector<2048x128xf32>
    %dot_general3A_23 = tpu.matmul %max3A_19, %get3A_22, %dot_general3A {dimension_numbers = #tpu.dot_dimension_numbers<[1], [1], [0], [0], [0, 0, 1, 0], [], []>, transpose_lhs_hint = false} : vector<2048x128xf32>, vector<128x128xf32>, vector<2048x128xf32> -> vector<2048x128xf32>
    %swap3A = arith.constant 0 : index
    %swap3A_24 = arith.constant 0 : index
    %swap3A_25 = vector.load %arg6[%swap3A, %swap3A_24] : memref<2048x128xf32, #tpu.memory_space<vmem>>, vector<2048x128xf32>
    tpu.vector_store %arg6[%swap3A, %swap3A_24], %dot_general3A_23 {strides = array<i32>} : memref<2048x128xf32, #tpu.memory_space<vmem>>, vector<2048x128xf32>,
    %get3A_26 = arith.constant 0 : index
    %get3A_27 = vector.load %arg4[%get3A_26] : memref<128xf32, #tpu.memory_space<vmem>>, vector<128xf32>
    %broadcast_in_dim3A_28 = vector.shape_cast %get3A_27 : vector<128xf32> to vector<1x128xf32>
    %mul3A = vector.broadcast %broadcast_in_dim3A_28 : vector<1x128xf32> to vector<2048x128xf32>
    %mul3A_29 = arith.mulf %dot_general3A_23, %mul3A : vector<2048x128xf32>
    %reduce_sum3A_30 = arith.constant dense<0.000000e+00> : vector<2048xf32>
    %reduce_sum3A_31 = vector.multi_reduction <add>, %mul3A_29, %reduce_sum3A_30 [1] : vector<2048x128xf32> to vector<2048xf32>
    %swap3A_32 = arith.constant 0 : index
    %swap3A_33 = vector.load %arg7[%swap3A_32] : memref<2048xf32, #tpu.memory_space<vmem>>, vector<2048xf32>
    tpu.vector_store %arg7[%swap3A_32], %reduce_sum3A_31 {strides = array<i32>} : memref<2048xf32, #tpu.memory_space<vmem>>, vector<2048xf32>,
    %get3A_34 = arith.constant 0 : index
    %get3A_35 = vector.load %arg5[%get3A_34] : memref<128xf32, #tpu.memory_space<vmem>>, vector<128xf32>
    %broadcast_in_dim3A_36 = vector.shape_cast %get3A_35 : vector<128xf32> to vector<1x128xf32>
    %mul3A_37 = vector.broadcast %broadcast_in_dim3A_36 : vector<1x128xf32> to vector<2048x128xf32>
    %mul3A_38 = arith.mulf %dot_general3A_23, %mul3A_37 : vector<2048x128xf32>
    %reduce_sum3A_39 = arith.constant dense<0.000000e+00> : vector<2048xf32>
    %reduce_sum3A_40 = vector.multi_reduction <add>, %mul3A_38, %reduce_sum3A_39 [1] : vector<2048x128xf32> to vector<2048xf32>
    %swap3A_41 = arith.constant 0 : index
    %swap3A_42 = vector.load %arg8[%swap3A_41] : memref<2048xf32, #tpu.memory_space<vmem>>, vector<2048xf32>
    tpu.vector_store %arg8[%swap3A_41], %reduce_sum3A_40 {strides = array<i32>} : memref<2048xf32, #tpu.memory_space<vmem>>, vector<2048xf32>,
    return
  }
  func.func @transform_0(%arg0: i32) -> (i32, i32, i32) {
    %c0_i32 = arith.constant 0 : i32
    %c0_i32_0 = arith.constant 0 : i32
    %c0_i32_1 = arith.constant 0 : i32
    return %c0_i32, %arg0, %c0_i32_0 : i32, i32, i32
  }
  func.func @transform_1(%arg0: i32) -> (i32, i32, i32) {
    %c0_i32 = arith.constant 0 : i32
    %c0_i32_0 = arith.constant 0 : i32
    %c0_i32_1 = arith.constant 0 : i32
    return %c0_i32, %c0_i32_0, %arg0 : i32, i32, i32
  }
  func.func @transform_2(%arg0: i32) -> (i32, i32) {
    %c0_i32 = arith.constant 0 : i32
    %c0_i32_0 = arith.constant 0 : i32
    %c0_i32_1 = arith.constant 0 : i32
    return %c0_i32, %c0_i32_0 : i32, i32
  }
  func.func @transform_3(%arg0: i32) -> i32 {
    %c0_i32 = arith.constant 0 : i32
    %c0_i32_0 = arith.constant 0 : i32
    return %c0_i32 : i32
  }
  func.func @transform_4(%arg0: i32) -> i32 {
    %c0_i32 = arith.constant 0 : i32
    %c0_i32_0 = arith.constant 0 : i32
    return %c0_i32 : i32
  }
  func.func @transform_5(%arg0: i32) -> (i32, i32) {
    %c0_i32 = arith.constant 0 : i32
    %c0_i32_0 = arith.constant 0 : i32
    return %arg0, %c0_i32 : i32, i32
  }
  func.func @transform_6(%arg0: i32) -> i32 {
    %c0_i32 = arith.constant 0 : i32
    return %arg0 : i32
  }
  func.func @transform_7(%arg0: i32) -> i32 {
    %c0_i32 = arith.constant 0 : i32
    return %arg0 : i32
  }
}

module attributes {stable_mosaic.version = 14 : i64} {
  func.func @_tc3_body(%arg0: i32, %arg1: memref<2x2048x128xf32, #tpu.memory_space<vmem>>, %arg2: memref<2x16x2048xf32, #tpu.memory_space<vmem>>, %arg3: memref<2048xi32, #tpu.memory_space<vmem>>, %arg4: memref<64x128xf32, #tpu.memory_space<vmem>>, %arg5: memref<64xf32, #tpu.memory_space<vmem>>, %arg6: memref<128x64xf32, #tpu.memory_space<vmem>>, %arg7: memref<128xf32, #tpu.memory_space<vmem>>, %arg8: memref<16x128xf32, #tpu.memory_space<vmem>>, %arg9: memref<16x128xf32, #tpu.memory_space<vmem>>, %arg10: memref<16x128xf32, #tpu.memory_space<vmem>>) attributes {dimension_semantics = [#tpu.dimension_semantics<arbitrary>], iteration_bounds = array<i64: 5>, scalar_prefetch = 0 : i64, scratch_operands = 2 : i64, tpu.core_type = #tpu.core_type<tc>, window_params = [{transform_indices = @transform_0, window_bounds = array<i64: 2, 2048, 128>}, {transform_indices = @transform_1, window_bounds = array<i64: 2, 16, 2048>}, {transform_indices = @transform_2, window_bounds = array<i64: 2048>}, {pipeline_mode = #tpu.pipeline_mode<synchronous>, transform_indices = @transform_3, window_bounds = array<i64: 64, 128>}, {pipeline_mode = #tpu.pipeline_mode<synchronous>, transform_indices = @transform_4, window_bounds = array<i64: 64>}, {pipeline_mode = #tpu.pipeline_mode<synchronous>, transform_indices = @transform_5, window_bounds = array<i64: 128, 64>}, {pipeline_mode = #tpu.pipeline_mode<synchronous>, transform_indices = @transform_6, window_bounds = array<i64: 128>}, {pipeline_mode = #tpu.pipeline_mode<synchronous>, transform_indices = @transform_7, window_bounds = array<i64: 16, 128>}]} {
    %eq3A = arith.constant 0 : i32
    %eq3A_0 = arith.cmpi eq, %arg0, %eq3A : i32
    %convert_element_type3A = arith.extui %eq3A_0 : i1 to i32
    %cond3A = arith.constant 0 : i32
    %cond3A_1 = arith.cmpi ne, %convert_element_type3A, %cond3A : i32
    scf.if %cond3A_1 {
      %broadcast_in_dim3A_53 = arith.constant 0.000000e+00 : f32
      %broadcast_in_dim3A_54 = vector.broadcast %broadcast_in_dim3A_53 : f32 to vector<16x128xf32>
      %swap3A_55 = arith.constant 0 : index
      %swap3A_56 = arith.constant 0 : index
      %swap3A_57 = vector.load %arg9[%swap3A_55, %swap3A_56] : memref<16x128xf32, #tpu.memory_space<vmem>>, vector<16x128xf32>
      tpu.vector_store %arg9[%swap3A_55, %swap3A_56], %broadcast_in_dim3A_54 {strides = array<i32>} : memref<16x128xf32, #tpu.memory_space<vmem>>, vector<16x128xf32>,
      %broadcast_in_dim3A_58 = arith.constant 0.000000e+00 : f32
      %broadcast_in_dim3A_59 = vector.broadcast %broadcast_in_dim3A_58 : f32 to vector<16x128xf32>
      %swap3A_60 = arith.constant 0 : index
      %swap3A_61 = arith.constant 0 : index
      %swap3A_62 = vector.load %arg10[%swap3A_60, %swap3A_61] : memref<16x128xf32, #tpu.memory_space<vmem>>, vector<16x128xf32>
      tpu.vector_store %arg10[%swap3A_60, %swap3A_61], %broadcast_in_dim3A_59 {strides = array<i32>} : memref<16x128xf32, #tpu.memory_space<vmem>>, vector<16x128xf32>,
    } else {
    }
    %get3A = arith.constant 0 : index
    %get3A_2 = arith.constant 0 : index
    %get3A_3 = arith.constant 0 : index
    %get3A_4 = vector.load %arg2[%get3A, %get3A_2, %get3A_3] : memref<2x16x2048xf32, #tpu.memory_space<vmem>>, vector<2x16x2048xf32>
    %reduce_sum3A = arith.constant dense<0.000000e+00> : vector<2048xf32>
    %reduce_sum3A_5 = vector.multi_reduction <add>, %get3A_4, %reduce_sum3A [0, 1] : vector<2x16x2048xf32> to vector<2048xf32>
    %get3A_6 = arith.constant 0 : index
    %get3A_7 = arith.constant 0 : index
    %get3A_8 = arith.constant 0 : index
    %get3A_9 = vector.load %arg1[%get3A_6, %get3A_7, %get3A_8] : memref<2x2048x128xf32, #tpu.memory_space<vmem>>, vector<1x2048x128xf32>
    %get3A_10 = vector.shape_cast %get3A_9 : vector<1x2048x128xf32> to vector<2048x128xf32>
    %get3A_11 = arith.constant 1 : index
    %get3A_12 = arith.constant 0 : index
    %get3A_13 = arith.constant 0 : index
    %get3A_14 = vector.load %arg1[%get3A_11, %get3A_12, %get3A_13] : memref<2x2048x128xf32, #tpu.memory_space<vmem>>, vector<1x2048x128xf32>
    %get3A_15 = vector.shape_cast %get3A_14 : vector<1x2048x128xf32> to vector<2048x128xf32>
    %add3A = arith.addf %get3A_10, %get3A_15 : vector<2048x128xf32>
    %add3A_16 = arith.constant 1.000000e-16 : f32
    %add3A_17 = vector.broadcast %add3A_16 : f32 to vector<2048xf32>
    %add3A_18 = arith.addf %reduce_sum3A_5, %add3A_17 : vector<2048xf32>
    %broadcast_in_dim3A = vector.shape_cast %add3A_18 : vector<2048xf32> to vector<2048x1xf32>
    %div3A = vector.broadcast %broadcast_in_dim3A : vector<2048x1xf32> to vector<2048x128xf32>
    %div3A_19 = arith.divf %add3A, %div3A : vector<2048x128xf32>
    %max3A = arith.constant 0.000000e+00 : f32
    %max3A_20 = vector.broadcast %max3A : f32 to vector<2048x128xf32>
    %max3A_21 = arith.maximumf %div3A_19, %max3A_20 : vector<2048x128xf32>
    %iota3A = tpu.iota {dimensions = array<i32: 0>} : vector<16x2048xi32>
    %get3A_22 = arith.constant 0 : index
    %get3A_23 = vector.load %arg3[%get3A_22] : memref<2048xi32, #tpu.memory_space<vmem>>, vector<2048xi32>
    %broadcast_in_dim3A_24 = vector.shape_cast %get3A_23 : vector<2048xi32> to vector<1x2048xi32>
    %eq3A_25 = vector.broadcast %broadcast_in_dim3A_24 : vector<1x2048xi32> to vector<16x2048xi32>
    %eq3A_26 = arith.cmpi eq, %eq3A_25, %iota3A : vector<16x2048xi32>
    %jit3A = arith.constant 1.000000e+00 : f32
    %jit3A_27 = arith.constant 0.000000e+00 : f32
    %broadcast_in_dim3A_28 = vector.broadcast %jit3A : f32 to vector<16x2048xf32>
    %broadcast_in_dim3A_29 = vector.broadcast %jit3A_27 : f32 to vector<16x2048xf32>
    %select_n3A = arith.select %eq3A_26, %broadcast_in_dim3A_28, %broadcast_in_dim3A_29 : vector<16x2048xi1>, vector<16x2048xf32>
    %get3A_30 = arith.constant 0 : index
    %get3A_31 = arith.constant 0 : index
    %get3A_32 = vector.load %arg9[%get3A_30, %get3A_31] : memref<16x128xf32, #tpu.memory_space<vmem>>, vector<16x128xf32>
    %dot_general3A = arith.constant dense<0.000000e+00> : vector<16x128xf32>
    %dot_general3A_33 = tpu.matmul %select_n3A, %max3A_21, %dot_general3A {dimension_numbers = #tpu.dot_dimension_numbers<[1], [0], [0], [1], [0, 0, 1, 1], [], []>, transpose_lhs_hint = false} : vector<16x2048xf32>, vector<2048x128xf32>, vector<16x128xf32> -> vector<16x128xf32>
    %add3A_34 = arith.addf %get3A_32, %dot_general3A_33 : vector<16x128xf32>
    %swap3A = arith.constant 0 : index
    %swap3A_35 = arith.constant 0 : index
    %swap3A_36 = vector.load %arg9[%swap3A, %swap3A_35] : memref<16x128xf32, #tpu.memory_space<vmem>>, vector<16x128xf32>
    tpu.vector_store %arg9[%swap3A, %swap3A_35], %add3A_34 {strides = array<i32>} : memref<16x128xf32, #tpu.memory_space<vmem>>, vector<16x128xf32>,
    %get3A_37 = arith.constant 0 : index
    %get3A_38 = arith.constant 0 : index
    %get3A_39 = vector.load %arg10[%get3A_37, %get3A_38] : memref<16x128xf32, #tpu.memory_space<vmem>>, vector<16x128xf32>
    %reduce_sum3A_40 = arith.constant dense<0.000000e+00> : vector<16xf32>
    %reduce_sum3A_41 = vector.multi_reduction <add>, %select_n3A, %reduce_sum3A_40 [1] : vector<16x2048xf32> to vector<16xf32>
    %broadcast_in_dim3A_42 = vector.shape_cast %reduce_sum3A_41 : vector<16xf32> to vector<16x1xf32>
    %add3A_43 = vector.broadcast %broadcast_in_dim3A_42 : vector<16x1xf32> to vector<16x128xf32>
    %add3A_44 = arith.addf %get3A_39, %add3A_43 : vector<16x128xf32>
    %swap3A_45 = arith.constant 0 : index
    %swap3A_46 = arith.constant 0 : index
    %swap3A_47 = vector.load %arg10[%swap3A_45, %swap3A_46] : memref<16x128xf32, #tpu.memory_space<vmem>>, vector<16x128xf32>
    tpu.vector_store %arg10[%swap3A_45, %swap3A_46], %add3A_44 {strides = array<i32>} : memref<16x128xf32, #tpu.memory_space<vmem>>, vector<16x128xf32>,
    %eq3A_48 = arith.constant 4 : i32
    %eq3A_49 = arith.cmpi eq, %arg0, %eq3A_48 : i32
    %convert_element_type3A_50 = arith.extui %eq3A_49 : i1 to i32
    %cond3A_51 = arith.constant 0 : i32
    %cond3A_52 = arith.cmpi ne, %convert_element_type3A_50, %cond3A_51 : i32
    scf.if %cond3A_52 {
      %get3A_53 = arith.constant 0 : index
      %get3A_54 = arith.constant 0 : index
      %get3A_55 = vector.load %arg9[%get3A_53, %get3A_54] : memref<16x128xf32, #tpu.memory_space<vmem>>, vector<16x128xf32>
      %get3A_56 = arith.constant 0 : index
      %get3A_57 = arith.constant 0 : index
      %get3A_58 = vector.load %arg10[%get3A_56, %get3A_57] : memref<16x128xf32, #tpu.memory_space<vmem>>, vector<16x128xf32>
      %max3A_59 = arith.constant 1.000000e+00 : f32
      %max3A_60 = vector.broadcast %max3A_59 : f32 to vector<16x128xf32>
      %max3A_61 = arith.maximumf %get3A_58, %max3A_60 : vector<16x128xf32>
      %div3A_62 = arith.divf %get3A_55, %max3A_61 : vector<16x128xf32>
      %get3A_63 = arith.constant 0 : index
      %get3A_64 = arith.constant 0 : index
      %get3A_65 = vector.load %arg4[%get3A_63, %get3A_64] : memref<64x128xf32, #tpu.memory_space<vmem>>, vector<64x128xf32>
      %dot_general3A_66 = arith.constant dense<0.000000e+00> : vector<16x64xf32>
      %dot_general3A_67 = tpu.matmul %div3A_62, %get3A_65, %dot_general3A_66 {dimension_numbers = #tpu.dot_dimension_numbers<[1], [1], [0], [0], [0, 0, 1, 0], [], []>, transpose_lhs_hint = false} : vector<16x128xf32>, vector<64x128xf32>, vector<16x64xf32> -> vector<16x64xf32>
      %get3A_68 = arith.constant 0 : index
      %get3A_69 = vector.load %arg5[%get3A_68] : memref<64xf32, #tpu.memory_space<vmem>>, vector<64xf32>
      %broadcast_in_dim3A_70 = vector.shape_cast %get3A_69 : vector<64xf32> to vector<1x64xf32>
      %add3A_71 = vector.broadcast %broadcast_in_dim3A_70 : vector<1x64xf32> to vector<16x64xf32>
      %add3A_72 = arith.addf %dot_general3A_67, %add3A_71 : vector<16x64xf32>
      %max3A_73 = arith.constant 0.000000e+00 : f32
      %max3A_74 = vector.broadcast %max3A_73 : f32 to vector<16x64xf32>
      %max3A_75 = arith.maximumf %add3A_72, %max3A_74 : vector<16x64xf32>
      %get3A_76 = arith.constant 0 : index
      %get3A_77 = arith.constant 0 : index
      %get3A_78 = vector.load %arg6[%get3A_76, %get3A_77] : memref<128x64xf32, #tpu.memory_space<vmem>>, vector<128x64xf32>
      %dot_general3A_79 = arith.constant dense<0.000000e+00> : vector<16x128xf32>
      %dot_general3A_80 = tpu.matmul %max3A_75, %get3A_78, %dot_general3A_79 {dimension_numbers = #tpu.dot_dimension_numbers<[1], [1], [0], [0], [0, 0, 1, 0], [], []>, transpose_lhs_hint = false} : vector<16x64xf32>, vector<128x64xf32>, vector<16x128xf32> -> vector<16x128xf32>
      %get3A_81 = arith.constant 0 : index
      %get3A_82 = vector.load %arg7[%get3A_81] : memref<128xf32, #tpu.memory_space<vmem>>, vector<128xf32>
      %broadcast_in_dim3A_83 = vector.shape_cast %get3A_82 : vector<128xf32> to vector<1x128xf32>
      %add3A_84 = vector.broadcast %broadcast_in_dim3A_83 : vector<1x128xf32> to vector<16x128xf32>
      %add3A_85 = arith.addf %dot_general3A_80, %add3A_84 : vector<16x128xf32>
      %swap3A_86 = arith.constant 0 : index
      %swap3A_87 = arith.constant 0 : index
      %swap3A_88 = vector.load %arg8[%swap3A_86, %swap3A_87] : memref<16x128xf32, #tpu.memory_space<vmem>>, vector<16x128xf32>
      tpu.vector_store %arg8[%swap3A_86, %swap3A_87], %add3A_85 {strides = array<i32>} : memref<16x128xf32, #tpu.memory_space<vmem>>, vector<16x128xf32>,
    } else {
    }
    return
  }
  func.func @transform_0(%arg0: i32) -> (i32, i32, i32) {
    %c0_i32 = arith.constant 0 : i32
    %c0_i32_0 = arith.constant 0 : i32
    %c0_i32_1 = arith.constant 0 : i32
    return %c0_i32, %arg0, %c0_i32_0 : i32, i32, i32
  }
  func.func @transform_1(%arg0: i32) -> (i32, i32, i32) {
    %c0_i32 = arith.constant 0 : i32
    %c0_i32_0 = arith.constant 0 : i32
    %c0_i32_1 = arith.constant 0 : i32
    return %c0_i32, %c0_i32_0, %arg0 : i32, i32, i32
  }
  func.func @transform_2(%arg0: i32) -> i32 {
    %c0_i32 = arith.constant 0 : i32
    return %arg0 : i32
  }
  func.func @transform_3(%arg0: i32) -> (i32, i32) {
    %c0_i32 = arith.constant 0 : i32
    %c0_i32_0 = arith.constant 0 : i32
    %c0_i32_1 = arith.constant 0 : i32
    return %c0_i32, %c0_i32_0 : i32, i32
  }
  func.func @transform_4(%arg0: i32) -> i32 {
    %c0_i32 = arith.constant 0 : i32
    %c0_i32_0 = arith.constant 0 : i32
    return %c0_i32 : i32
  }
  func.func @transform_5(%arg0: i32) -> (i32, i32) {
    %c0_i32 = arith.constant 0 : i32
    %c0_i32_0 = arith.constant 0 : i32
    %c0_i32_1 = arith.constant 0 : i32
    return %c0_i32, %c0_i32_0 : i32, i32
  }
  func.func @transform_6(%arg0: i32) -> i32 {
    %c0_i32 = arith.constant 0 : i32
    %c0_i32_0 = arith.constant 0 : i32
    return %c0_i32 : i32
  }
  func.func @transform_7(%arg0: i32) -> (i32, i32) {
    %c0_i32 = arith.constant 0 : i32
    %c0_i32_0 = arith.constant 0 : i32
    %c0_i32_1 = arith.constant 0 : i32
    return %c0_i32, %c0_i32_0 : i32, i32
  }
}

</mosaic_0001>

<sc_bundles>
// kernel: kernel.11.cloned.1.call-start
scs
__scs_entry_jumppad:
0x0: {  	(pc) =	sbr.rel $0x88, $3  }
0x1: {  	(tag) =	ssettag $0x0;
	lr =	simm.s32 $0x1  }
0x2: {  	[smem:$0x3F92] =	sst lr;
	_ =	strace $0xD0000000  }
0x3: {  	_ = 	snop  }
0x4: {  	_ = 	snop  }
0x5: {  	_ = 	snop  }
0x6: {  	_ = 	snop  }
0x7: {  	_ = 	snop  }
__scs_overlays_trampoline_lowered:
0x8: {  	[smem:$0x3FA1] =	sst s0  }
0x9: {  	[smem:$0x3FA2] =	sst s1  }
0xa: {  	[smem:$0x3FA3] =	sst s2  }
0xb: {  	[smem:$0x3FA4] =	sst s3  }
0xc: {  	[smem:$0x3FA5] =	sst s4  }
0xd: {  	[smem:$0x3FA6] =	sst s5  }
0xe: {  	[smem:$0x3FA7] =	sst s6  }
0xf: {  	[smem:$0x3FA8] =	sst s7  }
0x10: {  	[smem:$0x3FA9] =	sst s8  }
0x11: {  	[smem:$0x3FAA] =	sst s9;
	s0 =	simm.s32 @!p0 $0x0  }
0x12: {  	s1 =	sld [smem:$0x3F90];
	s0 =	simm.s32 @p0 $0x1  }
0x13: {  	[smem:$0x3FAB] =	sst s0;
	s0 =	simm.s32 @!p1 $0x0  }
0x14: {  	s2 =	sld [smem:$0x3F8F];
	s0 =	simm.s32 @p1 $0x1  }
0x15: {  	[smem:$0x3FAC] =	sst s0;
	s0 =	simm.s32 @!p2 $0x0  }
0x16: {  	s3 =	sld [smem:$0x3FDB];
	s0 =	simm.s32 @p2 $0x1  }
0x17: {  	s4 =	simm.s32 $0x1BF5;
	[smem:$0x3FAE] =	sst s0  }
0x18: {  	s0 =	sld [smem:$0x3F91];
	_ =	swait.ge [sflag:s4], $0x0  }
0x19: {  	s7 =	sld [smem:$0x3F92]  }
0x1a: {  	s8 =	sadd.s32 $0xFFFFE003, lr  }
0x1b: {  	s9 =	sadd.s32 $0xFFFFFEF7, lr;
	s5 =	simm.s32 $0xFFFFFFFF;
	p2 =	slt.u32 s8, $0xFFFFF086  }
0x1c: {  	p1 =	slt.u32 s9, $0xF7A;
	s5 =	simm.s32 @!p2 $0x0  }
0x1d: {  	s5 =	simm.s32 @p1 $0x1;
	p0 =	seq.s32 s7, s2  }
0x1e: {  	s7 =	smul.u32 @!p0 $0xF7A, s2;
	p2 =	seq.s32 @!p0 s5, $0x0  }
0x1f: {  	s9 =	smul.u32 $0xF7A, s1;
	s8 =	simm.s32 @!p0 $0x1BF5;
	p2 =	por !p2, p0  }
0x20: {  	[sflag:s8] =	ssyncset.s32 @!p0 $0xFFFFF086;
	s6 =	sadd.s32 @!p0 s3, s7;
	s7 =	simm.s32 @!p0 $0x108  }
0x21: {  	s3 =	sadd.s32 s3, s9;
	s6 =	sadd.s32 @!p0 $0x88, s6;
	s7 =	simm.s32 @p2 $0x1082  }
0x22: {  	[simem:s7], [sflag:s8] =	dma.local @!p0 [hbm:s6], $0xF7A  }
0x23: {  	s9 =	sor.u32 $0xD0000000, s2;
	s6 =	simm.s32 $0x108;
	_ =	swait.ge @!p0 [sflag:s8], $0x0  }
0x24: {  	s3 =	sadd.s32 $0x88, s3;
	s6 =	simm.s32 @!p1 $0x1082;
	[sflag:s4] =	ssyncset.s32 $0xFFFFF086  }
0x25: {  	[simem:s6], [sflag:s4] =	dma.local [hbm:s3], $0xF7A  }
0x26: {  	[smem:$0x3F92] =	sst s1;
	(tag) =	ssettag s2;
	_ =	strace s9  }
0x27: {  	s1 =	sld [smem:$0x3FA2]  }
0x28: {  	s2 =	sld [smem:$0x3FA3]  }
0x29: {  	s4 =	sld [smem:$0x3FA5]  }
0x2a: {  	p0 =	seq.s32 s5, $0x0;
	s5 =	sld [smem:$0x3FA6]  }
0x2b: {  	s6 =	sld [smem:$0x3FA7]  }
0x2c: {  	s7 =	sld [smem:$0x3FA8]  }
0x2d: {  	s3 =	simm.s32 $0x108;
	s8 =	sld [smem:$0x3FA9]  }
0x2e: {  	s3 =	simm.s32 @!p0 $0x1082;
	s9 =	sld [smem:$0x3FAA]  }
0x2f: {  	lr =	sadd.s32 s0, s3;
	s0 =	sld [smem:$0x3FA1]  }
0x30: {  	s3 =	sld [smem:$0x3FA4]  }
0x31: {  	[smem:$0x3FAD] =	sst s10  }
0x32: {  	s10 =	sld [smem:$0x3FAB];
	_ =	sdelay $0x3  }
0x33: {  	p0 =	seq.s32 s10, $0x1;
	s10 =	sld [smem:$0x3FAD];
	_ =	sdelay $0x3  }
0x34: {  	[smem:$0x3FAD] =	sst s10  }
0x35: {  	s10 =	sld [smem:$0x3FAC];
	_ =	sdelay $0x3  }
0x36: {  	p1 =	seq.s32 s10, $0x1;
	s10 =	sld [smem:$0x3FAD];
	_ =	sdelay $0x3  }
0x37: {  	[smem:$0x3FAD] =	sst s10  }
0x38: {  	s10 =	sld [smem:$0x3FAE]  }
0x39: {  	_ = 	snop;
	(pc) =	sbr.ind lr, $3  }
0x3a: {  	_ = 	snop  }
0x3b: {  	_ = 	snop  }
0x3c: {  	p2 =	seq.s32 s10, $0x1;
	s10 =	sld [smem:$0x3FAD]  }
0x3d: {  	_ =	shalt  }
0x3e: {  	_ =	shalt  }
0x3f: {  	_ =	shalt  }
0x40: {  	_ =	shalt  }
0x41: {  	_ =	shalt  }
0x42: {  	_ =	shalt  }
0x43: {  	_ =	shalt  }
0x44: {  	_ =	shalt  }
0x45: {  	_ =	shalt  }
0x46: {  	_ =	shalt  }
0x47: {  	_ =	shalt  }
0x48: {  	_ =	shalt  }
0x49: {  	_ =	shalt  }
0x4a: {  	_ =	shalt  }
0x4b: {  	_ =	shalt  }
0x4c: {  	_ =	shalt  }
0x4d: {  	_ =	shalt  }
0x4e: {  	_ =	shalt  }
0x4f: {  	_ =	shalt  }
0x50: {  	_ =	shalt  }
0x51: {  	_ =	shalt  }
0x52: {  	_ =	shalt  }
0x53: {  	_ =	shalt  }
0x54: {  	_ =	shalt  }
0x55: {  	_ =	shalt  }
0x56: {  	_ =	shalt  }
0x57: {  	_ =	shalt  }
0x58: {  	_ =	shalt  }
0x59: {  	_ =	shalt  }
0x5a: {  	_ =	shalt  }
0x5b: {  	_ =	shalt  }
0x5c: {  	_ =	shalt  }
0x5d: {  	_ =	shalt  }
0x5e: {  	_ =	shalt  }
0x5f: {  	_ =	shalt  }
0x60: {  	_ =	shalt  }
0x61: {  	_ =	shalt  }
0x62: {  	_ =	shalt  }
0x63: {  	_ =	shalt  }
0x64: {  	_ =	shalt  }
0x65: {  	_ =	shalt  }
0x66: {  	_ =	shalt  }
0x67: {  	_ =	shalt  }
0x68: {  	_ =	shalt  }
0x69: {  	_ =	shalt  }
0x6a: {  	_ =	shalt  }
0x6b: {  	_ =	shalt  }
0x6c: {  	_ =	shalt  }
0x6d: {  	_ =	shalt  }
0x6e: {  	_ =	shalt  }
0x6f: {  	_ =	shalt  }
0x70: {  	_ =	shalt  }
0x71: {  	_ =	shalt  }
0x72: {  	_ =	shalt  }
0x73: {  	_ =	shalt  }
0x74: {  	_ =	shalt  }
0x75: {  	_ =	shalt  }
0x76: {  	_ =	shalt  }
0x77: {  	_ =	shalt  }
0x78: {  	_ =	shalt  }
0x79: {  	_ =	shalt  }
0x7a: {  	_ =	shalt  }
0x7b: {  	_ =	shalt  }
0x7c: {  	_ =	shalt  }
0x7d: {  	_ =	shalt  }
0x7e: {  	_ =	shalt  }
0x7f: {  	_ =	shalt  }
0x80: {  	_ =	shalt  }
0x81: {  	_ =	shalt  }
0x82: {  	_ =	shalt  }
0x83: {  	_ =	shalt  }
0x84: {  	_ =	shalt  }
0x85: {  	_ =	shalt  }
0x86: {  	_ =	shalt  }
0x87: {  	_ =	shalt  }
.Lfunc_end0:
.L_simem_size_0:
called_computation.1_lowered:
.L_overlay_start_0:
0x88: {  	s2 =	sld [smem:$0x3FD9]  }
0x89: {  	s3 =	sld [smem:$0x3FFE];
	_ =	sdelay $0x1  }
0x8a: {  	s1 =	srdreg.scid  }
0x8b: {  	s0 =	sand.u32 $0x1, s1  }
0x8c: {  	s16 =	sshll.u32 s0, $0xA;
	s2 =	sadd.s32 s3, s2  }
0x8d: {  	s2 =	sadd.s32 s2, s16  }
0x8e: {  	[smem:$0x3FB9] =	sst s2  }
0x8f: {  	_ = 	snop  }
0x90: {  	(tm) =	ssettm $0x1  }
0x91: {  	s17 =	sld [smem:$0x3FFB];
	_ =	sdelay $0x3  }
0x92: {  	_ =	strace s17  }
0x93: {  	s2 =	sld [smem:$0x3FFC];
	_ =	sdelay $0x3  }
0x94: {  	_ =	strace s2  }
0x95: {  	s2 =	sld [smem:$0x3FFD];
	_ =	sdelay $0x3  }
0x96: {  	_ =	strace s2  }
0x97: {  	_ =	strace $0x8FFFFFFF  }
0x98: {  	s18 =	sld [smem:$0x3FDB];
	_ =	sdelay $0x1  }
0x99: {  	s19 =	simm.s32 $_scs_section_size  }
0x9a: {  	s4 =	simm.s32 $_size__tile_overlayer_lowered;
	s5 =	simm.s32 $_tile_overlayer_lowered  }
0x9b: {  	s22 =	simm.s32 $0x1BFF;
	s21 =	sshll.u32 s5, $0x1;
	s2 =	sadd.s32 s19, s18  }
0x9c: {  	s6 =	simm.s32 $0x0;
	s20 =	sshll.u32 s4, $0x1;
	s4 =	sadd.s32 s21, s2  }
0x9d: {  	[timem:s6], [sflag:s22] =	dma.local [hbm:s4], s20  }
0x9e: {  	_ =	swait.ge [sflag:s22], s20  }
0x9f: {  	s3 =	ssub.s32 $0x0, s20;
	[sflag:s22] =	ssyncset.done $0x0  }
0xa0: {  	[sflag:s22] =	ssyncadd.s32 s3;
	_ =	sdelay $0x1  }
0xa1: {  	s23 =	simm.s32 $0x1B8B  }
0xa2: {  	_ =	swait.ge [sflag:s23], $0x1  }
0xa3: {  	[sflag:s23] =	ssyncset.done $0x0  }
0xa4: {  	s25 =	simm.s32 $0x1B8E;
	s24 =	sld [smem:$0x3FFE];
	[sflag:s23] =	ssyncadd.s32 $0xFFFFFFFF  }
0xa5: {  	s26 =	simm.s32 $execute0_lowered;
	[smem:$0x3FD2] =	sst s25  }
0xa6: {  	s4 =	sshll.u32 s26, $0x1;
	_ =	strace $0x80000049;
	[dreg:$0x1] =	wrdreg $0xFFFFFFFF  }
0xa7: {  	s28 =	simm.s32 $_size_execute0_lowered;
	s2 =	sadd.s32 s2, s4;
	[dreg:$0x0] =	wrdreg $0x0  }
0xa8: {  	s4 =	sshll.u32 s28, $0x1;
	[dreg:$0x2] =	wrdreg s2  }
0xa9: {  	[dreg:$0x3] =	wrdreg s4  }
0xaa: {  	[dreg:$0x4] =	wrdreg $0xC0  }
0xab: {  	_ =	task [dreg:s6], $0x5FFFF  }
0xac: {  	[dreg:$0x1] =	wrdreg $0xFFFFFFFF  }
0xad: {  	[dreg:$0x0] =	wrdreg $0x60  }
0xae: {  	[dreg:$0x2] =	wrdreg s24  }
0xaf: {  	[dreg:$0x3] =	wrdreg $0xBA800  }
0xb0: {  	[dreg:$0x4] =	wrdreg $0x9  }
0xb1: {  	_ =	task.clear_ibuf [dreg:s6], $0x5FFFF;
	_ =	strace $0x90000049  }
0xb2: {  	s29 =	simm.s32 $0x9;
	_ =	strace $0x8000004B  }
0xb3: {  	_ =	swait.ge [sflag:s29], $0x1  }
0xb4: {  	[sflag:s29] =	ssyncadd.s32 $0xFFFFFFFF  }
0xb5: {  	_ =	strace $0x9000004B  }
0xb6: {  	_ =	sfence  }
0xb7: {  	s30 =	sld [smem:$0x0];
	_ =	sdelay $0x2  }
0xb8: {  	s31 =	sshll.u32 s1, $0xD;
	s1 =	sshrl.u32 s1, $0x2  }
0xb9: {  	s3 =	sand.u32 $0x4000, s31;
	s1 =	sadd.s32 s1, s30  }
0xba: {  	s0 =	sor.u32 s3, s0;
	s1 =	sshll.u32 s1, $0x11  }
0xbb: {  	s0 =	sor.u32 s1, s0  }
0xbc: {  	s0 =	sadd.s32 $0x8F2B, s0  }
0xbd: {  	[sflag:s0] =	ssyncadd.remote.s32 $0x1  }
0xbe: {  	_ =	sfence.sel $0xFFFF  }
0xbf: {  	[dreg:$0x0] =	wrdreg $0xFFFFFFFF;
	(pc) =	sbr.abs _section_cstart, $3  }
0xc0: {  	[dreg:$0x1] =	wrdreg $0xFFFFFFFF  }
0xc1: {  	_ =	task.clear_ibuf [dreg:s6], $0x2FFFF;
	_ =	strace $0x9FFFFFFF  }
0xc2: {  	(tm) =	ssettm $0x7FFFFFFF  }
0xc3: {  	_ =	shalt  }
tec
execute0_lowered:
.L_overlay_start_1:
0x0: {  	(tag) =	ssettag $0x1  }
0x1: {  	s10 =	rddreg [dreg:$0x0]  }
0x2: {  	s1 =	rddreg [dreg:$0x1];
	s2 =	simm.s32 $0x0  }
0x3: {  	s3 =	srdreg.scid;
	s18 =	simm.s32 $0x2800;
	s19 =	simm.s32 $0x7880  }
0x4: {  	s20 =	simm.s32 $0x7900;
	s21 =	simm.s32 $0x7980;
	s22 =	simm.s32 $0x80  }
0x5: {  	s23 =	simm.s32 $0x1;
	s24 =	simm.s32 $0x400;
	s25 =	simm.s32 $0x5000  }
0x6: {  	[smem:$0x7FF] =	sst s2;
	s11 =	sand.u32 $0x1, s3;
	s3 =	stileid.u32  }
0x7: {  	s4 =	sadd.s32 $0x4200, s10;
	s5 =	sadd.s32 $0x2C200, s10;
	s12 =	smul.u32 $0x140000, s11  }
0x8: {  	s6 =	sadd.s32 $0x4AE00, s10;
	s8 =	sadd.s32 $0x36A00, s10;
	s9 =	smul.u32 $0x28000, s11  }
0x9: {  	_ =	strace $0x8000004A;
	s7 =	sshrl.u32 s3, $0x3;
	s14 =	smul.u32 $0xA000, s3  }
0xa: {  	s15 =	sshll.u32 s3, $0x7;
	s26 =	smul.u32 $0x28000, s3;
	s29 =	ssub.s32 $0x2, s11  }
0xb: {  	s16 =	sshll.u32 s3, $0x1;
	s13 =	smul.u32 $0x14000, s7;
	s7 =	sadd.s32 $0x2C800, s10  }
0xc: {  	s15 =	sand.u32 $0x380, s15;
	s30 =	sshrl.u32 s29, $0x1;
	s31 =	sor.u32 s11, s16  }
0xd: {  	s16 =	simm.s32 $0x7A80;
	s12 =	sadd.s32 s14, s12;
	s14 =	sshrl.u32 s26, $0x2  }
0xe: {  	s17 =	ssub.s32 s29, s30;
	s13 =	sadd.s32 s9, s13;
	s12 =	sshrl.u32 s12, $0x3  }
0xf: {  	s9 =	sadd.s32 $0x40C00, s10;
	s13 =	sor.u32 s15, s13;
	s28 =	sadd.s32 s12, s10  }
0x10: {  	s12 =	smul.u32 $0x51, s31;
	s15 =	smax.u32 s17, $0x1;
	s13 =	sshrl.u32 s13, $0x3  }
0x11: {  	s17 =	simm.s32 $0x2;
	s13 =	sadd.s32 s13, s10;
	s10 =	sadd.s32 s14, s1  }
0x12: {  	v0 =	vimm.f32 $0.0e+00;
	vm0 =	vmmov $0x1;
	s14 =	sadd.s32 $0x4B400, s28;
	s11 =	sadd.s32 $0x4000, s10;
	s13 =	sadd.s32 $0x9B400, s13  }
.LBB2_1:
0x13: {  	s26 =	simm.s32 $0x0;
	s28 =	simm.s32 $0x200  }
.LBB2_2:
0x14: {  	p0 =	sne.s32 s28, $0xFE00;
	[tilespmem:s26+$0x7AF0] =	vst v0  }
0x15: {  	[tilespmem:s26+$0x7A80] =	vst v0  }
0x16: {  	[tilespmem:s26+$0x7A90] =	vst v0  }
.Ltmp0:
0x17: {  	[tilespmem:s26+$0x7AA0] =	vst v0;
	(pc) =	sbr.rel @p0 .LBB2_2-.Ltmp0, $4  }
0x18: {  	[tilespmem:s26+$0x7AB0] =	vst v0  }
0x19: {  	[tilespmem:s26+$0x7AC0] =	vst v0  }
0x1a: {  	[tilespmem:s26+$0x7AD0] =	vst v0  }
0x1b: {  	[tilespmem:s26+$0x7AE0] =	vst v0;
	s26 =	sshra.s32 s28, $0x2;
	s28 =	sadd.s32 $0x200, s28  }
0x1c: {  	[tilespmem:s26+$0x7AF0] =	vst v0  }
0x1d: {  	[tilespmem:s26+$0x7A80] =	vst v0  }
0x1e: {  	[tilespmem:s26+$0x7A90] =	vst v0  }
0x1f: {  	[tilespmem:s26+$0x7AA0] =	vst v0  }
0x20: {  	[tilespmem:s26+$0x7AB0] =	vst v0  }
0x21: {  	[tilespmem:s26+$0x7AC0] =	vst v0  }
0x22: {  	[tilespmem:s26+$0x7AD0] =	vst v0  }
0x23: {  	[tilespmem:s26+$0x7AE0] =	vst v0  }
0x24: {  	[spmem:s10] =	stream.linear.scatter [tilespmem:s16], [sflag:$0x2], $0x4000, $0x38;
	[tilespmem:$0x1FA80] =	vst v63  }
0x25: {  	_ =	swait.ge [sflag:s17], $0x4000  }
0x26: {  	[sflag:s17] =	ssyncset.done $0x0  }
0x27: {  	[sflag:s17] =	ssyncadd.s32 $0xFFFFC000  }
0x28: {  	[spmem:s11] =	stream.linear.scatter [tilespmem:s16], [sflag:$0x2], $0x4000, $0x38;
	[tilespmem:$0x1FA80] =	vst v63  }
0x29: {  	_ =	swait.ge [sflag:s17], $0x4000  }
0x2a: {  	[sflag:s17] =	ssyncset.done $0x0  }
0x2b: {  	s26 =	simm.s32 $0x40;
	s28 =	simm.s32 $0x0;
	[sflag:s17] =	ssyncadd.s32 $0xFFFFC000  }
.LBB2_4:
0x2c: {  	p0 =	sne.s32 s26, $0xA000;
	[tilespmem:s28+$0x5000] =	vst v0;
	s28 =	smov.u32 s26;
	s26 =	sadd.s32 $0x40, s26  }
.Ltmp1:
0x2d: {  	(pc) =	sbr.rel @p0 .LBB2_4-.Ltmp1, $2  }
0x2e: {  	_ =	sdelay $0x2  }
0x2f: {  	s28 =	sshra.s32 s28, $0x2  }
0x30: {  	[tilespmem:s28+$0x5000] =	vst v0;
	s26 =	simm.s32 $0x0  }
0x31: {  	[tilespmem:s26], [sflag:$0x2] =	stream.linear.gather [hbm4b:s5+s26], $0x2800, $0x38;
	[tilespmem:$0x1FA80] =	vst v63  }
0x32: {  	_ =	swait.ge [sflag:s17], $0x2800  }
0x33: {  	[sflag:s17] =	ssyncset.done $0x0  }
0x34: {  	[sflag:s17] =	ssyncadd.s32 $0xFFFFD800  }
0x35: {  	[tilespmem:s18], [sflag:$0x2] =	stream.linear.gather [hbm4b:s6+s26], $0x2800, $0x38;
	[tilespmem:$0x1FA80] =	vst v63  }
0x36: {  	_ =	swait.ge [sflag:s17], $0x2800  }
0x37: {  	[sflag:s17] =	ssyncset.done $0x0  }
0x38: {  	[sflag:s17] =	ssyncadd.s32 $0xFFFFD800  }
0x39: {  	s28 =	simm.s32 $0x0;
	[bflag:$0x0] =	sbarrier.arrive $0xFFFF  }
.LBB2_6:
0x3a: {  	s29 =	sadd.s32 s12, s28  }
0x3b: {  	s29 =	sshll.u32 s29, $0x4  }
0x3c: {  	s30 =	sadd.s32 s7, s29  }
0x3d: {  	[tilespmem:s19], [sflag:$0x2] =	stream.linear.gather [hbm4b:s30+s26], $0x80, $0x38;
	[tilespmem:$0x1FA80] =	vst v63  }
0x3e: {  	_ =	swait.ge [sflag:s17], $0x80  }
0x3f: {  	[sflag:s17] =	ssyncset.done $0x0  }
0x40: {  	s31 =	sadd.s32 s8, s29;
	[sflag:s17] =	ssyncadd.s32 $0xFFFFFF80  }
0x41: {  	[tilespmem:s20], [sflag:$0x2] =	stream.linear.gather [hbm4b:s31+s26], $0x80, $0x38;
	[tilespmem:$0x1FA80] =	vst v63  }
0x42: {  	_ =	swait.ge [sflag:s17], $0x80  }
0x43: {  	[sflag:s17] =	ssyncset.done $0x0  }
0x44: {  	s29 =	sadd.s32 s9, s29;
	[sflag:s17] =	ssyncadd.s32 $0xFFFFFF80  }
0x45: {  	[tilespmem:s21], [sflag:$0x2] =	stream.linear.gather [hbm4b:s29+s26], $0x80, $0x38;
	[tilespmem:$0x1FA80] =	vst v63  }
0x46: {  	_ =	swait.ge [sflag:s17], $0x80  }
0x47: {  	[sflag:s17] =	ssyncset.done $0x0  }
0x48: {  	[sflag:s17] =	ssyncadd.s32 $0xFFFFFF80  }
0x49: {  	[tilespmem:s16], [sflag:$0x1] =	stream.indirect.gather [hbm4b:s4+s22], $0x80, s19, s22, $0xb8;
	[tilespmem:$0x1FA80] =	vst v63  }
0x4a: {  	v1 =	vld [tilespmem:$0x7880]  }
0x4b: {  	v2 =	vld [tilespmem:$0x7900];
	_ =	sdelay $0x6  }
0x4c: {  	v1 =	vld.idx.msk [tilespmem:v1+s26+$0x0], $0xffff  }
0x4d: {  	v2 =	vld.idx.msk [tilespmem:v2+s18+$0x0], $0xffff;
	_ =	sdelay $0x4  }
0x4e: {  	v1 =	vadd.f32 v2, v1;
	v2 =	vld [tilespmem:$0x7980];
	_ =	sdelay $0x1  }
0x4f: {  	v3 =	vmul.f32 $2.000000030e-01, v1  }
0x50: {  	vm1 =	vge.f32 v1, $0.0e+00  }
0x51: {  	v1 =	vsel vm1, v1, v3  }
0x52: {  	v1 =	vmul.f32 v1, v2;
	_ =	sdelay $0x1  }
0x53: {  	v1 =	vmul.f32 $1.442695020e+00, v1;
	_ =	sdelay $0x1  }
0x54: {  	(erf) = vpow2.f32 v1;
	_ =	sdelay $0x2  }
0x55: {  	v1 =	vld [tilespmem:$0x7890]  }
0x56: {  	v2 =	vld [tilespmem:$0x7910];
	_ =	sdelay $0x4  }
0x57: {  	v3 =	vpop (erf)  }
0x58: {  	[tilespmem:$0x7A00] =	vst v3  }
0x59: {  	v1 =	vld.idx.msk [tilespmem:v1+s26+$0x0], $0xffff  }
0x5a: {  	v2 =	vld.idx.msk [tilespmem:v2+s18+$0x0], $0xffff;
	_ =	sdelay $0x4  }
0x5b: {  	v1 =	vadd.f32 v2, v1;
	v2 =	vld [tilespmem:$0x7990];
	_ =	sdelay $0x1  }
0x5c: {  	v3 =	vmul.f32 $2.000000030e-01, v1  }
0x5d: {  	vm1 =	vge.f32 v1, $0.0e+00  }
0x5e: {  	v1 =	vsel vm1, v1, v3  }
0x5f: {  	v1 =	vmul.f32 v1, v2;
	_ =	sdelay $0x1  }
0x60: {  	v1 =	vmul.f32 $1.442695020e+00, v1;
	_ =	sdelay $0x1  }
0x61: {  	(erf) = vpow2.f32 v1;
	_ =	sdelay $0x2  }
0x62: {  	v1 =	vld [tilespmem:$0x78A0]  }
0x63: {  	v2 =	vld [tilespmem:$0x7920];
	_ =	sdelay $0x4  }
0x64: {  	v3 =	vpop (erf)  }
0x65: {  	[tilespmem:$0x7A10] =	vst v3  }
0x66: {  	v1 =	vld.idx.msk [tilespmem:v1+s26+$0x0], $0xffff  }
0x67: {  	v2 =	vld.idx.msk [tilespmem:v2+s18+$0x0], $0xffff;
	_ =	sdelay $0x4  }
0x68: {  	v1 =	vadd.f32 v2, v1;
	v2 =	vld [tilespmem:$0x79A0];
	_ =	sdelay $0x1  }
0x69: {  	v3 =	vmul.f32 $2.000000030e-01, v1  }
0x6a: {  	vm1 =	vge.f32 v1, $0.0e+00  }
0x6b: {  	v1 =	vsel vm1, v1, v3  }
0x6c: {  	v1 =	vmul.f32 v1, v2;
	_ =	sdelay $0x1  }
0x6d: {  	v1 =	vmul.f32 $1.442695020e+00, v1;
	_ =	sdelay $0x1  }
0x6e: {  	(erf) = vpow2.f32 v1;
	_ =	sdelay $0x2  }
0x6f: {  	v1 =	vld [tilespmem:$0x78B0]  }
0x70: {  	v2 =	vld [tilespmem:$0x7930];
	_ =	sdelay $0x4  }
0x71: {  	v3 =	vpop (erf)  }
0x72: {  	[tilespmem:$0x7A20] =	vst v3  }
0x73: {  	v1 =	vld.idx.msk [tilespmem:v1+s26+$0x0], $0xffff  }
0x74: {  	v2 =	vld.idx.msk [tilespmem:v2+s18+$0x0], $0xffff;
	_ =	sdelay $0x4  }
0x75: {  	v1 =	vadd.f32 v2, v1;
	v2 =	vld [tilespmem:$0x79B0];
	_ =	sdelay $0x1  }
0x76: {  	v3 =	vmul.f32 $2.000000030e-01, v1  }
0x77: {  	vm1 =	vge.f32 v1, $0.0e+00  }
0x78: {  	v1 =	vsel vm1, v1, v3  }
0x79: {  	v1 =	vmul.f32 v1, v2;
	_ =	sdelay $0x1  }
0x7a: {  	v1 =	vmul.f32 $1.442695020e+00, v1;
	_ =	sdelay $0x1  }
0x7b: {  	(erf) = vpow2.f32 v1;
	_ =	sdelay $0x2  }
0x7c: {  	v1 =	vld [tilespmem:$0x78C0]  }
0x7d: {  	v2 =	vld [tilespmem:$0x7940];
	_ =	sdelay $0x4  }
0x7e: {  	v3 =	vpop (erf)  }
0x7f: {  	[tilespmem:$0x7A30] =	vst v3  }
0x80: {  	v1 =	vld.idx.msk [tilespmem:v1+s26+$0x0], $0xffff  }
0x81: {  	v2 =	vld.idx.msk [tilespmem:v2+s18+$0x0], $0xffff;
	_ =	sdelay $0x4  }
0x82: {  	v1 =	vadd.f32 v2, v1;
	v2 =	vld [tilespmem:$0x79C0];
	_ =	sdelay $0x1  }
0x83: {  	v3 =	vmul.f32 $2.000000030e-01, v1  }
0x84: {  	vm1 =	vge.f32 v1, $0.0e+00  }
0x85: {  	v1 =	vsel vm1, v1, v3  }
0x86: {  	v1 =	vmul.f32 v1, v2;
	_ =	sdelay $0x1  }
0x87: {  	v1 =	vmul.f32 $1.442695020e+00, v1;
	_ =	sdelay $0x1  }
0x88: {  	(erf) = vpow2.f32 v1;
	_ =	sdelay $0x2  }
0x89: {  	v1 =	vld [tilespmem:$0x78D0]  }
0x8a: {  	v2 =	vld [tilespmem:$0x7950];
	_ =	sdelay $0x4  }
0x8b: {  	v3 =	vpop (erf)  }
0x8c: {  	[tilespmem:$0x7A40] =	vst v3  }
0x8d: {  	v1 =	vld.idx.msk [tilespmem:v1+s26+$0x0], $0xffff  }
0x8e: {  	v2 =	vld.idx.msk [tilespmem:v2+s18+$0x0], $0xffff;
	_ =	sdelay $0x4  }
0x8f: {  	v1 =	vadd.f32 v2, v1;
	v2 =	vld [tilespmem:$0x79D0];
	_ =	sdelay $0x1  }
0x90: {  	v3 =	vmul.f32 $2.000000030e-01, v1  }
0x91: {  	vm1 =	vge.f32 v1, $0.0e+00  }
0x92: {  	v1 =	vsel vm1, v1, v3  }
0x93: {  	v1 =	vmul.f32 v1, v2;
	_ =	sdelay $0x1  }
0x94: {  	v1 =	vmul.f32 $1.442695020e+00, v1;
	_ =	sdelay $0x1  }
0x95: {  	(erf) = vpow2.f32 v1;
	_ =	sdelay $0x2  }
0x96: {  	v1 =	vld [tilespmem:$0x78E0]  }
0x97: {  	v2 =	vld [tilespmem:$0x7960];
	_ =	sdelay $0x4  }
0x98: {  	v3 =	vpop (erf)  }
0x99: {  	[tilespmem:$0x7A50] =	vst v3  }
0x9a: {  	v1 =	vld.idx.msk [tilespmem:v1+s26+$0x0], $0xffff  }
0x9b: {  	v2 =	vld.idx.msk [tilespmem:v2+s18+$0x0], $0xffff;
	_ =	sdelay $0x4  }
0x9c: {  	v1 =	vadd.f32 v2, v1;
	v2 =	vld [tilespmem:$0x79E0];
	_ =	sdelay $0x1  }
0x9d: {  	v3 =	vmul.f32 $2.000000030e-01, v1  }
0x9e: {  	vm1 =	vge.f32 v1, $0.0e+00  }
0x9f: {  	v1 =	vsel vm1, v1, v3  }
0xa0: {  	v1 =	vmul.f32 v1, v2;
	_ =	sdelay $0x1  }
0xa1: {  	v1 =	vmul.f32 $1.442695020e+00, v1;
	_ =	sdelay $0x1  }
0xa2: {  	(erf) = vpow2.f32 v1;
	_ =	sdelay $0x2  }
0xa3: {  	v1 =	vld [tilespmem:$0x78F0]  }
0xa4: {  	v2 =	vld [tilespmem:$0x7970];
	_ =	sdelay $0x4  }
0xa5: {  	v3 =	vpop (erf)  }
0xa6: {  	[tilespmem:$0x7A60] =	vst v3  }
0xa7: {  	v1 =	vld.idx.msk [tilespmem:v1+s26+$0x0], $0xffff  }
0xa8: {  	v2 =	vld.idx.msk [tilespmem:v2+s18+$0x0], $0xffff;
	_ =	sdelay $0x4  }
0xa9: {  	v1 =	vadd.f32 v2, v1;
	v2 =	vld [tilespmem:$0x79F0];
	_ =	sdelay $0x1  }
0xaa: {  	v3 =	vmul.f32 $2.000000030e-01, v1  }
0xab: {  	vm1 =	vge.f32 v1, $0.0e+00  }
0xac: {  	v1 =	vsel vm1, v1, v3  }
0xad: {  	v1 =	vmul.f32 v1, v2;
	_ =	sdelay $0x1  }
0xae: {  	v1 =	vmul.f32 $1.442695020e+00, v1;
	_ =	sdelay $0x1  }
0xaf: {  	(erf) = vpow2.f32 v1;
	_ =	sdelay $0x8  }
0xb0: {  	v1 =	vpop (erf)  }
0xb1: {  	[tilespmem:$0x7A70] =	vst v1  }
0xb2: {  	_ =	swait.ge [sflag:s23], $0x4000  }
0xb3: {  	[sflag:s23] =	ssyncset.done $0x0  }
0xb4: {  	s29 =	simm.s32 $0x0;
	[sflag:s23] =	ssyncadd.s32 $0xFFFFC000  }
.LBB2_7:
0xb5: {  	s30 =	sshll.u32 s29, $0x4  }
0xb6: {  	v1 =	vld [tilespmem:s30+$0x7900];
	_ =	sdelay $0x4  }
0xb7: {  	v2 =	vadd.s32 $0x5000, v1  }
0xb8: {  	(v2sf) =	vpush v2, $0x1  }
0xb9: {  	(v2sf) =	vpush v2, $0x0;
	_ =	sdelay $0x9  }
0xba: {  	v1 =	vld [tilespmem:s30+$0x7A00];
	_ =	sdelay $0x3  }
0xbb: {  	s31 =	spop (v2sf)  }
0xbc: {  	s0 =	sshll.u32 s29, $0xB;
	v3 =	vnsel vm0, $0x0, v1;
	s30 =	spop (v2sf)  }
0xbd: {  	[tilespmem:s30+$0x0] =	vst.add.f32.msk $0xffff, v3;
	s30 =	sand.u32 $0x3FFFF800, s0  }
0xbe: {  	v3 =	vld [tilespmem:s30+$0x7A80]  }
0xbf: {  	v4 =	vld [tilespmem:s30+$0x7A90]  }
0xc0: {  	v7 =	vld [tilespmem:s30+$0x7AB0]  }
0xc1: {  	v6 =	vbroadcast v1, $0x0;
	v5 =	vld [tilespmem:s30+$0x7AA0]  }
0xc2: {  	v9 =	vld [tilespmem:s30+$0x7AD0]  }
0xc3: {  	v8 =	vld [tilespmem:s30+$0x7AC0];
	v3 =	vmul.f32 v3, v6  }
0xc4: {  	v12 =	vld [tilespmem:s30+$0x7AF0];
	v4 =	vmul.f32 v4, v6  }
0xc5: {  	v10 =	vld [tilespmem:s30+$0x7AE0];
	v13 =	vmul.f32 v7, v6;
	[tilespmem:s30+$0x7A80] =	vst v3  }
0xc6: {  	v3 =	vmul.f32 v5, v6;
	[tilespmem:s30+$0x7A90] =	vst v4  }
0xc7: {  	v14 =	vmul.f32 v9, v6;
	[tilespmem:s30+$0x7AB0] =	vst v13  }
0xc8: {  	[tilespmem:s30+$0x7AA0] =	vst v3;
	v3 =	vmul.f32 v8, v6  }
0xc9: {  	v15 =	vmul.f32 v12, v6;
	[tilespmem:s30+$0x7AD0] =	vst v14  }
0xca: {  	v16 =	vbroadcast v1, $0x1;
	[tilespmem:s30+$0x7AC0] =	vst v3;
	v3 =	vmul.f32 v10, v6  }
0xcb: {  	[tilespmem:s30+$0x7AF0] =	vst v15  }
0xcc: {  	(v2sf) =	vpush v2, $0x3;
	[tilespmem:s30+$0x7AE0] =	vst v3;
	v3 =	vnsel vm0, $0x0, v16  }
0xcd: {  	(v2sf) =	vpush v2, $0x2;
	[tilespmem:s31+$0x0] =	vst.add.f32.msk $0xffff, v3  }
0xce: {  	v3 =	vld [tilespmem:s30+$0x7B00]  }
0xcf: {  	v17 =	vld [tilespmem:s30+$0x7B10]  }
0xd0: {  	v19 =	vld [tilespmem:s30+$0x7B30]  }
0xd1: {  	v18 =	vld [tilespmem:s30+$0x7B20]  }
0xd2: {  	v21 =	vld [tilespmem:s30+$0x7B50]  }
0xd3: {  	v20 =	vld [tilespmem:s30+$0x7B40];
	v3 =	vmul.f32 v3, v16  }
0xd4: {  	v23 =	vld [tilespmem:s30+$0x7B70];
	v4 =	vmul.f32 v17, v16  }
0xd5: {  	v22 =	vld [tilespmem:s30+$0x7B60];
	v24 =	vmul.f32 v19, v16;
	[tilespmem:s30+$0x7B00] =	vst v3  }
0xd6: {  	v3 =	vmul.f32 v18, v16;
	[tilespmem:s30+$0x7B10] =	vst v4  }
0xd7: {  	v25 =	vmul.f32 v21, v16;
	[tilespmem:s30+$0x7B30] =	vst v24  }
0xd8: {  	[tilespmem:s30+$0x7B20] =	vst v3;
	v3 =	vmul.f32 v20, v16  }
0xd9: {  	v26 =	vmul.f32 v23, v16;
	[tilespmem:s30+$0x7B50] =	vst v25  }
0xda: {  	v27 =	vbroadcast v1, $0x2;
	[tilespmem:s30+$0x7B40] =	vst v3;
	v3 =	vmul.f32 v22, v16  }
0xdb: {  	s0 =	spop (v2sf);
	[tilespmem:s30+$0x7B70] =	vst v26  }
0xdc: {  	s31 =	spop (v2sf);
	[tilespmem:s30+$0x7B60] =	vst v3;
	v3 =	vnsel vm0, $0x0, v27  }
0xdd: {  	[tilespmem:s31+$0x0] =	vst.add.f32.msk $0xffff, v3  }
0xde: {  	v3 =	vld [tilespmem:s30+$0x7B80]  }
0xdf: {  	v28 =	vld [tilespmem:s30+$0x7B90]  }
0xe0: {  	v30 =	vld [tilespmem:s30+$0x7BB0]  }
0xe1: {  	v29 =	vld [tilespmem:s30+$0x7BA0]  }
0xe2: {  	v32 =	vld [tilespmem:s30+$0x7BD0]  }
0xe3: {  	v31 =	vld [tilespmem:s30+$0x7BC0];
	v3 =	vmul.f32 v3, v27  }
0xe4: {  	v34 =	vld [tilespmem:s30+$0x7BF0];
	v4 =	vmul.f32 v28, v27  }
0xe5: {  	v33 =	vld [tilespmem:s30+$0x7BE0];
	v35 =	vmul.f32 v30, v27;
	[tilespmem:s30+$0x7B80] =	vst v3  }
0xe6: {  	v3 =	vmul.f32 v29, v27;
	[tilespmem:s30+$0x7B90] =	vst v4  }
0xe7: {  	v36 =	vmul.f32 v32, v27;
	[tilespmem:s30+$0x7BB0] =	vst v35  }
0xe8: {  	[tilespmem:s30+$0x7BA0] =	vst v3;
	v3 =	vmul.f32 v31, v27  }
0xe9: {  	v37 =	vmul.f32 v34, v27;
	[tilespmem:s30+$0x7BD0] =	vst v36  }
0xea: {  	v38 =	vbroadcast v1, $0x3;
	[tilespmem:s30+$0x7BC0] =	vst v3;
	v3 =	vmul.f32 v33, v27  }
0xeb: {  	[tilespmem:s30+$0x7BF0] =	vst v37  }
0xec: {  	(v2sf) =	vpush v2, $0x5;
	[tilespmem:s30+$0x7BE0] =	vst v3;
	v3 =	vnsel vm0, $0x0, v38  }
0xed: {  	(v2sf) =	vpush v2, $0x4;
	[tilespmem:s0+$0x0] =	vst.add.f32.msk $0xffff, v3  }
0xee: {  	v3 =	vld [tilespmem:s30+$0x7C00]  }
0xef: {  	v39 =	vld [tilespmem:s30+$0x7C10]  }
0xf0: {  	v41 =	vld [tilespmem:s30+$0x7C30]  }
0xf1: {  	v40 =	vld [tilespmem:s30+$0x7C20]  }
0xf2: {  	v43 =	vld [tilespmem:s30+$0x7C50]  }
0xf3: {  	v42 =	vld [tilespmem:s30+$0x7C40];
	v3 =	vmul.f32 v3, v38  }
0xf4: {  	v45 =	vld [tilespmem:s30+$0x7C70];
	v4 =	vmul.f32 v39, v38  }
0xf5: {  	v44 =	vld [tilespmem:s30+$0x7C60];
	v46 =	vmul.f32 v41, v38;
	[tilespmem:s30+$0x7C00] =	vst v3  }
0xf6: {  	v3 =	vmul.f32 v40, v38;
	[tilespmem:s30+$0x7C10] =	vst v4  }
0xf7: {  	v47 =	vmul.f32 v43, v38;
	[tilespmem:s30+$0x7C30] =	vst v46  }
0xf8: {  	[tilespmem:s30+$0x7C20] =	vst v3;
	v3 =	vmul.f32 v42, v38  }
0xf9: {  	v48 =	vmul.f32 v45, v38;
	[tilespmem:s30+$0x7C50] =	vst v47  }
0xfa: {  	v49 =	vbroadcast v1, $0x4;
	[tilespmem:s30+$0x7C40] =	vst v3;
	v3 =	vmul.f32 v44, v38  }
0xfb: {  	s0 =	spop (v2sf);
	[tilespmem:s30+$0x7C70] =	vst v48  }
0xfc: {  	s31 =	spop (v2sf);
	[tilespmem:s30+$0x7C60] =	vst v3;
	v3 =	vnsel vm0, $0x0, v49  }
0xfd: {  	[tilespmem:s31+$0x0] =	vst.add.f32.msk $0xffff, v3  }
0xfe: {  	v3 =	vld [tilespmem:s30+$0x7C80]  }
0xff: {  	v50 =	vld [tilespmem:s30+$0x7C90]  }
0x100: {  	v52 =	vld [tilespmem:s30+$0x7CB0]  }
0x101: {  	v51 =	vld [tilespmem:s30+$0x7CA0]  }
0x102: {  	v54 =	vld [tilespmem:s30+$0x7CD0]  }
0x103: {  	v53 =	vld [tilespmem:s30+$0x7CC0];
	v3 =	vmul.f32 v3, v49  }
0x104: {  	v56 =	vld [tilespmem:s30+$0x7CF0];
	v4 =	vmul.f32 v50, v49  }
0x105: {  	v55 =	vld [tilespmem:s30+$0x7CE0];
	v57 =	vmul.f32 v52, v49;
	[tilespmem:s30+$0x7C80] =	vst v3  }
0x106: {  	v3 =	vmul.f32 v51, v49;
	[tilespmem:s30+$0x7C90] =	vst v4  }
0x107: {  	v58 =	vmul.f32 v54, v49;
	[tilespmem:s30+$0x7CB0] =	vst v57  }
0x108: {  	[tilespmem:s30+$0x7CA0] =	vst v3;
	v3 =	vmul.f32 v53, v49  }
0x109: {  	v59 =	vmul.f32 v56, v49;
	[tilespmem:s30+$0x7CD0] =	vst v58  }
0x10a: {  	v60 =	vbroadcast v1, $0x5;
	[tilespmem:s30+$0x7CC0] =	vst v3;
	v3 =	vmul.f32 v55, v49  }
0x10b: {  	[tilespmem:s30+$0x7CF0] =	vst v59  }
0x10c: {  	(v2sf) =	vpush v2, $0x7;
	[tilespmem:s30+$0x7CE0] =	vst v3;
	v3 =	vnsel vm0, $0x0, v60  }
0x10d: {  	(v2sf) =	vpush v2, $0x6;
	[tilespmem:s0+$0x0] =	vst.add.f32.msk $0xffff, v3  }
0x10e: {  	v3 =	vld [tilespmem:s30+$0x7D00]  }
0x10f: {  	v61 =	vld [tilespmem:s30+$0x7D10]  }
0x110: {  	v63 =	vld [tilespmem:s30+$0x7D30]  }
0x111: {  	v62 =	vld [tilespmem:s30+$0x7D20]  }
0x112: {  	v13 =	vld [tilespmem:s30+$0x7D50]  }
0x113: {  	v12 =	vld [tilespmem:s30+$0x7D40];
	v3 =	vmul.f32 v3, v60  }
0x114: {  	v15 =	vld [tilespmem:s30+$0x7D70];
	v4 =	vmul.f32 v61, v60  }
0x115: {  	v14 =	vld [tilespmem:s30+$0x7D60];
	v16 =	vmul.f32 v63, v60;
	[tilespmem:s30+$0x7D00] =	vst v3  }
0x116: {  	v3 =	vmul.f32 v62, v60;
	[tilespmem:s30+$0x7D10] =	vst v4  }
0x117: {  	v17 =	vmul.f32 v13, v60;
	[tilespmem:s30+$0x7D30] =	vst v16  }
0x118: {  	[tilespmem:s30+$0x7D20] =	vst v3;
	v3 =	vmul.f32 v12, v60  }
0x119: {  	v18 =	vmul.f32 v15, v60;
	[tilespmem:s30+$0x7D50] =	vst v17  }
0x11a: {  	v19 =	vbroadcast v1, $0x6;
	[tilespmem:s30+$0x7D40] =	vst v3;
	v3 =	vmul.f32 v14, v60  }
0x11b: {  	s0 =	spop (v2sf);
	[tilespmem:s30+$0x7D70] =	vst v18  }
0x11c: {  	s31 =	spop (v2sf);
	[tilespmem:s30+$0x7D60] =	vst v3;
	v3 =	vnsel vm0, $0x0, v19  }
0x11d: {  	[tilespmem:s31+$0x0] =	vst.add.f32.msk $0xffff, v3  }
0x11e: {  	v3 =	vld [tilespmem:s30+$0x7D80]  }
0x11f: {  	v20 =	vld [tilespmem:s30+$0x7D90]  }
0x120: {  	v22 =	vld [tilespmem:s30+$0x7DB0]  }
0x121: {  	v21 =	vld [tilespmem:s30+$0x7DA0]  }
0x122: {  	v24 =	vld [tilespmem:s30+$0x7DD0]  }
0x123: {  	v23 =	vld [tilespmem:s30+$0x7DC0];
	v3 =	vmul.f32 v3, v19  }
0x124: {  	v26 =	vld [tilespmem:s30+$0x7DF0];
	v4 =	vmul.f32 v20, v19  }
0x125: {  	v25 =	vld [tilespmem:s30+$0x7DE0];
	v27 =	vmul.f32 v22, v19;
	[tilespmem:s30+$0x7D80] =	vst v3  }
0x126: {  	v3 =	vmul.f32 v21, v19;
	[tilespmem:s30+$0x7D90] =	vst v4  }
0x127: {  	v28 =	vmul.f32 v24, v19;
	[tilespmem:s30+$0x7DB0] =	vst v27  }
0x128: {  	[tilespmem:s30+$0x7DA0] =	vst v3;
	v3 =	vmul.f32 v23, v19  }
0x129: {  	v29 =	vmul.f32 v26, v19;
	[tilespmem:s30+$0x7DD0] =	vst v28  }
0x12a: {  	v30 =	vbroadcast v1, $0x7;
	[tilespmem:s30+$0x7DC0] =	vst v3;
	v3 =	vmul.f32 v25, v19  }
0x12b: {  	[tilespmem:s30+$0x7DF0] =	vst v29  }
0x12c: {  	(v2sf) =	vpush v2, $0x9;
	[tilespmem:s30+$0x7DE0] =	vst v3;
	v3 =	vnsel vm0, $0x0, v30  }
0x12d: {  	(v2sf) =	vpush v2, $0x8;
	[tilespmem:s0+$0x0] =	vst.add.f32.msk $0xffff, v3  }
0x12e: {  	v3 =	vld [tilespmem:s30+$0x7E00]  }
0x12f: {  	v31 =	vld [tilespmem:s30+$0x7E10]  }
0x130: {  	v33 =	vld [tilespmem:s30+$0x7E30]  }
0x131: {  	v32 =	vld [tilespmem:s30+$0x7E20]  }
0x132: {  	v35 =	vld [tilespmem:s30+$0x7E50]  }
0x133: {  	v34 =	vld [tilespmem:s30+$0x7E40];
	v3 =	vmul.f32 v3, v30  }
0x134: {  	v37 =	vld [tilespmem:s30+$0x7E70];
	v4 =	vmul.f32 v31, v30  }
0x135: {  	v36 =	vld [tilespmem:s30+$0x7E60];
	v38 =	vmul.f32 v33, v30;
	[tilespmem:s30+$0x7E00] =	vst v3  }
0x136: {  	v3 =	vmul.f32 v32, v30;
	[tilespmem:s30+$0x7E10] =	vst v4  }
0x137: {  	v39 =	vmul.f32 v35, v30;
	[tilespmem:s30+$0x7E30] =	vst v38  }
0x138: {  	[tilespmem:s30+$0x7E20] =	vst v3;
	v3 =	vmul.f32 v34, v30  }
0x139: {  	v40 =	vmul.f32 v37, v30;
	[tilespmem:s30+$0x7E50] =	vst v39  }
0x13a: {  	v41 =	vbroadcast v1, $0x8;
	[tilespmem:s30+$0x7E40] =	vst v3;
	v3 =	vmul.f32 v36, v30  }
0x13b: {  	s0 =	spop (v2sf);
	[tilespmem:s30+$0x7E70] =	vst v40  }
0x13c: {  	s31 =	spop (v2sf);
	[tilespmem:s30+$0x7E60] =	vst v3;
	v3 =	vnsel vm0, $0x0, v41  }
0x13d: {  	[tilespmem:s31+$0x0] =	vst.add.f32.msk $0xffff, v3  }
0x13e: {  	v3 =	vld [tilespmem:s30+$0x7E80]  }
0x13f: {  	v42 =	vld [tilespmem:s30+$0x7E90]  }
0x140: {  	v44 =	vld [tilespmem:s30+$0x7EB0]  }
0x141: {  	v43 =	vld [tilespmem:s30+$0x7EA0]  }
0x142: {  	v46 =	vld [tilespmem:s30+$0x7ED0]  }
0x143: {  	v45 =	vld [tilespmem:s30+$0x7EC0];
	v3 =	vmul.f32 v3, v41  }
0x144: {  	v48 =	vld [tilespmem:s30+$0x7EF0];
	v4 =	vmul.f32 v42, v41  }
0x145: {  	v47 =	vld [tilespmem:s30+$0x7EE0];
	v49 =	vmul.f32 v44, v41;
	[tilespmem:s30+$0x7E80] =	vst v3  }
0x146: {  	v3 =	vmul.f32 v43, v41;
	[tilespmem:s30+$0x7E90] =	vst v4  }
0x147: {  	v50 =	vmul.f32 v46, v41;
	[tilespmem:s30+$0x7EB0] =	vst v49  }
0x148: {  	[tilespmem:s30+$0x7EA0] =	vst v3;
	v3 =	vmul.f32 v45, v41  }
0x149: {  	v51 =	vmul.f32 v48, v41;
	[tilespmem:s30+$0x7ED0] =	vst v50  }
0x14a: {  	v52 =	vbroadcast v1, $0x9;
	[tilespmem:s30+$0x7EC0] =	vst v3;
	v3 =	vmul.f32 v47, v41  }
0x14b: {  	[tilespmem:s30+$0x7EF0] =	vst v51  }
0x14c: {  	(v2sf) =	vpush v2, $0xB;
	[tilespmem:s30+$0x7EE0] =	vst v3;
	v3 =	vnsel vm0, $0x0, v52  }
0x14d: {  	(v2sf) =	vpush v2, $0xA;
	[tilespmem:s0+$0x0] =	vst.add.f32.msk $0xffff, v3  }
0x14e: {  	v3 =	vld [tilespmem:s30+$0x7F00]  }
0x14f: {  	v53 =	vld [tilespmem:s30+$0x7F10]  }
0x150: {  	v55 =	vld [tilespmem:s30+$0x7F30]  }
0x151: {  	v54 =	vld [tilespmem:s30+$0x7F20]  }
0x152: {  	v57 =	vld [tilespmem:s30+$0x7F50]  }
0x153: {  	v56 =	vld [tilespmem:s30+$0x7F40];
	v3 =	vmul.f32 v3, v52  }
0x154: {  	v59 =	vld [tilespmem:s30+$0x7F70];
	v4 =	vmul.f32 v53, v52  }
0x155: {  	v58 =	vld [tilespmem:s30+$0x7F60];
	v60 =	vmul.f32 v55, v52;
	[tilespmem:s30+$0x7F00] =	vst v3  }
0x156: {  	v3 =	vmul.f32 v54, v52;
	[tilespmem:s30+$0x7F10] =	vst v4  }
0x157: {  	v61 =	vmul.f32 v57, v52;
	[tilespmem:s30+$0x7F30] =	vst v60  }
0x158: {  	[tilespmem:s30+$0x7F20] =	vst v3;
	v3 =	vmul.f32 v56, v52  }
0x159: {  	v62 =	vmul.f32 v59, v52;
	[tilespmem:s30+$0x7F50] =	vst v61  }
0x15a: {  	v63 =	vbroadcast v1, $0xA;
	[tilespmem:s30+$0x7F40] =	vst v3;
	v3 =	vmul.f32 v58, v52  }
0x15b: {  	s0 =	spop (v2sf);
	[tilespmem:s30+$0x7F70] =	vst v62  }
0x15c: {  	s31 =	spop (v2sf);
	[tilespmem:s30+$0x7F60] =	vst v3;
	v3 =	vnsel vm0, $0x0, v63  }
0x15d: {  	[tilespmem:s31+$0x0] =	vst.add.f32.msk $0xffff, v3  }
0x15e: {  	v3 =	vld [tilespmem:s30+$0x7F80]  }
0x15f: {  	v12 =	vld [tilespmem:s30+$0x7F90]  }
0x160: {  	v14 =	vld [tilespmem:s30+$0x7FB0]  }
0x161: {  	v13 =	vld [tilespmem:s30+$0x7FA0]  }
0x162: {  	v16 =	vld [tilespmem:s30+$0x7FD0]  }
0x163: {  	v15 =	vld [tilespmem:s30+$0x7FC0];
	v3 =	vmul.f32 v3, v63  }
0x164: {  	v18 =	vld [tilespmem:s30+$0x7FF0];
	v4 =	vmul.f32 v12, v63  }
0x165: {  	v17 =	vld [tilespmem:s30+$0x7FE0];
	v19 =	vmul.f32 v14, v63;
	[tilespmem:s30+$0x7F80] =	vst v3  }
0x166: {  	v3 =	vmul.f32 v13, v63;
	[tilespmem:s30+$0x7F90] =	vst v4  }
0x167: {  	v20 =	vmul.f32 v16, v63;
	[tilespmem:s30+$0x7FB0] =	vst v19  }
0x168: {  	[tilespmem:s30+$0x7FA0] =	vst v3;
	v3 =	vmul.f32 v15, v63  }
0x169: {  	v21 =	vmul.f32 v18, v63;
	[tilespmem:s30+$0x7FD0] =	vst v20  }
0x16a: {  	v22 =	vbroadcast v1, $0xB;
	[tilespmem:s30+$0x7FC0] =	vst v3;
	v3 =	vmul.f32 v17, v63  }
0x16b: {  	[tilespmem:s30+$0x7FF0] =	vst v21  }
0x16c: {  	(v2sf) =	vpush v2, $0xD;
	[tilespmem:s30+$0x7FE0] =	vst v3;
	v3 =	vnsel vm0, $0x0, v22  }
0x16d: {  	(v2sf) =	vpush v2, $0xC;
	[tilespmem:s0+$0x0] =	vst.add.f32.msk $0xffff, v3  }
0x16e: {  	v3 =	vld [tilespmem:s30+$0x8000]  }
0x16f: {  	v23 =	vld [tilespmem:s30+$0x8010]  }
0x170: {  	v25 =	vld [tilespmem:s30+$0x8030]  }
0x171: {  	v24 =	vld [tilespmem:s30+$0x8020]  }
0x172: {  	v27 =	vld [tilespmem:s30+$0x8050]  }
0x173: {  	v26 =	vld [tilespmem:s30+$0x8040];
	v3 =	vmul.f32 v3, v22  }
0x174: {  	v29 =	vld [tilespmem:s30+$0x8070];
	v4 =	vmul.f32 v23, v22  }
0x175: {  	v28 =	vld [tilespmem:s30+$0x8060];
	v30 =	vmul.f32 v25, v22;
	[tilespmem:s30+$0x8000] =	vst v3  }
0x176: {  	v3 =	vmul.f32 v24, v22;
	[tilespmem:s30+$0x8010] =	vst v4  }
0x177: {  	v31 =	vmul.f32 v27, v22;
	[tilespmem:s30+$0x8030] =	vst v30  }
0x178: {  	[tilespmem:s30+$0x8020] =	vst v3;
	v3 =	vmul.f32 v26, v22  }
0x179: {  	v32 =	vmul.f32 v29, v22;
	[tilespmem:s30+$0x8050] =	vst v31  }
0x17a: {  	v33 =	vbroadcast v1, $0xC;
	[tilespmem:s30+$0x8040] =	vst v3;
	v3 =	vmul.f32 v28, v22  }
0x17b: {  	s0 =	spop (v2sf);
	[tilespmem:s30+$0x8070] =	vst v32  }
0x17c: {  	s31 =	spop (v2sf);
	[tilespmem:s30+$0x8060] =	vst v3;
	v3 =	vnsel vm0, $0x0, v33  }
0x17d: {  	[tilespmem:s31+$0x0] =	vst.add.f32.msk $0xffff, v3  }
0x17e: {  	v3 =	vld [tilespmem:s30+$0x8080]  }
0x17f: {  	v34 =	vld [tilespmem:s30+$0x8090]  }
0x180: {  	v36 =	vld [tilespmem:s30+$0x80B0]  }
0x181: {  	v35 =	vld [tilespmem:s30+$0x80A0]  }
0x182: {  	v38 =	vld [tilespmem:s30+$0x80D0]  }
0x183: {  	v37 =	vld [tilespmem:s30+$0x80C0];
	v3 =	vmul.f32 v3, v33  }
0x184: {  	v40 =	vld [tilespmem:s30+$0x80F0];
	v4 =	vmul.f32 v34, v33  }
0x185: {  	v39 =	vld [tilespmem:s30+$0x80E0];
	v41 =	vmul.f32 v36, v33;
	[tilespmem:s30+$0x8080] =	vst v3  }
0x186: {  	v3 =	vmul.f32 v35, v33;
	[tilespmem:s30+$0x8090] =	vst v4  }
0x187: {  	v42 =	vmul.f32 v38, v33;
	[tilespmem:s30+$0x80B0] =	vst v41  }
0x188: {  	[tilespmem:s30+$0x80A0] =	vst v3;
	v3 =	vmul.f32 v37, v33  }
0x189: {  	v43 =	vmul.f32 v40, v33;
	[tilespmem:s30+$0x80D0] =	vst v42  }
0x18a: {  	v44 =	vbroadcast v1, $0xD;
	[tilespmem:s30+$0x80C0] =	vst v3;
	v3 =	vmul.f32 v39, v33  }
0x18b: {  	[tilespmem:s30+$0x80F0] =	vst v43  }
0x18c: {  	(v2sf) =	vpush v2, $0xF;
	[tilespmem:s30+$0x80E0] =	vst v3;
	v3 =	vnsel vm0, $0x0, v44  }
0x18d: {  	(v2sf) =	vpush v2, $0xE;
	[tilespmem:s0+$0x0] =	vst.add.f32.msk $0xffff, v3  }
0x18e: {  	v2 =	vld [tilespmem:s30+$0x8100]  }
0x18f: {  	v3 =	vld [tilespmem:s30+$0x8110]  }
0x190: {  	v45 =	vld [tilespmem:s30+$0x8120]  }
0x191: {  	v46 =	vld [tilespmem:s30+$0x8130]  }
0x192: {  	v47 =	vld [tilespmem:s30+$0x8140]  }
0x193: {  	v48 =	vld [tilespmem:s30+$0x8150];
	v2 =	vmul.f32 v2, v44  }
0x194: {  	v49 =	vld [tilespmem:s30+$0x8160];
	v3 =	vmul.f32 v3, v44  }
0x195: {  	v50 =	vld [tilespmem:s30+$0x8170];
	[tilespmem:s30+$0x8100] =	vst v2;
	v2 =	vmul.f32 v45, v44  }
0x196: {  	[tilespmem:s30+$0x8110] =	vst v3;
	v3 =	vmul.f32 v46, v44  }
0x197: {  	[tilespmem:s30+$0x8120] =	vst v2;
	v2 =	vmul.f32 v47, v44  }
0x198: {  	[tilespmem:s30+$0x8130] =	vst v3;
	v3 =	vmul.f32 v48, v44  }
0x199: {  	[tilespmem:s30+$0x8140] =	vst v2;
	v2 =	vmul.f32 v49, v44  }
0x19a: {  	v51 =	vbroadcast v1, $0xE;
	[tilespmem:s30+$0x8150] =	vst v3;
	v3 =	vmul.f32 v50, v44  }
0x19b: {  	s0 =	spop (v2sf);
	[tilespmem:s30+$0x8160] =	vst v2  }
0x19c: {  	s31 =	spop (v2sf);
	[tilespmem:s30+$0x8170] =	vst v3;
	v2 =	vnsel vm0, $0x0, v51  }
0x19d: {  	[tilespmem:s31+$0x0] =	vst.add.f32.msk $0xffff, v2  }
0x19e: {  	v2 =	vld [tilespmem:s30+$0x8180]  }
0x19f: {  	v3 =	vld [tilespmem:s30+$0x8190]  }
0x1a0: {  	v52 =	vld [tilespmem:s30+$0x81A0]  }
0x1a1: {  	v53 =	vld [tilespmem:s30+$0x81B0]  }
0x1a2: {  	v54 =	vld [tilespmem:s30+$0x81C0]  }
0x1a3: {  	v55 =	vld [tilespmem:s30+$0x81D0];
	v2 =	vmul.f32 v2, v51  }
0x1a4: {  	v56 =	vld [tilespmem:s30+$0x81E0];
	v3 =	vmul.f32 v3, v51  }
0x1a5: {  	v57 =	vld [tilespmem:s30+$0x81F0];
	[tilespmem:s30+$0x8180] =	vst v2;
	v2 =	vmul.f32 v52, v51  }
0x1a6: {  	[tilespmem:s30+$0x8190] =	vst v3;
	v3 =	vmul.f32 v53, v51  }
0x1a7: {  	[tilespmem:s30+$0x81A0] =	vst v2;
	v2 =	vmul.f32 v54, v51  }
0x1a8: {  	[tilespmem:s30+$0x81B0] =	vst v3;
	v3 =	vmul.f32 v55, v51  }
0x1a9: {  	[tilespmem:s30+$0x81C0] =	vst v2;
	v2 =	vmul.f32 v56, v51  }
0x1aa: {  	v1 =	vbroadcast v1, $0xF;
	[tilespmem:s30+$0x81D0] =	vst v3;
	v3 =	vmul.f32 v57, v51  }
0x1ab: {  	[tilespmem:s30+$0x81E0] =	vst v2  }
0x1ac: {  	[tilespmem:s30+$0x81F0] =	vst v3;
	v2 =	vnsel vm0, $0x0, v1  }
0x1ad: {  	[tilespmem:s0+$0x0] =	vst.add.f32.msk $0xffff, v2  }
0x1ae: {  	v2 =	vld [tilespmem:s30+$0x8200]  }
0x1af: {  	v3 =	vld [tilespmem:s30+$0x8210]  }
0x1b0: {  	v58 =	vld [tilespmem:s30+$0x8220]  }
0x1b1: {  	v59 =	vld [tilespmem:s30+$0x8230]  }
0x1b2: {  	v60 =	vld [tilespmem:s30+$0x8240]  }
0x1b3: {  	v61 =	vld [tilespmem:s30+$0x8250];
	v2 =	vmul.f32 v2, v1  }
0x1b4: {  	v62 =	vld [tilespmem:s30+$0x8260];
	v3 =	vmul.f32 v3, v1  }
0x1b5: {  	v63 =	vld [tilespmem:s30+$0x8270];
	[tilespmem:s30+$0x8200] =	vst v2;
	v2 =	vmul.f32 v58, v1  }
0x1b6: {  	[tilespmem:s30+$0x8210] =	vst v3;
	v3 =	vmul.f32 v59, v1  }
0x1b7: {  	p0 =	sne.s32 s29, $0x7;
	[tilespmem:s30+$0x8220] =	vst v2;
	v2 =	vmul.f32 v60, v1  }
.Ltmp2:
0x1b8: {  	[tilespmem:s30+$0x8230] =	vst v3;
	v3 =	vmul.f32 v61, v1;
	(pc) =	sbr.rel @p0 .LBB2_7-.Ltmp2, $4  }
0x1b9: {  	[tilespmem:s30+$0x8240] =	vst v2;
	v2 =	vmul.f32 v62, v1  }
0x1ba: {  	[tilespmem:s30+$0x8250] =	vst v3;
	v1 =	vmul.f32 v63, v1  }
0x1bb: {  	[tilespmem:s30+$0x8260] =	vst v2  }
0x1bc: {  	s29 =	sadd.s32 $0x1, s29;
	[tilespmem:s30+$0x8270] =	vst v1  }
0x1bd: {  	s28 =	sadd.s32 $0x1, s28  }
0x1be: {  	p0 =	sne.s32 s28, $0x51  }
.Ltmp3:
0x1bf: {  	_ = 	snop;
	(pc) =	sbr.rel @p0 .LBB2_6-.Ltmp3, $4  }
0x1c0: {  	[spmem:s1] =	stream.indirect.scatter.add.f32 [tilespmem:s16], [sflag:$0x2], $0x80, s20, s22, $0xb8;
	[tilespmem:$0x1FA80] =	vst v63  }
0x1c1: {  	_ =	swait.ge [sflag:s17], $0x4000  }
0x1c2: {  	[sflag:s17] =	ssyncset.done $0x0  }
0x1c3: {  	[sflag:s17] =	ssyncadd.s32 $0xFFFFC000  }
0x1c4: {  	[bflag:$0x0] =	sbarrier.arrive $0xFFFF  }
0x1c5: {  	[hbm4b:s13+s22] =	stream.strided.scatter [tilespmem:s25], [sflag:$0x2], $0x2800, s24, s22, $0x38;
	[tilespmem:$0x1FA80] =	vst v63  }
0x1c6: {  	s0 =	sshll.u32 s3, $0x6;
	s2 =	sadd.s32 $0x1, s2;
	_ =	swait.ge [sflag:s17], $0x2800  }
0x1c7: {  	s26 =	sshrl.u32 s10, $0x3;
	p0 =	sne.s32 s2, s15;
	[sflag:s17] =	ssyncset.done $0x0  }
.Ltmp4:
0x1c8: {  	s0 =	sor.u32 $0x1C02, s0;
	[sflag:s17] =	ssyncadd.s32 $0xFFFFD800;
	(pc) =	sbr.rel @p0 .LBB2_1-.Ltmp4, $4  }
0x1c9: {  	[hbm:s14], [sflag:s0] =	dma.local [spmem:s26], $0x1400  }
0x1ca: {  	_ =	swait.ge [sflag:s17], $0x1400  }
0x1cb: {  	[sflag:s17] =	ssyncset.done $0x0  }
0x1cc: {  	[sflag:s17] =	ssyncadd.s32 $0xFFFFEC00  }
0x1cd: {  	_ =	sfence.sel $0x180000  }
0x1ce: {  	[bflag:$0x0] =	sbarrier.arrive $0xFFFF  }
0x1cf: {  	_ =	strace $0x9000004A  }
0x1d0: {  	[bflag:$0x2] =	sbarrier.arrive $0xFFFF  }
0x1d1: {  	p0 =	sne.s32 s3, $0x0;
	s0 =	rddreg [dreg:$0x2]  }
0x1d2: {  	s0 =	sadd.s32 @!p0 $0x100000, s0  }
0x1d3: {  	[sflag:s0] =	ssyncadd.tile.s32 @!p0 $0x1;
	_ =	shalt  }
.Lfunc_end2:
_tile_overlayer_lowered:
.L_overlay_start_2:
0x1d4: {  	(tag) =	ssettag $0x2  }
0x1d5: {  	s0 =	rddreg [dreg:$0x0];
	s2 =	stileid.u32  }
0x1d6: {  	s1 =	rddreg [dreg:$0x1];
	p0 =	sne.s32 s2, $0x0  }
0x1d7: {  	s3 =	rddreg [dreg:$0x2];
	[bflag:$0x3] =	sbarrier.arrive $0xFFFF;
	s2 =	simm.s32 @!p0 $0x1C02  }
0x1d8: {  	[timem:s3], [sflag:s2] =	dma.local @!p0 [hbm:s0], s1  }
0x1d9: {  	s0 =	simm.s32 @!p0 $0x2  }
0x1da: {  	_ =	swait.ge @!p0 [sflag:s0], s1  }
0x1db: {  	s1 =	ssub.s32 @!p0 $0x0, s1;
	[sflag:s0] =	ssyncset.done @!p0 $0x0  }
0x1dc: {  	[sflag:s0] =	ssyncadd.s32 @!p0 s1  }
0x1dd: {  	[bflag:$0x3] =	sbarrier.arrive $0xFFFF  }
0x1de: {  	_ =	shalt  }

// kernel: kernel.14.cloned.1.call-start
scs
__scs_entry_jumppad:
0x0: {  	(pc) =	sbr.rel $0x88, $3  }
0x1: {  	(tag) =	ssettag $0x0;
	lr =	simm.s32 $0x1  }
0x2: {  	[smem:$0x3F92] =	sst lr;
	_ =	strace $0xD0000000  }
0x3: {  	_ = 	snop  }
0x4: {  	_ = 	snop  }
0x5: {  	_ = 	snop  }
0x6: {  	_ = 	snop  }
0x7: {  	_ = 	snop  }
__scs_overlays_trampoline_lowered:
0x8: {  	[smem:$0x3FA1] =	sst s0  }
0x9: {  	[smem:$0x3FA2] =	sst s1  }
0xa: {  	[smem:$0x3FA3] =	sst s2  }
0xb: {  	[smem:$0x3FA4] =	sst s3  }
0xc: {  	[smem:$0x3FA5] =	sst s4  }
0xd: {  	[smem:$0x3FA6] =	sst s5  }
0xe: {  	[smem:$0x3FA7] =	sst s6  }
0xf: {  	[smem:$0x3FA8] =	sst s7  }
0x10: {  	[smem:$0x3FA9] =	sst s8  }
0x11: {  	[smem:$0x3FAA] =	sst s9;
	s0 =	simm.s32 @!p0 $0x0  }
0x12: {  	s1 =	sld [smem:$0x3F90];
	s0 =	simm.s32 @p0 $0x1  }
0x13: {  	[smem:$0x3FAB] =	sst s0;
	s0 =	simm.s32 @!p1 $0x0  }
0x14: {  	s2 =	sld [smem:$0x3F8F];
	s0 =	simm.s32 @p1 $0x1  }
0x15: {  	[smem:$0x3FAC] =	sst s0;
	s0 =	simm.s32 @!p2 $0x0  }
0x16: {  	s3 =	sld [smem:$0x3FDB];
	s0 =	simm.s32 @p2 $0x1  }
0x17: {  	s4 =	simm.s32 $0x1BF5;
	[smem:$0x3FAE] =	sst s0  }
0x18: {  	s0 =	sld [smem:$0x3F91];
	_ =	swait.ge [sflag:s4], $0x0  }
0x19: {  	s7 =	sld [smem:$0x3F92]  }
0x1a: {  	s8 =	sadd.s32 $0xFFFFE003, lr  }
0x1b: {  	s9 =	sadd.s32 $0xFFFFFEF7, lr;
	s5 =	simm.s32 $0xFFFFFFFF;
	p2 =	slt.u32 s8, $0xFFFFF086  }
0x1c: {  	p1 =	slt.u32 s9, $0xF7A;
	s5 =	simm.s32 @!p2 $0x0  }
0x1d: {  	s5 =	simm.s32 @p1 $0x1;
	p0 =	seq.s32 s7, s2  }
0x1e: {  	s7 =	smul.u32 @!p0 $0xF7A, s2;
	p2 =	seq.s32 @!p0 s5, $0x0  }
0x1f: {  	s9 =	smul.u32 $0xF7A, s1;
	s8 =	simm.s32 @!p0 $0x1BF5;
	p2 =	por !p2, p0  }
0x20: {  	[sflag:s8] =	ssyncset.s32 @!p0 $0xFFFFF086;
	s6 =	sadd.s32 @!p0 s3, s7;
	s7 =	simm.s32 @!p0 $0x108  }
0x21: {  	s3 =	sadd.s32 s3, s9;
	s6 =	sadd.s32 @!p0 $0x88, s6;
	s7 =	simm.s32 @p2 $0x1082  }
0x22: {  	[simem:s7], [sflag:s8] =	dma.local @!p0 [hbm:s6], $0xF7A  }
0x23: {  	s9 =	sor.u32 $0xD0000000, s2;
	s6 =	simm.s32 $0x108;
	_ =	swait.ge @!p0 [sflag:s8], $0x0  }
0x24: {  	s3 =	sadd.s32 $0x88, s3;
	s6 =	simm.s32 @!p1 $0x1082;
	[sflag:s4] =	ssyncset.s32 $0xFFFFF086  }
0x25: {  	[simem:s6], [sflag:s4] =	dma.local [hbm:s3], $0xF7A  }
0x26: {  	[smem:$0x3F92] =	sst s1;
	(tag) =	ssettag s2;
	_ =	strace s9  }
0x27: {  	s1 =	sld [smem:$0x3FA2]  }
0x28: {  	s2 =	sld [smem:$0x3FA3]  }
0x29: {  	s4 =	sld [smem:$0x3FA5]  }
0x2a: {  	p0 =	seq.s32 s5, $0x0;
	s5 =	sld [smem:$0x3FA6]  }
0x2b: {  	s6 =	sld [smem:$0x3FA7]  }
0x2c: {  	s7 =	sld [smem:$0x3FA8]  }
0x2d: {  	s3 =	simm.s32 $0x108;
	s8 =	sld [smem:$0x3FA9]  }
0x2e: {  	s3 =	simm.s32 @!p0 $0x1082;
	s9 =	sld [smem:$0x3FAA]  }
0x2f: {  	lr =	sadd.s32 s0, s3;
	s0 =	sld [smem:$0x3FA1]  }
0x30: {  	s3 =	sld [smem:$0x3FA4]  }
0x31: {  	[smem:$0x3FAD] =	sst s10  }
0x32: {  	s10 =	sld [smem:$0x3FAB];
	_ =	sdelay $0x3  }
0x33: {  	p0 =	seq.s32 s10, $0x1;
	s10 =	sld [smem:$0x3FAD];
	_ =	sdelay $0x3  }
0x34: {  	[smem:$0x3FAD] =	sst s10  }
0x35: {  	s10 =	sld [smem:$0x3FAC];
	_ =	sdelay $0x3  }
0x36: {  	p1 =	seq.s32 s10, $0x1;
	s10 =	sld [smem:$0x3FAD];
	_ =	sdelay $0x3  }
0x37: {  	[smem:$0x3FAD] =	sst s10  }
0x38: {  	s10 =	sld [smem:$0x3FAE]  }
0x39: {  	_ = 	snop;
	(pc) =	sbr.ind lr, $3  }
0x3a: {  	_ = 	snop  }
0x3b: {  	_ = 	snop  }
0x3c: {  	p2 =	seq.s32 s10, $0x1;
	s10 =	sld [smem:$0x3FAD]  }
0x3d: {  	_ =	shalt  }
0x3e: {  	_ =	shalt  }
0x3f: {  	_ =	shalt  }
0x40: {  	_ =	shalt  }
0x41: {  	_ =	shalt  }
0x42: {  	_ =	shalt  }
0x43: {  	_ =	shalt  }
0x44: {  	_ =	shalt  }
0x45: {  	_ =	shalt  }
0x46: {  	_ =	shalt  }
0x47: {  	_ =	shalt  }
0x48: {  	_ =	shalt  }
0x49: {  	_ =	shalt  }
0x4a: {  	_ =	shalt  }
0x4b: {  	_ =	shalt  }
0x4c: {  	_ =	shalt  }
0x4d: {  	_ =	shalt  }
0x4e: {  	_ =	shalt  }
0x4f: {  	_ =	shalt  }
0x50: {  	_ =	shalt  }
0x51: {  	_ =	shalt  }
0x52: {  	_ =	shalt  }
0x53: {  	_ =	shalt  }
0x54: {  	_ =	shalt  }
0x55: {  	_ =	shalt  }
0x56: {  	_ =	shalt  }
0x57: {  	_ =	shalt  }
0x58: {  	_ =	shalt  }
0x59: {  	_ =	shalt  }
0x5a: {  	_ =	shalt  }
0x5b: {  	_ =	shalt  }
0x5c: {  	_ =	shalt  }
0x5d: {  	_ =	shalt  }
0x5e: {  	_ =	shalt  }
0x5f: {  	_ =	shalt  }
0x60: {  	_ =	shalt  }
0x61: {  	_ =	shalt  }
0x62: {  	_ =	shalt  }
0x63: {  	_ =	shalt  }
0x64: {  	_ =	shalt  }
0x65: {  	_ =	shalt  }
0x66: {  	_ =	shalt  }
0x67: {  	_ =	shalt  }
0x68: {  	_ =	shalt  }
0x69: {  	_ =	shalt  }
0x6a: {  	_ =	shalt  }
0x6b: {  	_ =	shalt  }
0x6c: {  	_ =	shalt  }
0x6d: {  	_ =	shalt  }
0x6e: {  	_ =	shalt  }
0x6f: {  	_ =	shalt  }
0x70: {  	_ =	shalt  }
0x71: {  	_ =	shalt  }
0x72: {  	_ =	shalt  }
0x73: {  	_ =	shalt  }
0x74: {  	_ =	shalt  }
0x75: {  	_ =	shalt  }
0x76: {  	_ =	shalt  }
0x77: {  	_ =	shalt  }
0x78: {  	_ =	shalt  }
0x79: {  	_ =	shalt  }
0x7a: {  	_ =	shalt  }
0x7b: {  	_ =	shalt  }
0x7c: {  	_ =	shalt  }
0x7d: {  	_ =	shalt  }
0x7e: {  	_ =	shalt  }
0x7f: {  	_ =	shalt  }
0x80: {  	_ =	shalt  }
0x81: {  	_ =	shalt  }
0x82: {  	_ =	shalt  }
0x83: {  	_ =	shalt  }
0x84: {  	_ =	shalt  }
0x85: {  	_ =	shalt  }
0x86: {  	_ =	shalt  }
0x87: {  	_ =	shalt  }
.Lfunc_end0:
.L_simem_size_0:
called_computation.2_lowered:
.L_overlay_start_0:
0x88: {  	s2 =	sld [smem:$0x3FD9]  }
0x89: {  	s3 =	sld [smem:$0x3FFE];
	_ =	sdelay $0x1  }
0x8a: {  	s1 =	srdreg.scid  }
0x8b: {  	s0 =	sand.u32 $0x1, s1  }
0x8c: {  	s16 =	sshll.u32 s0, $0xA;
	s2 =	sadd.s32 s3, s2  }
0x8d: {  	s2 =	sadd.s32 s2, s16  }
0x8e: {  	[smem:$0x3FB9] =	sst s2  }
0x8f: {  	_ = 	snop  }
0x90: {  	(tm) =	ssettm $0x1  }
0x91: {  	s17 =	sld [smem:$0x3FFB];
	_ =	sdelay $0x3  }
0x92: {  	_ =	strace s17  }
0x93: {  	s2 =	sld [smem:$0x3FFC];
	_ =	sdelay $0x3  }
0x94: {  	_ =	strace s2  }
0x95: {  	s2 =	sld [smem:$0x3FFD];
	_ =	sdelay $0x3  }
0x96: {  	_ =	strace s2  }
0x97: {  	_ =	strace $0x8FFFFFFF  }
0x98: {  	s18 =	sld [smem:$0x3FDB];
	_ =	sdelay $0x1  }
0x99: {  	s19 =	simm.s32 $_scs_section_size  }
0x9a: {  	s4 =	simm.s32 $_size__tile_overlayer_lowered;
	s5 =	simm.s32 $_tile_overlayer_lowered  }
0x9b: {  	s22 =	simm.s32 $0x1BFF;
	s21 =	sshll.u32 s5, $0x1;
	s2 =	sadd.s32 s19, s18  }
0x9c: {  	s6 =	simm.s32 $0x0;
	s20 =	sshll.u32 s4, $0x1;
	s4 =	sadd.s32 s21, s2  }
0x9d: {  	[timem:s6], [sflag:s22] =	dma.local [hbm:s4], s20  }
0x9e: {  	_ =	swait.ge [sflag:s22], s20  }
0x9f: {  	s3 =	ssub.s32 $0x0, s20;
	[sflag:s22] =	ssyncset.done $0x0  }
0xa0: {  	[sflag:s22] =	ssyncadd.s32 s3;
	_ =	sdelay $0x1  }
0xa1: {  	s23 =	simm.s32 $0x1B8B  }
0xa2: {  	_ =	swait.ge [sflag:s23], $0x1  }
0xa3: {  	[sflag:s23] =	ssyncset.done $0x0  }
0xa4: {  	s25 =	simm.s32 $0x1B8E;
	s24 =	sld [smem:$0x3FFE];
	[sflag:s23] =	ssyncadd.s32 $0xFFFFFFFF  }
0xa5: {  	s26 =	simm.s32 $execute0_lowered;
	[smem:$0x3FD2] =	sst s25  }
0xa6: {  	s4 =	sshll.u32 s26, $0x1;
	_ =	strace $0x8000004C;
	[dreg:$0x1] =	wrdreg $0xFFFFFFFF  }
0xa7: {  	s28 =	simm.s32 $_size_execute0_lowered;
	s2 =	sadd.s32 s2, s4;
	[dreg:$0x0] =	wrdreg $0x0  }
0xa8: {  	s4 =	sshll.u32 s28, $0x1;
	[dreg:$0x2] =	wrdreg s2  }
0xa9: {  	[dreg:$0x3] =	wrdreg s4  }
0xaa: {  	[dreg:$0x4] =	wrdreg $0xC0  }
0xab: {  	_ =	task [dreg:s6], $0x5FFFF  }
0xac: {  	[dreg:$0x1] =	wrdreg $0xFFFFFFFF  }
0xad: {  	[dreg:$0x0] =	wrdreg $0x60  }
0xae: {  	[dreg:$0x2] =	wrdreg s24  }
0xaf: {  	[dreg:$0x3] =	wrdreg $0xBA800  }
0xb0: {  	[dreg:$0x4] =	wrdreg $0x9  }
0xb1: {  	_ =	task.clear_ibuf [dreg:s6], $0x5FFFF;
	_ =	strace $0x9000004C  }
0xb2: {  	s29 =	simm.s32 $0x9;
	_ =	strace $0x8000004E  }
0xb3: {  	_ =	swait.ge [sflag:s29], $0x1  }
0xb4: {  	[sflag:s29] =	ssyncadd.s32 $0xFFFFFFFF  }
0xb5: {  	_ =	strace $0x9000004E  }
0xb6: {  	_ =	sfence  }
0xb7: {  	s30 =	sld [smem:$0x0];
	_ =	sdelay $0x2  }
0xb8: {  	s31 =	sshll.u32 s1, $0xD;
	s1 =	sshrl.u32 s1, $0x2  }
0xb9: {  	s3 =	sand.u32 $0x4000, s31;
	s1 =	sadd.s32 s1, s30  }
0xba: {  	s0 =	sor.u32 s3, s0;
	s1 =	sshll.u32 s1, $0x11  }
0xbb: {  	s0 =	sor.u32 s1, s0  }
0xbc: {  	s0 =	sadd.s32 $0x8F2B, s0  }
0xbd: {  	[sflag:s0] =	ssyncadd.remote.s32 $0x1  }
0xbe: {  	_ =	sfence.sel $0xFFFF  }
0xbf: {  	[dreg:$0x0] =	wrdreg $0xFFFFFFFF;
	(pc) =	sbr.abs _section_cstart, $3  }
0xc0: {  	[dreg:$0x1] =	wrdreg $0xFFFFFFFF  }
0xc1: {  	_ =	task.clear_ibuf [dreg:s6], $0x2FFFF;
	_ =	strace $0x9FFFFFFF  }
0xc2: {  	(tm) =	ssettm $0x7FFFFFFF  }
0xc3: {  	_ =	shalt  }
tec
execute0_lowered:
.L_overlay_start_1:
0x0: {  	(tag) =	ssettag $0x1  }
0x1: {  	s10 =	rddreg [dreg:$0x0]  }
0x2: {  	s1 =	rddreg [dreg:$0x1];
	s2 =	simm.s32 $0x0  }
0x3: {  	s3 =	srdreg.scid;
	s18 =	simm.s32 $0x2800;
	s19 =	simm.s32 $0x7880  }
0x4: {  	s20 =	simm.s32 $0x7900;
	s21 =	simm.s32 $0x7980;
	s22 =	simm.s32 $0x80  }
0x5: {  	s23 =	simm.s32 $0x1;
	s24 =	simm.s32 $0x400;
	s25 =	simm.s32 $0x5000  }
0x6: {  	[smem:$0x7FF] =	sst s2;
	s11 =	sand.u32 $0x1, s3;
	s3 =	stileid.u32  }
0x7: {  	s4 =	sadd.s32 $0x4200, s10;
	s5 =	sadd.s32 $0x2C200, s10;
	s12 =	smul.u32 $0x140000, s11  }
0x8: {  	s6 =	sadd.s32 $0x4AE00, s10;
	s8 =	sadd.s32 $0x36A00, s10;
	s9 =	smul.u32 $0x28000, s11  }
0x9: {  	_ =	strace $0x8000004D;
	s7 =	sshrl.u32 s3, $0x3;
	s14 =	smul.u32 $0xA000, s3  }
0xa: {  	s15 =	sshll.u32 s3, $0x7;
	s26 =	smul.u32 $0x28000, s3;
	s29 =	ssub.s32 $0x2, s11  }
0xb: {  	s16 =	sshll.u32 s3, $0x1;
	s13 =	smul.u32 $0x14000, s7;
	s7 =	sadd.s32 $0x2C800, s10  }
0xc: {  	s15 =	sand.u32 $0x380, s15;
	s30 =	sshrl.u32 s29, $0x1;
	s31 =	sor.u32 s11, s16  }
0xd: {  	s16 =	simm.s32 $0x7A80;
	s12 =	sadd.s32 s14, s12;
	s14 =	sshrl.u32 s26, $0x2  }
0xe: {  	s17 =	ssub.s32 s29, s30;
	s13 =	sadd.s32 s9, s13;
	s12 =	sshrl.u32 s12, $0x3  }
0xf: {  	s9 =	sadd.s32 $0x40C00, s10;
	s13 =	sor.u32 s15, s13;
	s28 =	sadd.s32 s12, s10  }
0x10: {  	s12 =	smul.u32 $0x51, s31;
	s15 =	smax.u32 s17, $0x1;
	s13 =	sshrl.u32 s13, $0x3  }
0x11: {  	s17 =	simm.s32 $0x2;
	s13 =	sadd.s32 s13, s10;
	s10 =	sadd.s32 s14, s1  }
0x12: {  	v0 =	vimm.f32 $0.0e+00;
	vm0 =	vmmov $0x1;
	s14 =	sadd.s32 $0x4B400, s28;
	s11 =	sadd.s32 $0x4000, s10;
	s13 =	sadd.s32 $0x9B400, s13  }
.LBB2_1:
0x13: {  	s26 =	simm.s32 $0x0;
	s28 =	simm.s32 $0x200  }
.LBB2_2:
0x14: {  	p0 =	sne.s32 s28, $0xFE00;
	[tilespmem:s26+$0x7AF0] =	vst v0  }
0x15: {  	[tilespmem:s26+$0x7A80] =	vst v0  }
0x16: {  	[tilespmem:s26+$0x7A90] =	vst v0  }
.Ltmp0:
0x17: {  	[tilespmem:s26+$0x7AA0] =	vst v0;
	(pc) =	sbr.rel @p0 .LBB2_2-.Ltmp0, $4  }
0x18: {  	[tilespmem:s26+$0x7AB0] =	vst v0  }
0x19: {  	[tilespmem:s26+$0x7AC0] =	vst v0  }
0x1a: {  	[tilespmem:s26+$0x7AD0] =	vst v0  }
0x1b: {  	[tilespmem:s26+$0x7AE0] =	vst v0;
	s26 =	sshra.s32 s28, $0x2;
	s28 =	sadd.s32 $0x200, s28  }
0x1c: {  	[tilespmem:s26+$0x7AF0] =	vst v0  }
0x1d: {  	[tilespmem:s26+$0x7A80] =	vst v0  }
0x1e: {  	[tilespmem:s26+$0x7A90] =	vst v0  }
0x1f: {  	[tilespmem:s26+$0x7AA0] =	vst v0  }
0x20: {  	[tilespmem:s26+$0x7AB0] =	vst v0  }
0x21: {  	[tilespmem:s26+$0x7AC0] =	vst v0  }
0x22: {  	[tilespmem:s26+$0x7AD0] =	vst v0  }
0x23: {  	[tilespmem:s26+$0x7AE0] =	vst v0  }
0x24: {  	[spmem:s10] =	stream.linear.scatter [tilespmem:s16], [sflag:$0x2], $0x4000, $0x38;
	[tilespmem:$0x1FA80] =	vst v63  }
0x25: {  	_ =	swait.ge [sflag:s17], $0x4000  }
0x26: {  	[sflag:s17] =	ssyncset.done $0x0  }
0x27: {  	[sflag:s17] =	ssyncadd.s32 $0xFFFFC000  }
0x28: {  	[spmem:s11] =	stream.linear.scatter [tilespmem:s16], [sflag:$0x2], $0x4000, $0x38;
	[tilespmem:$0x1FA80] =	vst v63  }
0x29: {  	_ =	swait.ge [sflag:s17], $0x4000  }
0x2a: {  	[sflag:s17] =	ssyncset.done $0x0  }
0x2b: {  	s26 =	simm.s32 $0x40;
	s28 =	simm.s32 $0x0;
	[sflag:s17] =	ssyncadd.s32 $0xFFFFC000  }
.LBB2_4:
0x2c: {  	p0 =	sne.s32 s26, $0xA000;
	[tilespmem:s28+$0x5000] =	vst v0;
	s28 =	smov.u32 s26;
	s26 =	sadd.s32 $0x40, s26  }
.Ltmp1:
0x2d: {  	(pc) =	sbr.rel @p0 .LBB2_4-.Ltmp1, $2  }
0x2e: {  	_ =	sdelay $0x2  }
0x2f: {  	s28 =	sshra.s32 s28, $0x2  }
0x30: {  	[tilespmem:s28+$0x5000] =	vst v0;
	s26 =	simm.s32 $0x0  }
0x31: {  	[tilespmem:s26], [sflag:$0x2] =	stream.linear.gather [hbm4b:s5+s26], $0x2800, $0x38;
	[tilespmem:$0x1FA80] =	vst v63  }
0x32: {  	_ =	swait.ge [sflag:s17], $0x2800  }
0x33: {  	[sflag:s17] =	ssyncset.done $0x0  }
0x34: {  	[sflag:s17] =	ssyncadd.s32 $0xFFFFD800  }
0x35: {  	[tilespmem:s18], [sflag:$0x2] =	stream.linear.gather [hbm4b:s6+s26], $0x2800, $0x38;
	[tilespmem:$0x1FA80] =	vst v63  }
0x36: {  	_ =	swait.ge [sflag:s17], $0x2800  }
0x37: {  	[sflag:s17] =	ssyncset.done $0x0  }
0x38: {  	[sflag:s17] =	ssyncadd.s32 $0xFFFFD800  }
0x39: {  	s28 =	simm.s32 $0x0;
	[bflag:$0x0] =	sbarrier.arrive $0xFFFF  }
.LBB2_6:
0x3a: {  	s29 =	sadd.s32 s12, s28  }
0x3b: {  	s29 =	sshll.u32 s29, $0x4  }
0x3c: {  	s30 =	sadd.s32 s7, s29  }
0x3d: {  	[tilespmem:s19], [sflag:$0x2] =	stream.linear.gather [hbm4b:s30+s26], $0x80, $0x38;
	[tilespmem:$0x1FA80] =	vst v63  }
0x3e: {  	_ =	swait.ge [sflag:s17], $0x80  }
0x3f: {  	[sflag:s17] =	ssyncset.done $0x0  }
0x40: {  	s31 =	sadd.s32 s8, s29;
	[sflag:s17] =	ssyncadd.s32 $0xFFFFFF80  }
0x41: {  	[tilespmem:s20], [sflag:$0x2] =	stream.linear.gather [hbm4b:s31+s26], $0x80, $0x38;
	[tilespmem:$0x1FA80] =	vst v63  }
0x42: {  	_ =	swait.ge [sflag:s17], $0x80  }
0x43: {  	[sflag:s17] =	ssyncset.done $0x0  }
0x44: {  	s29 =	sadd.s32 s9, s29;
	[sflag:s17] =	ssyncadd.s32 $0xFFFFFF80  }
0x45: {  	[tilespmem:s21], [sflag:$0x2] =	stream.linear.gather [hbm4b:s29+s26], $0x80, $0x38;
	[tilespmem:$0x1FA80] =	vst v63  }
0x46: {  	_ =	swait.ge [sflag:s17], $0x80  }
0x47: {  	[sflag:s17] =	ssyncset.done $0x0  }
0x48: {  	[sflag:s17] =	ssyncadd.s32 $0xFFFFFF80  }
0x49: {  	[tilespmem:s16], [sflag:$0x1] =	stream.indirect.gather [hbm4b:s4+s22], $0x80, s19, s22, $0xb8;
	[tilespmem:$0x1FA80] =	vst v63  }
0x4a: {  	v1 =	vld [tilespmem:$0x7880]  }
0x4b: {  	v2 =	vld [tilespmem:$0x7900];
	_ =	sdelay $0x6  }
0x4c: {  	v1 =	vld.idx.msk [tilespmem:v1+s26+$0x0], $0xffff  }
0x4d: {  	v2 =	vld.idx.msk [tilespmem:v2+s18+$0x0], $0xffff;
	_ =	sdelay $0x4  }
0x4e: {  	v1 =	vadd.f32 v2, v1;
	v2 =	vld [tilespmem:$0x7980];
	_ =	sdelay $0x1  }
0x4f: {  	v3 =	vmul.f32 $2.000000030e-01, v1  }
0x50: {  	vm1 =	vge.f32 v1, $0.0e+00  }
0x51: {  	v1 =	vsel vm1, v1, v3  }
0x52: {  	v1 =	vmul.f32 v1, v2;
	_ =	sdelay $0x1  }
0x53: {  	v1 =	vmul.f32 $1.442695020e+00, v1;
	_ =	sdelay $0x1  }
0x54: {  	(erf) = vpow2.f32 v1;
	_ =	sdelay $0x2  }
0x55: {  	v1 =	vld [tilespmem:$0x7890]  }
0x56: {  	v2 =	vld [tilespmem:$0x7910];
	_ =	sdelay $0x4  }
0x57: {  	v3 =	vpop (erf)  }
0x58: {  	[tilespmem:$0x7A00] =	vst v3  }
0x59: {  	v1 =	vld.idx.msk [tilespmem:v1+s26+$0x0], $0xffff  }
0x5a: {  	v2 =	vld.idx.msk [tilespmem:v2+s18+$0x0], $0xffff;
	_ =	sdelay $0x4  }
0x5b: {  	v1 =	vadd.f32 v2, v1;
	v2 =	vld [tilespmem:$0x7990];
	_ =	sdelay $0x1  }
0x5c: {  	v3 =	vmul.f32 $2.000000030e-01, v1  }
0x5d: {  	vm1 =	vge.f32 v1, $0.0e+00  }
0x5e: {  	v1 =	vsel vm1, v1, v3  }
0x5f: {  	v1 =	vmul.f32 v1, v2;
	_ =	sdelay $0x1  }
0x60: {  	v1 =	vmul.f32 $1.442695020e+00, v1;
	_ =	sdelay $0x1  }
0x61: {  	(erf) = vpow2.f32 v1;
	_ =	sdelay $0x2  }
0x62: {  	v1 =	vld [tilespmem:$0x78A0]  }
0x63: {  	v2 =	vld [tilespmem:$0x7920];
	_ =	sdelay $0x4  }
0x64: {  	v3 =	vpop (erf)  }
0x65: {  	[tilespmem:$0x7A10] =	vst v3  }
0x66: {  	v1 =	vld.idx.msk [tilespmem:v1+s26+$0x0], $0xffff  }
0x67: {  	v2 =	vld.idx.msk [tilespmem:v2+s18+$0x0], $0xffff;
	_ =	sdelay $0x4  }
0x68: {  	v1 =	vadd.f32 v2, v1;
	v2 =	vld [tilespmem:$0x79A0];
	_ =	sdelay $0x1  }
0x69: {  	v3 =	vmul.f32 $2.000000030e-01, v1  }
0x6a: {  	vm1 =	vge.f32 v1, $0.0e+00  }
0x6b: {  	v1 =	vsel vm1, v1, v3  }
0x6c: {  	v1 =	vmul.f32 v1, v2;
	_ =	sdelay $0x1  }
0x6d: {  	v1 =	vmul.f32 $1.442695020e+00, v1;
	_ =	sdelay $0x1  }
0x6e: {  	(erf) = vpow2.f32 v1;
	_ =	sdelay $0x2  }
0x6f: {  	v1 =	vld [tilespmem:$0x78B0]  }
0x70: {  	v2 =	vld [tilespmem:$0x7930];
	_ =	sdelay $0x4  }
0x71: {  	v3 =	vpop (erf)  }
0x72: {  	[tilespmem:$0x7A20] =	vst v3  }
0x73: {  	v1 =	vld.idx.msk [tilespmem:v1+s26+$0x0], $0xffff  }
0x74: {  	v2 =	vld.idx.msk [tilespmem:v2+s18+$0x0], $0xffff;
	_ =	sdelay $0x4  }
0x75: {  	v1 =	vadd.f32 v2, v1;
	v2 =	vld [tilespmem:$0x79B0];
	_ =	sdelay $0x1  }
0x76: {  	v3 =	vmul.f32 $2.000000030e-01, v1  }
0x77: {  	vm1 =	vge.f32 v1, $0.0e+00  }
0x78: {  	v1 =	vsel vm1, v1, v3  }
0x79: {  	v1 =	vmul.f32 v1, v2;
	_ =	sdelay $0x1  }
0x7a: {  	v1 =	vmul.f32 $1.442695020e+00, v1;
	_ =	sdelay $0x1  }
0x7b: {  	(erf) = vpow2.f32 v1;
	_ =	sdelay $0x2  }
0x7c: {  	v1 =	vld [tilespmem:$0x78C0]  }
0x7d: {  	v2 =	vld [tilespmem:$0x7940];
	_ =	sdelay $0x4  }
0x7e: {  	v3 =	vpop (erf)  }
0x7f: {  	[tilespmem:$0x7A30] =	vst v3  }
0x80: {  	v1 =	vld.idx.msk [tilespmem:v1+s26+$0x0], $0xffff  }
0x81: {  	v2 =	vld.idx.msk [tilespmem:v2+s18+$0x0], $0xffff;
	_ =	sdelay $0x4  }
0x82: {  	v1 =	vadd.f32 v2, v1;
	v2 =	vld [tilespmem:$0x79C0];
	_ =	sdelay $0x1  }
0x83: {  	v3 =	vmul.f32 $2.000000030e-01, v1  }
0x84: {  	vm1 =	vge.f32 v1, $0.0e+00  }
0x85: {  	v1 =	vsel vm1, v1, v3  }
0x86: {  	v1 =	vmul.f32 v1, v2;
	_ =	sdelay $0x1  }
0x87: {  	v1 =	vmul.f32 $1.442695020e+00, v1;
	_ =	sdelay $0x1  }
0x88: {  	(erf) = vpow2.f32 v1;
	_ =	sdelay $0x2  }
0x89: {  	v1 =	vld [tilespmem:$0x78D0]  }
0x8a: {  	v2 =	vld [tilespmem:$0x7950];
	_ =	sdelay $0x4  }
0x8b: {  	v3 =	vpop (erf)  }
0x8c: {  	[tilespmem:$0x7A40] =	vst v3  }
0x8d: {  	v1 =	vld.idx.msk [tilespmem:v1+s26+$0x0], $0xffff  }
0x8e: {  	v2 =	vld.idx.msk [tilespmem:v2+s18+$0x0], $0xffff;
	_ =	sdelay $0x4  }
0x8f: {  	v1 =	vadd.f32 v2, v1;
	v2 =	vld [tilespmem:$0x79D0];
	_ =	sdelay $0x1  }
0x90: {  	v3 =	vmul.f32 $2.000000030e-01, v1  }
0x91: {  	vm1 =	vge.f32 v1, $0.0e+00  }
0x92: {  	v1 =	vsel vm1, v1, v3  }
0x93: {  	v1 =	vmul.f32 v1, v2;
	_ =	sdelay $0x1  }
0x94: {  	v1 =	vmul.f32 $1.442695020e+00, v1;
	_ =	sdelay $0x1  }
0x95: {  	(erf) = vpow2.f32 v1;
	_ =	sdelay $0x2  }
0x96: {  	v1 =	vld [tilespmem:$0x78E0]  }
0x97: {  	v2 =	vld [tilespmem:$0x7960];
	_ =	sdelay $0x4  }
0x98: {  	v3 =	vpop (erf)  }
0x99: {  	[tilespmem:$0x7A50] =	vst v3  }
0x9a: {  	v1 =	vld.idx.msk [tilespmem:v1+s26+$0x0], $0xffff  }
0x9b: {  	v2 =	vld.idx.msk [tilespmem:v2+s18+$0x0], $0xffff;
	_ =	sdelay $0x4  }
0x9c: {  	v1 =	vadd.f32 v2, v1;
	v2 =	vld [tilespmem:$0x79E0];
	_ =	sdelay $0x1  }
0x9d: {  	v3 =	vmul.f32 $2.000000030e-01, v1  }
0x9e: {  	vm1 =	vge.f32 v1, $0.0e+00  }
0x9f: {  	v1 =	vsel vm1, v1, v3  }
0xa0: {  	v1 =	vmul.f32 v1, v2;
	_ =	sdelay $0x1  }
0xa1: {  	v1 =	vmul.f32 $1.442695020e+00, v1;
	_ =	sdelay $0x1  }
0xa2: {  	(erf) = vpow2.f32 v1;
	_ =	sdelay $0x2  }
0xa3: {  	v1 =	vld [tilespmem:$0x78F0]  }
0xa4: {  	v2 =	vld [tilespmem:$0x7970];
	_ =	sdelay $0x4  }
0xa5: {  	v3 =	vpop (erf)  }
0xa6: {  	[tilespmem:$0x7A60] =	vst v3  }
0xa7: {  	v1 =	vld.idx.msk [tilespmem:v1+s26+$0x0], $0xffff  }
0xa8: {  	v2 =	vld.idx.msk [tilespmem:v2+s18+$0x0], $0xffff;
	_ =	sdelay $0x4  }
0xa9: {  	v1 =	vadd.f32 v2, v1;
	v2 =	vld [tilespmem:$0x79F0];
	_ =	sdelay $0x1  }
0xaa: {  	v3 =	vmul.f32 $2.000000030e-01, v1  }
0xab: {  	vm1 =	vge.f32 v1, $0.0e+00  }
0xac: {  	v1 =	vsel vm1, v1, v3  }
0xad: {  	v1 =	vmul.f32 v1, v2;
	_ =	sdelay $0x1  }
0xae: {  	v1 =	vmul.f32 $1.442695020e+00, v1;
	_ =	sdelay $0x1  }
0xaf: {  	(erf) = vpow2.f32 v1;
	_ =	sdelay $0x8  }
0xb0: {  	v1 =	vpop (erf)  }
0xb1: {  	[tilespmem:$0x7A70] =	vst v1  }
0xb2: {  	_ =	swait.ge [sflag:s23], $0x4000  }
0xb3: {  	[sflag:s23] =	ssyncset.done $0x0  }
0xb4: {  	s29 =	simm.s32 $0x0;
	[sflag:s23] =	ssyncadd.s32 $0xFFFFC000  }
.LBB2_7:
0xb5: {  	s30 =	sshll.u32 s29, $0x4  }
0xb6: {  	v1 =	vld [tilespmem:s30+$0x7900];
	_ =	sdelay $0x4  }
0xb7: {  	v2 =	vadd.s32 $0x5000, v1  }
0xb8: {  	(v2sf) =	vpush v2, $0x1  }
0xb9: {  	(v2sf) =	vpush v2, $0x0;
	_ =	sdelay $0x9  }
0xba: {  	v1 =	vld [tilespmem:s30+$0x7A00];
	_ =	sdelay $0x3  }
0xbb: {  	s31 =	spop (v2sf)  }
0xbc: {  	s0 =	sshll.u32 s29, $0xB;
	v3 =	vnsel vm0, $0x0, v1;
	s30 =	spop (v2sf)  }
0xbd: {  	[tilespmem:s30+$0x0] =	vst.add.f32.msk $0xffff, v3;
	s30 =	sand.u32 $0x3FFFF800, s0  }
0xbe: {  	v3 =	vld [tilespmem:s30+$0x7A80]  }
0xbf: {  	v4 =	vld [tilespmem:s30+$0x7A90]  }
0xc0: {  	v7 =	vld [tilespmem:s30+$0x7AB0]  }
0xc1: {  	v6 =	vbroadcast v1, $0x0;
	v5 =	vld [tilespmem:s30+$0x7AA0]  }
0xc2: {  	v9 =	vld [tilespmem:s30+$0x7AD0]  }
0xc3: {  	v8 =	vld [tilespmem:s30+$0x7AC0];
	v3 =	vmul.f32 v3, v6  }
0xc4: {  	v12 =	vld [tilespmem:s30+$0x7AF0];
	v4 =	vmul.f32 v4, v6  }
0xc5: {  	v10 =	vld [tilespmem:s30+$0x7AE0];
	v13 =	vmul.f32 v7, v6;
	[tilespmem:s30+$0x7A80] =	vst v3  }
0xc6: {  	v3 =	vmul.f32 v5, v6;
	[tilespmem:s30+$0x7A90] =	vst v4  }
0xc7: {  	v14 =	vmul.f32 v9, v6;
	[tilespmem:s30+$0x7AB0] =	vst v13  }
0xc8: {  	[tilespmem:s30+$0x7AA0] =	vst v3;
	v3 =	vmul.f32 v8, v6  }
0xc9: {  	v15 =	vmul.f32 v12, v6;
	[tilespmem:s30+$0x7AD0] =	vst v14  }
0xca: {  	v16 =	vbroadcast v1, $0x1;
	[tilespmem:s30+$0x7AC0] =	vst v3;
	v3 =	vmul.f32 v10, v6  }
0xcb: {  	[tilespmem:s30+$0x7AF0] =	vst v15  }
0xcc: {  	(v2sf) =	vpush v2, $0x3;
	[tilespmem:s30+$0x7AE0] =	vst v3;
	v3 =	vnsel vm0, $0x0, v16  }
0xcd: {  	(v2sf) =	vpush v2, $0x2;
	[tilespmem:s31+$0x0] =	vst.add.f32.msk $0xffff, v3  }
0xce: {  	v3 =	vld [tilespmem:s30+$0x7B00]  }
0xcf: {  	v17 =	vld [tilespmem:s30+$0x7B10]  }
0xd0: {  	v19 =	vld [tilespmem:s30+$0x7B30]  }
0xd1: {  	v18 =	vld [tilespmem:s30+$0x7B20]  }
0xd2: {  	v21 =	vld [tilespmem:s30+$0x7B50]  }
0xd3: {  	v20 =	vld [tilespmem:s30+$0x7B40];
	v3 =	vmul.f32 v3, v16  }
0xd4: {  	v23 =	vld [tilespmem:s30+$0x7B70];
	v4 =	vmul.f32 v17, v16  }
0xd5: {  	v22 =	vld [tilespmem:s30+$0x7B60];
	v24 =	vmul.f32 v19, v16;
	[tilespmem:s30+$0x7B00] =	vst v3  }
0xd6: {  	v3 =	vmul.f32 v18, v16;
	[tilespmem:s30+$0x7B10] =	vst v4  }
0xd7: {  	v25 =	vmul.f32 v21, v16;
	[tilespmem:s30+$0x7B30] =	vst v24  }
0xd8: {  	[tilespmem:s30+$0x7B20] =	vst v3;
	v3 =	vmul.f32 v20, v16  }
0xd9: {  	v26 =	vmul.f32 v23, v16;
	[tilespmem:s30+$0x7B50] =	vst v25  }
0xda: {  	v27 =	vbroadcast v1, $0x2;
	[tilespmem:s30+$0x7B40] =	vst v3;
	v3 =	vmul.f32 v22, v16  }
0xdb: {  	s0 =	spop (v2sf);
	[tilespmem:s30+$0x7B70] =	vst v26  }
0xdc: {  	s31 =	spop (v2sf);
	[tilespmem:s30+$0x7B60] =	vst v3;
	v3 =	vnsel vm0, $0x0, v27  }
0xdd: {  	[tilespmem:s31+$0x0] =	vst.add.f32.msk $0xffff, v3  }
0xde: {  	v3 =	vld [tilespmem:s30+$0x7B80]  }
0xdf: {  	v28 =	vld [tilespmem:s30+$0x7B90]  }
0xe0: {  	v30 =	vld [tilespmem:s30+$0x7BB0]  }
0xe1: {  	v29 =	vld [tilespmem:s30+$0x7BA0]  }
0xe2: {  	v32 =	vld [tilespmem:s30+$0x7BD0]  }
0xe3: {  	v31 =	vld [tilespmem:s30+$0x7BC0];
	v3 =	vmul.f32 v3, v27  }
0xe4: {  	v34 =	vld [tilespmem:s30+$0x7BF0];
	v4 =	vmul.f32 v28, v27  }
0xe5: {  	v33 =	vld [tilespmem:s30+$0x7BE0];
	v35 =	vmul.f32 v30, v27;
	[tilespmem:s30+$0x7B80] =	vst v3  }
0xe6: {  	v3 =	vmul.f32 v29, v27;
	[tilespmem:s30+$0x7B90] =	vst v4  }
0xe7: {  	v36 =	vmul.f32 v32, v27;
	[tilespmem:s30+$0x7BB0] =	vst v35  }
0xe8: {  	[tilespmem:s30+$0x7BA0] =	vst v3;
	v3 =	vmul.f32 v31, v27  }
0xe9: {  	v37 =	vmul.f32 v34, v27;
	[tilespmem:s30+$0x7BD0] =	vst v36  }
0xea: {  	v38 =	vbroadcast v1, $0x3;
	[tilespmem:s30+$0x7BC0] =	vst v3;
	v3 =	vmul.f32 v33, v27  }
0xeb: {  	[tilespmem:s30+$0x7BF0] =	vst v37  }
0xec: {  	(v2sf) =	vpush v2, $0x5;
	[tilespmem:s30+$0x7BE0] =	vst v3;
	v3 =	vnsel vm0, $0x0, v38  }
0xed: {  	(v2sf) =	vpush v2, $0x4;
	[tilespmem:s0+$0x0] =	vst.add.f32.msk $0xffff, v3  }
0xee: {  	v3 =	vld [tilespmem:s30+$0x7C00]  }
0xef: {  	v39 =	vld [tilespmem:s30+$0x7C10]  }
0xf0: {  	v41 =	vld [tilespmem:s30+$0x7C30]  }
0xf1: {  	v40 =	vld [tilespmem:s30+$0x7C20]  }
0xf2: {  	v43 =	vld [tilespmem:s30+$0x7C50]  }
0xf3: {  	v42 =	vld [tilespmem:s30+$0x7C40];
	v3 =	vmul.f32 v3, v38  }
0xf4: {  	v45 =	vld [tilespmem:s30+$0x7C70];
	v4 =	vmul.f32 v39, v38  }
0xf5: {  	v44 =	vld [tilespmem:s30+$0x7C60];
	v46 =	vmul.f32 v41, v38;
	[tilespmem:s30+$0x7C00] =	vst v3  }
0xf6: {  	v3 =	vmul.f32 v40, v38;
	[tilespmem:s30+$0x7C10] =	vst v4  }
0xf7: {  	v47 =	vmul.f32 v43, v38;
	[tilespmem:s30+$0x7C30] =	vst v46  }
0xf8: {  	[tilespmem:s30+$0x7C20] =	vst v3;
	v3 =	vmul.f32 v42, v38  }
0xf9: {  	v48 =	vmul.f32 v45, v38;
	[tilespmem:s30+$0x7C50] =	vst v47  }
0xfa: {  	v49 =	vbroadcast v1, $0x4;
	[tilespmem:s30+$0x7C40] =	vst v3;
	v3 =	vmul.f32 v44, v38  }
0xfb: {  	s0 =	spop (v2sf);
	[tilespmem:s30+$0x7C70] =	vst v48  }
0xfc: {  	s31 =	spop (v2sf);
	[tilespmem:s30+$0x7C60] =	vst v3;
	v3 =	vnsel vm0, $0x0, v49  }
0xfd: {  	[tilespmem:s31+$0x0] =	vst.add.f32.msk $0xffff, v3  }
0xfe: {  	v3 =	vld [tilespmem:s30+$0x7C80]  }
0xff: {  	v50 =	vld [tilespmem:s30+$0x7C90]  }
0x100: {  	v52 =	vld [tilespmem:s30+$0x7CB0]  }
0x101: {  	v51 =	vld [tilespmem:s30+$0x7CA0]  }
0x102: {  	v54 =	vld [tilespmem:s30+$0x7CD0]  }
0x103: {  	v53 =	vld [tilespmem:s30+$0x7CC0];
	v3 =	vmul.f32 v3, v49  }
0x104: {  	v56 =	vld [tilespmem:s30+$0x7CF0];
	v4 =	vmul.f32 v50, v49  }
0x105: {  	v55 =	vld [tilespmem:s30+$0x7CE0];
	v57 =	vmul.f32 v52, v49;
	[tilespmem:s30+$0x7C80] =	vst v3  }
0x106: {  	v3 =	vmul.f32 v51, v49;
	[tilespmem:s30+$0x7C90] =	vst v4  }
0x107: {  	v58 =	vmul.f32 v54, v49;
	[tilespmem:s30+$0x7CB0] =	vst v57  }
0x108: {  	[tilespmem:s30+$0x7CA0] =	vst v3;
	v3 =	vmul.f32 v53, v49  }
0x109: {  	v59 =	vmul.f32 v56, v49;
	[tilespmem:s30+$0x7CD0] =	vst v58  }
0x10a: {  	v60 =	vbroadcast v1, $0x5;
	[tilespmem:s30+$0x7CC0] =	vst v3;
	v3 =	vmul.f32 v55, v49  }
0x10b: {  	[tilespmem:s30+$0x7CF0] =	vst v59  }
0x10c: {  	(v2sf) =	vpush v2, $0x7;
	[tilespmem:s30+$0x7CE0] =	vst v3;
	v3 =	vnsel vm0, $0x0, v60  }
0x10d: {  	(v2sf) =	vpush v2, $0x6;
	[tilespmem:s0+$0x0] =	vst.add.f32.msk $0xffff, v3  }
0x10e: {  	v3 =	vld [tilespmem:s30+$0x7D00]  }
0x10f: {  	v61 =	vld [tilespmem:s30+$0x7D10]  }
0x110: {  	v63 =	vld [tilespmem:s30+$0x7D30]  }
0x111: {  	v62 =	vld [tilespmem:s30+$0x7D20]  }
0x112: {  	v13 =	vld [tilespmem:s30+$0x7D50]  }
0x113: {  	v12 =	vld [tilespmem:s30+$0x7D40];
	v3 =	vmul.f32 v3, v60  }
0x114: {  	v15 =	vld [tilespmem:s30+$0x7D70];
	v4 =	vmul.f32 v61, v60  }
0x115: {  	v14 =	vld [tilespmem:s30+$0x7D60];
	v16 =	vmul.f32 v63, v60;
	[tilespmem:s30+$0x7D00] =	vst v3  }
0x116: {  	v3 =	vmul.f32 v62, v60;
	[tilespmem:s30+$0x7D10] =	vst v4  }
0x117: {  	v17 =	vmul.f32 v13, v60;
	[tilespmem:s30+$0x7D30] =	vst v16  }
0x118: {  	[tilespmem:s30+$0x7D20] =	vst v3;
	v3 =	vmul.f32 v12, v60  }
0x119: {  	v18 =	vmul.f32 v15, v60;
	[tilespmem:s30+$0x7D50] =	vst v17  }
0x11a: {  	v19 =	vbroadcast v1, $0x6;
	[tilespmem:s30+$0x7D40] =	vst v3;
	v3 =	vmul.f32 v14, v60  }
0x11b: {  	s0 =	spop (v2sf);
	[tilespmem:s30+$0x7D70] =	vst v18  }
0x11c: {  	s31 =	spop (v2sf);
	[tilespmem:s30+$0x7D60] =	vst v3;
	v3 =	vnsel vm0, $0x0, v19  }
0x11d: {  	[tilespmem:s31+$0x0] =	vst.add.f32.msk $0xffff, v3  }
0x11e: {  	v3 =	vld [tilespmem:s30+$0x7D80]  }
0x11f: {  	v20 =	vld [tilespmem:s30+$0x7D90]  }
0x120: {  	v22 =	vld [tilespmem:s30+$0x7DB0]  }
0x121: {  	v21 =	vld [tilespmem:s30+$0x7DA0]  }
0x122: {  	v24 =	vld [tilespmem:s30+$0x7DD0]  }
0x123: {  	v23 =	vld [tilespmem:s30+$0x7DC0];
	v3 =	vmul.f32 v3, v19  }
0x124: {  	v26 =	vld [tilespmem:s30+$0x7DF0];
	v4 =	vmul.f32 v20, v19  }
0x125: {  	v25 =	vld [tilespmem:s30+$0x7DE0];
	v27 =	vmul.f32 v22, v19;
	[tilespmem:s30+$0x7D80] =	vst v3  }
0x126: {  	v3 =	vmul.f32 v21, v19;
	[tilespmem:s30+$0x7D90] =	vst v4  }
0x127: {  	v28 =	vmul.f32 v24, v19;
	[tilespmem:s30+$0x7DB0] =	vst v27  }
0x128: {  	[tilespmem:s30+$0x7DA0] =	vst v3;
	v3 =	vmul.f32 v23, v19  }
0x129: {  	v29 =	vmul.f32 v26, v19;
	[tilespmem:s30+$0x7DD0] =	vst v28  }
0x12a: {  	v30 =	vbroadcast v1, $0x7;
	[tilespmem:s30+$0x7DC0] =	vst v3;
	v3 =	vmul.f32 v25, v19  }
0x12b: {  	[tilespmem:s30+$0x7DF0] =	vst v29  }
0x12c: {  	(v2sf) =	vpush v2, $0x9;
	[tilespmem:s30+$0x7DE0] =	vst v3;
	v3 =	vnsel vm0, $0x0, v30  }
0x12d: {  	(v2sf) =	vpush v2, $0x8;
	[tilespmem:s0+$0x0] =	vst.add.f32.msk $0xffff, v3  }
0x12e: {  	v3 =	vld [tilespmem:s30+$0x7E00]  }
0x12f: {  	v31 =	vld [tilespmem:s30+$0x7E10]  }
0x130: {  	v33 =	vld [tilespmem:s30+$0x7E30]  }
0x131: {  	v32 =	vld [tilespmem:s30+$0x7E20]  }
0x132: {  	v35 =	vld [tilespmem:s30+$0x7E50]  }
0x133: {  	v34 =	vld [tilespmem:s30+$0x7E40];
	v3 =	vmul.f32 v3, v30  }
0x134: {  	v37 =	vld [tilespmem:s30+$0x7E70];
	v4 =	vmul.f32 v31, v30  }
0x135: {  	v36 =	vld [tilespmem:s30+$0x7E60];
	v38 =	vmul.f32 v33, v30;
	[tilespmem:s30+$0x7E00] =	vst v3  }
0x136: {  	v3 =	vmul.f32 v32, v30;
	[tilespmem:s30+$0x7E10] =	vst v4  }
0x137: {  	v39 =	vmul.f32 v35, v30;
	[tilespmem:s30+$0x7E30] =	vst v38  }
0x138: {  	[tilespmem:s30+$0x7E20] =	vst v3;
	v3 =	vmul.f32 v34, v30  }
0x139: {  	v40 =	vmul.f32 v37, v30;
	[tilespmem:s30+$0x7E50] =	vst v39  }
0x13a: {  	v41 =	vbroadcast v1, $0x8;
	[tilespmem:s30+$0x7E40] =	vst v3;
	v3 =	vmul.f32 v36, v30  }
0x13b: {  	s0 =	spop (v2sf);
	[tilespmem:s30+$0x7E70] =	vst v40  }
0x13c: {  	s31 =	spop (v2sf);
	[tilespmem:s30+$0x7E60] =	vst v3;
	v3 =	vnsel vm0, $0x0, v41  }
0x13d: {  	[tilespmem:s31+$0x0] =	vst.add.f32.msk $0xffff, v3  }
0x13e: {  	v3 =	vld [tilespmem:s30+$0x7E80]  }
0x13f: {  	v42 =	vld [tilespmem:s30+$0x7E90]  }
0x140: {  	v44 =	vld [tilespmem:s30+$0x7EB0]  }
0x141: {  	v43 =	vld [tilespmem:s30+$0x7EA0]  }
0x142: {  	v46 =	vld [tilespmem:s30+$0x7ED0]  }
0x143: {  	v45 =	vld [tilespmem:s30+$0x7EC0];
	v3 =	vmul.f32 v3, v41  }
0x144: {  	v48 =	vld [tilespmem:s30+$0x7EF0];
	v4 =	vmul.f32 v42, v41  }
0x145: {  	v47 =	vld [tilespmem:s30+$0x7EE0];
	v49 =	vmul.f32 v44, v41;
	[tilespmem:s30+$0x7E80] =	vst v3  }
0x146: {  	v3 =	vmul.f32 v43, v41;
	[tilespmem:s30+$0x7E90] =	vst v4  }
0x147: {  	v50 =	vmul.f32 v46, v41;
	[tilespmem:s30+$0x7EB0] =	vst v49  }
0x148: {  	[tilespmem:s30+$0x7EA0] =	vst v3;
	v3 =	vmul.f32 v45, v41  }
0x149: {  	v51 =	vmul.f32 v48, v41;
	[tilespmem:s30+$0x7ED0] =	vst v50  }
0x14a: {  	v52 =	vbroadcast v1, $0x9;
	[tilespmem:s30+$0x7EC0] =	vst v3;
	v3 =	vmul.f32 v47, v41  }
0x14b: {  	[tilespmem:s30+$0x7EF0] =	vst v51  }
0x14c: {  	(v2sf) =	vpush v2, $0xB;
	[tilespmem:s30+$0x7EE0] =	vst v3;
	v3 =	vnsel vm0, $0x0, v52  }
0x14d: {  	(v2sf) =	vpush v2, $0xA;
	[tilespmem:s0+$0x0] =	vst.add.f32.msk $0xffff, v3  }
0x14e: {  	v3 =	vld [tilespmem:s30+$0x7F00]  }
0x14f: {  	v53 =	vld [tilespmem:s30+$0x7F10]  }
0x150: {  	v55 =	vld [tilespmem:s30+$0x7F30]  }
0x151: {  	v54 =	vld [tilespmem:s30+$0x7F20]  }
0x152: {  	v57 =	vld [tilespmem:s30+$0x7F50]  }
0x153: {  	v56 =	vld [tilespmem:s30+$0x7F40];
	v3 =	vmul.f32 v3, v52  }
0x154: {  	v59 =	vld [tilespmem:s30+$0x7F70];
	v4 =	vmul.f32 v53, v52  }
0x155: {  	v58 =	vld [tilespmem:s30+$0x7F60];
	v60 =	vmul.f32 v55, v52;
	[tilespmem:s30+$0x7F00] =	vst v3  }
0x156: {  	v3 =	vmul.f32 v54, v52;
	[tilespmem:s30+$0x7F10] =	vst v4  }
0x157: {  	v61 =	vmul.f32 v57, v52;
	[tilespmem:s30+$0x7F30] =	vst v60  }
0x158: {  	[tilespmem:s30+$0x7F20] =	vst v3;
	v3 =	vmul.f32 v56, v52  }
0x159: {  	v62 =	vmul.f32 v59, v52;
	[tilespmem:s30+$0x7F50] =	vst v61  }
0x15a: {  	v63 =	vbroadcast v1, $0xA;
	[tilespmem:s30+$0x7F40] =	vst v3;
	v3 =	vmul.f32 v58, v52  }
0x15b: {  	s0 =	spop (v2sf);
	[tilespmem:s30+$0x7F70] =	vst v62  }
0x15c: {  	s31 =	spop (v2sf);
	[tilespmem:s30+$0x7F60] =	vst v3;
	v3 =	vnsel vm0, $0x0, v63  }
0x15d: {  	[tilespmem:s31+$0x0] =	vst.add.f32.msk $0xffff, v3  }
0x15e: {  	v3 =	vld [tilespmem:s30+$0x7F80]  }
0x15f: {  	v12 =	vld [tilespmem:s30+$0x7F90]  }
0x160: {  	v14 =	vld [tilespmem:s30+$0x7FB0]  }
0x161: {  	v13 =	vld [tilespmem:s30+$0x7FA0]  }
0x162: {  	v16 =	vld [tilespmem:s30+$0x7FD0]  }
0x163: {  	v15 =	vld [tilespmem:s30+$0x7FC0];
	v3 =	vmul.f32 v3, v63  }
0x164: {  	v18 =	vld [tilespmem:s30+$0x7FF0];
	v4 =	vmul.f32 v12, v63  }
0x165: {  	v17 =	vld [tilespmem:s30+$0x7FE0];
	v19 =	vmul.f32 v14, v63;
	[tilespmem:s30+$0x7F80] =	vst v3  }
0x166: {  	v3 =	vmul.f32 v13, v63;
	[tilespmem:s30+$0x7F90] =	vst v4  }
0x167: {  	v20 =	vmul.f32 v16, v63;
	[tilespmem:s30+$0x7FB0] =	vst v19  }
0x168: {  	[tilespmem:s30+$0x7FA0] =	vst v3;
	v3 =	vmul.f32 v15, v63  }
0x169: {  	v21 =	vmul.f32 v18, v63;
	[tilespmem:s30+$0x7FD0] =	vst v20  }
0x16a: {  	v22 =	vbroadcast v1, $0xB;
	[tilespmem:s30+$0x7FC0] =	vst v3;
	v3 =	vmul.f32 v17, v63  }
0x16b: {  	[tilespmem:s30+$0x7FF0] =	vst v21  }
0x16c: {  	(v2sf) =	vpush v2, $0xD;
	[tilespmem:s30+$0x7FE0] =	vst v3;
	v3 =	vnsel vm0, $0x0, v22  }
0x16d: {  	(v2sf) =	vpush v2, $0xC;
	[tilespmem:s0+$0x0] =	vst.add.f32.msk $0xffff, v3  }
0x16e: {  	v3 =	vld [tilespmem:s30+$0x8000]  }
0x16f: {  	v23 =	vld [tilespmem:s30+$0x8010]  }
0x170: {  	v25 =	vld [tilespmem:s30+$0x8030]  }
0x171: {  	v24 =	vld [tilespmem:s30+$0x8020]  }
0x172: {  	v27 =	vld [tilespmem:s30+$0x8050]  }
0x173: {  	v26 =	vld [tilespmem:s30+$0x8040];
	v3 =	vmul.f32 v3, v22  }
0x174: {  	v29 =	vld [tilespmem:s30+$0x8070];
	v4 =	vmul.f32 v23, v22  }
0x175: {  	v28 =	vld [tilespmem:s30+$0x8060];
	v30 =	vmul.f32 v25, v22;
	[tilespmem:s30+$0x8000] =	vst v3  }
0x176: {  	v3 =	vmul.f32 v24, v22;
	[tilespmem:s30+$0x8010] =	vst v4  }
0x177: {  	v31 =	vmul.f32 v27, v22;
	[tilespmem:s30+$0x8030] =	vst v30  }
0x178: {  	[tilespmem:s30+$0x8020] =	vst v3;
	v3 =	vmul.f32 v26, v22  }
0x179: {  	v32 =	vmul.f32 v29, v22;
	[tilespmem:s30+$0x8050] =	vst v31  }
0x17a: {  	v33 =	vbroadcast v1, $0xC;
	[tilespmem:s30+$0x8040] =	vst v3;
	v3 =	vmul.f32 v28, v22  }
0x17b: {  	s0 =	spop (v2sf);
	[tilespmem:s30+$0x8070] =	vst v32  }
0x17c: {  	s31 =	spop (v2sf);
	[tilespmem:s30+$0x8060] =	vst v3;
	v3 =	vnsel vm0, $0x0, v33  }
0x17d: {  	[tilespmem:s31+$0x0] =	vst.add.f32.msk $0xffff, v3  }
0x17e: {  	v3 =	vld [tilespmem:s30+$0x8080]  }
0x17f: {  	v34 =	vld [tilespmem:s30+$0x8090]  }
0x180: {  	v36 =	vld [tilespmem:s30+$0x80B0]  }
0x181: {  	v35 =	vld [tilespmem:s30+$0x80A0]  }
0x182: {  	v38 =	vld [tilespmem:s30+$0x80D0]  }
0x183: {  	v37 =	vld [tilespmem:s30+$0x80C0];
	v3 =	vmul.f32 v3, v33  }
0x184: {  	v40 =	vld [tilespmem:s30+$0x80F0];
	v4 =	vmul.f32 v34, v33  }
0x185: {  	v39 =	vld [tilespmem:s30+$0x80E0];
	v41 =	vmul.f32 v36, v33;
	[tilespmem:s30+$0x8080] =	vst v3  }
0x186: {  	v3 =	vmul.f32 v35, v33;
	[tilespmem:s30+$0x8090] =	vst v4  }
0x187: {  	v42 =	vmul.f32 v38, v33;
	[tilespmem:s30+$0x80B0] =	vst v41  }
0x188: {  	[tilespmem:s30+$0x80A0] =	vst v3;
	v3 =	vmul.f32 v37, v33  }
0x189: {  	v43 =	vmul.f32 v40, v33;
	[tilespmem:s30+$0x80D0] =	vst v42  }
0x18a: {  	v44 =	vbroadcast v1, $0xD;
	[tilespmem:s30+$0x80C0] =	vst v3;
	v3 =	vmul.f32 v39, v33  }
0x18b: {  	[tilespmem:s30+$0x80F0] =	vst v43  }
0x18c: {  	(v2sf) =	vpush v2, $0xF;
	[tilespmem:s30+$0x80E0] =	vst v3;
	v3 =	vnsel vm0, $0x0, v44  }
0x18d: {  	(v2sf) =	vpush v2, $0xE;
	[tilespmem:s0+$0x0] =	vst.add.f32.msk $0xffff, v3  }
0x18e: {  	v2 =	vld [tilespmem:s30+$0x8100]  }
0x18f: {  	v3 =	vld [tilespmem:s30+$0x8110]  }
0x190: {  	v45 =	vld [tilespmem:s30+$0x8120]  }
0x191: {  	v46 =	vld [tilespmem:s30+$0x8130]  }
0x192: {  	v47 =	vld [tilespmem:s30+$0x8140]  }
0x193: {  	v48 =	vld [tilespmem:s30+$0x8150];
	v2 =	vmul.f32 v2, v44  }
0x194: {  	v49 =	vld [tilespmem:s30+$0x8160];
	v3 =	vmul.f32 v3, v44  }
0x195: {  	v50 =	vld [tilespmem:s30+$0x8170];
	[tilespmem:s30+$0x8100] =	vst v2;
	v2 =	vmul.f32 v45, v44  }
0x196: {  	[tilespmem:s30+$0x8110] =	vst v3;
	v3 =	vmul.f32 v46, v44  }
0x197: {  	[tilespmem:s30+$0x8120] =	vst v2;
	v2 =	vmul.f32 v47, v44  }
0x198: {  	[tilespmem:s30+$0x8130] =	vst v3;
	v3 =	vmul.f32 v48, v44  }
0x199: {  	[tilespmem:s30+$0x8140] =	vst v2;
	v2 =	vmul.f32 v49, v44  }
0x19a: {  	v51 =	vbroadcast v1, $0xE;
	[tilespmem:s30+$0x8150] =	vst v3;
	v3 =	vmul.f32 v50, v44  }
0x19b: {  	s0 =	spop (v2sf);
	[tilespmem:s30+$0x8160] =	vst v2  }
0x19c: {  	s31 =	spop (v2sf);
	[tilespmem:s30+$0x8170] =	vst v3;
	v2 =	vnsel vm0, $0x0, v51  }
0x19d: {  	[tilespmem:s31+$0x0] =	vst.add.f32.msk $0xffff, v2  }
0x19e: {  	v2 =	vld [tilespmem:s30+$0x8180]  }
0x19f: {  	v3 =	vld [tilespmem:s30+$0x8190]  }
0x1a0: {  	v52 =	vld [tilespmem:s30+$0x81A0]  }
0x1a1: {  	v53 =	vld [tilespmem:s30+$0x81B0]  }
0x1a2: {  	v54 =	vld [tilespmem:s30+$0x81C0]  }
0x1a3: {  	v55 =	vld [tilespmem:s30+$0x81D0];
	v2 =	vmul.f32 v2, v51  }
0x1a4: {  	v56 =	vld [tilespmem:s30+$0x81E0];
	v3 =	vmul.f32 v3, v51  }
0x1a5: {  	v57 =	vld [tilespmem:s30+$0x81F0];
	[tilespmem:s30+$0x8180] =	vst v2;
	v2 =	vmul.f32 v52, v51  }
0x1a6: {  	[tilespmem:s30+$0x8190] =	vst v3;
	v3 =	vmul.f32 v53, v51  }
0x1a7: {  	[tilespmem:s30+$0x81A0] =	vst v2;
	v2 =	vmul.f32 v54, v51  }
0x1a8: {  	[tilespmem:s30+$0x81B0] =	vst v3;
	v3 =	vmul.f32 v55, v51  }
0x1a9: {  	[tilespmem:s30+$0x81C0] =	vst v2;
	v2 =	vmul.f32 v56, v51  }
0x1aa: {  	v1 =	vbroadcast v1, $0xF;
	[tilespmem:s30+$0x81D0] =	vst v3;
	v3 =	vmul.f32 v57, v51  }
0x1ab: {  	[tilespmem:s30+$0x81E0] =	vst v2  }
0x1ac: {  	[tilespmem:s30+$0x81F0] =	vst v3;
	v2 =	vnsel vm0, $0x0, v1  }
0x1ad: {  	[tilespmem:s0+$0x0] =	vst.add.f32.msk $0xffff, v2  }
0x1ae: {  	v2 =	vld [tilespmem:s30+$0x8200]  }
0x1af: {  	v3 =	vld [tilespmem:s30+$0x8210]  }
0x1b0: {  	v58 =	vld [tilespmem:s30+$0x8220]  }
0x1b1: {  	v59 =	vld [tilespmem:s30+$0x8230]  }
0x1b2: {  	v60 =	vld [tilespmem:s30+$0x8240]  }
0x1b3: {  	v61 =	vld [tilespmem:s30+$0x8250];
	v2 =	vmul.f32 v2, v1  }
0x1b4: {  	v62 =	vld [tilespmem:s30+$0x8260];
	v3 =	vmul.f32 v3, v1  }
0x1b5: {  	v63 =	vld [tilespmem:s30+$0x8270];
	[tilespmem:s30+$0x8200] =	vst v2;
	v2 =	vmul.f32 v58, v1  }
0x1b6: {  	[tilespmem:s30+$0x8210] =	vst v3;
	v3 =	vmul.f32 v59, v1  }
0x1b7: {  	p0 =	sne.s32 s29, $0x7;
	[tilespmem:s30+$0x8220] =	vst v2;
	v2 =	vmul.f32 v60, v1  }
.Ltmp2:
0x1b8: {  	[tilespmem:s30+$0x8230] =	vst v3;
	v3 =	vmul.f32 v61, v1;
	(pc) =	sbr.rel @p0 .LBB2_7-.Ltmp2, $4  }
0x1b9: {  	[tilespmem:s30+$0x8240] =	vst v2;
	v2 =	vmul.f32 v62, v1  }
0x1ba: {  	[tilespmem:s30+$0x8250] =	vst v3;
	v1 =	vmul.f32 v63, v1  }
0x1bb: {  	[tilespmem:s30+$0x8260] =	vst v2  }
0x1bc: {  	s29 =	sadd.s32 $0x1, s29;
	[tilespmem:s30+$0x8270] =	vst v1  }
0x1bd: {  	s28 =	sadd.s32 $0x1, s28  }
0x1be: {  	p0 =	sne.s32 s28, $0x51  }
.Ltmp3:
0x1bf: {  	_ = 	snop;
	(pc) =	sbr.rel @p0 .LBB2_6-.Ltmp3, $4  }
0x1c0: {  	[spmem:s1] =	stream.indirect.scatter.add.f32 [tilespmem:s16], [sflag:$0x2], $0x80, s20, s22, $0xb8;
	[tilespmem:$0x1FA80] =	vst v63  }
0x1c1: {  	_ =	swait.ge [sflag:s17], $0x4000  }
0x1c2: {  	[sflag:s17] =	ssyncset.done $0x0  }
0x1c3: {  	[sflag:s17] =	ssyncadd.s32 $0xFFFFC000  }
0x1c4: {  	[bflag:$0x0] =	sbarrier.arrive $0xFFFF  }
0x1c5: {  	[hbm4b:s13+s22] =	stream.strided.scatter [tilespmem:s25], [sflag:$0x2], $0x2800, s24, s22, $0x38;
	[tilespmem:$0x1FA80] =	vst v63  }
0x1c6: {  	s0 =	sshll.u32 s3, $0x6;
	s2 =	sadd.s32 $0x1, s2;
	_ =	swait.ge [sflag:s17], $0x2800  }
0x1c7: {  	s26 =	sshrl.u32 s10, $0x3;
	p0 =	sne.s32 s2, s15;
	[sflag:s17] =	ssyncset.done $0x0  }
.Ltmp4:
0x1c8: {  	s0 =	sor.u32 $0x1C02, s0;
	[sflag:s17] =	ssyncadd.s32 $0xFFFFD800;
	(pc) =	sbr.rel @p0 .LBB2_1-.Ltmp4, $4  }
0x1c9: {  	[hbm:s14], [sflag:s0] =	dma.local [spmem:s26], $0x1400  }
0x1ca: {  	_ =	swait.ge [sflag:s17], $0x1400  }
0x1cb: {  	[sflag:s17] =	ssyncset.done $0x0  }
0x1cc: {  	[sflag:s17] =	ssyncadd.s32 $0xFFFFEC00  }
0x1cd: {  	_ =	sfence.sel $0x180000  }
0x1ce: {  	[bflag:$0x0] =	sbarrier.arrive $0xFFFF  }
0x1cf: {  	_ =	strace $0x9000004D  }
0x1d0: {  	[bflag:$0x2] =	sbarrier.arrive $0xFFFF  }
0x1d1: {  	p0 =	sne.s32 s3, $0x0;
	s0 =	rddreg [dreg:$0x2]  }
0x1d2: {  	s0 =	sadd.s32 @!p0 $0x100000, s0  }
0x1d3: {  	[sflag:s0] =	ssyncadd.tile.s32 @!p0 $0x1;
	_ =	shalt  }
.Lfunc_end2:
_tile_overlayer_lowered:
.L_overlay_start_2:
0x1d4: {  	(tag) =	ssettag $0x2  }
0x1d5: {  	s0 =	rddreg [dreg:$0x0];
	s2 =	stileid.u32  }
0x1d6: {  	s1 =	rddreg [dreg:$0x1];
	p0 =	sne.s32 s2, $0x0  }
0x1d7: {  	s3 =	rddreg [dreg:$0x2];
	[bflag:$0x3] =	sbarrier.arrive $0xFFFF;
	s2 =	simm.s32 @!p0 $0x1C02  }
0x1d8: {  	[timem:s3], [sflag:s2] =	dma.local @!p0 [hbm:s0], s1  }
0x1d9: {  	s0 =	simm.s32 @!p0 $0x2  }
0x1da: {  	_ =	swait.ge @!p0 [sflag:s0], s1  }
0x1db: {  	s1 =	ssub.s32 @!p0 $0x0, s1;
	[sflag:s0] =	ssyncset.done @!p0 $0x0  }
0x1dc: {  	[sflag:s0] =	ssyncadd.s32 @!p0 s1  }
0x1dd: {  	[bflag:$0x3] =	sbarrier.arrive $0xFFFF  }
0x1de: {  	_ =	shalt  }

// kernel: kernel.8.cloned.1.call-start
scs
__scs_entry_jumppad:
0x0: {  	(pc) =	sbr.rel $0x88, $3  }
0x1: {  	(tag) =	ssettag $0x0;
	lr =	simm.s32 $0x1  }
0x2: {  	[smem:$0x3F92] =	sst lr;
	_ =	strace $0xD0000000  }
0x3: {  	_ = 	snop  }
0x4: {  	_ = 	snop  }
0x5: {  	_ = 	snop  }
0x6: {  	_ = 	snop  }
0x7: {  	_ = 	snop  }
__scs_overlays_trampoline_lowered:
0x8: {  	[smem:$0x3FA1] =	sst s0  }
0x9: {  	[smem:$0x3FA2] =	sst s1  }
0xa: {  	[smem:$0x3FA3] =	sst s2  }
0xb: {  	[smem:$0x3FA4] =	sst s3  }
0xc: {  	[smem:$0x3FA5] =	sst s4  }
0xd: {  	[smem:$0x3FA6] =	sst s5  }
0xe: {  	[smem:$0x3FA7] =	sst s6  }
0xf: {  	[smem:$0x3FA8] =	sst s7  }
0x10: {  	[smem:$0x3FA9] =	sst s8  }
0x11: {  	[smem:$0x3FAA] =	sst s9;
	s0 =	simm.s32 @!p0 $0x0  }
0x12: {  	s1 =	sld [smem:$0x3F90];
	s0 =	simm.s32 @p0 $0x1  }
0x13: {  	[smem:$0x3FAB] =	sst s0;
	s0 =	simm.s32 @!p1 $0x0  }
0x14: {  	s2 =	sld [smem:$0x3F8F];
	s0 =	simm.s32 @p1 $0x1  }
0x15: {  	[smem:$0x3FAC] =	sst s0;
	s0 =	simm.s32 @!p2 $0x0  }
0x16: {  	s3 =	sld [smem:$0x3FDB];
	s0 =	simm.s32 @p2 $0x1  }
0x17: {  	s4 =	simm.s32 $0x1BF5;
	[smem:$0x3FAE] =	sst s0  }
0x18: {  	s0 =	sld [smem:$0x3F91];
	_ =	swait.ge [sflag:s4], $0x0  }
0x19: {  	s7 =	sld [smem:$0x3F92]  }
0x1a: {  	s8 =	sadd.s32 $0xFFFFE003, lr  }
0x1b: {  	s9 =	sadd.s32 $0xFFFFFEF7, lr;
	s5 =	simm.s32 $0xFFFFFFFF;
	p2 =	slt.u32 s8, $0xFFFFF086  }
0x1c: {  	p1 =	slt.u32 s9, $0xF7A;
	s5 =	simm.s32 @!p2 $0x0  }
0x1d: {  	s5 =	simm.s32 @p1 $0x1;
	p0 =	seq.s32 s7, s2  }
0x1e: {  	s7 =	smul.u32 @!p0 $0xF7A, s2;
	p2 =	seq.s32 @!p0 s5, $0x0  }
0x1f: {  	s9 =	smul.u32 $0xF7A, s1;
	s8 =	simm.s32 @!p0 $0x1BF5;
	p2 =	por !p2, p0  }
0x20: {  	[sflag:s8] =	ssyncset.s32 @!p0 $0xFFFFF086;
	s6 =	sadd.s32 @!p0 s3, s7;
	s7 =	simm.s32 @!p0 $0x108  }
0x21: {  	s3 =	sadd.s32 s3, s9;
	s6 =	sadd.s32 @!p0 $0x88, s6;
	s7 =	simm.s32 @p2 $0x1082  }
0x22: {  	[simem:s7], [sflag:s8] =	dma.local @!p0 [hbm:s6], $0xF7A  }
0x23: {  	s9 =	sor.u32 $0xD0000000, s2;
	s6 =	simm.s32 $0x108;
	_ =	swait.ge @!p0 [sflag:s8], $0x0  }
0x24: {  	s3 =	sadd.s32 $0x88, s3;
	s6 =	simm.s32 @!p1 $0x1082;
	[sflag:s4] =	ssyncset.s32 $0xFFFFF086  }
0x25: {  	[simem:s6], [sflag:s4] =	dma.local [hbm:s3], $0xF7A  }
0x26: {  	[smem:$0x3F92] =	sst s1;
	(tag) =	ssettag s2;
	_ =	strace s9  }
0x27: {  	s1 =	sld [smem:$0x3FA2]  }
0x28: {  	s2 =	sld [smem:$0x3FA3]  }
0x29: {  	s4 =	sld [smem:$0x3FA5]  }
0x2a: {  	p0 =	seq.s32 s5, $0x0;
	s5 =	sld [smem:$0x3FA6]  }
0x2b: {  	s6 =	sld [smem:$0x3FA7]  }
0x2c: {  	s7 =	sld [smem:$0x3FA8]  }
0x2d: {  	s3 =	simm.s32 $0x108;
	s8 =	sld [smem:$0x3FA9]  }
0x2e: {  	s3 =	simm.s32 @!p0 $0x1082;
	s9 =	sld [smem:$0x3FAA]  }
0x2f: {  	lr =	sadd.s32 s0, s3;
	s0 =	sld [smem:$0x3FA1]  }
0x30: {  	s3 =	sld [smem:$0x3FA4]  }
0x31: {  	[smem:$0x3FAD] =	sst s10  }
0x32: {  	s10 =	sld [smem:$0x3FAB];
	_ =	sdelay $0x3  }
0x33: {  	p0 =	seq.s32 s10, $0x1;
	s10 =	sld [smem:$0x3FAD];
	_ =	sdelay $0x3  }
0x34: {  	[smem:$0x3FAD] =	sst s10  }
0x35: {  	s10 =	sld [smem:$0x3FAC];
	_ =	sdelay $0x3  }
0x36: {  	p1 =	seq.s32 s10, $0x1;
	s10 =	sld [smem:$0x3FAD];
	_ =	sdelay $0x3  }
0x37: {  	[smem:$0x3FAD] =	sst s10  }
0x38: {  	s10 =	sld [smem:$0x3FAE]  }
0x39: {  	_ = 	snop;
	(pc) =	sbr.ind lr, $3  }
0x3a: {  	_ = 	snop  }
0x3b: {  	_ = 	snop  }
0x3c: {  	p2 =	seq.s32 s10, $0x1;
	s10 =	sld [smem:$0x3FAD]  }
0x3d: {  	_ =	shalt  }
0x3e: {  	_ =	shalt  }
0x3f: {  	_ =	shalt  }
0x40: {  	_ =	shalt  }
0x41: {  	_ =	shalt  }
0x42: {  	_ =	shalt  }
0x43: {  	_ =	shalt  }
0x44: {  	_ =	shalt  }
0x45: {  	_ =	shalt  }
0x46: {  	_ =	shalt  }
0x47: {  	_ =	shalt  }
0x48: {  	_ =	shalt  }
0x49: {  	_ =	shalt  }
0x4a: {  	_ =	shalt  }
0x4b: {  	_ =	shalt  }
0x4c: {  	_ =	shalt  }
0x4d: {  	_ =	shalt  }
0x4e: {  	_ =	shalt  }
0x4f: {  	_ =	shalt  }
0x50: {  	_ =	shalt  }
0x51: {  	_ =	shalt  }
0x52: {  	_ =	shalt  }
0x53: {  	_ =	shalt  }
0x54: {  	_ =	shalt  }
0x55: {  	_ =	shalt  }
0x56: {  	_ =	shalt  }
0x57: {  	_ =	shalt  }
0x58: {  	_ =	shalt  }
0x59: {  	_ =	shalt  }
0x5a: {  	_ =	shalt  }
0x5b: {  	_ =	shalt  }
0x5c: {  	_ =	shalt  }
0x5d: {  	_ =	shalt  }
0x5e: {  	_ =	shalt  }
0x5f: {  	_ =	shalt  }
0x60: {  	_ =	shalt  }
0x61: {  	_ =	shalt  }
0x62: {  	_ =	shalt  }
0x63: {  	_ =	shalt  }
0x64: {  	_ =	shalt  }
0x65: {  	_ =	shalt  }
0x66: {  	_ =	shalt  }
0x67: {  	_ =	shalt  }
0x68: {  	_ =	shalt  }
0x69: {  	_ =	shalt  }
0x6a: {  	_ =	shalt  }
0x6b: {  	_ =	shalt  }
0x6c: {  	_ =	shalt  }
0x6d: {  	_ =	shalt  }
0x6e: {  	_ =	shalt  }
0x6f: {  	_ =	shalt  }
0x70: {  	_ =	shalt  }
0x71: {  	_ =	shalt  }
0x72: {  	_ =	shalt  }
0x73: {  	_ =	shalt  }
0x74: {  	_ =	shalt  }
0x75: {  	_ =	shalt  }
0x76: {  	_ =	shalt  }
0x77: {  	_ =	shalt  }
0x78: {  	_ =	shalt  }
0x79: {  	_ =	shalt  }
0x7a: {  	_ =	shalt  }
0x7b: {  	_ =	shalt  }
0x7c: {  	_ =	shalt  }
0x7d: {  	_ =	shalt  }
0x7e: {  	_ =	shalt  }
0x7f: {  	_ =	shalt  }
0x80: {  	_ =	shalt  }
0x81: {  	_ =	shalt  }
0x82: {  	_ =	shalt  }
0x83: {  	_ =	shalt  }
0x84: {  	_ =	shalt  }
0x85: {  	_ =	shalt  }
0x86: {  	_ =	shalt  }
0x87: {  	_ =	shalt  }
.Lfunc_end0:
.L_simem_size_0:
called_computation_lowered:
.L_overlay_start_0:
0x88: {  	s2 =	sld [smem:$0x3FD9]  }
0x89: {  	s3 =	sld [smem:$0x3FFE];
	_ =	sdelay $0x1  }
0x8a: {  	s1 =	srdreg.scid  }
0x8b: {  	s0 =	sand.u32 $0x1, s1  }
0x8c: {  	s17 =	sshll.u32 s0, $0xA;
	s2 =	sadd.s32 s3, s2  }
0x8d: {  	s2 =	sadd.s32 s2, s17  }
0x8e: {  	[smem:$0x3FB9] =	sst s2  }
0x8f: {  	_ = 	snop  }
0x90: {  	s2 =	sld [smem:$0x3FC5];
	(tm) =	ssettm $0x1  }
0x91: {  	s18 =	sld [smem:$0x3FFB];
	_ =	sdelay $0x3  }
0x92: {  	_ =	strace s18  }
0x93: {  	s3 =	sld [smem:$0x3FFC];
	_ =	sdelay $0x3  }
0x94: {  	_ =	strace s3  }
0x95: {  	s3 =	sld [smem:$0x3FFD];
	_ =	sdelay $0x3  }
0x96: {  	_ =	strace s3  }
0x97: {  	_ =	strace $0x8FFFFFFF  }
0x98: {  	s19 =	sld [smem:$0x3FDB];
	_ =	sdelay $0x1  }
0x99: {  	s4 =	simm.s32 $_scs_section_size  }
0x9a: {  	s5 =	simm.s32 $_size__tile_overlayer_lowered;
	s6 =	simm.s32 $_tile_overlayer_lowered  }
0x9b: {  	s22 =	simm.s32 $0x1BFF;
	s21 =	sshll.u32 s6, $0x1;
	s3 =	sadd.s32 s4, s19  }
0x9c: {  	s7 =	simm.s32 $0x0;
	s20 =	sshll.u32 s5, $0x1;
	s5 =	sadd.s32 s21, s3  }
0x9d: {  	[timem:s7], [sflag:s22] =	dma.local [hbm:s5], s20  }
0x9e: {  	_ =	swait.ge [sflag:s22], s20  }
0x9f: {  	s4 =	ssub.s32 $0x0, s20;
	[sflag:s22] =	ssyncset.done $0x0  }
0xa0: {  	[sflag:s22] =	ssyncadd.s32 s4;
	_ =	sdelay $0x1  }
0xa1: {  	s23 =	simm.s32 $0x1B8B  }
0xa2: {  	_ =	swait.ge [sflag:s23], $0x1  }
0xa3: {  	[sflag:s23] =	ssyncset.done $0x0  }
0xa4: {  	s25 =	simm.s32 $0x1B8E;
	s24 =	sld [smem:$0x3FFE];
	[sflag:s23] =	ssyncadd.s32 $0xFFFFFFFF  }
0xa5: {  	s26 =	simm.s32 $execute0_lowered;
	[smem:$0x3FD2] =	sst s25  }
0xa6: {  	s5 =	sshll.u32 s26, $0x1;
	_ =	strace $0x80000046;
	[dreg:$0x1] =	wrdreg $0xFFFFFFFF  }
0xa7: {  	s28 =	simm.s32 $_size_execute0_lowered;
	s3 =	sadd.s32 s3, s5;
	[dreg:$0x0] =	wrdreg $0x0  }
0xa8: {  	s5 =	sshll.u32 s28, $0x1;
	[dreg:$0x2] =	wrdreg s3  }
0xa9: {  	[dreg:$0x3] =	wrdreg s5  }
0xaa: {  	[dreg:$0x4] =	wrdreg $0xC0  }
0xab: {  	_ =	task [dreg:s7], $0x5FFFF  }
0xac: {  	[dreg:$0x1] =	wrdreg $0xFFFFFFFF  }
0xad: {  	[dreg:$0x0] =	wrdreg $0x60  }
0xae: {  	[dreg:$0x2] =	wrdreg s2  }
0xaf: {  	[dreg:$0x3] =	wrdreg s24  }
0xb0: {  	[dreg:$0x4] =	wrdreg $0x9  }
0xb1: {  	_ =	task.clear_ibuf [dreg:s7], $0x5FFFF;
	_ =	strace $0x90000046  }
0xb2: {  	s29 =	simm.s32 $0x9;
	_ =	strace $0x80000048  }
0xb3: {  	_ =	swait.ge [sflag:s29], $0x1  }
0xb4: {  	[sflag:s29] =	ssyncadd.s32 $0xFFFFFFFF  }
0xb5: {  	_ =	strace $0x90000048  }
0xb6: {  	_ =	sfence  }
0xb7: {  	s30 =	sld [smem:$0x0];
	_ =	sdelay $0x2  }
0xb8: {  	s31 =	sshll.u32 s1, $0xD;
	s1 =	sshrl.u32 s1, $0x2  }
0xb9: {  	s3 =	sand.u32 $0x4000, s31;
	s1 =	sadd.s32 s1, s30  }
0xba: {  	s0 =	sor.u32 s3, s0;
	s1 =	sshll.u32 s1, $0x11  }
0xbb: {  	s0 =	sor.u32 s1, s0  }
0xbc: {  	s0 =	sadd.s32 $0x8F2B, s0  }
0xbd: {  	[sflag:s0] =	ssyncadd.remote.s32 $0x1  }
0xbe: {  	_ =	sfence.sel $0xFFFF  }
0xbf: {  	[dreg:$0x0] =	wrdreg $0xFFFFFFFF;
	(pc) =	sbr.abs _section_cstart, $3  }
0xc0: {  	[dreg:$0x1] =	wrdreg $0xFFFFFFFF  }
0xc1: {  	_ =	task.clear_ibuf [dreg:s7], $0x2FFFF;
	_ =	strace $0x9FFFFFFF  }
0xc2: {  	(tm) =	ssettm $0x7FFFFFFF  }
0xc3: {  	_ =	shalt  }
tec
execute0_lowered:
.L_overlay_start_1:
0x0: {  	(tag) =	ssettag $0x1  }
0x1: {  	s1 =	srdreg.scid;
	s0 =	stileid.u32  }
0x2: {  	s12 =	sand.u32 $0x1, s1;
	s30 =	sshll.u32 s0, $0x1  }
0x3: {  	s2 =	rddreg [dreg:$0x0];
	s13 =	sor.u32 s12, s30  }
0x4: {  	s14 =	rddreg [dreg:$0x1];
	s4 =	smul.u32 $0x28, s13  }
0x5: {  	s3 =	simm.s32 $0x0;
	s1 =	rddreg [dreg:$0x2]  }
0x6: {  	[smem:$0x7FF] =	sst s3;
	s4 =	sadd.s32 s4, s14  }
0x7: {  	_ =	strace $0x80000047;
	s5 =	sadd.s32 $0x4200, s4;
	s4 =	simm.s32 $0x2  }
0x8: {  	[tilespmem:s3], [sflag:$0x2] =	stream.linear.gather [hbm4b:s5+s3], $0x140, $0x38;
	[tilespmem:$0xA180] =	vst v63  }
0x9: {  	_ =	swait.ge [sflag:s4], $0x140  }
0xa: {  	s6 =	simm.s32 $0x50;
	[sflag:s4] =	ssyncset.done $0x0  }
0xb: {  	s7 =	simm.s32 $0x180;
	s8 =	simm.s32 $0x1;
	[sflag:s4] =	ssyncadd.s32 $0xFFFFFEC0  }
0xc: {  	[tilespmem:s7], [sflag:$0x1] =	stream.indirect.gather [hbm4b:s2+s6], $0x80, s3, s6, $0xb8;
	[tilespmem:$0xA180] =	vst v63  }
0xd: {  	_ =	swait.ge [sflag:s8], $0x2800  }
0xe: {  	[sflag:s8] =	ssyncset.done $0x0  }
0xf: {  	s9 =	simm.s32 $0x2980;
	[sflag:s8] =	ssyncadd.s32 $0xFFFFD800  }
0x10: {  	[tilespmem:s9], [sflag:$0x1] =	stream.indirect.gather [hbm4b:s2+s6], $0x80, s6, s6, $0xb8;
	[tilespmem:$0xA180] =	vst v63  }
0x11: {  	_ =	swait.ge [sflag:s8], $0x2800  }
0x12: {  	s10 =	simm.s32 $0xA0;
	s11 =	simm.s32 $0x5180;
	[sflag:s8] =	ssyncset.done $0x0  }
0x13: {  	s16 =	ssub.s32 $0x2, s12;
	s12 =	simm.s32 $0xF0;
	[sflag:s8] =	ssyncadd.s32 $0xFFFFD800  }
0x14: {  	[tilespmem:s11], [sflag:$0x1] =	stream.indirect.gather [hbm4b:s2+s6], $0x80, s10, s6, $0xb8;
	[tilespmem:$0xA180] =	vst v63  }
0x15: {  	s15 =	smul.u32 $0x1400, s13;
	s17 =	sshrl.u32 s16, $0x1;
	_ =	swait.ge [sflag:s8], $0x2800  }
0x16: {  	s13 =	simm.s32 $0x7980;
	s31 =	ssub.s32 s16, s17;
	[sflag:s8] =	ssyncset.done $0x0  }
0x17: {  	s14 =	sadd.s32 s15, s14;
	s15 =	smax.u32 s31, $0x1;
	[sflag:s8] =	ssyncadd.s32 $0xFFFFD800  }
0x18: {  	[tilespmem:s13], [sflag:$0x1] =	stream.indirect.gather [hbm4b:s2+s6], $0x80, s12, s6, $0xb8;
	[tilespmem:$0xA180] =	vst v63  }
0x19: {  	p0 =	sne.s32 s15, $0x1;
	_ =	swait.ge [sflag:s8], $0x2800  }
.Ltmp0:
0x1a: {  	[sflag:s8] =	ssyncset.done $0x0;
	(pc) =	sbr.rel @!p0 .LBB2_2-.Ltmp0, $4  }
0x1b: {  	s14 =	sadd.s32 $0x4800, s14;
	[sflag:s8] =	ssyncadd.s32 $0xFFFFD800  }
0x1c: {  	[hbm4b:s14+s3] =	stream.linear.scatter [tilespmem:s7], [sflag:$0x2], $0xA000, $0x38;
	[tilespmem:$0xA180] =	vst v63  }
0x1d: {  	_ =	swait.ge [sflag:s4], $0xA000  }
0x1e: {  	s15 =	sadd.s32 $0xFFFFFFFF, s15;
	[sflag:s4] =	ssyncset.done $0x0  }
.LBB2_1:
0x1f: {  	p0 =	sne.s32 s15, $0x1;
	s15 =	sadd.s32 $0xFFFFFFFF, s15;
	[sflag:s4] =	ssyncadd.s32 $0xFFFF6000  }
0x20: {  	[tilespmem:s3], [sflag:$0x2] =	stream.linear.gather [hbm4b:s5+s3], $0x140, $0x38;
	[tilespmem:$0xA180] =	vst v63  }
0x21: {  	_ =	swait.ge [sflag:s4], $0x140  }
0x22: {  	[sflag:s4] =	ssyncset.done $0x0  }
0x23: {  	[sflag:s4] =	ssyncadd.s32 $0xFFFFFEC0  }
0x24: {  	[tilespmem:s7], [sflag:$0x1] =	stream.indirect.gather [hbm4b:s2+s6], $0x80, s3, s6, $0xb8;
	[tilespmem:$0xA180] =	vst v63  }
0x25: {  	_ =	swait.ge [sflag:s8], $0x2800  }
0x26: {  	[sflag:s8] =	ssyncset.done $0x0  }
0x27: {  	[sflag:s8] =	ssyncadd.s32 $0xFFFFD800  }
0x28: {  	[tilespmem:s9], [sflag:$0x1] =	stream.indirect.gather [hbm4b:s2+s6], $0x80, s6, s6, $0xb8;
	[tilespmem:$0xA180] =	vst v63  }
0x29: {  	_ =	swait.ge [sflag:s8], $0x2800  }
0x2a: {  	[sflag:s8] =	ssyncset.done $0x0  }
0x2b: {  	[sflag:s8] =	ssyncadd.s32 $0xFFFFD800  }
0x2c: {  	[tilespmem:s11], [sflag:$0x1] =	stream.indirect.gather [hbm4b:s2+s6], $0x80, s10, s6, $0xb8;
	[tilespmem:$0xA180] =	vst v63  }
0x2d: {  	_ =	swait.ge [sflag:s8], $0x2800  }
0x2e: {  	[sflag:s8] =	ssyncset.done $0x0  }
0x2f: {  	[sflag:s8] =	ssyncadd.s32 $0xFFFFD800  }
0x30: {  	[tilespmem:s13], [sflag:$0x1] =	stream.indirect.gather [hbm4b:s2+s6], $0x80, s12, s6, $0xb8;
	[tilespmem:$0xA180] =	vst v63  }
0x31: {  	_ =	swait.ge [sflag:s8], $0x2800  }
.Ltmp1:
0x32: {  	[sflag:s8] =	ssyncset.done $0x0;
	(pc) =	sbr.rel @p0 .LBB2_1-.Ltmp1, $4  }
0x33: {  	[sflag:s8] =	ssyncadd.s32 $0xFFFFD800  }
0x34: {  	[hbm4b:s14+s3] =	stream.linear.scatter [tilespmem:s7], [sflag:$0x2], $0xA000, $0x38;
	[tilespmem:$0xA180] =	vst v63  }
0x35: {  	_ =	swait.ge [sflag:s4], $0xA000  }
0x36: {  	[sflag:s4] =	ssyncset.done $0x0  }
.LBB2_2:
0x37: {  	[sflag:s4] =	ssyncadd.s32 $0xFFFF6000  }
0x38: {  	_ =	sfence.sel $0x180000  }
0x39: {  	[bflag:$0x0] =	sbarrier.arrive $0xFFFF  }
0x3a: {  	p0 =	sne.s32 s0, $0x0;
	_ =	strace $0x90000047  }
0x3b: {  	s0 =	sadd.s32 @!p0 $0x100000, s1;
	[bflag:$0x2] =	sbarrier.arrive $0xFFFF  }
0x3c: {  	[sflag:s0] =	ssyncadd.tile.s32 @!p0 $0x1;
	_ =	shalt  }
.Lfunc_end2:
_tile_overlayer_lowered:
.L_overlay_start_2:
0x3d: {  	(tag) =	ssettag $0x2  }
0x3e: {  	s0 =	rddreg [dreg:$0x0];
	s2 =	stileid.u32  }
0x3f: {  	s1 =	rddreg [dreg:$0x1];
	p0 =	sne.s32 s2, $0x0  }
0x40: {  	s3 =	rddreg [dreg:$0x2];
	[bflag:$0x3] =	sbarrier.arrive $0xFFFF;
	s2 =	simm.s32 @!p0 $0x1C02  }
0x41: {  	[timem:s3], [sflag:s2] =	dma.local @!p0 [hbm:s0], s1  }
0x42: {  	s0 =	simm.s32 @!p0 $0x2  }
0x43: {  	_ =	swait.ge @!p0 [sflag:s0], s1  }
0x44: {  	s1 =	ssub.s32 @!p0 $0x0, s1;
	[sflag:s0] =	ssyncset.done @!p0 $0x0  }
0x45: {  	[sflag:s0] =	ssyncadd.s32 @!p0 s1  }
0x46: {  	[bflag:$0x3] =	sbarrier.arrive $0xFFFF  }
0x47: {  	_ =	shalt  }

</sc_bundles>
